<compile_context>
chip_gen: v7x
topology: tpu7x:2x2x1
jax: 0.10.2.dev20260603
libtpu: 0.0.44.dev20260713+nightly
codegen_flags: <defaults>
</compile_context>

<pallas_src>
import functools

import jax
import jax.numpy as jnp
from jax import lax
from jax.experimental import pallas as pl
from jax.experimental.pallas import tpu as pltpu
from jax.experimental.pallas import tpu_sc as plsc

_N_NODES = 100000
_N_PAD = 102144
_SH = 16
_E = 3200000
_NC = 2
_NS = 16
_NW = _NC * _NS
_E_PER_W = _E // _NW
_CHUNK = 800
_NCHUNK = _E_PER_W // _CHUNK
_NBUF = 2
_ROWS_PER_TILE = _N_PAD // _NS
_ZROWS = 456


def _start_in(b, i, wid, sh_hbm_r, cut_hbm, recv_hbm, sh_v, cut_v, idx_v, sems):
    base = wid * _E_PER_W + i * _CHUNK
    pltpu.async_copy(sh_hbm_r.at[pl.ds(base, _CHUNK)], sh_v.at[b], sems.at[b])
    pltpu.async_copy(cut_hbm.at[pl.ds(base, _CHUNK)], cut_v.at[b], sems.at[b])
    pltpu.async_copy(recv_hbm.at[pl.ds(base, _CHUNK)], idx_v.at[b], sems.at[b])


def _wait_in(b, sh_hbm_r, cut_hbm, recv_hbm, sh_v, cut_v, idx_v, sems):
    pltpu.make_async_copy(sh_hbm_r.at[pl.ds(0, _CHUNK)], sh_v.at[b], sems.at[b]).wait()
    pltpu.make_async_copy(cut_hbm.at[pl.ds(0, _CHUNK)], cut_v.at[b], sems.at[b]).wait()
    pltpu.make_async_copy(recv_hbm.at[pl.ds(0, _CHUNK)], idx_v.at[b], sems.at[b]).wait()


def _sc_body(sh_hbm, cut_hbm, recv_hbm, out_hbm, sh_v, cut_v, idx_v, acc, sems):
    cid = lax.axis_index("c")
    sid = lax.axis_index("s")
    wid = sid * _NC + cid
    sh_hbm_r = sh_hbm
    out_hbm_r = out_hbm

    def _zrow(i, carry):
        sh_v[0, i, :] = jnp.zeros((_SH,), jnp.float32)
        return carry

    lax.fori_loop(0, _ZROWS, _zrow, None)
    for j in range(_ROWS_PER_TILE // _ZROWS):
        r0 = sid * _ROWS_PER_TILE + j * _ZROWS
        pltpu.sync_copy(sh_v.at[0, pl.ds(0, _ZROWS)], acc.at[pl.ds(r0, _ZROWS)])
    plsc.subcore_barrier()

    for b in range(_NBUF):
        _start_in(b, b, wid, sh_hbm_r, cut_hbm, recv_hbm, sh_v, cut_v, idx_v, sems)

    def _process(i, b):
        _wait_in(b, sh_hbm_r, cut_hbm, recv_hbm, sh_v, cut_v, idx_v, sems)

        def _mul16(g, c2):
            cvec = cut_v[b, pl.ds(g * _SH, _SH)]
            for j in range(_SH):
                e = g * _SH + j
                sh_v[b, e, :] = sh_v[b, e, :] * cvec[j]
            return c2

        lax.fori_loop(0, _CHUNK // _SH, _mul16, None)
        pltpu.sync_copy(sh_v.at[b], acc.at[idx_v.at[b]], add=True)

        @pl.when(i + _NBUF < _NCHUNK)
        def _refill():
            _start_in(b, i + _NBUF, wid, sh_hbm_r, cut_hbm, recv_hbm,
                      sh_v, cut_v, idx_v, sems)

    def _pair(k, carry):
        for b in range(_NBUF):
            _process(k * _NBUF + b, b)
        return carry

    lax.fori_loop(0, _NCHUNK // _NBUF, _pair, None)
    for r in range(_NCHUNK - (_NCHUNK // _NBUF) * _NBUF):
        _process(_NCHUNK - 1 + r, (_NCHUNK - 1 + r) % _NBUF)
    plsc.subcore_barrier()

    for j in range(_ROWS_PER_TILE // _ZROWS):
        r0 = sid * _ROWS_PER_TILE + j * _ZROWS
        pltpu.sync_copy(acc.at[pl.ds(r0, _ZROWS)], sh_v.at[0, pl.ds(0, _ZROWS)])
        pltpu.sync_copy(
            sh_v.at[0, pl.ds(0, _ZROWS)],
            out_hbm_r.at[pl.ds(cid * _N_PAD + r0, _ZROWS)],
        )


_sc_scatter = functools.partial(
    pl.kernel,
    mesh=plsc.VectorSubcoreMesh(core_axis_name="c", subcore_axis_name="s"),
    out_type=jax.ShapeDtypeStruct((_NC * _N_PAD, _SH), jnp.float32),
    compiler_params=pltpu.CompilerParams(use_tc_tiling_on_sc=False),
    scratch_types=[
        pltpu.VMEM((_NBUF, _CHUNK, _SH), jnp.float32),
        pltpu.VMEM((_NBUF, _CHUNK), jnp.float32),
        pltpu.VMEM((_NBUF, _CHUNK), jnp.int32),
        pltpu.VMEM_SHARED((_N_PAD, _SH), jnp.float32),
        pltpu.SemaphoreType.DMA((_NBUF,)),
    ],
)(_sc_body)

_RB = 512
_CB = _N_PAD * _SH // _RB
_GB = 64


def _combine_body(inv_ref, p_ref, o_ref):
    o_ref[...] = (p_ref[0] + p_ref[1]) * inv_ref[0]


def kernel(sh_vectors, cutoffs, receivers, inv_avg_num_neighbors):
    cut = cutoffs.reshape(_E)
    recv = receivers.astype(jnp.int32)
    part = _sc_scatter(sh_vectors, cut, recv)
    inv_arr = jnp.asarray(inv_avg_num_neighbors, jnp.float32).reshape(1)
    out = pl.pallas_call(
        _combine_body,
        grid=(_RB // _GB,),
        in_specs=[
            pl.BlockSpec(memory_space=pltpu.SMEM),
            pl.BlockSpec((_NC, _GB, _CB), lambda i: (0, i, 0)),
        ],
        out_specs=pl.BlockSpec((_GB, _CB), lambda i: (i, 0)),
        out_shape=jax.ShapeDtypeStruct((_RB, _CB), jnp.float32),
    )(inv_arr, part.reshape(_NC, _RB, _CB))
    return out.reshape(_N_PAD, _SH)[:_N_NODES]

# --- scband reference (transcript-rebuilt; emitter-appended) ---
"""Pipeline reference for scband-euclidean-embedding-28003186770018 (READ-ONLY COPY).

The authoritative reference and input builder live on the scoring server;
editing this copy changes nothing except your own understanding.
"""

import jax, jax.numpy as jnp
import numpy as np

N_NODES = 100000
N_EDGES = 3200000
SH_DIM = 16


def setup_inputs(seed: int = 0) -> dict:
    key = jax.random.key(seed)
    k1, k2, k3 = jax.random.split(key, 3)
    sh_vectors = jax.random.normal(k1, (N_EDGES, SH_DIM), dtype=jnp.float32)
    cutoffs = jax.random.uniform(k2, (N_EDGES, 1), dtype=jnp.float32)
    receivers = jax.random.randint(k3, (N_EDGES,), 0, N_NODES)
    inv_avg_num_neighbors = 0.03125  # 1 / avg_degree (avg_degree = 32)
    return {
        "sh_vectors": sh_vectors,
        "cutoffs": cutoffs,
        "receivers": receivers,
        "inv_avg_num_neighbors": inv_avg_num_neighbors,
    }


def reference(sh_vectors, cutoffs, receivers, inv_avg_num_neighbors):
    # scaled_neighbors = sh_vectors * cutoffs  (broadcast [E,16] * [E,1])
    scaled_neighbors = sh_vectors * cutoffs
    # scatter_sum over edges into receiver nodes (dim=0)
    summed = jax.ops.segment_sum(scaled_neighbors, receivers, num_segments=N_NODES)
    return summed * inv_avg_num_neighbors

if __name__ == "__main__":
    import jax
    _d = setup_inputs()
    print(jax.jit(kernel)(*tuple(_d.values())))

</pallas_src>

<mosaic_0001>
#map = affine_map<(d0, d1) -> (0, 0)>
#map1 = affine_map<(d0, d1) -> (0)>
module attributes {stable_mosaic.version = 14 : i64} {
  func.func @_sc_body(%arg0: i32, %arg1: i32, %arg2: memref<3200000x16xf32, #tpu.memory_space<hbm>>, %arg3: memref<3200000xf32, #tpu.memory_space<hbm>>, %arg4: memref<3200000xi32, #tpu.memory_space<hbm>>, %arg5: memref<204288x16xf32, #tpu.memory_space<hbm>>, %arg6: memref<2x800x16xf32, #tpu.memory_space<vmem>>, %arg7: memref<2x800xf32, #tpu.memory_space<vmem>>, %arg8: memref<2x800xi32, #tpu.memory_space<vmem>>, %arg9: memref<102144x16xf32, #tpu.memory_space<vmem_shared>>, %arg10: memref<2x!tpu.dma_semaphore, #tpu.memory_space<semaphore_mem>>) attributes {dimension_semantics = [#tpu.dimension_semantics<core_parallel>, #tpu.dimension_semantics<subcore_parallel>], iteration_bounds = array<i64: 2, 16>, scalar_prefetch = 0 : i64, scratch_operands = 5 : i64, tpu.core_type = #tpu.core_type<sc_vector_subcore>, window_params = [{transform_indices = #map}, {transform_indices = #map1}, {transform_indices = #map1}, {transform_indices = #map}]} {
    %mul3A = arith.constant 2 : i32
    %mul3A_0 = arith.muli %arg1, %mul3A : i32
    %add3A = arith.addi %mul3A_0, %arg0 : i32
    %scan3A = arith.constant 0 : i32
    %scan3A_1 = arith.constant 456 : i32
    %scan3A_2 = arith.addi %scan3A, %scan3A_1 : i32
    %scan3A_3 = arith.constant 1 : i32
    scf.for %scan3A_345 = %scan3A to %scan3A_2 step %scan3A_3  : i32 {
      %broadcast_in_dim3A = arith.constant 0.000000e+00 : f32
      %broadcast_in_dim3A_346 = vector.broadcast %broadcast_in_dim3A : f32 to vector<16xf32>
      %swap3A = arith.constant 0 : i32
      %swap3A_347 = arith.index_cast %swap3A : i32 to index
      %swap3A_348 = arith.index_cast %scan3A_345 : i32 to index
      %swap3A_349 = arith.constant 0 : index
      %swap3A_350 = tpu.vector_load %arg6[%swap3A_347, %swap3A_348, %swap3A_349] {strides = array<i32>} : memref<2x800x16xf32, #tpu.memory_space<vmem>>, vector<1x1x16xf32>,
      %swap3A_351 = vector.shape_cast %swap3A_350 : vector<1x1x16xf32> to vector<16xf32>
      %swap3A_352 = vector.shape_cast %broadcast_in_dim3A_346 : vector<16xf32> to vector<1x1x16xf32>
      tpu.vector_store %arg6[%swap3A_347, %swap3A_348, %swap3A_349], %swap3A_352 {strides = array<i32>} : memref<2x800x16xf32, #tpu.memory_space<vmem>>, vector<1x1x16xf32>,
    }
    %scan3A_4 = arith.constant 456 : i32
    %mul3A_5 = arith.constant 6384 : i32
    %mul3A_6 = arith.muli %arg1, %mul3A_5 : i32
    %add3A_7 = arith.constant 0 : i32
    %add3A_8 = arith.addi %mul3A_6, %add3A_7 : i32
    %run_scoped3A = arith.constant 0 : i32
    "tpu.region"() ({
      %run_scoped3A_345 = tpu.sem_alloc : memref<!tpu.dma_semaphore, #tpu.memory_space<semaphore_mem>>
      %dma_start3A_346 = arith.constant 0 : i32
      %dma_start3A_347 = arith.constant 0 : i32
      %dma_start3A_348 = tpu.memref_slice %arg6[%run_scoped3A, %dma_start3A_346, %dma_start3A_347] : memref<2x800x16xf32, #tpu.memory_space<vmem>> -> memref<1x456x16xf32, #tpu.memory_space<vmem>>
      %dma_start3A_349 = tpu.memref_squeeze %dma_start3A_348 : memref<1x456x16xf32, #tpu.memory_space<vmem>> -> memref<456x16xf32, #tpu.memory_space<vmem>>
      %dma_start3A_350 = arith.constant 0 : i32
      %dma_start3A_351 = tpu.memref_slice %arg9[%add3A_8, %dma_start3A_350] : memref<102144x16xf32, #tpu.memory_space<vmem_shared>> -> memref<456x16xf32, #tpu.memory_space<vmem_shared>>
      %dma_start3A_352 = arith.constant 0 : i32
      %dma_start3A_353 = tpu.memref_slice %arg9[%add3A_8, %dma_start3A_352] : memref<102144x16xf32, #tpu.memory_space<vmem_shared>> -> memref<456x16xf32, #tpu.memory_space<vmem_shared>>
      %dma_start3A_354 = arith.constant 0 : i32
      %dma_start3A_355 = arith.constant 0 : i32
      %dma_start3A_356 = tpu.memref_slice %arg6[%run_scoped3A, %dma_start3A_354, %dma_start3A_355] : memref<2x800x16xf32, #tpu.memory_space<vmem>> -> memref<1x456x16xf32, #tpu.memory_space<vmem>>
      %dma_start3A_357 = tpu.memref_squeeze %dma_start3A_356 : memref<1x456x16xf32, #tpu.memory_space<vmem>> -> memref<456x16xf32, #tpu.memory_space<vmem>>
      tpu.enqueue_dma source(%dma_start3A_357 : memref<456x16xf32, #tpu.memory_space<vmem>>) target(%dma_start3A_353 : memref<456x16xf32, #tpu.memory_space<vmem_shared>>) target_semaphore(%run_scoped3A_345 : memref<!tpu.dma_semaphore, #tpu.memory_space<semaphore_mem>>)
      %dma_wait3A_358 = arith.constant 0 : i32
      %dma_wait3A_359 = arith.constant 0 : i32
      %dma_wait3A_360 = tpu.memref_slice %arg6[%run_scoped3A, %dma_wait3A_358, %dma_wait3A_359] : memref<2x800x16xf32, #tpu.memory_space<vmem>> -> memref<1x456x16xf32, #tpu.memory_space<vmem>>
      %dma_wait3A_361 = tpu.memref_squeeze %dma_wait3A_360 : memref<1x456x16xf32, #tpu.memory_space<vmem>> -> memref<456x16xf32, #tpu.memory_space<vmem>>
      %dma_wait3A_362 = arith.constant 0 : i32
      %dma_wait3A_363 = tpu.memref_slice %arg9[%add3A_8, %dma_wait3A_362] : memref<102144x16xf32, #tpu.memory_space<vmem_shared>> -> memref<456x16xf32, #tpu.memory_space<vmem_shared>>
      %dma_wait3A_364 = arith.constant 0 : i32
      %dma_wait3A_365 = tpu.memref_slice %arg9[%add3A_8, %dma_wait3A_364] : memref<102144x16xf32, #tpu.memory_space<vmem_shared>> -> memref<456x16xf32, #tpu.memory_space<vmem_shared>>
      %dma_wait3A_366 = arith.constant 0 : i32
      %dma_wait3A_367 = arith.constant 0 : i32
      %dma_wait3A_368 = tpu.memref_slice %arg6[%run_scoped3A, %dma_wait3A_366, %dma_wait3A_367] : memref<2x800x16xf32, #tpu.memory_space<vmem>> -> memref<1x456x16xf32, #tpu.memory_space<vmem>>
      %dma_wait3A_369 = tpu.memref_squeeze %dma_wait3A_368 : memref<1x456x16xf32, #tpu.memory_space<vmem>> -> memref<456x16xf32, #tpu.memory_space<vmem>>
      tpu.wait_dma2 semaphore(%run_scoped3A_345 : memref<!tpu.dma_semaphore, #tpu.memory_space<semaphore_mem>>) src(%dma_wait3A_369 : memref<456x16xf32, #tpu.memory_space<vmem>>) dst(%dma_wait3A_365 : memref<456x16xf32, #tpu.memory_space<vmem_shared>>)
      tpu.yield
    }) : () -> ()
    %mul3A_9 = arith.constant 6384 : i32
    %mul3A_10 = arith.muli %arg1, %mul3A_9 : i32
    %add3A_11 = arith.constant 456 : i32
    %add3A_12 = arith.addi %mul3A_10, %add3A_11 : i32
    %run_scoped3A_13 = arith.constant 0 : i32
    "tpu.region"() ({
      %run_scoped3A_345 = tpu.sem_alloc : memref<!tpu.dma_semaphore, #tpu.memory_space<semaphore_mem>>
      %dma_start3A_346 = arith.constant 0 : i32
      %dma_start3A_347 = arith.constant 0 : i32
      %dma_start3A_348 = tpu.memref_slice %arg6[%run_scoped3A_13, %dma_start3A_346, %dma_start3A_347] : memref<2x800x16xf32, #tpu.memory_space<vmem>> -> memref<1x456x16xf32, #tpu.memory_space<vmem>>
      %dma_start3A_349 = tpu.memref_squeeze %dma_start3A_348 : memref<1x456x16xf32, #tpu.memory_space<vmem>> -> memref<456x16xf32, #tpu.memory_space<vmem>>
      %dma_start3A_350 = arith.constant 0 : i32
      %dma_start3A_351 = tpu.memref_slice %arg9[%add3A_12, %dma_start3A_350] : memref<102144x16xf32, #tpu.memory_space<vmem_shared>> -> memref<456x16xf32, #tpu.memory_space<vmem_shared>>
      %dma_start3A_352 = arith.constant 0 : i32
      %dma_start3A_353 = tpu.memref_slice %arg9[%add3A_12, %dma_start3A_352] : memref<102144x16xf32, #tpu.memory_space<vmem_shared>> -> memref<456x16xf32, #tpu.memory_space<vmem_shared>>
      %dma_start3A_354 = arith.constant 0 : i32
      %dma_start3A_355 = arith.constant 0 : i32
      %dma_start3A_356 = tpu.memref_slice %arg6[%run_scoped3A_13, %dma_start3A_354, %dma_start3A_355] : memref<2x800x16xf32, #tpu.memory_space<vmem>> -> memref<1x456x16xf32, #tpu.memory_space<vmem>>
      %dma_start3A_357 = tpu.memref_squeeze %dma_start3A_356 : memref<1x456x16xf32, #tpu.memory_space<vmem>> -> memref<456x16xf32, #tpu.memory_space<vmem>>
      tpu.enqueue_dma source(%dma_start3A_357 : memref<456x16xf32, #tpu.memory_space<vmem>>) target(%dma_start3A_353 : memref<456x16xf32, #tpu.memory_space<vmem_shared>>) target_semaphore(%run_scoped3A_345 : memref<!tpu.dma_semaphore, #tpu.memory_space<semaphore_mem>>)
      %dma_wait3A_358 = arith.constant 0 : i32
      %dma_wait3A_359 = arith.constant 0 : i32
      %dma_wait3A_360 = tpu.memref_slice %arg6[%run_scoped3A_13, %dma_wait3A_358, %dma_wait3A_359] : memref<2x800x16xf32, #tpu.memory_space<vmem>> -> memref<1x456x16xf32, #tpu.memory_space<vmem>>
      %dma_wait3A_361 = tpu.memref_squeeze %dma_wait3A_360 : memref<1x456x16xf32, #tpu.memory_space<vmem>> -> memref<456x16xf32, #tpu.memory_space<vmem>>
      %dma_wait3A_362 = arith.constant 0 : i32
      %dma_wait3A_363 = tpu.memref_slice %arg9[%add3A_12, %dma_wait3A_362] : memref<102144x16xf32, #tpu.memory_space<vmem_shared>> -> memref<456x16xf32, #tpu.memory_space<vmem_shared>>
      %dma_wait3A_364 = arith.constant 0 : i32
      %dma_wait3A_365 = tpu.memref_slice %arg9[%add3A_12, %dma_wait3A_364] : memref<102144x16xf32, #tpu.memory_space<vmem_shared>> -> memref<456x16xf32, #tpu.memory_space<vmem_shared>>
      %dma_wait3A_366 = arith.constant 0 : i32
      %dma_wait3A_367 = arith.constant 0 : i32
      %dma_wait3A_368 = tpu.memref_slice %arg6[%run_scoped3A_13, %dma_wait3A_366, %dma_wait3A_367] : memref<2x800x16xf32, #tpu.memory_space<vmem>> -> memref<1x456x16xf32, #tpu.memory_space<vmem>>
      %dma_wait3A_369 = tpu.memref_squeeze %dma_wait3A_368 : memref<1x456x16xf32, #tpu.memory_space<vmem>> -> memref<456x16xf32, #tpu.memory_space<vmem>>
      tpu.wait_dma2 semaphore(%run_scoped3A_345 : memref<!tpu.dma_semaphore, #tpu.memory_space<semaphore_mem>>) src(%dma_wait3A_369 : memref<456x16xf32, #tpu.memory_space<vmem>>) dst(%dma_wait3A_365 : memref<456x16xf32, #tpu.memory_space<vmem_shared>>)
      tpu.yield
    }) : () -> ()
    %mul3A_14 = arith.constant 6384 : i32
    %mul3A_15 = arith.muli %arg1, %mul3A_14 : i32
    %add3A_16 = arith.constant 912 : i32
    %add3A_17 = arith.addi %mul3A_15, %add3A_16 : i32
    %run_scoped3A_18 = arith.constant 0 : i32
    "tpu.region"() ({
      %run_scoped3A_345 = tpu.sem_alloc : memref<!tpu.dma_semaphore, #tpu.memory_space<semaphore_mem>>
      %dma_start3A_346 = arith.constant 0 : i32
      %dma_start3A_347 = arith.constant 0 : i32
      %dma_start3A_348 = tpu.memref_slice %arg6[%run_scoped3A_18, %dma_start3A_346, %dma_start3A_347] : memref<2x800x16xf32, #tpu.memory_space<vmem>> -> memref<1x456x16xf32, #tpu.memory_space<vmem>>
      %dma_start3A_349 = tpu.memref_squeeze %dma_start3A_348 : memref<1x456x16xf32, #tpu.memory_space<vmem>> -> memref<456x16xf32, #tpu.memory_space<vmem>>
      %dma_start3A_350 = arith.constant 0 : i32
      %dma_start3A_351 = tpu.memref_slice %arg9[%add3A_17, %dma_start3A_350] : memref<102144x16xf32, #tpu.memory_space<vmem_shared>> -> memref<456x16xf32, #tpu.memory_space<vmem_shared>>
      %dma_start3A_352 = arith.constant 0 : i32
      %dma_start3A_353 = tpu.memref_slice %arg9[%add3A_17, %dma_start3A_352] : memref<102144x16xf32, #tpu.memory_space<vmem_shared>> -> memref<456x16xf32, #tpu.memory_space<vmem_shared>>
      %dma_start3A_354 = arith.constant 0 : i32
      %dma_start3A_355 = arith.constant 0 : i32
      %dma_start3A_356 = tpu.memref_slice %arg6[%run_scoped3A_18, %dma_start3A_354, %dma_start3A_355] : memref<2x800x16xf32, #tpu.memory_space<vmem>> -> memref<1x456x16xf32, #tpu.memory_space<vmem>>
      %dma_start3A_357 = tpu.memref_squeeze %dma_start3A_356 : memref<1x456x16xf32, #tpu.memory_space<vmem>> -> memref<456x16xf32, #tpu.memory_space<vmem>>
      tpu.enqueue_dma source(%dma_start3A_357 : memref<456x16xf32, #tpu.memory_space<vmem>>) target(%dma_start3A_353 : memref<456x16xf32, #tpu.memory_space<vmem_shared>>) target_semaphore(%run_scoped3A_345 : memref<!tpu.dma_semaphore, #tpu.memory_space<semaphore_mem>>)
      %dma_wait3A_358 = arith.constant 0 : i32
      %dma_wait3A_359 = arith.constant 0 : i32
      %dma_wait3A_360 = tpu.memref_slice %arg6[%run_scoped3A_18, %dma_wait3A_358, %dma_wait3A_359] : memref<2x800x16xf32, #tpu.memory_space<vmem>> -> memref<1x456x16xf32, #tpu.memory_space<vmem>>
      %dma_wait3A_361 = tpu.memref_squeeze %dma_wait3A_360 : memref<1x456x16xf32, #tpu.memory_space<vmem>> -> memref<456x16xf32, #tpu.memory_space<vmem>>
      %dma_wait3A_362 = arith.constant 0 : i32
      %dma_wait3A_363 = tpu.memref_slice %arg9[%add3A_17, %dma_wait3A_362] : memref<102144x16xf32, #tpu.memory_space<vmem_shared>> -> memref<456x16xf32, #tpu.memory_space<vmem_shared>>
      %dma_wait3A_364 = arith.constant 0 : i32
      %dma_wait3A_365 = tpu.memref_slice %arg9[%add3A_17, %dma_wait3A_364] : memref<102144x16xf32, #tpu.memory_space<vmem_shared>> -> memref<456x16xf32, #tpu.memory_space<vmem_shared>>
      %dma_wait3A_366 = arith.constant 0 : i32
      %dma_wait3A_367 = arith.constant 0 : i32
      %dma_wait3A_368 = tpu.memref_slice %arg6[%run_scoped3A_18, %dma_wait3A_366, %dma_wait3A_367] : memref<2x800x16xf32, #tpu.memory_space<vmem>> -> memref<1x456x16xf32, #tpu.memory_space<vmem>>
      %dma_wait3A_369 = tpu.memref_squeeze %dma_wait3A_368 : memref<1x456x16xf32, #tpu.memory_space<vmem>> -> memref<456x16xf32, #tpu.memory_space<vmem>>
      tpu.wait_dma2 semaphore(%run_scoped3A_345 : memref<!tpu.dma_semaphore, #tpu.memory_space<semaphore_mem>>) src(%dma_wait3A_369 : memref<456x16xf32, #tpu.memory_space<vmem>>) dst(%dma_wait3A_365 : memref<456x16xf32, #tpu.memory_space<vmem_shared>>)
      tpu.yield
    }) : () -> ()
    %mul3A_19 = arith.constant 6384 : i32
    %mul3A_20 = arith.muli %arg1, %mul3A_19 : i32
    %add3A_21 = arith.constant 1368 : i32
    %add3A_22 = arith.addi %mul3A_20, %add3A_21 : i32
    %run_scoped3A_23 = arith.constant 0 : i32
    "tpu.region"() ({
      %run_scoped3A_345 = tpu.sem_alloc : memref<!tpu.dma_semaphore, #tpu.memory_space<semaphore_mem>>
      %dma_start3A_346 = arith.constant 0 : i32
      %dma_start3A_347 = arith.constant 0 : i32
      %dma_start3A_348 = tpu.memref_slice %arg6[%run_scoped3A_23, %dma_start3A_346, %dma_start3A_347] : memref<2x800x16xf32, #tpu.memory_space<vmem>> -> memref<1x456x16xf32, #tpu.memory_space<vmem>>
      %dma_start3A_349 = tpu.memref_squeeze %dma_start3A_348 : memref<1x456x16xf32, #tpu.memory_space<vmem>> -> memref<456x16xf32, #tpu.memory_space<vmem>>
      %dma_start3A_350 = arith.constant 0 : i32
      %dma_start3A_351 = tpu.memref_slice %arg9[%add3A_22, %dma_start3A_350] : memref<102144x16xf32, #tpu.memory_space<vmem_shared>> -> memref<456x16xf32, #tpu.memory_space<vmem_shared>>
      %dma_start3A_352 = arith.constant 0 : i32
      %dma_start3A_353 = tpu.memref_slice %arg9[%add3A_22, %dma_start3A_352] : memref<102144x16xf32, #tpu.memory_space<vmem_shared>> -> memref<456x16xf32, #tpu.memory_space<vmem_shared>>
      %dma_start3A_354 = arith.constant 0 : i32
      %dma_start3A_355 = arith.constant 0 : i32
      %dma_start3A_356 = tpu.memref_slice %arg6[%run_scoped3A_23, %dma_start3A_354, %dma_start3A_355] : memref<2x800x16xf32, #tpu.memory_space<vmem>> -> memref<1x456x16xf32, #tpu.memory_space<vmem>>
      %dma_start3A_357 = tpu.memref_squeeze %dma_start3A_356 : memref<1x456x16xf32, #tpu.memory_space<vmem>> -> memref<456x16xf32, #tpu.memory_space<vmem>>
      tpu.enqueue_dma source(%dma_start3A_357 : memref<456x16xf32, #tpu.memory_space<vmem>>) target(%dma_start3A_353 : memref<456x16xf32, #tpu.memory_space<vmem_shared>>) target_semaphore(%run_scoped3A_345 : memref<!tpu.dma_semaphore, #tpu.memory_space<semaphore_mem>>)
      %dma_wait3A_358 = arith.constant 0 : i32
      %dma_wait3A_359 = arith.constant 0 : i32
      %dma_wait3A_360 = tpu.memref_slice %arg6[%run_scoped3A_23, %dma_wait3A_358, %dma_wait3A_359] : memref<2x800x16xf32, #tpu.memory_space<vmem>> -> memref<1x456x16xf32, #tpu.memory_space<vmem>>
      %dma_wait3A_361 = tpu.memref_squeeze %dma_wait3A_360 : memref<1x456x16xf32, #tpu.memory_space<vmem>> -> memref<456x16xf32, #tpu.memory_space<vmem>>
      %dma_wait3A_362 = arith.constant 0 : i32
      %dma_wait3A_363 = tpu.memref_slice %arg9[%add3A_22, %dma_wait3A_362] : memref<102144x16xf32, #tpu.memory_space<vmem_shared>> -> memref<456x16xf32, #tpu.memory_space<vmem_shared>>
      %dma_wait3A_364 = arith.constant 0 : i32
      %dma_wait3A_365 = tpu.memref_slice %arg9[%add3A_22, %dma_wait3A_364] : memref<102144x16xf32, #tpu.memory_space<vmem_shared>> -> memref<456x16xf32, #tpu.memory_space<vmem_shared>>
      %dma_wait3A_366 = arith.constant 0 : i32
      %dma_wait3A_367 = arith.constant 0 : i32
      %dma_wait3A_368 = tpu.memref_slice %arg6[%run_scoped3A_23, %dma_wait3A_366, %dma_wait3A_367] : memref<2x800x16xf32, #tpu.memory_space<vmem>> -> memref<1x456x16xf32, #tpu.memory_space<vmem>>
      %dma_wait3A_369 = tpu.memref_squeeze %dma_wait3A_368 : memref<1x456x16xf32, #tpu.memory_space<vmem>> -> memref<456x16xf32, #tpu.memory_space<vmem>>
      tpu.wait_dma2 semaphore(%run_scoped3A_345 : memref<!tpu.dma_semaphore, #tpu.memory_space<semaphore_mem>>) src(%dma_wait3A_369 : memref<456x16xf32, #tpu.memory_space<vmem>>) dst(%dma_wait3A_365 : memref<456x16xf32, #tpu.memory_space<vmem_shared>>)
      tpu.yield
    }) : () -> ()
    %mul3A_24 = arith.constant 6384 : i32
    %mul3A_25 = arith.muli %arg1, %mul3A_24 : i32
    %add3A_26 = arith.constant 1824 : i32
    %add3A_27 = arith.addi %mul3A_25, %add3A_26 : i32
    %run_scoped3A_28 = arith.constant 0 : i32
    "tpu.region"() ({
      %run_scoped3A_345 = tpu.sem_alloc : memref<!tpu.dma_semaphore, #tpu.memory_space<semaphore_mem>>
      %dma_start3A_346 = arith.constant 0 : i32
      %dma_start3A_347 = arith.constant 0 : i32
      %dma_start3A_348 = tpu.memref_slice %arg6[%run_scoped3A_28, %dma_start3A_346, %dma_start3A_347] : memref<2x800x16xf32, #tpu.memory_space<vmem>> -> memref<1x456x16xf32, #tpu.memory_space<vmem>>
      %dma_start3A_349 = tpu.memref_squeeze %dma_start3A_348 : memref<1x456x16xf32, #tpu.memory_space<vmem>> -> memref<456x16xf32, #tpu.memory_space<vmem>>
      %dma_start3A_350 = arith.constant 0 : i32
      %dma_start3A_351 = tpu.memref_slice %arg9[%add3A_27, %dma_start3A_350] : memref<102144x16xf32, #tpu.memory_space<vmem_shared>> -> memref<456x16xf32, #tpu.memory_space<vmem_shared>>
      %dma_start3A_352 = arith.constant 0 : i32
      %dma_start3A_353 = tpu.memref_slice %arg9[%add3A_27, %dma_start3A_352] : memref<102144x16xf32, #tpu.memory_space<vmem_shared>> -> memref<456x16xf32, #tpu.memory_space<vmem_shared>>
      %dma_start3A_354 = arith.constant 0 : i32
      %dma_start3A_355 = arith.constant 0 : i32
      %dma_start3A_356 = tpu.memref_slice %arg6[%run_scoped3A_28, %dma_start3A_354, %dma_start3A_355] : memref<2x800x16xf32, #tpu.memory_space<vmem>> -> memref<1x456x16xf32, #tpu.memory_space<vmem>>
      %dma_start3A_357 = tpu.memref_squeeze %dma_start3A_356 : memref<1x456x16xf32, #tpu.memory_space<vmem>> -> memref<456x16xf32, #tpu.memory_space<vmem>>
      tpu.enqueue_dma source(%dma_start3A_357 : memref<456x16xf32, #tpu.memory_space<vmem>>) target(%dma_start3A_353 : memref<456x16xf32, #tpu.memory_space<vmem_shared>>) target_semaphore(%run_scoped3A_345 : memref<!tpu.dma_semaphore, #tpu.memory_space<semaphore_mem>>)
      %dma_wait3A_358 = arith.constant 0 : i32
      %dma_wait3A_359 = arith.constant 0 : i32
      %dma_wait3A_360 = tpu.memref_slice %arg6[%run_scoped3A_28, %dma_wait3A_358, %dma_wait3A_359] : memref<2x800x16xf32, #tpu.memory_space<vmem>> -> memref<1x456x16xf32, #tpu.memory_space<vmem>>
      %dma_wait3A_361 = tpu.memref_squeeze %dma_wait3A_360 : memref<1x456x16xf32, #tpu.memory_space<vmem>> -> memref<456x16xf32, #tpu.memory_space<vmem>>
      %dma_wait3A_362 = arith.constant 0 : i32
      %dma_wait3A_363 = tpu.memref_slice %arg9[%add3A_27, %dma_wait3A_362] : memref<102144x16xf32, #tpu.memory_space<vmem_shared>> -> memref<456x16xf32, #tpu.memory_space<vmem_shared>>
      %dma_wait3A_364 = arith.constant 0 : i32
      %dma_wait3A_365 = tpu.memref_slice %arg9[%add3A_27, %dma_wait3A_364] : memref<102144x16xf32, #tpu.memory_space<vmem_shared>> -> memref<456x16xf32, #tpu.memory_space<vmem_shared>>
      %dma_wait3A_366 = arith.constant 0 : i32
      %dma_wait3A_367 = arith.constant 0 : i32
      %dma_wait3A_368 = tpu.memref_slice %arg6[%run_scoped3A_28, %dma_wait3A_366, %dma_wait3A_367] : memref<2x800x16xf32, #tpu.memory_space<vmem>> -> memref<1x456x16xf32, #tpu.memory_space<vmem>>
      %dma_wait3A_369 = tpu.memref_squeeze %dma_wait3A_368 : memref<1x456x16xf32, #tpu.memory_space<vmem>> -> memref<456x16xf32, #tpu.memory_space<vmem>>
      tpu.wait_dma2 semaphore(%run_scoped3A_345 : memref<!tpu.dma_semaphore, #tpu.memory_space<semaphore_mem>>) src(%dma_wait3A_369 : memref<456x16xf32, #tpu.memory_space<vmem>>) dst(%dma_wait3A_365 : memref<456x16xf32, #tpu.memory_space<vmem_shared>>)
      tpu.yield
    }) : () -> ()
    %mul3A_29 = arith.constant 6384 : i32
    %mul3A_30 = arith.muli %arg1, %mul3A_29 : i32
    %add3A_31 = arith.constant 2280 : i32
    %add3A_32 = arith.addi %mul3A_30, %add3A_31 : i32
    %run_scoped3A_33 = arith.constant 0 : i32
    "tpu.region"() ({
      %run_scoped3A_345 = tpu.sem_alloc : memref<!tpu.dma_semaphore, #tpu.memory_space<semaphore_mem>>
      %dma_start3A_346 = arith.constant 0 : i32
      %dma_start3A_347 = arith.constant 0 : i32
      %dma_start3A_348 = tpu.memref_slice %arg6[%run_scoped3A_33, %dma_start3A_346, %dma_start3A_347] : memref<2x800x16xf32, #tpu.memory_space<vmem>> -> memref<1x456x16xf32, #tpu.memory_space<vmem>>
      %dma_start3A_349 = tpu.memref_squeeze %dma_start3A_348 : memref<1x456x16xf32, #tpu.memory_space<vmem>> -> memref<456x16xf32, #tpu.memory_space<vmem>>
      %dma_start3A_350 = arith.constant 0 : i32
      %dma_start3A_351 = tpu.memref_slice %arg9[%add3A_32, %dma_start3A_350] : memref<102144x16xf32, #tpu.memory_space<vmem_shared>> -> memref<456x16xf32, #tpu.memory_space<vmem_shared>>
      %dma_start3A_352 = arith.constant 0 : i32
      %dma_start3A_353 = tpu.memref_slice %arg9[%add3A_32, %dma_start3A_352] : memref<102144x16xf32, #tpu.memory_space<vmem_shared>> -> memref<456x16xf32, #tpu.memory_space<vmem_shared>>
      %dma_start3A_354 = arith.constant 0 : i32
      %dma_start3A_355 = arith.constant 0 : i32
      %dma_start3A_356 = tpu.memref_slice %arg6[%run_scoped3A_33, %dma_start3A_354, %dma_start3A_355] : memref<2x800x16xf32, #tpu.memory_space<vmem>> -> memref<1x456x16xf32, #tpu.memory_space<vmem>>
      %dma_start3A_357 = tpu.memref_squeeze %dma_start3A_356 : memref<1x456x16xf32, #tpu.memory_space<vmem>> -> memref<456x16xf32, #tpu.memory_space<vmem>>
      tpu.enqueue_dma source(%dma_start3A_357 : memref<456x16xf32, #tpu.memory_space<vmem>>) target(%dma_start3A_353 : memref<456x16xf32, #tpu.memory_space<vmem_shared>>) target_semaphore(%run_scoped3A_345 : memref<!tpu.dma_semaphore, #tpu.memory_space<semaphore_mem>>)
      %dma_wait3A_358 = arith.constant 0 : i32
      %dma_wait3A_359 = arith.constant 0 : i32
      %dma_wait3A_360 = tpu.memref_slice %arg6[%run_scoped3A_33, %dma_wait3A_358, %dma_wait3A_359] : memref<2x800x16xf32, #tpu.memory_space<vmem>> -> memref<1x456x16xf32, #tpu.memory_space<vmem>>
      %dma_wait3A_361 = tpu.memref_squeeze %dma_wait3A_360 : memref<1x456x16xf32, #tpu.memory_space<vmem>> -> memref<456x16xf32, #tpu.memory_space<vmem>>
      %dma_wait3A_362 = arith.constant 0 : i32
      %dma_wait3A_363 = tpu.memref_slice %arg9[%add3A_32, %dma_wait3A_362] : memref<102144x16xf32, #tpu.memory_space<vmem_shared>> -> memref<456x16xf32, #tpu.memory_space<vmem_shared>>
      %dma_wait3A_364 = arith.constant 0 : i32
      %dma_wait3A_365 = tpu.memref_slice %arg9[%add3A_32, %dma_wait3A_364] : memref<102144x16xf32, #tpu.memory_space<vmem_shared>> -> memref<456x16xf32, #tpu.memory_space<vmem_shared>>
      %dma_wait3A_366 = arith.constant 0 : i32
      %dma_wait3A_367 = arith.constant 0 : i32
      %dma_wait3A_368 = tpu.memref_slice %arg6[%run_scoped3A_33, %dma_wait3A_366, %dma_wait3A_367] : memref<2x800x16xf32, #tpu.memory_space<vmem>> -> memref<1x456x16xf32, #tpu.memory_space<vmem>>
      %dma_wait3A_369 = tpu.memref_squeeze %dma_wait3A_368 : memref<1x456x16xf32, #tpu.memory_space<vmem>> -> memref<456x16xf32, #tpu.memory_space<vmem>>
      tpu.wait_dma2 semaphore(%run_scoped3A_345 : memref<!tpu.dma_semaphore, #tpu.memory_space<semaphore_mem>>) src(%dma_wait3A_369 : memref<456x16xf32, #tpu.memory_space<vmem>>) dst(%dma_wait3A_365 : memref<456x16xf32, #tpu.memory_space<vmem_shared>>)
      tpu.yield
    }) : () -> ()
    %mul3A_34 = arith.constant 6384 : i32
    %mul3A_35 = arith.muli %arg1, %mul3A_34 : i32
    %add3A_36 = arith.constant 2736 : i32
    %add3A_37 = arith.addi %mul3A_35, %add3A_36 : i32
    %run_scoped3A_38 = arith.constant 0 : i32
    "tpu.region"() ({
      %run_scoped3A_345 = tpu.sem_alloc : memref<!tpu.dma_semaphore, #tpu.memory_space<semaphore_mem>>
      %dma_start3A_346 = arith.constant 0 : i32
      %dma_start3A_347 = arith.constant 0 : i32
      %dma_start3A_348 = tpu.memref_slice %arg6[%run_scoped3A_38, %dma_start3A_346, %dma_start3A_347] : memref<2x800x16xf32, #tpu.memory_space<vmem>> -> memref<1x456x16xf32, #tpu.memory_space<vmem>>
      %dma_start3A_349 = tpu.memref_squeeze %dma_start3A_348 : memref<1x456x16xf32, #tpu.memory_space<vmem>> -> memref<456x16xf32, #tpu.memory_space<vmem>>
      %dma_start3A_350 = arith.constant 0 : i32
      %dma_start3A_351 = tpu.memref_slice %arg9[%add3A_37, %dma_start3A_350] : memref<102144x16xf32, #tpu.memory_space<vmem_shared>> -> memref<456x16xf32, #tpu.memory_space<vmem_shared>>
      %dma_start3A_352 = arith.constant 0 : i32
      %dma_start3A_353 = tpu.memref_slice %arg9[%add3A_37, %dma_start3A_352] : memref<102144x16xf32, #tpu.memory_space<vmem_shared>> -> memref<456x16xf32, #tpu.memory_space<vmem_shared>>
      %dma_start3A_354 = arith.constant 0 : i32
      %dma_start3A_355 = arith.constant 0 : i32
      %dma_start3A_356 = tpu.memref_slice %arg6[%run_scoped3A_38, %dma_start3A_354, %dma_start3A_355] : memref<2x800x16xf32, #tpu.memory_space<vmem>> -> memref<1x456x16xf32, #tpu.memory_space<vmem>>
      %dma_start3A_357 = tpu.memref_squeeze %dma_start3A_356 : memref<1x456x16xf32, #tpu.memory_space<vmem>> -> memref<456x16xf32, #tpu.memory_space<vmem>>
      tpu.enqueue_dma source(%dma_start3A_357 : memref<456x16xf32, #tpu.memory_space<vmem>>) target(%dma_start3A_353 : memref<456x16xf32, #tpu.memory_space<vmem_shared>>) target_semaphore(%run_scoped3A_345 : memref<!tpu.dma_semaphore, #tpu.memory_space<semaphore_mem>>)
      %dma_wait3A_358 = arith.constant 0 : i32
      %dma_wait3A_359 = arith.constant 0 : i32
      %dma_wait3A_360 = tpu.memref_slice %arg6[%run_scoped3A_38, %dma_wait3A_358, %dma_wait3A_359] : memref<2x800x16xf32, #tpu.memory_space<vmem>> -> memref<1x456x16xf32, #tpu.memory_space<vmem>>
      %dma_wait3A_361 = tpu.memref_squeeze %dma_wait3A_360 : memref<1x456x16xf32, #tpu.memory_space<vmem>> -> memref<456x16xf32, #tpu.memory_space<vmem>>
      %dma_wait3A_362 = arith.constant 0 : i32
      %dma_wait3A_363 = tpu.memref_slice %arg9[%add3A_37, %dma_wait3A_362] : memref<102144x16xf32, #tpu.memory_space<vmem_shared>> -> memref<456x16xf32, #tpu.memory_space<vmem_shared>>
      %dma_wait3A_364 = arith.constant 0 : i32
      %dma_wait3A_365 = tpu.memref_slice %arg9[%add3A_37, %dma_wait3A_364] : memref<102144x16xf32, #tpu.memory_space<vmem_shared>> -> memref<456x16xf32, #tpu.memory_space<vmem_shared>>
      %dma_wait3A_366 = arith.constant 0 : i32
      %dma_wait3A_367 = arith.constant 0 : i32
      %dma_wait3A_368 = tpu.memref_slice %arg6[%run_scoped3A_38, %dma_wait3A_366, %dma_wait3A_367] : memref<2x800x16xf32, #tpu.memory_space<vmem>> -> memref<1x456x16xf32, #tpu.memory_space<vmem>>
      %dma_wait3A_369 = tpu.memref_squeeze %dma_wait3A_368 : memref<1x456x16xf32, #tpu.memory_space<vmem>> -> memref<456x16xf32, #tpu.memory_space<vmem>>
      tpu.wait_dma2 semaphore(%run_scoped3A_345 : memref<!tpu.dma_semaphore, #tpu.memory_space<semaphore_mem>>) src(%dma_wait3A_369 : memref<456x16xf32, #tpu.memory_space<vmem>>) dst(%dma_wait3A_365 : memref<456x16xf32, #tpu.memory_space<vmem_shared>>)
      tpu.yield
    }) : () -> ()
    %mul3A_39 = arith.constant 6384 : i32
    %mul3A_40 = arith.muli %arg1, %mul3A_39 : i32
    %add3A_41 = arith.constant 3192 : i32
    %add3A_42 = arith.addi %mul3A_40, %add3A_41 : i32
    %run_scoped3A_43 = arith.constant 0 : i32
    "tpu.region"() ({
      %run_scoped3A_345 = tpu.sem_alloc : memref<!tpu.dma_semaphore, #tpu.memory_space<semaphore_mem>>
      %dma_start3A_346 = arith.constant 0 : i32
      %dma_start3A_347 = arith.constant 0 : i32
      %dma_start3A_348 = tpu.memref_slice %arg6[%run_scoped3A_43, %dma_start3A_346, %dma_start3A_347] : memref<2x800x16xf32, #tpu.memory_space<vmem>> -> memref<1x456x16xf32, #tpu.memory_space<vmem>>
      %dma_start3A_349 = tpu.memref_squeeze %dma_start3A_348 : memref<1x456x16xf32, #tpu.memory_space<vmem>> -> memref<456x16xf32, #tpu.memory_space<vmem>>
      %dma_start3A_350 = arith.constant 0 : i32
      %dma_start3A_351 = tpu.memref_slice %arg9[%add3A_42, %dma_start3A_350] : memref<102144x16xf32, #tpu.memory_space<vmem_shared>> -> memref<456x16xf32, #tpu.memory_space<vmem_shared>>
      %dma_start3A_352 = arith.constant 0 : i32
      %dma_start3A_353 = tpu.memref_slice %arg9[%add3A_42, %dma_start3A_352] : memref<102144x16xf32, #tpu.memory_space<vmem_shared>> -> memref<456x16xf32, #tpu.memory_space<vmem_shared>>
      %dma_start3A_354 = arith.constant 0 : i32
      %dma_start3A_355 = arith.constant 0 : i32
      %dma_start3A_356 = tpu.memref_slice %arg6[%run_scoped3A_43, %dma_start3A_354, %dma_start3A_355] : memref<2x800x16xf32, #tpu.memory_space<vmem>> -> memref<1x456x16xf32, #tpu.memory_space<vmem>>
      %dma_start3A_357 = tpu.memref_squeeze %dma_start3A_356 : memref<1x456x16xf32, #tpu.memory_space<vmem>> -> memref<456x16xf32, #tpu.memory_space<vmem>>
      tpu.enqueue_dma source(%dma_start3A_357 : memref<456x16xf32, #tpu.memory_space<vmem>>) target(%dma_start3A_353 : memref<456x16xf32, #tpu.memory_space<vmem_shared>>) target_semaphore(%run_scoped3A_345 : memref<!tpu.dma_semaphore, #tpu.memory_space<semaphore_mem>>)
      %dma_wait3A_358 = arith.constant 0 : i32
      %dma_wait3A_359 = arith.constant 0 : i32
      %dma_wait3A_360 = tpu.memref_slice %arg6[%run_scoped3A_43, %dma_wait3A_358, %dma_wait3A_359] : memref<2x800x16xf32, #tpu.memory_space<vmem>> -> memref<1x456x16xf32, #tpu.memory_space<vmem>>
      %dma_wait3A_361 = tpu.memref_squeeze %dma_wait3A_360 : memref<1x456x16xf32, #tpu.memory_space<vmem>> -> memref<456x16xf32, #tpu.memory_space<vmem>>
      %dma_wait3A_362 = arith.constant 0 : i32
      %dma_wait3A_363 = tpu.memref_slice %arg9[%add3A_42, %dma_wait3A_362] : memref<102144x16xf32, #tpu.memory_space<vmem_shared>> -> memref<456x16xf32, #tpu.memory_space<vmem_shared>>
      %dma_wait3A_364 = arith.constant 0 : i32
      %dma_wait3A_365 = tpu.memref_slice %arg9[%add3A_42, %dma_wait3A_364] : memref<102144x16xf32, #tpu.memory_space<vmem_shared>> -> memref<456x16xf32, #tpu.memory_space<vmem_shared>>
      %dma_wait3A_366 = arith.constant 0 : i32
      %dma_wait3A_367 = arith.constant 0 : i32
      %dma_wait3A_368 = tpu.memref_slice %arg6[%run_scoped3A_43, %dma_wait3A_366, %dma_wait3A_367] : memref<2x800x16xf32, #tpu.memory_space<vmem>> -> memref<1x456x16xf32, #tpu.memory_space<vmem>>
      %dma_wait3A_369 = tpu.memref_squeeze %dma_wait3A_368 : memref<1x456x16xf32, #tpu.memory_space<vmem>> -> memref<456x16xf32, #tpu.memory_space<vmem>>
      tpu.wait_dma2 semaphore(%run_scoped3A_345 : memref<!tpu.dma_semaphore, #tpu.memory_space<semaphore_mem>>) src(%dma_wait3A_369 : memref<456x16xf32, #tpu.memory_space<vmem>>) dst(%dma_wait3A_365 : memref<456x16xf32, #tpu.memory_space<vmem_shared>>)
      tpu.yield
    }) : () -> ()
    %mul3A_44 = arith.constant 6384 : i32
    %mul3A_45 = arith.muli %arg1, %mul3A_44 : i32
    %add3A_46 = arith.constant 3648 : i32
    %add3A_47 = arith.addi %mul3A_45, %add3A_46 : i32
    %run_scoped3A_48 = arith.constant 0 : i32
    "tpu.region"() ({
      %run_scoped3A_345 = tpu.sem_alloc : memref<!tpu.dma_semaphore, #tpu.memory_space<semaphore_mem>>
      %dma_start3A_346 = arith.constant 0 : i32
      %dma_start3A_347 = arith.constant 0 : i32
      %dma_start3A_348 = tpu.memref_slice %arg6[%run_scoped3A_48, %dma_start3A_346, %dma_start3A_347] : memref<2x800x16xf32, #tpu.memory_space<vmem>> -> memref<1x456x16xf32, #tpu.memory_space<vmem>>
      %dma_start3A_349 = tpu.memref_squeeze %dma_start3A_348 : memref<1x456x16xf32, #tpu.memory_space<vmem>> -> memref<456x16xf32, #tpu.memory_space<vmem>>
      %dma_start3A_350 = arith.constant 0 : i32
      %dma_start3A_351 = tpu.memref_slice %arg9[%add3A_47, %dma_start3A_350] : memref<102144x16xf32, #tpu.memory_space<vmem_shared>> -> memref<456x16xf32, #tpu.memory_space<vmem_shared>>
      %dma_start3A_352 = arith.constant 0 : i32
      %dma_start3A_353 = tpu.memref_slice %arg9[%add3A_47, %dma_start3A_352] : memref<102144x16xf32, #tpu.memory_space<vmem_shared>> -> memref<456x16xf32, #tpu.memory_space<vmem_shared>>
      %dma_start3A_354 = arith.constant 0 : i32
      %dma_start3A_355 = arith.constant 0 : i32
      %dma_start3A_356 = tpu.memref_slice %arg6[%run_scoped3A_48, %dma_start3A_354, %dma_start3A_355] : memref<2x800x16xf32, #tpu.memory_space<vmem>> -> memref<1x456x16xf32, #tpu.memory_space<vmem>>
      %dma_start3A_357 = tpu.memref_squeeze %dma_start3A_356 : memref<1x456x16xf32, #tpu.memory_space<vmem>> -> memref<456x16xf32, #tpu.memory_space<vmem>>
      tpu.enqueue_dma source(%dma_start3A_357 : memref<456x16xf32, #tpu.memory_space<vmem>>) target(%dma_start3A_353 : memref<456x16xf32, #tpu.memory_space<vmem_shared>>) target_semaphore(%run_scoped3A_345 : memref<!tpu.dma_semaphore, #tpu.memory_space<semaphore_mem>>)
      %dma_wait3A_358 = arith.constant 0 : i32
      %dma_wait3A_359 = arith.constant 0 : i32
      %dma_wait3A_360 = tpu.memref_slice %arg6[%run_scoped3A_48, %dma_wait3A_358, %dma_wait3A_359] : memref<2x800x16xf32, #tpu.memory_space<vmem>> -> memref<1x456x16xf32, #tpu.memory_space<vmem>>
      %dma_wait3A_361 = tpu.memref_squeeze %dma_wait3A_360 : memref<1x456x16xf32, #tpu.memory_space<vmem>> -> memref<456x16xf32, #tpu.memory_space<vmem>>
      %dma_wait3A_362 = arith.constant 0 : i32
      %dma_wait3A_363 = tpu.memref_slice %arg9[%add3A_47, %dma_wait3A_362] : memref<102144x16xf32, #tpu.memory_space<vmem_shared>> -> memref<456x16xf32, #tpu.memory_space<vmem_shared>>
      %dma_wait3A_364 = arith.constant 0 : i32
      %dma_wait3A_365 = tpu.memref_slice %arg9[%add3A_47, %dma_wait3A_364] : memref<102144x16xf32, #tpu.memory_space<vmem_shared>> -> memref<456x16xf32, #tpu.memory_space<vmem_shared>>
      %dma_wait3A_366 = arith.constant 0 : i32
      %dma_wait3A_367 = arith.constant 0 : i32
      %dma_wait3A_368 = tpu.memref_slice %arg6[%run_scoped3A_48, %dma_wait3A_366, %dma_wait3A_367] : memref<2x800x16xf32, #tpu.memory_space<vmem>> -> memref<1x456x16xf32, #tpu.memory_space<vmem>>
      %dma_wait3A_369 = tpu.memref_squeeze %dma_wait3A_368 : memref<1x456x16xf32, #tpu.memory_space<vmem>> -> memref<456x16xf32, #tpu.memory_space<vmem>>
      tpu.wait_dma2 semaphore(%run_scoped3A_345 : memref<!tpu.dma_semaphore, #tpu.memory_space<semaphore_mem>>) src(%dma_wait3A_369 : memref<456x16xf32, #tpu.memory_space<vmem>>) dst(%dma_wait3A_365 : memref<456x16xf32, #tpu.memory_space<vmem_shared>>)
      tpu.yield
    }) : () -> ()
    %mul3A_49 = arith.constant 6384 : i32
    %mul3A_50 = arith.muli %arg1, %mul3A_49 : i32
    %add3A_51 = arith.constant 4104 : i32
    %add3A_52 = arith.addi %mul3A_50, %add3A_51 : i32
    %run_scoped3A_53 = arith.constant 0 : i32
    "tpu.region"() ({
      %run_scoped3A_345 = tpu.sem_alloc : memref<!tpu.dma_semaphore, #tpu.memory_space<semaphore_mem>>
      %dma_start3A_346 = arith.constant 0 : i32
      %dma_start3A_347 = arith.constant 0 : i32
      %dma_start3A_348 = tpu.memref_slice %arg6[%run_scoped3A_53, %dma_start3A_346, %dma_start3A_347] : memref<2x800x16xf32, #tpu.memory_space<vmem>> -> memref<1x456x16xf32, #tpu.memory_space<vmem>>
      %dma_start3A_349 = tpu.memref_squeeze %dma_start3A_348 : memref<1x456x16xf32, #tpu.memory_space<vmem>> -> memref<456x16xf32, #tpu.memory_space<vmem>>
      %dma_start3A_350 = arith.constant 0 : i32
      %dma_start3A_351 = tpu.memref_slice %arg9[%add3A_52, %dma_start3A_350] : memref<102144x16xf32, #tpu.memory_space<vmem_shared>> -> memref<456x16xf32, #tpu.memory_space<vmem_shared>>
      %dma_start3A_352 = arith.constant 0 : i32
      %dma_start3A_353 = tpu.memref_slice %arg9[%add3A_52, %dma_start3A_352] : memref<102144x16xf32, #tpu.memory_space<vmem_shared>> -> memref<456x16xf32, #tpu.memory_space<vmem_shared>>
      %dma_start3A_354 = arith.constant 0 : i32
      %dma_start3A_355 = arith.constant 0 : i32
      %dma_start3A_356 = tpu.memref_slice %arg6[%run_scoped3A_53, %dma_start3A_354, %dma_start3A_355] : memref<2x800x16xf32, #tpu.memory_space<vmem>> -> memref<1x456x16xf32, #tpu.memory_space<vmem>>
      %dma_start3A_357 = tpu.memref_squeeze %dma_start3A_356 : memref<1x456x16xf32, #tpu.memory_space<vmem>> -> memref<456x16xf32, #tpu.memory_space<vmem>>
      tpu.enqueue_dma source(%dma_start3A_357 : memref<456x16xf32, #tpu.memory_space<vmem>>) target(%dma_start3A_353 : memref<456x16xf32, #tpu.memory_space<vmem_shared>>) target_semaphore(%run_scoped3A_345 : memref<!tpu.dma_semaphore, #tpu.memory_space<semaphore_mem>>)
      %dma_wait3A_358 = arith.constant 0 : i32
      %dma_wait3A_359 = arith.constant 0 : i32
      %dma_wait3A_360 = tpu.memref_slice %arg6[%run_scoped3A_53, %dma_wait3A_358, %dma_wait3A_359] : memref<2x800x16xf32, #tpu.memory_space<vmem>> -> memref<1x456x16xf32, #tpu.memory_space<vmem>>
      %dma_wait3A_361 = tpu.memref_squeeze %dma_wait3A_360 : memref<1x456x16xf32, #tpu.memory_space<vmem>> -> memref<456x16xf32, #tpu.memory_space<vmem>>
      %dma_wait3A_362 = arith.constant 0 : i32
      %dma_wait3A_363 = tpu.memref_slice %arg9[%add3A_52, %dma_wait3A_362] : memref<102144x16xf32, #tpu.memory_space<vmem_shared>> -> memref<456x16xf32, #tpu.memory_space<vmem_shared>>
      %dma_wait3A_364 = arith.constant 0 : i32
      %dma_wait3A_365 = tpu.memref_slice %arg9[%add3A_52, %dma_wait3A_364] : memref<102144x16xf32, #tpu.memory_space<vmem_shared>> -> memref<456x16xf32, #tpu.memory_space<vmem_shared>>
      %dma_wait3A_366 = arith.constant 0 : i32
      %dma_wait3A_367 = arith.constant 0 : i32
      %dma_wait3A_368 = tpu.memref_slice %arg6[%run_scoped3A_53, %dma_wait3A_366, %dma_wait3A_367] : memref<2x800x16xf32, #tpu.memory_space<vmem>> -> memref<1x456x16xf32, #tpu.memory_space<vmem>>
      %dma_wait3A_369 = tpu.memref_squeeze %dma_wait3A_368 : memref<1x456x16xf32, #tpu.memory_space<vmem>> -> memref<456x16xf32, #tpu.memory_space<vmem>>
      tpu.wait_dma2 semaphore(%run_scoped3A_345 : memref<!tpu.dma_semaphore, #tpu.memory_space<semaphore_mem>>) src(%dma_wait3A_369 : memref<456x16xf32, #tpu.memory_space<vmem>>) dst(%dma_wait3A_365 : memref<456x16xf32, #tpu.memory_space<vmem_shared>>)
      tpu.yield
    }) : () -> ()
    %mul3A_54 = arith.constant 6384 : i32
    %mul3A_55 = arith.muli %arg1, %mul3A_54 : i32
    %add3A_56 = arith.constant 4560 : i32
    %add3A_57 = arith.addi %mul3A_55, %add3A_56 : i32
    %run_scoped3A_58 = arith.constant 0 : i32
    "tpu.region"() ({
      %run_scoped3A_345 = tpu.sem_alloc : memref<!tpu.dma_semaphore, #tpu.memory_space<semaphore_mem>>
      %dma_start3A_346 = arith.constant 0 : i32
      %dma_start3A_347 = arith.constant 0 : i32
      %dma_start3A_348 = tpu.memref_slice %arg6[%run_scoped3A_58, %dma_start3A_346, %dma_start3A_347] : memref<2x800x16xf32, #tpu.memory_space<vmem>> -> memref<1x456x16xf32, #tpu.memory_space<vmem>>
      %dma_start3A_349 = tpu.memref_squeeze %dma_start3A_348 : memref<1x456x16xf32, #tpu.memory_space<vmem>> -> memref<456x16xf32, #tpu.memory_space<vmem>>
      %dma_start3A_350 = arith.constant 0 : i32
      %dma_start3A_351 = tpu.memref_slice %arg9[%add3A_57, %dma_start3A_350] : memref<102144x16xf32, #tpu.memory_space<vmem_shared>> -> memref<456x16xf32, #tpu.memory_space<vmem_shared>>
      %dma_start3A_352 = arith.constant 0 : i32
      %dma_start3A_353 = tpu.memref_slice %arg9[%add3A_57, %dma_start3A_352] : memref<102144x16xf32, #tpu.memory_space<vmem_shared>> -> memref<456x16xf32, #tpu.memory_space<vmem_shared>>
      %dma_start3A_354 = arith.constant 0 : i32
      %dma_start3A_355 = arith.constant 0 : i32
      %dma_start3A_356 = tpu.memref_slice %arg6[%run_scoped3A_58, %dma_start3A_354, %dma_start3A_355] : memref<2x800x16xf32, #tpu.memory_space<vmem>> -> memref<1x456x16xf32, #tpu.memory_space<vmem>>
      %dma_start3A_357 = tpu.memref_squeeze %dma_start3A_356 : memref<1x456x16xf32, #tpu.memory_space<vmem>> -> memref<456x16xf32, #tpu.memory_space<vmem>>
      tpu.enqueue_dma source(%dma_start3A_357 : memref<456x16xf32, #tpu.memory_space<vmem>>) target(%dma_start3A_353 : memref<456x16xf32, #tpu.memory_space<vmem_shared>>) target_semaphore(%run_scoped3A_345 : memref<!tpu.dma_semaphore, #tpu.memory_space<semaphore_mem>>)
      %dma_wait3A_358 = arith.constant 0 : i32
      %dma_wait3A_359 = arith.constant 0 : i32
      %dma_wait3A_360 = tpu.memref_slice %arg6[%run_scoped3A_58, %dma_wait3A_358, %dma_wait3A_359] : memref<2x800x16xf32, #tpu.memory_space<vmem>> -> memref<1x456x16xf32, #tpu.memory_space<vmem>>
      %dma_wait3A_361 = tpu.memref_squeeze %dma_wait3A_360 : memref<1x456x16xf32, #tpu.memory_space<vmem>> -> memref<456x16xf32, #tpu.memory_space<vmem>>
      %dma_wait3A_362 = arith.constant 0 : i32
      %dma_wait3A_363 = tpu.memref_slice %arg9[%add3A_57, %dma_wait3A_362] : memref<102144x16xf32, #tpu.memory_space<vmem_shared>> -> memref<456x16xf32, #tpu.memory_space<vmem_shared>>
      %dma_wait3A_364 = arith.constant 0 : i32
      %dma_wait3A_365 = tpu.memref_slice %arg9[%add3A_57, %dma_wait3A_364] : memref<102144x16xf32, #tpu.memory_space<vmem_shared>> -> memref<456x16xf32, #tpu.memory_space<vmem_shared>>
      %dma_wait3A_366 = arith.constant 0 : i32
      %dma_wait3A_367 = arith.constant 0 : i32
      %dma_wait3A_368 = tpu.memref_slice %arg6[%run_scoped3A_58, %dma_wait3A_366, %dma_wait3A_367] : memref<2x800x16xf32, #tpu.memory_space<vmem>> -> memref<1x456x16xf32, #tpu.memory_space<vmem>>
      %dma_wait3A_369 = tpu.memref_squeeze %dma_wait3A_368 : memref<1x456x16xf32, #tpu.memory_space<vmem>> -> memref<456x16xf32, #tpu.memory_space<vmem>>
      tpu.wait_dma2 semaphore(%run_scoped3A_345 : memref<!tpu.dma_semaphore, #tpu.memory_space<semaphore_mem>>) src(%dma_wait3A_369 : memref<456x16xf32, #tpu.memory_space<vmem>>) dst(%dma_wait3A_365 : memref<456x16xf32, #tpu.memory_space<vmem_shared>>)
      tpu.yield
    }) : () -> ()
    %mul3A_59 = arith.constant 6384 : i32
    %mul3A_60 = arith.muli %arg1, %mul3A_59 : i32
    %add3A_61 = arith.constant 5016 : i32
    %add3A_62 = arith.addi %mul3A_60, %add3A_61 : i32
    %run_scoped3A_63 = arith.constant 0 : i32
    "tpu.region"() ({
      %run_scoped3A_345 = tpu.sem_alloc : memref<!tpu.dma_semaphore, #tpu.memory_space<semaphore_mem>>
      %dma_start3A_346 = arith.constant 0 : i32
      %dma_start3A_347 = arith.constant 0 : i32
      %dma_start3A_348 = tpu.memref_slice %arg6[%run_scoped3A_63, %dma_start3A_346, %dma_start3A_347] : memref<2x800x16xf32, #tpu.memory_space<vmem>> -> memref<1x456x16xf32, #tpu.memory_space<vmem>>
      %dma_start3A_349 = tpu.memref_squeeze %dma_start3A_348 : memref<1x456x16xf32, #tpu.memory_space<vmem>> -> memref<456x16xf32, #tpu.memory_space<vmem>>
      %dma_start3A_350 = arith.constant 0 : i32
      %dma_start3A_351 = tpu.memref_slice %arg9[%add3A_62, %dma_start3A_350] : memref<102144x16xf32, #tpu.memory_space<vmem_shared>> -> memref<456x16xf32, #tpu.memory_space<vmem_shared>>
      %dma_start3A_352 = arith.constant 0 : i32
      %dma_start3A_353 = tpu.memref_slice %arg9[%add3A_62, %dma_start3A_352] : memref<102144x16xf32, #tpu.memory_space<vmem_shared>> -> memref<456x16xf32, #tpu.memory_space<vmem_shared>>
      %dma_start3A_354 = arith.constant 0 : i32
      %dma_start3A_355 = arith.constant 0 : i32
      %dma_start3A_356 = tpu.memref_slice %arg6[%run_scoped3A_63, %dma_start3A_354, %dma_start3A_355] : memref<2x800x16xf32, #tpu.memory_space<vmem>> -> memref<1x456x16xf32, #tpu.memory_space<vmem>>
      %dma_start3A_357 = tpu.memref_squeeze %dma_start3A_356 : memref<1x456x16xf32, #tpu.memory_space<vmem>> -> memref<456x16xf32, #tpu.memory_space<vmem>>
      tpu.enqueue_dma source(%dma_start3A_357 : memref<456x16xf32, #tpu.memory_space<vmem>>) target(%dma_start3A_353 : memref<456x16xf32, #tpu.memory_space<vmem_shared>>) target_semaphore(%run_scoped3A_345 : memref<!tpu.dma_semaphore, #tpu.memory_space<semaphore_mem>>)
      %dma_wait3A_358 = arith.constant 0 : i32
      %dma_wait3A_359 = arith.constant 0 : i32
      %dma_wait3A_360 = tpu.memref_slice %arg6[%run_scoped3A_63, %dma_wait3A_358, %dma_wait3A_359] : memref<2x800x16xf32, #tpu.memory_space<vmem>> -> memref<1x456x16xf32, #tpu.memory_space<vmem>>
      %dma_wait3A_361 = tpu.memref_squeeze %dma_wait3A_360 : memref<1x456x16xf32, #tpu.memory_space<vmem>> -> memref<456x16xf32, #tpu.memory_space<vmem>>
      %dma_wait3A_362 = arith.constant 0 : i32
      %dma_wait3A_363 = tpu.memref_slice %arg9[%add3A_62, %dma_wait3A_362] : memref<102144x16xf32, #tpu.memory_space<vmem_shared>> -> memref<456x16xf32, #tpu.memory_space<vmem_shared>>
      %dma_wait3A_364 = arith.constant 0 : i32
      %dma_wait3A_365 = tpu.memref_slice %arg9[%add3A_62, %dma_wait3A_364] : memref<102144x16xf32, #tpu.memory_space<vmem_shared>> -> memref<456x16xf32, #tpu.memory_space<vmem_shared>>
      %dma_wait3A_366 = arith.constant 0 : i32
      %dma_wait3A_367 = arith.constant 0 : i32
      %dma_wait3A_368 = tpu.memref_slice %arg6[%run_scoped3A_63, %dma_wait3A_366, %dma_wait3A_367] : memref<2x800x16xf32, #tpu.memory_space<vmem>> -> memref<1x456x16xf32, #tpu.memory_space<vmem>>
      %dma_wait3A_369 = tpu.memref_squeeze %dma_wait3A_368 : memref<1x456x16xf32, #tpu.memory_space<vmem>> -> memref<456x16xf32, #tpu.memory_space<vmem>>
      tpu.wait_dma2 semaphore(%run_scoped3A_345 : memref<!tpu.dma_semaphore, #tpu.memory_space<semaphore_mem>>) src(%dma_wait3A_369 : memref<456x16xf32, #tpu.memory_space<vmem>>) dst(%dma_wait3A_365 : memref<456x16xf32, #tpu.memory_space<vmem_shared>>)
      tpu.yield
    }) : () -> ()
    %mul3A_64 = arith.constant 6384 : i32
    %mul3A_65 = arith.muli %arg1, %mul3A_64 : i32
    %add3A_66 = arith.constant 5472 : i32
    %add3A_67 = arith.addi %mul3A_65, %add3A_66 : i32
    %run_scoped3A_68 = arith.constant 0 : i32
    "tpu.region"() ({
      %run_scoped3A_345 = tpu.sem_alloc : memref<!tpu.dma_semaphore, #tpu.memory_space<semaphore_mem>>
      %dma_start3A_346 = arith.constant 0 : i32
      %dma_start3A_347 = arith.constant 0 : i32
      %dma_start3A_348 = tpu.memref_slice %arg6[%run_scoped3A_68, %dma_start3A_346, %dma_start3A_347] : memref<2x800x16xf32, #tpu.memory_space<vmem>> -> memref<1x456x16xf32, #tpu.memory_space<vmem>>
      %dma_start3A_349 = tpu.memref_squeeze %dma_start3A_348 : memref<1x456x16xf32, #tpu.memory_space<vmem>> -> memref<456x16xf32, #tpu.memory_space<vmem>>
      %dma_start3A_350 = arith.constant 0 : i32
      %dma_start3A_351 = tpu.memref_slice %arg9[%add3A_67, %dma_start3A_350] : memref<102144x16xf32, #tpu.memory_space<vmem_shared>> -> memref<456x16xf32, #tpu.memory_space<vmem_shared>>
      %dma_start3A_352 = arith.constant 0 : i32
      %dma_start3A_353 = tpu.memref_slice %arg9[%add3A_67, %dma_start3A_352] : memref<102144x16xf32, #tpu.memory_space<vmem_shared>> -> memref<456x16xf32, #tpu.memory_space<vmem_shared>>
      %dma_start3A_354 = arith.constant 0 : i32
      %dma_start3A_355 = arith.constant 0 : i32
      %dma_start3A_356 = tpu.memref_slice %arg6[%run_scoped3A_68, %dma_start3A_354, %dma_start3A_355] : memref<2x800x16xf32, #tpu.memory_space<vmem>> -> memref<1x456x16xf32, #tpu.memory_space<vmem>>
      %dma_start3A_357 = tpu.memref_squeeze %dma_start3A_356 : memref<1x456x16xf32, #tpu.memory_space<vmem>> -> memref<456x16xf32, #tpu.memory_space<vmem>>
      tpu.enqueue_dma source(%dma_start3A_357 : memref<456x16xf32, #tpu.memory_space<vmem>>) target(%dma_start3A_353 : memref<456x16xf32, #tpu.memory_space<vmem_shared>>) target_semaphore(%run_scoped3A_345 : memref<!tpu.dma_semaphore, #tpu.memory_space<semaphore_mem>>)
      %dma_wait3A_358 = arith.constant 0 : i32
      %dma_wait3A_359 = arith.constant 0 : i32
      %dma_wait3A_360 = tpu.memref_slice %arg6[%run_scoped3A_68, %dma_wait3A_358, %dma_wait3A_359] : memref<2x800x16xf32, #tpu.memory_space<vmem>> -> memref<1x456x16xf32, #tpu.memory_space<vmem>>
      %dma_wait3A_361 = tpu.memref_squeeze %dma_wait3A_360 : memref<1x456x16xf32, #tpu.memory_space<vmem>> -> memref<456x16xf32, #tpu.memory_space<vmem>>
      %dma_wait3A_362 = arith.constant 0 : i32
      %dma_wait3A_363 = tpu.memref_slice %arg9[%add3A_67, %dma_wait3A_362] : memref<102144x16xf32, #tpu.memory_space<vmem_shared>> -> memref<456x16xf32, #tpu.memory_space<vmem_shared>>
      %dma_wait3A_364 = arith.constant 0 : i32
      %dma_wait3A_365 = tpu.memref_slice %arg9[%add3A_67, %dma_wait3A_364] : memref<102144x16xf32, #tpu.memory_space<vmem_shared>> -> memref<456x16xf32, #tpu.memory_space<vmem_shared>>
      %dma_wait3A_366 = arith.constant 0 : i32
      %dma_wait3A_367 = arith.constant 0 : i32
      %dma_wait3A_368 = tpu.memref_slice %arg6[%run_scoped3A_68, %dma_wait3A_366, %dma_wait3A_367] : memref<2x800x16xf32, #tpu.memory_space<vmem>> -> memref<1x456x16xf32, #tpu.memory_space<vmem>>
      %dma_wait3A_369 = tpu.memref_squeeze %dma_wait3A_368 : memref<1x456x16xf32, #tpu.memory_space<vmem>> -> memref<456x16xf32, #tpu.memory_space<vmem>>
      tpu.wait_dma2 semaphore(%run_scoped3A_345 : memref<!tpu.dma_semaphore, #tpu.memory_space<semaphore_mem>>) src(%dma_wait3A_369 : memref<456x16xf32, #tpu.memory_space<vmem>>) dst(%dma_wait3A_365 : memref<456x16xf32, #tpu.memory_space<vmem_shared>>)
      tpu.yield
    }) : () -> ()
    %mul3A_69 = arith.constant 6384 : i32
    %mul3A_70 = arith.muli %arg1, %mul3A_69 : i32
    %add3A_71 = arith.constant 5928 : i32
    %add3A_72 = arith.addi %mul3A_70, %add3A_71 : i32
    %run_scoped3A_73 = arith.constant 0 : i32
    "tpu.region"() ({
      %run_scoped3A_345 = tpu.sem_alloc : memref<!tpu.dma_semaphore, #tpu.memory_space<semaphore_mem>>
      %dma_start3A_346 = arith.constant 0 : i32
      %dma_start3A_347 = arith.constant 0 : i32
      %dma_start3A_348 = tpu.memref_slice %arg6[%run_scoped3A_73, %dma_start3A_346, %dma_start3A_347] : memref<2x800x16xf32, #tpu.memory_space<vmem>> -> memref<1x456x16xf32, #tpu.memory_space<vmem>>
      %dma_start3A_349 = tpu.memref_squeeze %dma_start3A_348 : memref<1x456x16xf32, #tpu.memory_space<vmem>> -> memref<456x16xf32, #tpu.memory_space<vmem>>
      %dma_start3A_350 = arith.constant 0 : i32
      %dma_start3A_351 = tpu.memref_slice %arg9[%add3A_72, %dma_start3A_350] : memref<102144x16xf32, #tpu.memory_space<vmem_shared>> -> memref<456x16xf32, #tpu.memory_space<vmem_shared>>
      %dma_start3A_352 = arith.constant 0 : i32
      %dma_start3A_353 = tpu.memref_slice %arg9[%add3A_72, %dma_start3A_352] : memref<102144x16xf32, #tpu.memory_space<vmem_shared>> -> memref<456x16xf32, #tpu.memory_space<vmem_shared>>
      %dma_start3A_354 = arith.constant 0 : i32
      %dma_start3A_355 = arith.constant 0 : i32
      %dma_start3A_356 = tpu.memref_slice %arg6[%run_scoped3A_73, %dma_start3A_354, %dma_start3A_355] : memref<2x800x16xf32, #tpu.memory_space<vmem>> -> memref<1x456x16xf32, #tpu.memory_space<vmem>>
      %dma_start3A_357 = tpu.memref_squeeze %dma_start3A_356 : memref<1x456x16xf32, #tpu.memory_space<vmem>> -> memref<456x16xf32, #tpu.memory_space<vmem>>
      tpu.enqueue_dma source(%dma_start3A_357 : memref<456x16xf32, #tpu.memory_space<vmem>>) target(%dma_start3A_353 : memref<456x16xf32, #tpu.memory_space<vmem_shared>>) target_semaphore(%run_scoped3A_345 : memref<!tpu.dma_semaphore, #tpu.memory_space<semaphore_mem>>)
      %dma_wait3A_358 = arith.constant 0 : i32
      %dma_wait3A_359 = arith.constant 0 : i32
      %dma_wait3A_360 = tpu.memref_slice %arg6[%run_scoped3A_73, %dma_wait3A_358, %dma_wait3A_359] : memref<2x800x16xf32, #tpu.memory_space<vmem>> -> memref<1x456x16xf32, #tpu.memory_space<vmem>>
      %dma_wait3A_361 = tpu.memref_squeeze %dma_wait3A_360 : memref<1x456x16xf32, #tpu.memory_space<vmem>> -> memref<456x16xf32, #tpu.memory_space<vmem>>
      %dma_wait3A_362 = arith.constant 0 : i32
      %dma_wait3A_363 = tpu.memref_slice %arg9[%add3A_72, %dma_wait3A_362] : memref<102144x16xf32, #tpu.memory_space<vmem_shared>> -> memref<456x16xf32, #tpu.memory_space<vmem_shared>>
      %dma_wait3A_364 = arith.constant 0 : i32
      %dma_wait3A_365 = tpu.memref_slice %arg9[%add3A_72, %dma_wait3A_364] : memref<102144x16xf32, #tpu.memory_space<vmem_shared>> -> memref<456x16xf32, #tpu.memory_space<vmem_shared>>
      %dma_wait3A_366 = arith.constant 0 : i32
      %dma_wait3A_367 = arith.constant 0 : i32
      %dma_wait3A_368 = tpu.memref_slice %arg6[%run_scoped3A_73, %dma_wait3A_366, %dma_wait3A_367] : memref<2x800x16xf32, #tpu.memory_space<vmem>> -> memref<1x456x16xf32, #tpu.memory_space<vmem>>
      %dma_wait3A_369 = tpu.memref_squeeze %dma_wait3A_368 : memref<1x456x16xf32, #tpu.memory_space<vmem>> -> memref<456x16xf32, #tpu.memory_space<vmem>>
      tpu.wait_dma2 semaphore(%run_scoped3A_345 : memref<!tpu.dma_semaphore, #tpu.memory_space<semaphore_mem>>) src(%dma_wait3A_369 : memref<456x16xf32, #tpu.memory_space<vmem>>) dst(%dma_wait3A_365 : memref<456x16xf32, #tpu.memory_space<vmem_shared>>)
      tpu.yield
    }) : () -> ()
    %barrier3A = arith.constant 0 : index
    tpu.barrier barrier_id(%barrier3A)
    %mul3A_74 = arith.constant 100000 : i32
    %mul3A_75 = arith.muli %add3A, %mul3A_74 : i32
    %add3A_76 = arith.constant 0 : i32
    %add3A_77 = arith.addi %mul3A_75, %add3A_76 : i32
    %dma_start3A = arith.constant 0 : i32
    %dma_start3A_78 = arith.constant 0 : i32
    %dma_start3A_79 = arith.constant 0 : i32
    %dma_start3A_80 = arith.constant 0 : i32
    %dma_start3A_81 = tpu.memref_slice %arg6[%dma_start3A, %dma_start3A_79, %dma_start3A_80] : memref<2x800x16xf32, #tpu.memory_space<vmem>> -> memref<1x800x16xf32, #tpu.memory_space<vmem>>
    %dma_start3A_82 = tpu.memref_squeeze %dma_start3A_81 : memref<1x800x16xf32, #tpu.memory_space<vmem>> -> memref<800x16xf32, #tpu.memory_space<vmem>>
    %dma_start3A_83 = arith.constant 0 : i32
    %dma_start3A_84 = tpu.memref_slice %arg2[%add3A_77, %dma_start3A_83] : memref<3200000x16xf32, #tpu.memory_space<hbm>> -> memref<800x16xf32, #tpu.memory_space<hbm>>
    %dma_start3A_85 = tpu.memref_slice %arg10[%dma_start3A_78] : memref<2x!tpu.dma_semaphore, #tpu.memory_space<semaphore_mem>> -> memref<1x!tpu.dma_semaphore, #tpu.memory_space<semaphore_mem>>
    %dma_start3A_86 = tpu.memref_squeeze %dma_start3A_85 : memref<1x!tpu.dma_semaphore, #tpu.memory_space<semaphore_mem>> -> memref<!tpu.dma_semaphore, #tpu.memory_space<semaphore_mem>>
    %dma_start3A_87 = arith.constant 0 : i32
    %dma_start3A_88 = arith.constant 0 : i32
    %dma_start3A_89 = tpu.memref_slice %arg6[%dma_start3A, %dma_start3A_87, %dma_start3A_88] : memref<2x800x16xf32, #tpu.memory_space<vmem>> -> memref<1x800x16xf32, #tpu.memory_space<vmem>>
    %dma_start3A_90 = tpu.memref_squeeze %dma_start3A_89 : memref<1x800x16xf32, #tpu.memory_space<vmem>> -> memref<800x16xf32, #tpu.memory_space<vmem>>
    %dma_start3A_91 = arith.constant 0 : i32
    %dma_start3A_92 = tpu.memref_slice %arg2[%add3A_77, %dma_start3A_91] : memref<3200000x16xf32, #tpu.memory_space<hbm>> -> memref<800x16xf32, #tpu.memory_space<hbm>>
    tpu.enqueue_dma source(%dma_start3A_92 : memref<800x16xf32, #tpu.memory_space<hbm>>) target(%dma_start3A_90 : memref<800x16xf32, #tpu.memory_space<vmem>>) target_semaphore(%dma_start3A_86 : memref<!tpu.dma_semaphore, #tpu.memory_space<semaphore_mem>>)
    %dma_start3A_93 = arith.constant 0 : i32
    %dma_start3A_94 = arith.constant 0 : i32
    %dma_start3A_95 = arith.constant 0 : i32
    %dma_start3A_96 = tpu.memref_slice %arg7[%dma_start3A_93, %dma_start3A_95] : memref<2x800xf32, #tpu.memory_space<vmem>> -> memref<1x800xf32, #tpu.memory_space<vmem>>
    %dma_start3A_97 = tpu.memref_squeeze %dma_start3A_96 : memref<1x800xf32, #tpu.memory_space<vmem>> -> memref<800xf32, #tpu.memory_space<vmem>>
    %dma_start3A_98 = tpu.memref_slice %arg3[%add3A_77] : memref<3200000xf32, #tpu.memory_space<hbm>> -> memref<800xf32, #tpu.memory_space<hbm>>
    %dma_start3A_99 = tpu.memref_slice %arg10[%dma_start3A_94] : memref<2x!tpu.dma_semaphore, #tpu.memory_space<semaphore_mem>> -> memref<1x!tpu.dma_semaphore, #tpu.memory_space<semaphore_mem>>
    %dma_start3A_100 = tpu.memref_squeeze %dma_start3A_99 : memref<1x!tpu.dma_semaphore, #tpu.memory_space<semaphore_mem>> -> memref<!tpu.dma_semaphore, #tpu.memory_space<semaphore_mem>>
    %dma_start3A_101 = arith.constant 0 : i32
    %dma_start3A_102 = tpu.memref_slice %arg7[%dma_start3A_93, %dma_start3A_101] : memref<2x800xf32, #tpu.memory_space<vmem>> -> memref<1x800xf32, #tpu.memory_space<vmem>>
    %dma_start3A_103 = tpu.memref_squeeze %dma_start3A_102 : memref<1x800xf32, #tpu.memory_space<vmem>> -> memref<800xf32, #tpu.memory_space<vmem>>
    %dma_start3A_104 = tpu.memref_slice %arg3[%add3A_77] : memref<3200000xf32, #tpu.memory_space<hbm>> -> memref<800xf32, #tpu.memory_space<hbm>>
    tpu.enqueue_dma source(%dma_start3A_104 : memref<800xf32, #tpu.memory_space<hbm>>) target(%dma_start3A_103 : memref<800xf32, #tpu.memory_space<vmem>>) target_semaphore(%dma_start3A_100 : memref<!tpu.dma_semaphore, #tpu.memory_space<semaphore_mem>>)
    %dma_start3A_105 = arith.constant 0 : i32
    %dma_start3A_106 = arith.constant 0 : i32
    %dma_start3A_107 = arith.constant 0 : i32
    %dma_start3A_108 = tpu.memref_slice %arg8[%dma_start3A_105, %dma_start3A_107] : memref<2x800xi32, #tpu.memory_space<vmem>> -> memref<1x800xi32, #tpu.memory_space<vmem>>
    %dma_start3A_109 = tpu.memref_squeeze %dma_start3A_108 : memref<1x800xi32, #tpu.memory_space<vmem>> -> memref<800xi32, #tpu.memory_space<vmem>>
    %dma_start3A_110 = tpu.memref_slice %arg4[%add3A_77] : memref<3200000xi32, #tpu.memory_space<hbm>> -> memref<800xi32, #tpu.memory_space<hbm>>
    %dma_start3A_111 = tpu.memref_slice %arg10[%dma_start3A_106] : memref<2x!tpu.dma_semaphore, #tpu.memory_space<semaphore_mem>> -> memref<1x!tpu.dma_semaphore, #tpu.memory_space<semaphore_mem>>
    %dma_start3A_112 = tpu.memref_squeeze %dma_start3A_111 : memref<1x!tpu.dma_semaphore, #tpu.memory_space<semaphore_mem>> -> memref<!tpu.dma_semaphore, #tpu.memory_space<semaphore_mem>>
    %dma_start3A_113 = arith.constant 0 : i32
    %dma_start3A_114 = tpu.memref_slice %arg8[%dma_start3A_105, %dma_start3A_113] : memref<2x800xi32, #tpu.memory_space<vmem>> -> memref<1x800xi32, #tpu.memory_space<vmem>>
    %dma_start3A_115 = tpu.memref_squeeze %dma_start3A_114 : memref<1x800xi32, #tpu.memory_space<vmem>> -> memref<800xi32, #tpu.memory_space<vmem>>
    %dma_start3A_116 = tpu.memref_slice %arg4[%add3A_77] : memref<3200000xi32, #tpu.memory_space<hbm>> -> memref<800xi32, #tpu.memory_space<hbm>>
    tpu.enqueue_dma source(%dma_start3A_116 : memref<800xi32, #tpu.memory_space<hbm>>) target(%dma_start3A_115 : memref<800xi32, #tpu.memory_space<vmem>>) target_semaphore(%dma_start3A_112 : memref<!tpu.dma_semaphore, #tpu.memory_space<semaphore_mem>>)
    %mul3A_117 = arith.constant 100000 : i32
    %mul3A_118 = arith.muli %add3A, %mul3A_117 : i32
    %add3A_119 = arith.constant 800 : i32
    %add3A_120 = arith.addi %mul3A_118, %add3A_119 : i32
    %dma_start3A_121 = arith.constant 1 : i32
    %dma_start3A_122 = arith.constant 1 : i32
    %dma_start3A_123 = arith.constant 0 : i32
    %dma_start3A_124 = arith.constant 0 : i32
    %dma_start3A_125 = tpu.memref_slice %arg6[%dma_start3A_121, %dma_start3A_123, %dma_start3A_124] : memref<2x800x16xf32, #tpu.memory_space<vmem>> -> memref<1x800x16xf32, #tpu.memory_space<vmem>>
    %dma_start3A_126 = tpu.memref_squeeze %dma_start3A_125 : memref<1x800x16xf32, #tpu.memory_space<vmem>> -> memref<800x16xf32, #tpu.memory_space<vmem>>
    %dma_start3A_127 = arith.constant 0 : i32
    %dma_start3A_128 = tpu.memref_slice %arg2[%add3A_120, %dma_start3A_127] : memref<3200000x16xf32, #tpu.memory_space<hbm>> -> memref<800x16xf32, #tpu.memory_space<hbm>>
    %dma_start3A_129 = tpu.memref_slice %arg10[%dma_start3A_122] : memref<2x!tpu.dma_semaphore, #tpu.memory_space<semaphore_mem>> -> memref<1x!tpu.dma_semaphore, #tpu.memory_space<semaphore_mem>>
    %dma_start3A_130 = tpu.memref_squeeze %dma_start3A_129 : memref<1x!tpu.dma_semaphore, #tpu.memory_space<semaphore_mem>> -> memref<!tpu.dma_semaphore, #tpu.memory_space<semaphore_mem>>
    %dma_start3A_131 = arith.constant 0 : i32
    %dma_start3A_132 = arith.constant 0 : i32
    %dma_start3A_133 = tpu.memref_slice %arg6[%dma_start3A_121, %dma_start3A_131, %dma_start3A_132] : memref<2x800x16xf32, #tpu.memory_space<vmem>> -> memref<1x800x16xf32, #tpu.memory_space<vmem>>
    %dma_start3A_134 = tpu.memref_squeeze %dma_start3A_133 : memref<1x800x16xf32, #tpu.memory_space<vmem>> -> memref<800x16xf32, #tpu.memory_space<vmem>>
    %dma_start3A_135 = arith.constant 0 : i32
    %dma_start3A_136 = tpu.memref_slice %arg2[%add3A_120, %dma_start3A_135] : memref<3200000x16xf32, #tpu.memory_space<hbm>> -> memref<800x16xf32, #tpu.memory_space<hbm>>
    tpu.enqueue_dma source(%dma_start3A_136 : memref<800x16xf32, #tpu.memory_space<hbm>>) target(%dma_start3A_134 : memref<800x16xf32, #tpu.memory_space<vmem>>) target_semaphore(%dma_start3A_130 : memref<!tpu.dma_semaphore, #tpu.memory_space<semaphore_mem>>)
    %dma_start3A_137 = arith.constant 1 : i32
    %dma_start3A_138 = arith.constant 1 : i32
    %dma_start3A_139 = arith.constant 0 : i32
    %dma_start3A_140 = tpu.memref_slice %arg7[%dma_start3A_137, %dma_start3A_139] : memref<2x800xf32, #tpu.memory_space<vmem>> -> memref<1x800xf32, #tpu.memory_space<vmem>>
    %dma_start3A_141 = tpu.memref_squeeze %dma_start3A_140 : memref<1x800xf32, #tpu.memory_space<vmem>> -> memref<800xf32, #tpu.memory_space<vmem>>
    %dma_start3A_142 = tpu.memref_slice %arg3[%add3A_120] : memref<3200000xf32, #tpu.memory_space<hbm>> -> memref<800xf32, #tpu.memory_space<hbm>>
    %dma_start3A_143 = tpu.memref_slice %arg10[%dma_start3A_138] : memref<2x!tpu.dma_semaphore, #tpu.memory_space<semaphore_mem>> -> memref<1x!tpu.dma_semaphore, #tpu.memory_space<semaphore_mem>>
    %dma_start3A_144 = tpu.memref_squeeze %dma_start3A_143 : memref<1x!tpu.dma_semaphore, #tpu.memory_space<semaphore_mem>> -> memref<!tpu.dma_semaphore, #tpu.memory_space<semaphore_mem>>
    %dma_start3A_145 = arith.constant 0 : i32
    %dma_start3A_146 = tpu.memref_slice %arg7[%dma_start3A_137, %dma_start3A_145] : memref<2x800xf32, #tpu.memory_space<vmem>> -> memref<1x800xf32, #tpu.memory_space<vmem>>
    %dma_start3A_147 = tpu.memref_squeeze %dma_start3A_146 : memref<1x800xf32, #tpu.memory_space<vmem>> -> memref<800xf32, #tpu.memory_space<vmem>>
    %dma_start3A_148 = tpu.memref_slice %arg3[%add3A_120] : memref<3200000xf32, #tpu.memory_space<hbm>> -> memref<800xf32, #tpu.memory_space<hbm>>
    tpu.enqueue_dma source(%dma_start3A_148 : memref<800xf32, #tpu.memory_space<hbm>>) target(%dma_start3A_147 : memref<800xf32, #tpu.memory_space<vmem>>) target_semaphore(%dma_start3A_144 : memref<!tpu.dma_semaphore, #tpu.memory_space<semaphore_mem>>)
    %dma_start3A_149 = arith.constant 1 : i32
    %dma_start3A_150 = arith.constant 1 : i32
    %dma_start3A_151 = arith.constant 0 : i32
    %dma_start3A_152 = tpu.memref_slice %arg8[%dma_start3A_149, %dma_start3A_151] : memref<2x800xi32, #tpu.memory_space<vmem>> -> memref<1x800xi32, #tpu.memory_space<vmem>>
    %dma_start3A_153 = tpu.memref_squeeze %dma_start3A_152 : memref<1x800xi32, #tpu.memory_space<vmem>> -> memref<800xi32, #tpu.memory_space<vmem>>
    %dma_start3A_154 = tpu.memref_slice %arg4[%add3A_120] : memref<3200000xi32, #tpu.memory_space<hbm>> -> memref<800xi32, #tpu.memory_space<hbm>>
    %dma_start3A_155 = tpu.memref_slice %arg10[%dma_start3A_150] : memref<2x!tpu.dma_semaphore, #tpu.memory_space<semaphore_mem>> -> memref<1x!tpu.dma_semaphore, #tpu.memory_space<semaphore_mem>>
    %dma_start3A_156 = tpu.memref_squeeze %dma_start3A_155 : memref<1x!tpu.dma_semaphore, #tpu.memory_space<semaphore_mem>> -> memref<!tpu.dma_semaphore, #tpu.memory_space<semaphore_mem>>
    %dma_start3A_157 = arith.constant 0 : i32
    %dma_start3A_158 = tpu.memref_slice %arg8[%dma_start3A_149, %dma_start3A_157] : memref<2x800xi32, #tpu.memory_space<vmem>> -> memref<1x800xi32, #tpu.memory_space<vmem>>
    %dma_start3A_159 = tpu.memref_squeeze %dma_start3A_158 : memref<1x800xi32, #tpu.memory_space<vmem>> -> memref<800xi32, #tpu.memory_space<vmem>>
    %dma_start3A_160 = tpu.memref_slice %arg4[%add3A_120] : memref<3200000xi32, #tpu.memory_space<hbm>> -> memref<800xi32, #tpu.memory_space<hbm>>
    tpu.enqueue_dma source(%dma_start3A_160 : memref<800xi32, #tpu.memory_space<hbm>>) target(%dma_start3A_159 : memref<800xi32, #tpu.memory_space<vmem>>) target_semaphore(%dma_start3A_156 : memref<!tpu.dma_semaphore, #tpu.memory_space<semaphore_mem>>)
    %scan3A_161 = arith.constant 0 : i32
    %scan3A_162 = arith.constant 62 : i32
    %scan3A_163 = arith.addi %scan3A_161, %scan3A_162 : i32
    %scan3A_164 = arith.constant 1 : i32
    scf.for %scan3A_345 = %scan3A_161 to %scan3A_163 step %scan3A_164  : i32 {
      %mul3A_346 = arith.constant 2 : i32
      %mul3A_347 = arith.muli %scan3A_345, %mul3A_346 : i32
      %add3A_348 = arith.constant 0 : i32
      %add3A_349 = arith.addi %mul3A_347, %add3A_348 : i32
      %dma_wait3A_350 = arith.constant 0 : i32
      %dma_wait3A_351 = arith.constant 0 : i32
      %dma_wait3A_352 = arith.constant 0 : i32
      %dma_wait3A_353 = arith.constant 0 : i32
      %dma_wait3A_354 = tpu.memref_slice %arg6[%dma_wait3A_350, %dma_wait3A_352, %dma_wait3A_353] : memref<2x800x16xf32, #tpu.memory_space<vmem>> -> memref<1x800x16xf32, #tpu.memory_space<vmem>>
      %dma_wait3A_355 = tpu.memref_squeeze %dma_wait3A_354 : memref<1x800x16xf32, #tpu.memory_space<vmem>> -> memref<800x16xf32, #tpu.memory_space<vmem>>
      %dma_wait3A_356 = arith.constant 0 : i32
      %dma_wait3A_357 = arith.constant 0 : i32
      %dma_wait3A_358 = tpu.memref_slice %arg2[%dma_wait3A_356, %dma_wait3A_357] : memref<3200000x16xf32, #tpu.memory_space<hbm>> -> memref<800x16xf32, #tpu.memory_space<hbm>>
      %dma_wait3A_359 = tpu.memref_slice %arg10[%dma_wait3A_351] : memref<2x!tpu.dma_semaphore, #tpu.memory_space<semaphore_mem>> -> memref<1x!tpu.dma_semaphore, #tpu.memory_space<semaphore_mem>>
      %dma_wait3A_360 = tpu.memref_squeeze %dma_wait3A_359 : memref<1x!tpu.dma_semaphore, #tpu.memory_space<semaphore_mem>> -> memref<!tpu.dma_semaphore, #tpu.memory_space<semaphore_mem>>
      %dma_wait3A_361 = arith.constant 0 : i32
      %dma_wait3A_362 = arith.constant 0 : i32
      %dma_wait3A_363 = tpu.memref_slice %arg6[%dma_wait3A_350, %dma_wait3A_361, %dma_wait3A_362] : memref<2x800x16xf32, #tpu.memory_space<vmem>> -> memref<1x800x16xf32, #tpu.memory_space<vmem>>
      %dma_wait3A_364 = tpu.memref_squeeze %dma_wait3A_363 : memref<1x800x16xf32, #tpu.memory_space<vmem>> -> memref<800x16xf32, #tpu.memory_space<vmem>>
      %dma_wait3A_365 = arith.constant 0 : i32
      %dma_wait3A_366 = arith.constant 0 : i32
      %dma_wait3A_367 = tpu.memref_slice %arg2[%dma_wait3A_365, %dma_wait3A_366] : memref<3200000x16xf32, #tpu.memory_space<hbm>> -> memref<800x16xf32, #tpu.memory_space<hbm>>
      tpu.wait_dma2 semaphore(%dma_wait3A_360 : memref<!tpu.dma_semaphore, #tpu.memory_space<semaphore_mem>>) src(%dma_wait3A_367 : memref<800x16xf32, #tpu.memory_space<hbm>>) dst(%dma_wait3A_364 : memref<800x16xf32, #tpu.memory_space<vmem>>)
      %dma_wait3A_368 = arith.constant 0 : i32
      %dma_wait3A_369 = arith.constant 0 : i32
      %dma_wait3A_370 = arith.constant 0 : i32
      %dma_wait3A_371 = tpu.memref_slice %arg7[%dma_wait3A_368, %dma_wait3A_370] : memref<2x800xf32, #tpu.memory_space<vmem>> -> memref<1x800xf32, #tpu.memory_space<vmem>>
      %dma_wait3A_372 = tpu.memref_squeeze %dma_wait3A_371 : memref<1x800xf32, #tpu.memory_space<vmem>> -> memref<800xf32, #tpu.memory_space<vmem>>
      %dma_wait3A_373 = arith.constant 0 : i32
      %dma_wait3A_374 = tpu.memref_slice %arg3[%dma_wait3A_373] : memref<3200000xf32, #tpu.memory_space<hbm>> -> memref<800xf32, #tpu.memory_space<hbm>>
      %dma_wait3A_375 = tpu.memref_slice %arg10[%dma_wait3A_369] : memref<2x!tpu.dma_semaphore, #tpu.memory_space<semaphore_mem>> -> memref<1x!tpu.dma_semaphore, #tpu.memory_space<semaphore_mem>>
      %dma_wait3A_376 = tpu.memref_squeeze %dma_wait3A_375 : memref<1x!tpu.dma_semaphore, #tpu.memory_space<semaphore_mem>> -> memref<!tpu.dma_semaphore, #tpu.memory_space<semaphore_mem>>
      %dma_wait3A_377 = arith.constant 0 : i32
      %dma_wait3A_378 = tpu.memref_slice %arg7[%dma_wait3A_368, %dma_wait3A_377] : memref<2x800xf32, #tpu.memory_space<vmem>> -> memref<1x800xf32, #tpu.memory_space<vmem>>
      %dma_wait3A_379 = tpu.memref_squeeze %dma_wait3A_378 : memref<1x800xf32, #tpu.memory_space<vmem>> -> memref<800xf32, #tpu.memory_space<vmem>>
      %dma_wait3A_380 = arith.constant 0 : i32
      %dma_wait3A_381 = tpu.memref_slice %arg3[%dma_wait3A_380] : memref<3200000xf32, #tpu.memory_space<hbm>> -> memref<800xf32, #tpu.memory_space<hbm>>
      tpu.wait_dma2 semaphore(%dma_wait3A_376 : memref<!tpu.dma_semaphore, #tpu.memory_space<semaphore_mem>>) src(%dma_wait3A_381 : memref<800xf32, #tpu.memory_space<hbm>>) dst(%dma_wait3A_379 : memref<800xf32, #tpu.memory_space<vmem>>)
      %dma_wait3A_382 = arith.constant 0 : i32
      %dma_wait3A_383 = arith.constant 0 : i32
      %dma_wait3A_384 = arith.constant 0 : i32
      %dma_wait3A_385 = tpu.memref_slice %arg8[%dma_wait3A_382, %dma_wait3A_384] : memref<2x800xi32, #tpu.memory_space<vmem>> -> memref<1x800xi32, #tpu.memory_space<vmem>>
      %dma_wait3A_386 = tpu.memref_squeeze %dma_wait3A_385 : memref<1x800xi32, #tpu.memory_space<vmem>> -> memref<800xi32, #tpu.memory_space<vmem>>
      %dma_wait3A_387 = arith.constant 0 : i32
      %dma_wait3A_388 = tpu.memref_slice %arg4[%dma_wait3A_387] : memref<3200000xi32, #tpu.memory_space<hbm>> -> memref<800xi32, #tpu.memory_space<hbm>>
      %dma_wait3A_389 = tpu.memref_slice %arg10[%dma_wait3A_383] : memref<2x!tpu.dma_semaphore, #tpu.memory_space<semaphore_mem>> -> memref<1x!tpu.dma_semaphore, #tpu.memory_space<semaphore_mem>>
      %dma_wait3A_390 = tpu.memref_squeeze %dma_wait3A_389 : memref<1x!tpu.dma_semaphore, #tpu.memory_space<semaphore_mem>> -> memref<!tpu.dma_semaphore, #tpu.memory_space<semaphore_mem>>
      %dma_wait3A_391 = arith.constant 0 : i32
      %dma_wait3A_392 = tpu.memref_slice %arg8[%dma_wait3A_382, %dma_wait3A_391] : memref<2x800xi32, #tpu.memory_space<vmem>> -> memref<1x800xi32, #tpu.memory_space<vmem>>
      %dma_wait3A_393 = tpu.memref_squeeze %dma_wait3A_392 : memref<1x800xi32, #tpu.memory_space<vmem>> -> memref<800xi32, #tpu.memory_space<vmem>>
      %dma_wait3A_394 = arith.constant 0 : i32
      %dma_wait3A_395 = tpu.memref_slice %arg4[%dma_wait3A_394] : memref<3200000xi32, #tpu.memory_space<hbm>> -> memref<800xi32, #tpu.memory_space<hbm>>
      tpu.wait_dma2 semaphore(%dma_wait3A_390 : memref<!tpu.dma_semaphore, #tpu.memory_space<semaphore_mem>>) src(%dma_wait3A_395 : memref<800xi32, #tpu.memory_space<hbm>>) dst(%dma_wait3A_393 : memref<800xi32, #tpu.memory_space<vmem>>)
      %scan3A_396 = arith.constant 0 : i32
      %scan3A_397 = arith.constant 50 : i32
      %scan3A_398 = arith.addi %scan3A_396, %scan3A_397 : i32
      %scan3A_399 = arith.constant 1 : i32
      scf.for %scan3A_471 = %scan3A_396 to %scan3A_398 step %scan3A_399  : i32 {
        %mul3A_472 = arith.constant 16 : i32
        %mul3A_473 = arith.muli %scan3A_471, %mul3A_472 : i32
        %get3A = arith.constant 0 : i32
        %get3A_474 = arith.index_cast %get3A : i32 to index
        %get3A_475 = arith.index_cast %mul3A_473 : i32 to index
        %get3A_476 = tpu.vector_load %arg7[%get3A_474, %get3A_475] {strides = array<i32>} : memref<2x800xf32, #tpu.memory_space<vmem>>, vector<1x16xf32>,
        %get3A_477 = vector.shape_cast %get3A_476 : vector<1x16xf32> to vector<16xf32>
        %mul3A_478 = arith.constant 16 : i32
        %mul3A_479 = arith.muli %scan3A_471, %mul3A_478 : i32
        %add3A_480 = arith.constant 0 : i32
        %add3A_481 = arith.addi %mul3A_479, %add3A_480 : i32
        %get3A_482 = arith.constant 0 : i32
        %get3A_483 = arith.index_cast %get3A_482 : i32 to index
        %get3A_484 = arith.index_cast %add3A_481 : i32 to index
        %get3A_485 = arith.constant 0 : index
        %get3A_486 = tpu.vector_load %arg6[%get3A_483, %get3A_484, %get3A_485] {strides = array<i32>} : memref<2x800x16xf32, #tpu.memory_space<vmem>>, vector<1x1x16xf32>,
        %get3A_487 = vector.shape_cast %get3A_486 : vector<1x1x16xf32> to vector<16xf32>
        %slice3A = vector.extract_strided_slice %get3A_477 {offsets = [0], sizes = [1], strides = [1]} : vector<16xf32> to vector<1xf32>
        %squeeze3A = vector.extract %slice3A[0] : f32 from vector<1xf32>
        %mul3A_488 = vector.broadcast %squeeze3A : f32 to vector<16xf32>
        %mul3A_489 = arith.mulf %get3A_487, %mul3A_488 : vector<16xf32>
        %swap3A = arith.constant 0 : i32
        %swap3A_490 = arith.index_cast %swap3A : i32 to index
        %swap3A_491 = arith.index_cast %add3A_481 : i32 to index
        %swap3A_492 = arith.constant 0 : index
        %swap3A_493 = tpu.vector_load %arg6[%swap3A_490, %swap3A_491, %swap3A_492] {strides = array<i32>} : memref<2x800x16xf32, #tpu.memory_space<vmem>>, vector<1x1x16xf32>,
        %swap3A_494 = vector.shape_cast %swap3A_493 : vector<1x1x16xf32> to vector<16xf32>
        %swap3A_495 = vector.shape_cast %mul3A_489 : vector<16xf32> to vector<1x1x16xf32>
        tpu.vector_store %arg6[%swap3A_490, %swap3A_491, %swap3A_492], %swap3A_495 {strides = array<i32>} : memref<2x800x16xf32, #tpu.memory_space<vmem>>, vector<1x1x16xf32>,
        %mul3A_496 = arith.constant 16 : i32
        %mul3A_497 = arith.muli %scan3A_471, %mul3A_496 : i32
        %add3A_498 = arith.constant 1 : i32
        %add3A_499 = arith.addi %mul3A_497, %add3A_498 : i32
        %get3A_500 = arith.constant 0 : i32
        %get3A_501 = arith.index_cast %get3A_500 : i32 to index
        %get3A_502 = arith.index_cast %add3A_499 : i32 to index
        %get3A_503 = arith.constant 0 : index
        %get3A_504 = tpu.vector_load %arg6[%get3A_501, %get3A_502, %get3A_503] {strides = array<i32>} : memref<2x800x16xf32, #tpu.memory_space<vmem>>, vector<1x1x16xf32>,
        %get3A_505 = vector.shape_cast %get3A_504 : vector<1x1x16xf32> to vector<16xf32>
        %slice3A_506 = vector.extract_strided_slice %get3A_477 {offsets = [1], sizes = [1], strides = [1]} : vector<16xf32> to vector<1xf32>
        %squeeze3A_507 = vector.extract %slice3A_506[0] : f32 from vector<1xf32>
        %mul3A_508 = vector.broadcast %squeeze3A_507 : f32 to vector<16xf32>
        %mul3A_509 = arith.mulf %get3A_505, %mul3A_508 : vector<16xf32>
        %swap3A_510 = arith.constant 0 : i32
        %swap3A_511 = arith.index_cast %swap3A_510 : i32 to index
        %swap3A_512 = arith.index_cast %add3A_499 : i32 to index
        %swap3A_513 = arith.constant 0 : index
        %swap3A_514 = tpu.vector_load %arg6[%swap3A_511, %swap3A_512, %swap3A_513] {strides = array<i32>} : memref<2x800x16xf32, #tpu.memory_space<vmem>>, vector<1x1x16xf32>,
        %swap3A_515 = vector.shape_cast %swap3A_514 : vector<1x1x16xf32> to vector<16xf32>
        %swap3A_516 = vector.shape_cast %mul3A_509 : vector<16xf32> to vector<1x1x16xf32>
        tpu.vector_store %arg6[%swap3A_511, %swap3A_512, %swap3A_513], %swap3A_516 {strides = array<i32>} : memref<2x800x16xf32, #tpu.memory_space<vmem>>, vector<1x1x16xf32>,
        %mul3A_517 = arith.constant 16 : i32
        %mul3A_518 = arith.muli %scan3A_471, %mul3A_517 : i32
        %add3A_519 = arith.constant 2 : i32
        %add3A_520 = arith.addi %mul3A_518, %add3A_519 : i32
        %get3A_521 = arith.constant 0 : i32
        %get3A_522 = arith.index_cast %get3A_521 : i32 to index
        %get3A_523 = arith.index_cast %add3A_520 : i32 to index
        %get3A_524 = arith.constant 0 : index
        %get3A_525 = tpu.vector_load %arg6[%get3A_522, %get3A_523, %get3A_524] {strides = array<i32>} : memref<2x800x16xf32, #tpu.memory_space<vmem>>, vector<1x1x16xf32>,
        %get3A_526 = vector.shape_cast %get3A_525 : vector<1x1x16xf32> to vector<16xf32>
        %slice3A_527 = vector.extract_strided_slice %get3A_477 {offsets = [2], sizes = [1], strides = [1]} : vector<16xf32> to vector<1xf32>
        %squeeze3A_528 = vector.extract %slice3A_527[0] : f32 from vector<1xf32>
        %mul3A_529 = vector.broadcast %squeeze3A_528 : f32 to vector<16xf32>
        %mul3A_530 = arith.mulf %get3A_526, %mul3A_529 : vector<16xf32>
        %swap3A_531 = arith.constant 0 : i32
        %swap3A_532 = arith.index_cast %swap3A_531 : i32 to index
        %swap3A_533 = arith.index_cast %add3A_520 : i32 to index
        %swap3A_534 = arith.constant 0 : index
        %swap3A_535 = tpu.vector_load %arg6[%swap3A_532, %swap3A_533, %swap3A_534] {strides = array<i32>} : memref<2x800x16xf32, #tpu.memory_space<vmem>>, vector<1x1x16xf32>,
        %swap3A_536 = vector.shape_cast %swap3A_535 : vector<1x1x16xf32> to vector<16xf32>
        %swap3A_537 = vector.shape_cast %mul3A_530 : vector<16xf32> to vector<1x1x16xf32>
        tpu.vector_store %arg6[%swap3A_532, %swap3A_533, %swap3A_534], %swap3A_537 {strides = array<i32>} : memref<2x800x16xf32, #tpu.memory_space<vmem>>, vector<1x1x16xf32>,
        %mul3A_538 = arith.constant 16 : i32
        %mul3A_539 = arith.muli %scan3A_471, %mul3A_538 : i32
        %add3A_540 = arith.constant 3 : i32
        %add3A_541 = arith.addi %mul3A_539, %add3A_540 : i32
        %get3A_542 = arith.constant 0 : i32
        %get3A_543 = arith.index_cast %get3A_542 : i32 to index
        %get3A_544 = arith.index_cast %add3A_541 : i32 to index
        %get3A_545 = arith.constant 0 : index
        %get3A_546 = tpu.vector_load %arg6[%get3A_543, %get3A_544, %get3A_545] {strides = array<i32>} : memref<2x800x16xf32, #tpu.memory_space<vmem>>, vector<1x1x16xf32>,
        %get3A_547 = vector.shape_cast %get3A_546 : vector<1x1x16xf32> to vector<16xf32>
        %slice3A_548 = vector.extract_strided_slice %get3A_477 {offsets = [3], sizes = [1], strides = [1]} : vector<16xf32> to vector<1xf32>
        %squeeze3A_549 = vector.extract %slice3A_548[0] : f32 from vector<1xf32>
        %mul3A_550 = vector.broadcast %squeeze3A_549 : f32 to vector<16xf32>
        %mul3A_551 = arith.mulf %get3A_547, %mul3A_550 : vector<16xf32>
        %swap3A_552 = arith.constant 0 : i32
        %swap3A_553 = arith.index_cast %swap3A_552 : i32 to index
        %swap3A_554 = arith.index_cast %add3A_541 : i32 to index
        %swap3A_555 = arith.constant 0 : index
        %swap3A_556 = tpu.vector_load %arg6[%swap3A_553, %swap3A_554, %swap3A_555] {strides = array<i32>} : memref<2x800x16xf32, #tpu.memory_space<vmem>>, vector<1x1x16xf32>,
        %swap3A_557 = vector.shape_cast %swap3A_556 : vector<1x1x16xf32> to vector<16xf32>
        %swap3A_558 = vector.shape_cast %mul3A_551 : vector<16xf32> to vector<1x1x16xf32>
        tpu.vector_store %arg6[%swap3A_553, %swap3A_554, %swap3A_555], %swap3A_558 {strides = array<i32>} : memref<2x800x16xf32, #tpu.memory_space<vmem>>, vector<1x1x16xf32>,
        %mul3A_559 = arith.constant 16 : i32
        %mul3A_560 = arith.muli %scan3A_471, %mul3A_559 : i32
        %add3A_561 = arith.constant 4 : i32
        %add3A_562 = arith.addi %mul3A_560, %add3A_561 : i32
        %get3A_563 = arith.constant 0 : i32
        %get3A_564 = arith.index_cast %get3A_563 : i32 to index
        %get3A_565 = arith.index_cast %add3A_562 : i32 to index
        %get3A_566 = arith.constant 0 : index
        %get3A_567 = tpu.vector_load %arg6[%get3A_564, %get3A_565, %get3A_566] {strides = array<i32>} : memref<2x800x16xf32, #tpu.memory_space<vmem>>, vector<1x1x16xf32>,
        %get3A_568 = vector.shape_cast %get3A_567 : vector<1x1x16xf32> to vector<16xf32>
        %slice3A_569 = vector.extract_strided_slice %get3A_477 {offsets = [4], sizes = [1], strides = [1]} : vector<16xf32> to vector<1xf32>
        %squeeze3A_570 = vector.extract %slice3A_569[0] : f32 from vector<1xf32>
        %mul3A_571 = vector.broadcast %squeeze3A_570 : f32 to vector<16xf32>
        %mul3A_572 = arith.mulf %get3A_568, %mul3A_571 : vector<16xf32>
        %swap3A_573 = arith.constant 0 : i32
        %swap3A_574 = arith.index_cast %swap3A_573 : i32 to index
        %swap3A_575 = arith.index_cast %add3A_562 : i32 to index
        %swap3A_576 = arith.constant 0 : index
        %swap3A_577 = tpu.vector_load %arg6[%swap3A_574, %swap3A_575, %swap3A_576] {strides = array<i32>} : memref<2x800x16xf32, #tpu.memory_space<vmem>>, vector<1x1x16xf32>,
        %swap3A_578 = vector.shape_cast %swap3A_577 : vector<1x1x16xf32> to vector<16xf32>
        %swap3A_579 = vector.shape_cast %mul3A_572 : vector<16xf32> to vector<1x1x16xf32>
        tpu.vector_store %arg6[%swap3A_574, %swap3A_575, %swap3A_576], %swap3A_579 {strides = array<i32>} : memref<2x800x16xf32, #tpu.memory_space<vmem>>, vector<1x1x16xf32>,
        %mul3A_580 = arith.constant 16 : i32
        %mul3A_581 = arith.muli %scan3A_471, %mul3A_580 : i32
        %add3A_582 = arith.constant 5 : i32
        %add3A_583 = arith.addi %mul3A_581, %add3A_582 : i32
        %get3A_584 = arith.constant 0 : i32
        %get3A_585 = arith.index_cast %get3A_584 : i32 to index
        %get3A_586 = arith.index_cast %add3A_583 : i32 to index
        %get3A_587 = arith.constant 0 : index
        %get3A_588 = tpu.vector_load %arg6[%get3A_585, %get3A_586, %get3A_587] {strides = array<i32>} : memref<2x800x16xf32, #tpu.memory_space<vmem>>, vector<1x1x16xf32>,
        %get3A_589 = vector.shape_cast %get3A_588 : vector<1x1x16xf32> to vector<16xf32>
        %slice3A_590 = vector.extract_strided_slice %get3A_477 {offsets = [5], sizes = [1], strides = [1]} : vector<16xf32> to vector<1xf32>
        %squeeze3A_591 = vector.extract %slice3A_590[0] : f32 from vector<1xf32>
        %mul3A_592 = vector.broadcast %squeeze3A_591 : f32 to vector<16xf32>
        %mul3A_593 = arith.mulf %get3A_589, %mul3A_592 : vector<16xf32>
        %swap3A_594 = arith.constant 0 : i32
        %swap3A_595 = arith.index_cast %swap3A_594 : i32 to index
        %swap3A_596 = arith.index_cast %add3A_583 : i32 to index
        %swap3A_597 = arith.constant 0 : index
        %swap3A_598 = tpu.vector_load %arg6[%swap3A_595, %swap3A_596, %swap3A_597] {strides = array<i32>} : memref<2x800x16xf32, #tpu.memory_space<vmem>>, vector<1x1x16xf32>,
        %swap3A_599 = vector.shape_cast %swap3A_598 : vector<1x1x16xf32> to vector<16xf32>
        %swap3A_600 = vector.shape_cast %mul3A_593 : vector<16xf32> to vector<1x1x16xf32>
        tpu.vector_store %arg6[%swap3A_595, %swap3A_596, %swap3A_597], %swap3A_600 {strides = array<i32>} : memref<2x800x16xf32, #tpu.memory_space<vmem>>, vector<1x1x16xf32>,
        %mul3A_601 = arith.constant 16 : i32
        %mul3A_602 = arith.muli %scan3A_471, %mul3A_601 : i32
        %add3A_603 = arith.constant 6 : i32
        %add3A_604 = arith.addi %mul3A_602, %add3A_603 : i32
        %get3A_605 = arith.constant 0 : i32
        %get3A_606 = arith.index_cast %get3A_605 : i32 to index
        %get3A_607 = arith.index_cast %add3A_604 : i32 to index
        %get3A_608 = arith.constant 0 : index
        %get3A_609 = tpu.vector_load %arg6[%get3A_606, %get3A_607, %get3A_608] {strides = array<i32>} : memref<2x800x16xf32, #tpu.memory_space<vmem>>, vector<1x1x16xf32>,
        %get3A_610 = vector.shape_cast %get3A_609 : vector<1x1x16xf32> to vector<16xf32>
        %slice3A_611 = vector.extract_strided_slice %get3A_477 {offsets = [6], sizes = [1], strides = [1]} : vector<16xf32> to vector<1xf32>
        %squeeze3A_612 = vector.extract %slice3A_611[0] : f32 from vector<1xf32>
        %mul3A_613 = vector.broadcast %squeeze3A_612 : f32 to vector<16xf32>
        %mul3A_614 = arith.mulf %get3A_610, %mul3A_613 : vector<16xf32>
        %swap3A_615 = arith.constant 0 : i32
        %swap3A_616 = arith.index_cast %swap3A_615 : i32 to index
        %swap3A_617 = arith.index_cast %add3A_604 : i32 to index
        %swap3A_618 = arith.constant 0 : index
        %swap3A_619 = tpu.vector_load %arg6[%swap3A_616, %swap3A_617, %swap3A_618] {strides = array<i32>} : memref<2x800x16xf32, #tpu.memory_space<vmem>>, vector<1x1x16xf32>,
        %swap3A_620 = vector.shape_cast %swap3A_619 : vector<1x1x16xf32> to vector<16xf32>
        %swap3A_621 = vector.shape_cast %mul3A_614 : vector<16xf32> to vector<1x1x16xf32>
        tpu.vector_store %arg6[%swap3A_616, %swap3A_617, %swap3A_618], %swap3A_621 {strides = array<i32>} : memref<2x800x16xf32, #tpu.memory_space<vmem>>, vector<1x1x16xf32>,
        %mul3A_622 = arith.constant 16 : i32
        %mul3A_623 = arith.muli %scan3A_471, %mul3A_622 : i32
        %add3A_624 = arith.constant 7 : i32
        %add3A_625 = arith.addi %mul3A_623, %add3A_624 : i32
        %get3A_626 = arith.constant 0 : i32
        %get3A_627 = arith.index_cast %get3A_626 : i32 to index
        %get3A_628 = arith.index_cast %add3A_625 : i32 to index
        %get3A_629 = arith.constant 0 : index
        %get3A_630 = tpu.vector_load %arg6[%get3A_627, %get3A_628, %get3A_629] {strides = array<i32>} : memref<2x800x16xf32, #tpu.memory_space<vmem>>, vector<1x1x16xf32>,
        %get3A_631 = vector.shape_cast %get3A_630 : vector<1x1x16xf32> to vector<16xf32>
        %slice3A_632 = vector.extract_strided_slice %get3A_477 {offsets = [7], sizes = [1], strides = [1]} : vector<16xf32> to vector<1xf32>
        %squeeze3A_633 = vector.extract %slice3A_632[0] : f32 from vector<1xf32>
        %mul3A_634 = vector.broadcast %squeeze3A_633 : f32 to vector<16xf32>
        %mul3A_635 = arith.mulf %get3A_631, %mul3A_634 : vector<16xf32>
        %swap3A_636 = arith.constant 0 : i32
        %swap3A_637 = arith.index_cast %swap3A_636 : i32 to index
        %swap3A_638 = arith.index_cast %add3A_625 : i32 to index
        %swap3A_639 = arith.constant 0 : index
        %swap3A_640 = tpu.vector_load %arg6[%swap3A_637, %swap3A_638, %swap3A_639] {strides = array<i32>} : memref<2x800x16xf32, #tpu.memory_space<vmem>>, vector<1x1x16xf32>,
        %swap3A_641 = vector.shape_cast %swap3A_640 : vector<1x1x16xf32> to vector<16xf32>
        %swap3A_642 = vector.shape_cast %mul3A_635 : vector<16xf32> to vector<1x1x16xf32>
        tpu.vector_store %arg6[%swap3A_637, %swap3A_638, %swap3A_639], %swap3A_642 {strides = array<i32>} : memref<2x800x16xf32, #tpu.memory_space<vmem>>, vector<1x1x16xf32>,
        %mul3A_643 = arith.constant 16 : i32
        %mul3A_644 = arith.muli %scan3A_471, %mul3A_643 : i32
        %add3A_645 = arith.constant 8 : i32
        %add3A_646 = arith.addi %mul3A_644, %add3A_645 : i32
        %get3A_647 = arith.constant 0 : i32
        %get3A_648 = arith.index_cast %get3A_647 : i32 to index
        %get3A_649 = arith.index_cast %add3A_646 : i32 to index
        %get3A_650 = arith.constant 0 : index
        %get3A_651 = tpu.vector_load %arg6[%get3A_648, %get3A_649, %get3A_650] {strides = array<i32>} : memref<2x800x16xf32, #tpu.memory_space<vmem>>, vector<1x1x16xf32>,
        %get3A_652 = vector.shape_cast %get3A_651 : vector<1x1x16xf32> to vector<16xf32>
        %slice3A_653 = vector.extract_strided_slice %get3A_477 {offsets = [8], sizes = [1], strides = [1]} : vector<16xf32> to vector<1xf32>
        %squeeze3A_654 = vector.extract %slice3A_653[0] : f32 from vector<1xf32>
        %mul3A_655 = vector.broadcast %squeeze3A_654 : f32 to vector<16xf32>
        %mul3A_656 = arith.mulf %get3A_652, %mul3A_655 : vector<16xf32>
        %swap3A_657 = arith.constant 0 : i32
        %swap3A_658 = arith.index_cast %swap3A_657 : i32 to index
        %swap3A_659 = arith.index_cast %add3A_646 : i32 to index
        %swap3A_660 = arith.constant 0 : index
        %swap3A_661 = tpu.vector_load %arg6[%swap3A_658, %swap3A_659, %swap3A_660] {strides = array<i32>} : memref<2x800x16xf32, #tpu.memory_space<vmem>>, vector<1x1x16xf32>,
        %swap3A_662 = vector.shape_cast %swap3A_661 : vector<1x1x16xf32> to vector<16xf32>
        %swap3A_663 = vector.shape_cast %mul3A_656 : vector<16xf32> to vector<1x1x16xf32>
        tpu.vector_store %arg6[%swap3A_658, %swap3A_659, %swap3A_660], %swap3A_663 {strides = array<i32>} : memref<2x800x16xf32, #tpu.memory_space<vmem>>, vector<1x1x16xf32>,
        %mul3A_664 = arith.constant 16 : i32
        %mul3A_665 = arith.muli %scan3A_471, %mul3A_664 : i32
        %add3A_666 = arith.constant 9 : i32
        %add3A_667 = arith.addi %mul3A_665, %add3A_666 : i32
        %get3A_668 = arith.constant 0 : i32
        %get3A_669 = arith.index_cast %get3A_668 : i32 to index
        %get3A_670 = arith.index_cast %add3A_667 : i32 to index
        %get3A_671 = arith.constant 0 : index
        %get3A_672 = tpu.vector_load %arg6[%get3A_669, %get3A_670, %get3A_671] {strides = array<i32>} : memref<2x800x16xf32, #tpu.memory_space<vmem>>, vector<1x1x16xf32>,
        %get3A_673 = vector.shape_cast %get3A_672 : vector<1x1x16xf32> to vector<16xf32>
        %slice3A_674 = vector.extract_strided_slice %get3A_477 {offsets = [9], sizes = [1], strides = [1]} : vector<16xf32> to vector<1xf32>
        %squeeze3A_675 = vector.extract %slice3A_674[0] : f32 from vector<1xf32>
        %mul3A_676 = vector.broadcast %squeeze3A_675 : f32 to vector<16xf32>
        %mul3A_677 = arith.mulf %get3A_673, %mul3A_676 : vector<16xf32>
        %swap3A_678 = arith.constant 0 : i32
        %swap3A_679 = arith.index_cast %swap3A_678 : i32 to index
        %swap3A_680 = arith.index_cast %add3A_667 : i32 to index
        %swap3A_681 = arith.constant 0 : index
        %swap3A_682 = tpu.vector_load %arg6[%swap3A_679, %swap3A_680, %swap3A_681] {strides = array<i32>} : memref<2x800x16xf32, #tpu.memory_space<vmem>>, vector<1x1x16xf32>,
        %swap3A_683 = vector.shape_cast %swap3A_682 : vector<1x1x16xf32> to vector<16xf32>
        %swap3A_684 = vector.shape_cast %mul3A_677 : vector<16xf32> to vector<1x1x16xf32>
        tpu.vector_store %arg6[%swap3A_679, %swap3A_680, %swap3A_681], %swap3A_684 {strides = array<i32>} : memref<2x800x16xf32, #tpu.memory_space<vmem>>, vector<1x1x16xf32>,
        %mul3A_685 = arith.constant 16 : i32
        %mul3A_686 = arith.muli %scan3A_471, %mul3A_685 : i32
        %add3A_687 = arith.constant 10 : i32
        %add3A_688 = arith.addi %mul3A_686, %add3A_687 : i32
        %get3A_689 = arith.constant 0 : i32
        %get3A_690 = arith.index_cast %get3A_689 : i32 to index
        %get3A_691 = arith.index_cast %add3A_688 : i32 to index
        %get3A_692 = arith.constant 0 : index
        %get3A_693 = tpu.vector_load %arg6[%get3A_690, %get3A_691, %get3A_692] {strides = array<i32>} : memref<2x800x16xf32, #tpu.memory_space<vmem>>, vector<1x1x16xf32>,
        %get3A_694 = vector.shape_cast %get3A_693 : vector<1x1x16xf32> to vector<16xf32>
        %slice3A_695 = vector.extract_strided_slice %get3A_477 {offsets = [10], sizes = [1], strides = [1]} : vector<16xf32> to vector<1xf32>
        %squeeze3A_696 = vector.extract %slice3A_695[0] : f32 from vector<1xf32>
        %mul3A_697 = vector.broadcast %squeeze3A_696 : f32 to vector<16xf32>
        %mul3A_698 = arith.mulf %get3A_694, %mul3A_697 : vector<16xf32>
        %swap3A_699 = arith.constant 0 : i32
        %swap3A_700 = arith.index_cast %swap3A_699 : i32 to index
        %swap3A_701 = arith.index_cast %add3A_688 : i32 to index
        %swap3A_702 = arith.constant 0 : index
        %swap3A_703 = tpu.vector_load %arg6[%swap3A_700, %swap3A_701, %swap3A_702] {strides = array<i32>} : memref<2x800x16xf32, #tpu.memory_space<vmem>>, vector<1x1x16xf32>,
        %swap3A_704 = vector.shape_cast %swap3A_703 : vector<1x1x16xf32> to vector<16xf32>
        %swap3A_705 = vector.shape_cast %mul3A_698 : vector<16xf32> to vector<1x1x16xf32>
        tpu.vector_store %arg6[%swap3A_700, %swap3A_701, %swap3A_702], %swap3A_705 {strides = array<i32>} : memref<2x800x16xf32, #tpu.memory_space<vmem>>, vector<1x1x16xf32>,
        %mul3A_706 = arith.constant 16 : i32
        %mul3A_707 = arith.muli %scan3A_471, %mul3A_706 : i32
        %add3A_708 = arith.constant 11 : i32
        %add3A_709 = arith.addi %mul3A_707, %add3A_708 : i32
        %get3A_710 = arith.constant 0 : i32
        %get3A_711 = arith.index_cast %get3A_710 : i32 to index
        %get3A_712 = arith.index_cast %add3A_709 : i32 to index
        %get3A_713 = arith.constant 0 : index
        %get3A_714 = tpu.vector_load %arg6[%get3A_711, %get3A_712, %get3A_713] {strides = array<i32>} : memref<2x800x16xf32, #tpu.memory_space<vmem>>, vector<1x1x16xf32>,
        %get3A_715 = vector.shape_cast %get3A_714 : vector<1x1x16xf32> to vector<16xf32>
        %slice3A_716 = vector.extract_strided_slice %get3A_477 {offsets = [11], sizes = [1], strides = [1]} : vector<16xf32> to vector<1xf32>
        %squeeze3A_717 = vector.extract %slice3A_716[0] : f32 from vector<1xf32>
        %mul3A_718 = vector.broadcast %squeeze3A_717 : f32 to vector<16xf32>
        %mul3A_719 = arith.mulf %get3A_715, %mul3A_718 : vector<16xf32>
        %swap3A_720 = arith.constant 0 : i32
        %swap3A_721 = arith.index_cast %swap3A_720 : i32 to index
        %swap3A_722 = arith.index_cast %add3A_709 : i32 to index
        %swap3A_723 = arith.constant 0 : index
        %swap3A_724 = tpu.vector_load %arg6[%swap3A_721, %swap3A_722, %swap3A_723] {strides = array<i32>} : memref<2x800x16xf32, #tpu.memory_space<vmem>>, vector<1x1x16xf32>,
        %swap3A_725 = vector.shape_cast %swap3A_724 : vector<1x1x16xf32> to vector<16xf32>
        %swap3A_726 = vector.shape_cast %mul3A_719 : vector<16xf32> to vector<1x1x16xf32>
        tpu.vector_store %arg6[%swap3A_721, %swap3A_722, %swap3A_723], %swap3A_726 {strides = array<i32>} : memref<2x800x16xf32, #tpu.memory_space<vmem>>, vector<1x1x16xf32>,
        %mul3A_727 = arith.constant 16 : i32
        %mul3A_728 = arith.muli %scan3A_471, %mul3A_727 : i32
        %add3A_729 = arith.constant 12 : i32
        %add3A_730 = arith.addi %mul3A_728, %add3A_729 : i32
        %get3A_731 = arith.constant 0 : i32
        %get3A_732 = arith.index_cast %get3A_731 : i32 to index
        %get3A_733 = arith.index_cast %add3A_730 : i32 to index
        %get3A_734 = arith.constant 0 : index
        %get3A_735 = tpu.vector_load %arg6[%get3A_732, %get3A_733, %get3A_734] {strides = array<i32>} : memref<2x800x16xf32, #tpu.memory_space<vmem>>, vector<1x1x16xf32>,
        %get3A_736 = vector.shape_cast %get3A_735 : vector<1x1x16xf32> to vector<16xf32>
        %slice3A_737 = vector.extract_strided_slice %get3A_477 {offsets = [12], sizes = [1], strides = [1]} : vector<16xf32> to vector<1xf32>
        %squeeze3A_738 = vector.extract %slice3A_737[0] : f32 from vector<1xf32>
        %mul3A_739 = vector.broadcast %squeeze3A_738 : f32 to vector<16xf32>
        %mul3A_740 = arith.mulf %get3A_736, %mul3A_739 : vector<16xf32>
        %swap3A_741 = arith.constant 0 : i32
        %swap3A_742 = arith.index_cast %swap3A_741 : i32 to index
        %swap3A_743 = arith.index_cast %add3A_730 : i32 to index
        %swap3A_744 = arith.constant 0 : index
        %swap3A_745 = tpu.vector_load %arg6[%swap3A_742, %swap3A_743, %swap3A_744] {strides = array<i32>} : memref<2x800x16xf32, #tpu.memory_space<vmem>>, vector<1x1x16xf32>,
        %swap3A_746 = vector.shape_cast %swap3A_745 : vector<1x1x16xf32> to vector<16xf32>
        %swap3A_747 = vector.shape_cast %mul3A_740 : vector<16xf32> to vector<1x1x16xf32>
        tpu.vector_store %arg6[%swap3A_742, %swap3A_743, %swap3A_744], %swap3A_747 {strides = array<i32>} : memref<2x800x16xf32, #tpu.memory_space<vmem>>, vector<1x1x16xf32>,
        %mul3A_748 = arith.constant 16 : i32
        %mul3A_749 = arith.muli %scan3A_471, %mul3A_748 : i32
        %add3A_750 = arith.constant 13 : i32
        %add3A_751 = arith.addi %mul3A_749, %add3A_750 : i32
        %get3A_752 = arith.constant 0 : i32
        %get3A_753 = arith.index_cast %get3A_752 : i32 to index
        %get3A_754 = arith.index_cast %add3A_751 : i32 to index
        %get3A_755 = arith.constant 0 : index
        %get3A_756 = tpu.vector_load %arg6[%get3A_753, %get3A_754, %get3A_755] {strides = array<i32>} : memref<2x800x16xf32, #tpu.memory_space<vmem>>, vector<1x1x16xf32>,
        %get3A_757 = vector.shape_cast %get3A_756 : vector<1x1x16xf32> to vector<16xf32>
        %slice3A_758 = vector.extract_strided_slice %get3A_477 {offsets = [13], sizes = [1], strides = [1]} : vector<16xf32> to vector<1xf32>
        %squeeze3A_759 = vector.extract %slice3A_758[0] : f32 from vector<1xf32>
        %mul3A_760 = vector.broadcast %squeeze3A_759 : f32 to vector<16xf32>
        %mul3A_761 = arith.mulf %get3A_757, %mul3A_760 : vector<16xf32>
        %swap3A_762 = arith.constant 0 : i32
        %swap3A_763 = arith.index_cast %swap3A_762 : i32 to index
        %swap3A_764 = arith.index_cast %add3A_751 : i32 to index
        %swap3A_765 = arith.constant 0 : index
        %swap3A_766 = tpu.vector_load %arg6[%swap3A_763, %swap3A_764, %swap3A_765] {strides = array<i32>} : memref<2x800x16xf32, #tpu.memory_space<vmem>>, vector<1x1x16xf32>,
        %swap3A_767 = vector.shape_cast %swap3A_766 : vector<1x1x16xf32> to vector<16xf32>
        %swap3A_768 = vector.shape_cast %mul3A_761 : vector<16xf32> to vector<1x1x16xf32>
        tpu.vector_store %arg6[%swap3A_763, %swap3A_764, %swap3A_765], %swap3A_768 {strides = array<i32>} : memref<2x800x16xf32, #tpu.memory_space<vmem>>, vector<1x1x16xf32>,
        %mul3A_769 = arith.constant 16 : i32
        %mul3A_770 = arith.muli %scan3A_471, %mul3A_769 : i32
        %add3A_771 = arith.constant 14 : i32
        %add3A_772 = arith.addi %mul3A_770, %add3A_771 : i32
        %get3A_773 = arith.constant 0 : i32
        %get3A_774 = arith.index_cast %get3A_773 : i32 to index
        %get3A_775 = arith.index_cast %add3A_772 : i32 to index
        %get3A_776 = arith.constant 0 : index
        %get3A_777 = tpu.vector_load %arg6[%get3A_774, %get3A_775, %get3A_776] {strides = array<i32>} : memref<2x800x16xf32, #tpu.memory_space<vmem>>, vector<1x1x16xf32>,
        %get3A_778 = vector.shape_cast %get3A_777 : vector<1x1x16xf32> to vector<16xf32>
        %slice3A_779 = vector.extract_strided_slice %get3A_477 {offsets = [14], sizes = [1], strides = [1]} : vector<16xf32> to vector<1xf32>
        %squeeze3A_780 = vector.extract %slice3A_779[0] : f32 from vector<1xf32>
        %mul3A_781 = vector.broadcast %squeeze3A_780 : f32 to vector<16xf32>
        %mul3A_782 = arith.mulf %get3A_778, %mul3A_781 : vector<16xf32>
        %swap3A_783 = arith.constant 0 : i32
        %swap3A_784 = arith.index_cast %swap3A_783 : i32 to index
        %swap3A_785 = arith.index_cast %add3A_772 : i32 to index
        %swap3A_786 = arith.constant 0 : index
        %swap3A_787 = tpu.vector_load %arg6[%swap3A_784, %swap3A_785, %swap3A_786] {strides = array<i32>} : memref<2x800x16xf32, #tpu.memory_space<vmem>>, vector<1x1x16xf32>,
        %swap3A_788 = vector.shape_cast %swap3A_787 : vector<1x1x16xf32> to vector<16xf32>
        %swap3A_789 = vector.shape_cast %mul3A_782 : vector<16xf32> to vector<1x1x16xf32>
        tpu.vector_store %arg6[%swap3A_784, %swap3A_785, %swap3A_786], %swap3A_789 {strides = array<i32>} : memref<2x800x16xf32, #tpu.memory_space<vmem>>, vector<1x1x16xf32>,
        %mul3A_790 = arith.constant 16 : i32
        %mul3A_791 = arith.muli %scan3A_471, %mul3A_790 : i32
        %add3A_792 = arith.constant 15 : i32
        %add3A_793 = arith.addi %mul3A_791, %add3A_792 : i32
        %get3A_794 = arith.constant 0 : i32
        %get3A_795 = arith.index_cast %get3A_794 : i32 to index
        %get3A_796 = arith.index_cast %add3A_793 : i32 to index
        %get3A_797 = arith.constant 0 : index
        %get3A_798 = tpu.vector_load %arg6[%get3A_795, %get3A_796, %get3A_797] {strides = array<i32>} : memref<2x800x16xf32, #tpu.memory_space<vmem>>, vector<1x1x16xf32>,
        %get3A_799 = vector.shape_cast %get3A_798 : vector<1x1x16xf32> to vector<16xf32>
        %slice3A_800 = vector.extract_strided_slice %get3A_477 {offsets = [15], sizes = [1], strides = [1]} : vector<16xf32> to vector<1xf32>
        %squeeze3A_801 = vector.extract %slice3A_800[0] : f32 from vector<1xf32>
        %mul3A_802 = vector.broadcast %squeeze3A_801 : f32 to vector<16xf32>
        %mul3A_803 = arith.mulf %get3A_799, %mul3A_802 : vector<16xf32>
        %swap3A_804 = arith.constant 0 : i32
        %swap3A_805 = arith.index_cast %swap3A_804 : i32 to index
        %swap3A_806 = arith.index_cast %add3A_793 : i32 to index
        %swap3A_807 = arith.constant 0 : index
        %swap3A_808 = tpu.vector_load %arg6[%swap3A_805, %swap3A_806, %swap3A_807] {strides = array<i32>} : memref<2x800x16xf32, #tpu.memory_space<vmem>>, vector<1x1x16xf32>,
        %swap3A_809 = vector.shape_cast %swap3A_808 : vector<1x1x16xf32> to vector<16xf32>
        %swap3A_810 = vector.shape_cast %mul3A_803 : vector<16xf32> to vector<1x1x16xf32>
        tpu.vector_store %arg6[%swap3A_805, %swap3A_806, %swap3A_807], %swap3A_810 {strides = array<i32>} : memref<2x800x16xf32, #tpu.memory_space<vmem>>, vector<1x1x16xf32>,
      }
      %scan3A_400 = arith.constant 50 : i32
      %run_scoped3A_401 = arith.constant 0 : i32
      %run_scoped3A_402 = arith.constant 0 : i32
      "tpu.region"() ({
        %run_scoped3A_471 = tpu.sem_alloc : memref<!tpu.dma_semaphore, #tpu.memory_space<semaphore_mem>>
        %dma_start3A_472 = arith.constant 0 : i32
        %dma_start3A_473 = arith.constant 0 : i32
        %dma_start3A_474 = tpu.memref_slice %arg6[%run_scoped3A_401, %dma_start3A_472, %dma_start3A_473] : memref<2x800x16xf32, #tpu.memory_space<vmem>> -> memref<1x800x16xf32, #tpu.memory_space<vmem>>
        %dma_start3A_475 = tpu.memref_squeeze %dma_start3A_474 : memref<1x800x16xf32, #tpu.memory_space<vmem>> -> memref<800x16xf32, #tpu.memory_space<vmem>>
        %dma_start3A_476 = arith.constant 0 : i32
        %dma_start3A_477 = tpu.memref_slice %arg8[%run_scoped3A_402, %dma_start3A_476] : memref<2x800xi32, #tpu.memory_space<vmem>> -> memref<1x800xi32, #tpu.memory_space<vmem>>
        %dma_start3A_478 = tpu.memref_squeeze %dma_start3A_477 : memref<1x800xi32, #tpu.memory_space<vmem>> -> memref<800xi32, #tpu.memory_space<vmem>>
        %dma_start3A_479 = arith.constant 0 : i32
        %dma_start3A_480 = arith.constant 0 : i32
        %dma_start3A_481 = tpu.memref_slice %arg9[%dma_start3A_479, %dma_start3A_480] : memref<102144x16xf32, #tpu.memory_space<vmem_shared>> -> memref<102144x16xf32, #tpu.memory_space<vmem_shared>>
        tpu.enqueue_indirect_dma source(%dma_start3A_475 : memref<800x16xf32, #tpu.memory_space<vmem>>) target(%dma_start3A_481 : memref<102144x16xf32, #tpu.memory_space<vmem_shared>>) offsets(%dma_start3A_478 : memref<800xi32, #tpu.memory_space<vmem>>) semaphore(%run_scoped3A_471 : memref<!tpu.dma_semaphore, #tpu.memory_space<semaphore_mem>>) {add = true}
        %dma_wait3A_482 = arith.constant 0 : i32
        %dma_wait3A_483 = arith.constant 0 : i32
        %dma_wait3A_484 = tpu.memref_slice %arg6[%run_scoped3A_401, %dma_wait3A_482, %dma_wait3A_483] : memref<2x800x16xf32, #tpu.memory_space<vmem>> -> memref<1x800x16xf32, #tpu.memory_space<vmem>>
        %dma_wait3A_485 = tpu.memref_squeeze %dma_wait3A_484 : memref<1x800x16xf32, #tpu.memory_space<vmem>> -> memref<800x16xf32, #tpu.memory_space<vmem>>
        %dma_wait3A_486 = arith.constant 0 : i32
        %dma_wait3A_487 = tpu.memref_slice %arg8[%run_scoped3A_402, %dma_wait3A_486] : memref<2x800xi32, #tpu.memory_space<vmem>> -> memref<1x800xi32, #tpu.memory_space<vmem>>
        %dma_wait3A_488 = tpu.memref_squeeze %dma_wait3A_487 : memref<1x800xi32, #tpu.memory_space<vmem>> -> memref<800xi32, #tpu.memory_space<vmem>>
        %dma_wait3A_489 = arith.constant 0 : i32
        %dma_wait3A_490 = arith.constant 0 : i32
        %dma_wait3A_491 = tpu.memref_slice %arg9[%dma_wait3A_489, %dma_wait3A_490] : memref<102144x16xf32, #tpu.memory_space<vmem_shared>> -> memref<102144x16xf32, #tpu.memory_space<vmem_shared>>
        tpu.wait_indirect_dma semaphore(%run_scoped3A_471 : memref<!tpu.dma_semaphore, #tpu.memory_space<semaphore_mem>>) src(%dma_wait3A_485 : memref<800x16xf32, #tpu.memory_space<vmem>>) dst(%dma_wait3A_491 : memref<102144x16xf32, #tpu.memory_space<vmem_shared>>)
        tpu.yield
      }) : () -> ()
      %add3A_403 = arith.constant 2 : i32
      %add3A_404 = arith.addi %add3A_349, %add3A_403 : i32
      %lt3A = arith.constant 125 : i32
      %lt3A_405 = arith.cmpi slt, %add3A_404, %lt3A : i32
      %convert_element_type3A = arith.extui %lt3A_405 : i1 to i32
      %cond3A = arith.constant 0 : i32
      %cond3A_406 = arith.cmpi ne, %convert_element_type3A, %cond3A : i32
      scf.if %cond3A_406 {
        %add3A_471 = arith.constant 2 : i32
        %add3A_472 = arith.addi %add3A_349, %add3A_471 : i32
        %mul3A_473 = arith.constant 100000 : i32
        %mul3A_474 = arith.muli %add3A, %mul3A_473 : i32
        %mul3A_475 = arith.constant 800 : i32
        %mul3A_476 = arith.muli %add3A_472, %mul3A_475 : i32
        %add3A_477 = arith.addi %mul3A_474, %mul3A_476 : i32
        %dma_start3A_478 = arith.constant 0 : i32
        %dma_start3A_479 = arith.constant 0 : i32
        %dma_start3A_480 = arith.constant 0 : i32
        %dma_start3A_481 = arith.constant 0 : i32
        %dma_start3A_482 = tpu.memref_slice %arg6[%dma_start3A_478, %dma_start3A_480, %dma_start3A_481] : memref<2x800x16xf32, #tpu.memory_space<vmem>> -> memref<1x800x16xf32, #tpu.memory_space<vmem>>
        %dma_start3A_483 = tpu.memref_squeeze %dma_start3A_482 : memref<1x800x16xf32, #tpu.memory_space<vmem>> -> memref<800x16xf32, #tpu.memory_space<vmem>>
        %dma_start3A_484 = arith.constant 0 : i32
        %dma_start3A_485 = tpu.memref_slice %arg2[%add3A_477, %dma_start3A_484] : memref<3200000x16xf32, #tpu.memory_space<hbm>> -> memref<800x16xf32, #tpu.memory_space<hbm>>
        %dma_start3A_486 = tpu.memref_slice %arg10[%dma_start3A_479] : memref<2x!tpu.dma_semaphore, #tpu.memory_space<semaphore_mem>> -> memref<1x!tpu.dma_semaphore, #tpu.memory_space<semaphore_mem>>
        %dma_start3A_487 = tpu.memref_squeeze %dma_start3A_486 : memref<1x!tpu.dma_semaphore, #tpu.memory_space<semaphore_mem>> -> memref<!tpu.dma_semaphore, #tpu.memory_space<semaphore_mem>>
        %dma_start3A_488 = arith.constant 0 : i32
        %dma_start3A_489 = arith.constant 0 : i32
        %dma_start3A_490 = tpu.memref_slice %arg6[%dma_start3A_478, %dma_start3A_488, %dma_start3A_489] : memref<2x800x16xf32, #tpu.memory_space<vmem>> -> memref<1x800x16xf32, #tpu.memory_space<vmem>>
        %dma_start3A_491 = tpu.memref_squeeze %dma_start3A_490 : memref<1x800x16xf32, #tpu.memory_space<vmem>> -> memref<800x16xf32, #tpu.memory_space<vmem>>
        %dma_start3A_492 = arith.constant 0 : i32
        %dma_start3A_493 = tpu.memref_slice %arg2[%add3A_477, %dma_start3A_492] : memref<3200000x16xf32, #tpu.memory_space<hbm>> -> memref<800x16xf32, #tpu.memory_space<hbm>>
        tpu.enqueue_dma source(%dma_start3A_493 : memref<800x16xf32, #tpu.memory_space<hbm>>) target(%dma_start3A_491 : memref<800x16xf32, #tpu.memory_space<vmem>>) target_semaphore(%dma_start3A_487 : memref<!tpu.dma_semaphore, #tpu.memory_space<semaphore_mem>>)
        %dma_start3A_494 = arith.constant 0 : i32
        %dma_start3A_495 = arith.constant 0 : i32
        %dma_start3A_496 = arith.constant 0 : i32
        %dma_start3A_497 = tpu.memref_slice %arg7[%dma_start3A_494, %dma_start3A_496] : memref<2x800xf32, #tpu.memory_space<vmem>> -> memref<1x800xf32, #tpu.memory_space<vmem>>
        %dma_start3A_498 = tpu.memref_squeeze %dma_start3A_497 : memref<1x800xf32, #tpu.memory_space<vmem>> -> memref<800xf32, #tpu.memory_space<vmem>>
        %dma_start3A_499 = tpu.memref_slice %arg3[%add3A_477] : memref<3200000xf32, #tpu.memory_space<hbm>> -> memref<800xf32, #tpu.memory_space<hbm>>
        %dma_start3A_500 = tpu.memref_slice %arg10[%dma_start3A_495] : memref<2x!tpu.dma_semaphore, #tpu.memory_space<semaphore_mem>> -> memref<1x!tpu.dma_semaphore, #tpu.memory_space<semaphore_mem>>
        %dma_start3A_501 = tpu.memref_squeeze %dma_start3A_500 : memref<1x!tpu.dma_semaphore, #tpu.memory_space<semaphore_mem>> -> memref<!tpu.dma_semaphore, #tpu.memory_space<semaphore_mem>>
        %dma_start3A_502 = arith.constant 0 : i32
        %dma_start3A_503 = tpu.memref_slice %arg7[%dma_start3A_494, %dma_start3A_502] : memref<2x800xf32, #tpu.memory_space<vmem>> -> memref<1x800xf32, #tpu.memory_space<vmem>>
        %dma_start3A_504 = tpu.memref_squeeze %dma_start3A_503 : memref<1x800xf32, #tpu.memory_space<vmem>> -> memref<800xf32, #tpu.memory_space<vmem>>
        %dma_start3A_505 = tpu.memref_slice %arg3[%add3A_477] : memref<3200000xf32, #tpu.memory_space<hbm>> -> memref<800xf32, #tpu.memory_space<hbm>>
        tpu.enqueue_dma source(%dma_start3A_505 : memref<800xf32, #tpu.memory_space<hbm>>) target(%dma_start3A_504 : memref<800xf32, #tpu.memory_space<vmem>>) target_semaphore(%dma_start3A_501 : memref<!tpu.dma_semaphore, #tpu.memory_space<semaphore_mem>>)
        %dma_start3A_506 = arith.constant 0 : i32
        %dma_start3A_507 = arith.constant 0 : i32
        %dma_start3A_508 = arith.constant 0 : i32
        %dma_start3A_509 = tpu.memref_slice %arg8[%dma_start3A_506, %dma_start3A_508] : memref<2x800xi32, #tpu.memory_space<vmem>> -> memref<1x800xi32, #tpu.memory_space<vmem>>
        %dma_start3A_510 = tpu.memref_squeeze %dma_start3A_509 : memref<1x800xi32, #tpu.memory_space<vmem>> -> memref<800xi32, #tpu.memory_space<vmem>>
        %dma_start3A_511 = tpu.memref_slice %arg4[%add3A_477] : memref<3200000xi32, #tpu.memory_space<hbm>> -> memref<800xi32, #tpu.memory_space<hbm>>
        %dma_start3A_512 = tpu.memref_slice %arg10[%dma_start3A_507] : memref<2x!tpu.dma_semaphore, #tpu.memory_space<semaphore_mem>> -> memref<1x!tpu.dma_semaphore, #tpu.memory_space<semaphore_mem>>
        %dma_start3A_513 = tpu.memref_squeeze %dma_start3A_512 : memref<1x!tpu.dma_semaphore, #tpu.memory_space<semaphore_mem>> -> memref<!tpu.dma_semaphore, #tpu.memory_space<semaphore_mem>>
        %dma_start3A_514 = arith.constant 0 : i32
        %dma_start3A_515 = tpu.memref_slice %arg8[%dma_start3A_506, %dma_start3A_514] : memref<2x800xi32, #tpu.memory_space<vmem>> -> memref<1x800xi32, #tpu.memory_space<vmem>>
        %dma_start3A_516 = tpu.memref_squeeze %dma_start3A_515 : memref<1x800xi32, #tpu.memory_space<vmem>> -> memref<800xi32, #tpu.memory_space<vmem>>
        %dma_start3A_517 = tpu.memref_slice %arg4[%add3A_477] : memref<3200000xi32, #tpu.memory_space<hbm>> -> memref<800xi32, #tpu.memory_space<hbm>>
        tpu.enqueue_dma source(%dma_start3A_517 : memref<800xi32, #tpu.memory_space<hbm>>) target(%dma_start3A_516 : memref<800xi32, #tpu.memory_space<vmem>>) target_semaphore(%dma_start3A_513 : memref<!tpu.dma_semaphore, #tpu.memory_space<semaphore_mem>>)
      } else {
      }
      %mul3A_407 = arith.constant 2 : i32
      %mul3A_408 = arith.muli %scan3A_345, %mul3A_407 : i32
      %add3A_409 = arith.constant 1 : i32
      %add3A_410 = arith.addi %mul3A_408, %add3A_409 : i32
      %dma_wait3A_411 = arith.constant 1 : i32
      %dma_wait3A_412 = arith.constant 1 : i32
      %dma_wait3A_413 = arith.constant 0 : i32
      %dma_wait3A_414 = arith.constant 0 : i32
      %dma_wait3A_415 = tpu.memref_slice %arg6[%dma_wait3A_411, %dma_wait3A_413, %dma_wait3A_414] : memref<2x800x16xf32, #tpu.memory_space<vmem>> -> memref<1x800x16xf32, #tpu.memory_space<vmem>>
      %dma_wait3A_416 = tpu.memref_squeeze %dma_wait3A_415 : memref<1x800x16xf32, #tpu.memory_space<vmem>> -> memref<800x16xf32, #tpu.memory_space<vmem>>
      %dma_wait3A_417 = arith.constant 0 : i32
      %dma_wait3A_418 = arith.constant 0 : i32
      %dma_wait3A_419 = tpu.memref_slice %arg2[%dma_wait3A_417, %dma_wait3A_418] : memref<3200000x16xf32, #tpu.memory_space<hbm>> -> memref<800x16xf32, #tpu.memory_space<hbm>>
      %dma_wait3A_420 = tpu.memref_slice %arg10[%dma_wait3A_412] : memref<2x!tpu.dma_semaphore, #tpu.memory_space<semaphore_mem>> -> memref<1x!tpu.dma_semaphore, #tpu.memory_space<semaphore_mem>>
      %dma_wait3A_421 = tpu.memref_squeeze %dma_wait3A_420 : memref<1x!tpu.dma_semaphore, #tpu.memory_space<semaphore_mem>> -> memref<!tpu.dma_semaphore, #tpu.memory_space<semaphore_mem>>
      %dma_wait3A_422 = arith.constant 0 : i32
      %dma_wait3A_423 = arith.constant 0 : i32
      %dma_wait3A_424 = tpu.memref_slice %arg6[%dma_wait3A_411, %dma_wait3A_422, %dma_wait3A_423] : memref<2x800x16xf32, #tpu.memory_space<vmem>> -> memref<1x800x16xf32, #tpu.memory_space<vmem>>
      %dma_wait3A_425 = tpu.memref_squeeze %dma_wait3A_424 : memref<1x800x16xf32, #tpu.memory_space<vmem>> -> memref<800x16xf32, #tpu.memory_space<vmem>>
      %dma_wait3A_426 = arith.constant 0 : i32
      %dma_wait3A_427 = arith.constant 0 : i32
      %dma_wait3A_428 = tpu.memref_slice %arg2[%dma_wait3A_426, %dma_wait3A_427] : memref<3200000x16xf32, #tpu.memory_space<hbm>> -> memref<800x16xf32, #tpu.memory_space<hbm>>
      tpu.wait_dma2 semaphore(%dma_wait3A_421 : memref<!tpu.dma_semaphore, #tpu.memory_space<semaphore_mem>>) src(%dma_wait3A_428 : memref<800x16xf32, #tpu.memory_space<hbm>>) dst(%dma_wait3A_425 : memref<800x16xf32, #tpu.memory_space<vmem>>)
      %dma_wait3A_429 = arith.constant 1 : i32
      %dma_wait3A_430 = arith.constant 1 : i32
      %dma_wait3A_431 = arith.constant 0 : i32
      %dma_wait3A_432 = tpu.memref_slice %arg7[%dma_wait3A_429, %dma_wait3A_431] : memref<2x800xf32, #tpu.memory_space<vmem>> -> memref<1x800xf32, #tpu.memory_space<vmem>>
      %dma_wait3A_433 = tpu.memref_squeeze %dma_wait3A_432 : memref<1x800xf32, #tpu.memory_space<vmem>> -> memref<800xf32, #tpu.memory_space<vmem>>
      %dma_wait3A_434 = arith.constant 0 : i32
      %dma_wait3A_435 = tpu.memref_slice %arg3[%dma_wait3A_434] : memref<3200000xf32, #tpu.memory_space<hbm>> -> memref<800xf32, #tpu.memory_space<hbm>>
      %dma_wait3A_436 = tpu.memref_slice %arg10[%dma_wait3A_430] : memref<2x!tpu.dma_semaphore, #tpu.memory_space<semaphore_mem>> -> memref<1x!tpu.dma_semaphore, #tpu.memory_space<semaphore_mem>>
      %dma_wait3A_437 = tpu.memref_squeeze %dma_wait3A_436 : memref<1x!tpu.dma_semaphore, #tpu.memory_space<semaphore_mem>> -> memref<!tpu.dma_semaphore, #tpu.memory_space<semaphore_mem>>
      %dma_wait3A_438 = arith.constant 0 : i32
      %dma_wait3A_439 = tpu.memref_slice %arg7[%dma_wait3A_429, %dma_wait3A_438] : memref<2x800xf32, #tpu.memory_space<vmem>> -> memref<1x800xf32, #tpu.memory_space<vmem>>
      %dma_wait3A_440 = tpu.memref_squeeze %dma_wait3A_439 : memref<1x800xf32, #tpu.memory_space<vmem>> -> memref<800xf32, #tpu.memory_space<vmem>>
      %dma_wait3A_441 = arith.constant 0 : i32
      %dma_wait3A_442 = tpu.memref_slice %arg3[%dma_wait3A_441] : memref<3200000xf32, #tpu.memory_space<hbm>> -> memref<800xf32, #tpu.memory_space<hbm>>
      tpu.wait_dma2 semaphore(%dma_wait3A_437 : memref<!tpu.dma_semaphore, #tpu.memory_space<semaphore_mem>>) src(%dma_wait3A_442 : memref<800xf32, #tpu.memory_space<hbm>>) dst(%dma_wait3A_440 : memref<800xf32, #tpu.memory_space<vmem>>)
      %dma_wait3A_443 = arith.constant 1 : i32
      %dma_wait3A_444 = arith.constant 1 : i32
      %dma_wait3A_445 = arith.constant 0 : i32
      %dma_wait3A_446 = tpu.memref_slice %arg8[%dma_wait3A_443, %dma_wait3A_445] : memref<2x800xi32, #tpu.memory_space<vmem>> -> memref<1x800xi32, #tpu.memory_space<vmem>>
      %dma_wait3A_447 = tpu.memref_squeeze %dma_wait3A_446 : memref<1x800xi32, #tpu.memory_space<vmem>> -> memref<800xi32, #tpu.memory_space<vmem>>
      %dma_wait3A_448 = arith.constant 0 : i32
      %dma_wait3A_449 = tpu.memref_slice %arg4[%dma_wait3A_448] : memref<3200000xi32, #tpu.memory_space<hbm>> -> memref<800xi32, #tpu.memory_space<hbm>>
      %dma_wait3A_450 = tpu.memref_slice %arg10[%dma_wait3A_444] : memref<2x!tpu.dma_semaphore, #tpu.memory_space<semaphore_mem>> -> memref<1x!tpu.dma_semaphore, #tpu.memory_space<semaphore_mem>>
      %dma_wait3A_451 = tpu.memref_squeeze %dma_wait3A_450 : memref<1x!tpu.dma_semaphore, #tpu.memory_space<semaphore_mem>> -> memref<!tpu.dma_semaphore, #tpu.memory_space<semaphore_mem>>
      %dma_wait3A_452 = arith.constant 0 : i32
      %dma_wait3A_453 = tpu.memref_slice %arg8[%dma_wait3A_443, %dma_wait3A_452] : memref<2x800xi32, #tpu.memory_space<vmem>> -> memref<1x800xi32, #tpu.memory_space<vmem>>
      %dma_wait3A_454 = tpu.memref_squeeze %dma_wait3A_453 : memref<1x800xi32, #tpu.memory_space<vmem>> -> memref<800xi32, #tpu.memory_space<vmem>>
      %dma_wait3A_455 = arith.constant 0 : i32
      %dma_wait3A_456 = tpu.memref_slice %arg4[%dma_wait3A_455] : memref<3200000xi32, #tpu.memory_space<hbm>> -> memref<800xi32, #tpu.memory_space<hbm>>
      tpu.wait_dma2 semaphore(%dma_wait3A_451 : memref<!tpu.dma_semaphore, #tpu.memory_space<semaphore_mem>>) src(%dma_wait3A_456 : memref<800xi32, #tpu.memory_space<hbm>>) dst(%dma_wait3A_454 : memref<800xi32, #tpu.memory_space<vmem>>)
      %scan3A_457 = arith.constant 0 : i32
      %scan3A_458 = arith.constant 50 : i32
      %scan3A_459 = arith.addi %scan3A_457, %scan3A_458 : i32
      %scan3A_460 = arith.constant 1 : i32
      scf.for %scan3A_471 = %scan3A_457 to %scan3A_459 step %scan3A_460  : i32 {
        %mul3A_472 = arith.constant 16 : i32
        %mul3A_473 = arith.muli %scan3A_471, %mul3A_472 : i32
        %get3A = arith.constant 1 : i32
        %get3A_474 = arith.index_cast %get3A : i32 to index
        %get3A_475 = arith.index_cast %mul3A_473 : i32 to index
        %get3A_476 = tpu.vector_load %arg7[%get3A_474, %get3A_475] {strides = array<i32>} : memref<2x800xf32, #tpu.memory_space<vmem>>, vector<1x16xf32>,
        %get3A_477 = vector.shape_cast %get3A_476 : vector<1x16xf32> to vector<16xf32>
        %mul3A_478 = arith.constant 16 : i32
        %mul3A_479 = arith.muli %scan3A_471, %mul3A_478 : i32
        %add3A_480 = arith.constant 0 : i32
        %add3A_481 = arith.addi %mul3A_479, %add3A_480 : i32
        %get3A_482 = arith.constant 1 : i32
        %get3A_483 = arith.index_cast %get3A_482 : i32 to index
        %get3A_484 = arith.index_cast %add3A_481 : i32 to index
        %get3A_485 = arith.constant 0 : index
        %get3A_486 = tpu.vector_load %arg6[%get3A_483, %get3A_484, %get3A_485] {strides = array<i32>} : memref<2x800x16xf32, #tpu.memory_space<vmem>>, vector<1x1x16xf32>,
        %get3A_487 = vector.shape_cast %get3A_486 : vector<1x1x16xf32> to vector<16xf32>
        %slice3A = vector.extract_strided_slice %get3A_477 {offsets = [0], sizes = [1], strides = [1]} : vector<16xf32> to vector<1xf32>
        %squeeze3A = vector.extract %slice3A[0] : f32 from vector<1xf32>
        %mul3A_488 = vector.broadcast %squeeze3A : f32 to vector<16xf32>
        %mul3A_489 = arith.mulf %get3A_487, %mul3A_488 : vector<16xf32>
        %swap3A = arith.constant 1 : i32
        %swap3A_490 = arith.index_cast %swap3A : i32 to index
        %swap3A_491 = arith.index_cast %add3A_481 : i32 to index
        %swap3A_492 = arith.constant 0 : index
        %swap3A_493 = tpu.vector_load %arg6[%swap3A_490, %swap3A_491, %swap3A_492] {strides = array<i32>} : memref<2x800x16xf32, #tpu.memory_space<vmem>>, vector<1x1x16xf32>,
        %swap3A_494 = vector.shape_cast %swap3A_493 : vector<1x1x16xf32> to vector<16xf32>
        %swap3A_495 = vector.shape_cast %mul3A_489 : vector<16xf32> to vector<1x1x16xf32>
        tpu.vector_store %arg6[%swap3A_490, %swap3A_491, %swap3A_492], %swap3A_495 {strides = array<i32>} : memref<2x800x16xf32, #tpu.memory_space<vmem>>, vector<1x1x16xf32>,
        %mul3A_496 = arith.constant 16 : i32
        %mul3A_497 = arith.muli %scan3A_471, %mul3A_496 : i32
        %add3A_498 = arith.constant 1 : i32
        %add3A_499 = arith.addi %mul3A_497, %add3A_498 : i32
        %get3A_500 = arith.constant 1 : i32
        %get3A_501 = arith.index_cast %get3A_500 : i32 to index
        %get3A_502 = arith.index_cast %add3A_499 : i32 to index
        %get3A_503 = arith.constant 0 : index
        %get3A_504 = tpu.vector_load %arg6[%get3A_501, %get3A_502, %get3A_503] {strides = array<i32>} : memref<2x800x16xf32, #tpu.memory_space<vmem>>, vector<1x1x16xf32>,
        %get3A_505 = vector.shape_cast %get3A_504 : vector<1x1x16xf32> to vector<16xf32>
        %slice3A_506 = vector.extract_strided_slice %get3A_477 {offsets = [1], sizes = [1], strides = [1]} : vector<16xf32> to vector<1xf32>
        %squeeze3A_507 = vector.extract %slice3A_506[0] : f32 from vector<1xf32>
        %mul3A_508 = vector.broadcast %squeeze3A_507 : f32 to vector<16xf32>
        %mul3A_509 = arith.mulf %get3A_505, %mul3A_508 : vector<16xf32>
        %swap3A_510 = arith.constant 1 : i32
        %swap3A_511 = arith.index_cast %swap3A_510 : i32 to index
        %swap3A_512 = arith.index_cast %add3A_499 : i32 to index
        %swap3A_513 = arith.constant 0 : index
        %swap3A_514 = tpu.vector_load %arg6[%swap3A_511, %swap3A_512, %swap3A_513] {strides = array<i32>} : memref<2x800x16xf32, #tpu.memory_space<vmem>>, vector<1x1x16xf32>,
        %swap3A_515 = vector.shape_cast %swap3A_514 : vector<1x1x16xf32> to vector<16xf32>
        %swap3A_516 = vector.shape_cast %mul3A_509 : vector<16xf32> to vector<1x1x16xf32>
        tpu.vector_store %arg6[%swap3A_511, %swap3A_512, %swap3A_513], %swap3A_516 {strides = array<i32>} : memref<2x800x16xf32, #tpu.memory_space<vmem>>, vector<1x1x16xf32>,
        %mul3A_517 = arith.constant 16 : i32
        %mul3A_518 = arith.muli %scan3A_471, %mul3A_517 : i32
        %add3A_519 = arith.constant 2 : i32
        %add3A_520 = arith.addi %mul3A_518, %add3A_519 : i32
        %get3A_521 = arith.constant 1 : i32
        %get3A_522 = arith.index_cast %get3A_521 : i32 to index
        %get3A_523 = arith.index_cast %add3A_520 : i32 to index
        %get3A_524 = arith.constant 0 : index
        %get3A_525 = tpu.vector_load %arg6[%get3A_522, %get3A_523, %get3A_524] {strides = array<i32>} : memref<2x800x16xf32, #tpu.memory_space<vmem>>, vector<1x1x16xf32>,
        %get3A_526 = vector.shape_cast %get3A_525 : vector<1x1x16xf32> to vector<16xf32>
        %slice3A_527 = vector.extract_strided_slice %get3A_477 {offsets = [2], sizes = [1], strides = [1]} : vector<16xf32> to vector<1xf32>
        %squeeze3A_528 = vector.extract %slice3A_527[0] : f32 from vector<1xf32>
        %mul3A_529 = vector.broadcast %squeeze3A_528 : f32 to vector<16xf32>
        %mul3A_530 = arith.mulf %get3A_526, %mul3A_529 : vector<16xf32>
        %swap3A_531 = arith.constant 1 : i32
        %swap3A_532 = arith.index_cast %swap3A_531 : i32 to index
        %swap3A_533 = arith.index_cast %add3A_520 : i32 to index
        %swap3A_534 = arith.constant 0 : index
        %swap3A_535 = tpu.vector_load %arg6[%swap3A_532, %swap3A_533, %swap3A_534] {strides = array<i32>} : memref<2x800x16xf32, #tpu.memory_space<vmem>>, vector<1x1x16xf32>,
        %swap3A_536 = vector.shape_cast %swap3A_535 : vector<1x1x16xf32> to vector<16xf32>
        %swap3A_537 = vector.shape_cast %mul3A_530 : vector<16xf32> to vector<1x1x16xf32>
        tpu.vector_store %arg6[%swap3A_532, %swap3A_533, %swap3A_534], %swap3A_537 {strides = array<i32>} : memref<2x800x16xf32, #tpu.memory_space<vmem>>, vector<1x1x16xf32>,
        %mul3A_538 = arith.constant 16 : i32
        %mul3A_539 = arith.muli %scan3A_471, %mul3A_538 : i32
        %add3A_540 = arith.constant 3 : i32
        %add3A_541 = arith.addi %mul3A_539, %add3A_540 : i32
        %get3A_542 = arith.constant 1 : i32
        %get3A_543 = arith.index_cast %get3A_542 : i32 to index
        %get3A_544 = arith.index_cast %add3A_541 : i32 to index
        %get3A_545 = arith.constant 0 : index
        %get3A_546 = tpu.vector_load %arg6[%get3A_543, %get3A_544, %get3A_545] {strides = array<i32>} : memref<2x800x16xf32, #tpu.memory_space<vmem>>, vector<1x1x16xf32>,
        %get3A_547 = vector.shape_cast %get3A_546 : vector<1x1x16xf32> to vector<16xf32>
        %slice3A_548 = vector.extract_strided_slice %get3A_477 {offsets = [3], sizes = [1], strides = [1]} : vector<16xf32> to vector<1xf32>
        %squeeze3A_549 = vector.extract %slice3A_548[0] : f32 from vector<1xf32>
        %mul3A_550 = vector.broadcast %squeeze3A_549 : f32 to vector<16xf32>
        %mul3A_551 = arith.mulf %get3A_547, %mul3A_550 : vector<16xf32>
        %swap3A_552 = arith.constant 1 : i32
        %swap3A_553 = arith.index_cast %swap3A_552 : i32 to index
        %swap3A_554 = arith.index_cast %add3A_541 : i32 to index
        %swap3A_555 = arith.constant 0 : index
        %swap3A_556 = tpu.vector_load %arg6[%swap3A_553, %swap3A_554, %swap3A_555] {strides = array<i32>} : memref<2x800x16xf32, #tpu.memory_space<vmem>>, vector<1x1x16xf32>,
        %swap3A_557 = vector.shape_cast %swap3A_556 : vector<1x1x16xf32> to vector<16xf32>
        %swap3A_558 = vector.shape_cast %mul3A_551 : vector<16xf32> to vector<1x1x16xf32>
        tpu.vector_store %arg6[%swap3A_553, %swap3A_554, %swap3A_555], %swap3A_558 {strides = array<i32>} : memref<2x800x16xf32, #tpu.memory_space<vmem>>, vector<1x1x16xf32>,
        %mul3A_559 = arith.constant 16 : i32
        %mul3A_560 = arith.muli %scan3A_471, %mul3A_559 : i32
        %add3A_561 = arith.constant 4 : i32
        %add3A_562 = arith.addi %mul3A_560, %add3A_561 : i32
        %get3A_563 = arith.constant 1 : i32
        %get3A_564 = arith.index_cast %get3A_563 : i32 to index
        %get3A_565 = arith.index_cast %add3A_562 : i32 to index
        %get3A_566 = arith.constant 0 : index
        %get3A_567 = tpu.vector_load %arg6[%get3A_564, %get3A_565, %get3A_566] {strides = array<i32>} : memref<2x800x16xf32, #tpu.memory_space<vmem>>, vector<1x1x16xf32>,
        %get3A_568 = vector.shape_cast %get3A_567 : vector<1x1x16xf32> to vector<16xf32>
        %slice3A_569 = vector.extract_strided_slice %get3A_477 {offsets = [4], sizes = [1], strides = [1]} : vector<16xf32> to vector<1xf32>
        %squeeze3A_570 = vector.extract %slice3A_569[0] : f32 from vector<1xf32>
        %mul3A_571 = vector.broadcast %squeeze3A_570 : f32 to vector<16xf32>
        %mul3A_572 = arith.mulf %get3A_568, %mul3A_571 : vector<16xf32>
        %swap3A_573 = arith.constant 1 : i32
        %swap3A_574 = arith.index_cast %swap3A_573 : i32 to index
        %swap3A_575 = arith.index_cast %add3A_562 : i32 to index
        %swap3A_576 = arith.constant 0 : index
        %swap3A_577 = tpu.vector_load %arg6[%swap3A_574, %swap3A_575, %swap3A_576] {strides = array<i32>} : memref<2x800x16xf32, #tpu.memory_space<vmem>>, vector<1x1x16xf32>,
        %swap3A_578 = vector.shape_cast %swap3A_577 : vector<1x1x16xf32> to vector<16xf32>
        %swap3A_579 = vector.shape_cast %mul3A_572 : vector<16xf32> to vector<1x1x16xf32>
        tpu.vector_store %arg6[%swap3A_574, %swap3A_575, %swap3A_576], %swap3A_579 {strides = array<i32>} : memref<2x800x16xf32, #tpu.memory_space<vmem>>, vector<1x1x16xf32>,
        %mul3A_580 = arith.constant 16 : i32
        %mul3A_581 = arith.muli %scan3A_471, %mul3A_580 : i32
        %add3A_582 = arith.constant 5 : i32
        %add3A_583 = arith.addi %mul3A_581, %add3A_582 : i32
        %get3A_584 = arith.constant 1 : i32
        %get3A_585 = arith.index_cast %get3A_584 : i32 to index
        %get3A_586 = arith.index_cast %add3A_583 : i32 to index
        %get3A_587 = arith.constant 0 : index
        %get3A_588 = tpu.vector_load %arg6[%get3A_585, %get3A_586, %get3A_587] {strides = array<i32>} : memref<2x800x16xf32, #tpu.memory_space<vmem>>, vector<1x1x16xf32>,
        %get3A_589 = vector.shape_cast %get3A_588 : vector<1x1x16xf32> to vector<16xf32>
        %slice3A_590 = vector.extract_strided_slice %get3A_477 {offsets = [5], sizes = [1], strides = [1]} : vector<16xf32> to vector<1xf32>
        %squeeze3A_591 = vector.extract %slice3A_590[0] : f32 from vector<1xf32>
        %mul3A_592 = vector.broadcast %squeeze3A_591 : f32 to vector<16xf32>
        %mul3A_593 = arith.mulf %get3A_589, %mul3A_592 : vector<16xf32>
        %swap3A_594 = arith.constant 1 : i32
        %swap3A_595 = arith.index_cast %swap3A_594 : i32 to index
        %swap3A_596 = arith.index_cast %add3A_583 : i32 to index
        %swap3A_597 = arith.constant 0 : index
        %swap3A_598 = tpu.vector_load %arg6[%swap3A_595, %swap3A_596, %swap3A_597] {strides = array<i32>} : memref<2x800x16xf32, #tpu.memory_space<vmem>>, vector<1x1x16xf32>,
        %swap3A_599 = vector.shape_cast %swap3A_598 : vector<1x1x16xf32> to vector<16xf32>
        %swap3A_600 = vector.shape_cast %mul3A_593 : vector<16xf32> to vector<1x1x16xf32>
        tpu.vector_store %arg6[%swap3A_595, %swap3A_596, %swap3A_597], %swap3A_600 {strides = array<i32>} : memref<2x800x16xf32, #tpu.memory_space<vmem>>, vector<1x1x16xf32>,
        %mul3A_601 = arith.constant 16 : i32
        %mul3A_602 = arith.muli %scan3A_471, %mul3A_601 : i32
        %add3A_603 = arith.constant 6 : i32
        %add3A_604 = arith.addi %mul3A_602, %add3A_603 : i32
        %get3A_605 = arith.constant 1 : i32
        %get3A_606 = arith.index_cast %get3A_605 : i32 to index
        %get3A_607 = arith.index_cast %add3A_604 : i32 to index
        %get3A_608 = arith.constant 0 : index
        %get3A_609 = tpu.vector_load %arg6[%get3A_606, %get3A_607, %get3A_608] {strides = array<i32>} : memref<2x800x16xf32, #tpu.memory_space<vmem>>, vector<1x1x16xf32>,
        %get3A_610 = vector.shape_cast %get3A_609 : vector<1x1x16xf32> to vector<16xf32>
        %slice3A_611 = vector.extract_strided_slice %get3A_477 {offsets = [6], sizes = [1], strides = [1]} : vector<16xf32> to vector<1xf32>
        %squeeze3A_612 = vector.extract %slice3A_611[0] : f32 from vector<1xf32>
        %mul3A_613 = vector.broadcast %squeeze3A_612 : f32 to vector<16xf32>
        %mul3A_614 = arith.mulf %get3A_610, %mul3A_613 : vector<16xf32>
        %swap3A_615 = arith.constant 1 : i32
        %swap3A_616 = arith.index_cast %swap3A_615 : i32 to index
        %swap3A_617 = arith.index_cast %add3A_604 : i32 to index
        %swap3A_618 = arith.constant 0 : index
        %swap3A_619 = tpu.vector_load %arg6[%swap3A_616, %swap3A_617, %swap3A_618] {strides = array<i32>} : memref<2x800x16xf32, #tpu.memory_space<vmem>>, vector<1x1x16xf32>,
        %swap3A_620 = vector.shape_cast %swap3A_619 : vector<1x1x16xf32> to vector<16xf32>
        %swap3A_621 = vector.shape_cast %mul3A_614 : vector<16xf32> to vector<1x1x16xf32>
        tpu.vector_store %arg6[%swap3A_616, %swap3A_617, %swap3A_618], %swap3A_621 {strides = array<i32>} : memref<2x800x16xf32, #tpu.memory_space<vmem>>, vector<1x1x16xf32>,
        %mul3A_622 = arith.constant 16 : i32
        %mul3A_623 = arith.muli %scan3A_471, %mul3A_622 : i32
        %add3A_624 = arith.constant 7 : i32
        %add3A_625 = arith.addi %mul3A_623, %add3A_624 : i32
        %get3A_626 = arith.constant 1 : i32
        %get3A_627 = arith.index_cast %get3A_626 : i32 to index
        %get3A_628 = arith.index_cast %add3A_625 : i32 to index
        %get3A_629 = arith.constant 0 : index
        %get3A_630 = tpu.vector_load %arg6[%get3A_627, %get3A_628, %get3A_629] {strides = array<i32>} : memref<2x800x16xf32, #tpu.memory_space<vmem>>, vector<1x1x16xf32>,
        %get3A_631 = vector.shape_cast %get3A_630 : vector<1x1x16xf32> to vector<16xf32>
        %slice3A_632 = vector.extract_strided_slice %get3A_477 {offsets = [7], sizes = [1], strides = [1]} : vector<16xf32> to vector<1xf32>
        %squeeze3A_633 = vector.extract %slice3A_632[0] : f32 from vector<1xf32>
        %mul3A_634 = vector.broadcast %squeeze3A_633 : f32 to vector<16xf32>
        %mul3A_635 = arith.mulf %get3A_631, %mul3A_634 : vector<16xf32>
        %swap3A_636 = arith.constant 1 : i32
        %swap3A_637 = arith.index_cast %swap3A_636 : i32 to index
        %swap3A_638 = arith.index_cast %add3A_625 : i32 to index
        %swap3A_639 = arith.constant 0 : index
        %swap3A_640 = tpu.vector_load %arg6[%swap3A_637, %swap3A_638, %swap3A_639] {strides = array<i32>} : memref<2x800x16xf32, #tpu.memory_space<vmem>>, vector<1x1x16xf32>,
        %swap3A_641 = vector.shape_cast %swap3A_640 : vector<1x1x16xf32> to vector<16xf32>
        %swap3A_642 = vector.shape_cast %mul3A_635 : vector<16xf32> to vector<1x1x16xf32>
        tpu.vector_store %arg6[%swap3A_637, %swap3A_638, %swap3A_639], %swap3A_642 {strides = array<i32>} : memref<2x800x16xf32, #tpu.memory_space<vmem>>, vector<1x1x16xf32>,
        %mul3A_643 = arith.constant 16 : i32
        %mul3A_644 = arith.muli %scan3A_471, %mul3A_643 : i32
        %add3A_645 = arith.constant 8 : i32
        %add3A_646 = arith.addi %mul3A_644, %add3A_645 : i32
        %get3A_647 = arith.constant 1 : i32
        %get3A_648 = arith.index_cast %get3A_647 : i32 to index
        %get3A_649 = arith.index_cast %add3A_646 : i32 to index
        %get3A_650 = arith.constant 0 : index
        %get3A_651 = tpu.vector_load %arg6[%get3A_648, %get3A_649, %get3A_650] {strides = array<i32>} : memref<2x800x16xf32, #tpu.memory_space<vmem>>, vector<1x1x16xf32>,
        %get3A_652 = vector.shape_cast %get3A_651 : vector<1x1x16xf32> to vector<16xf32>
        %slice3A_653 = vector.extract_strided_slice %get3A_477 {offsets = [8], sizes = [1], strides = [1]} : vector<16xf32> to vector<1xf32>
        %squeeze3A_654 = vector.extract %slice3A_653[0] : f32 from vector<1xf32>
        %mul3A_655 = vector.broadcast %squeeze3A_654 : f32 to vector<16xf32>
        %mul3A_656 = arith.mulf %get3A_652, %mul3A_655 : vector<16xf32>
        %swap3A_657 = arith.constant 1 : i32
        %swap3A_658 = arith.index_cast %swap3A_657 : i32 to index
        %swap3A_659 = arith.index_cast %add3A_646 : i32 to index
        %swap3A_660 = arith.constant 0 : index
        %swap3A_661 = tpu.vector_load %arg6[%swap3A_658, %swap3A_659, %swap3A_660] {strides = array<i32>} : memref<2x800x16xf32, #tpu.memory_space<vmem>>, vector<1x1x16xf32>,
        %swap3A_662 = vector.shape_cast %swap3A_661 : vector<1x1x16xf32> to vector<16xf32>
        %swap3A_663 = vector.shape_cast %mul3A_656 : vector<16xf32> to vector<1x1x16xf32>
        tpu.vector_store %arg6[%swap3A_658, %swap3A_659, %swap3A_660], %swap3A_663 {strides = array<i32>} : memref<2x800x16xf32, #tpu.memory_space<vmem>>, vector<1x1x16xf32>,
        %mul3A_664 = arith.constant 16 : i32
        %mul3A_665 = arith.muli %scan3A_471, %mul3A_664 : i32
        %add3A_666 = arith.constant 9 : i32
        %add3A_667 = arith.addi %mul3A_665, %add3A_666 : i32
        %get3A_668 = arith.constant 1 : i32
        %get3A_669 = arith.index_cast %get3A_668 : i32 to index
        %get3A_670 = arith.index_cast %add3A_667 : i32 to index
        %get3A_671 = arith.constant 0 : index
        %get3A_672 = tpu.vector_load %arg6[%get3A_669, %get3A_670, %get3A_671] {strides = array<i32>} : memref<2x800x16xf32, #tpu.memory_space<vmem>>, vector<1x1x16xf32>,
        %get3A_673 = vector.shape_cast %get3A_672 : vector<1x1x16xf32> to vector<16xf32>
        %slice3A_674 = vector.extract_strided_slice %get3A_477 {offsets = [9], sizes = [1], strides = [1]} : vector<16xf32> to vector<1xf32>
        %squeeze3A_675 = vector.extract %slice3A_674[0] : f32 from vector<1xf32>
        %mul3A_676 = vector.broadcast %squeeze3A_675 : f32 to vector<16xf32>
        %mul3A_677 = arith.mulf %get3A_673, %mul3A_676 : vector<16xf32>
        %swap3A_678 = arith.constant 1 : i32
        %swap3A_679 = arith.index_cast %swap3A_678 : i32 to index
        %swap3A_680 = arith.index_cast %add3A_667 : i32 to index
        %swap3A_681 = arith.constant 0 : index
        %swap3A_682 = tpu.vector_load %arg6[%swap3A_679, %swap3A_680, %swap3A_681] {strides = array<i32>} : memref<2x800x16xf32, #tpu.memory_space<vmem>>, vector<1x1x16xf32>,
        %swap3A_683 = vector.shape_cast %swap3A_682 : vector<1x1x16xf32> to vector<16xf32>
        %swap3A_684 = vector.shape_cast %mul3A_677 : vector<16xf32> to vector<1x1x16xf32>
        tpu.vector_store %arg6[%swap3A_679, %swap3A_680, %swap3A_681], %swap3A_684 {strides = array<i32>} : memref<2x800x16xf32, #tpu.memory_space<vmem>>, vector<1x1x16xf32>,
        %mul3A_685 = arith.constant 16 : i32
        %mul3A_686 = arith.muli %scan3A_471, %mul3A_685 : i32
        %add3A_687 = arith.constant 10 : i32
        %add3A_688 = arith.addi %mul3A_686, %add3A_687 : i32
        %get3A_689 = arith.constant 1 : i32
        %get3A_690 = arith.index_cast %get3A_689 : i32 to index
        %get3A_691 = arith.index_cast %add3A_688 : i32 to index
        %get3A_692 = arith.constant 0 : index
        %get3A_693 = tpu.vector_load %arg6[%get3A_690, %get3A_691, %get3A_692] {strides = array<i32>} : memref<2x800x16xf32, #tpu.memory_space<vmem>>, vector<1x1x16xf32>,
        %get3A_694 = vector.shape_cast %get3A_693 : vector<1x1x16xf32> to vector<16xf32>
        %slice3A_695 = vector.extract_strided_slice %get3A_477 {offsets = [10], sizes = [1], strides = [1]} : vector<16xf32> to vector<1xf32>
        %squeeze3A_696 = vector.extract %slice3A_695[0] : f32 from vector<1xf32>
        %mul3A_697 = vector.broadcast %squeeze3A_696 : f32 to vector<16xf32>
        %mul3A_698 = arith.mulf %get3A_694, %mul3A_697 : vector<16xf32>
        %swap3A_699 = arith.constant 1 : i32
        %swap3A_700 = arith.index_cast %swap3A_699 : i32 to index
        %swap3A_701 = arith.index_cast %add3A_688 : i32 to index
        %swap3A_702 = arith.constant 0 : index
        %swap3A_703 = tpu.vector_load %arg6[%swap3A_700, %swap3A_701, %swap3A_702] {strides = array<i32>} : memref<2x800x16xf32, #tpu.memory_space<vmem>>, vector<1x1x16xf32>,
        %swap3A_704 = vector.shape_cast %swap3A_703 : vector<1x1x16xf32> to vector<16xf32>
        %swap3A_705 = vector.shape_cast %mul3A_698 : vector<16xf32> to vector<1x1x16xf32>
        tpu.vector_store %arg6[%swap3A_700, %swap3A_701, %swap3A_702], %swap3A_705 {strides = array<i32>} : memref<2x800x16xf32, #tpu.memory_space<vmem>>, vector<1x1x16xf32>,
        %mul3A_706 = arith.constant 16 : i32
        %mul3A_707 = arith.muli %scan3A_471, %mul3A_706 : i32
        %add3A_708 = arith.constant 11 : i32
        %add3A_709 = arith.addi %mul3A_707, %add3A_708 : i32
        %get3A_710 = arith.constant 1 : i32
        %get3A_711 = arith.index_cast %get3A_710 : i32 to index
        %get3A_712 = arith.index_cast %add3A_709 : i32 to index
        %get3A_713 = arith.constant 0 : index
        %get3A_714 = tpu.vector_load %arg6[%get3A_711, %get3A_712, %get3A_713] {strides = array<i32>} : memref<2x800x16xf32, #tpu.memory_space<vmem>>, vector<1x1x16xf32>,
        %get3A_715 = vector.shape_cast %get3A_714 : vector<1x1x16xf32> to vector<16xf32>
        %slice3A_716 = vector.extract_strided_slice %get3A_477 {offsets = [11], sizes = [1], strides = [1]} : vector<16xf32> to vector<1xf32>
        %squeeze3A_717 = vector.extract %slice3A_716[0] : f32 from vector<1xf32>
        %mul3A_718 = vector.broadcast %squeeze3A_717 : f32 to vector<16xf32>
        %mul3A_719 = arith.mulf %get3A_715, %mul3A_718 : vector<16xf32>
        %swap3A_720 = arith.constant 1 : i32
        %swap3A_721 = arith.index_cast %swap3A_720 : i32 to index
        %swap3A_722 = arith.index_cast %add3A_709 : i32 to index
        %swap3A_723 = arith.constant 0 : index
        %swap3A_724 = tpu.vector_load %arg6[%swap3A_721, %swap3A_722, %swap3A_723] {strides = array<i32>} : memref<2x800x16xf32, #tpu.memory_space<vmem>>, vector<1x1x16xf32>,
        %swap3A_725 = vector.shape_cast %swap3A_724 : vector<1x1x16xf32> to vector<16xf32>
        %swap3A_726 = vector.shape_cast %mul3A_719 : vector<16xf32> to vector<1x1x16xf32>
        tpu.vector_store %arg6[%swap3A_721, %swap3A_722, %swap3A_723], %swap3A_726 {strides = array<i32>} : memref<2x800x16xf32, #tpu.memory_space<vmem>>, vector<1x1x16xf32>,
        %mul3A_727 = arith.constant 16 : i32
        %mul3A_728 = arith.muli %scan3A_471, %mul3A_727 : i32
        %add3A_729 = arith.constant 12 : i32
        %add3A_730 = arith.addi %mul3A_728, %add3A_729 : i32
        %get3A_731 = arith.constant 1 : i32
        %get3A_732 = arith.index_cast %get3A_731 : i32 to index
        %get3A_733 = arith.index_cast %add3A_730 : i32 to index
        %get3A_734 = arith.constant 0 : index
        %get3A_735 = tpu.vector_load %arg6[%get3A_732, %get3A_733, %get3A_734] {strides = array<i32>} : memref<2x800x16xf32, #tpu.memory_space<vmem>>, vector<1x1x16xf32>,
        %get3A_736 = vector.shape_cast %get3A_735 : vector<1x1x16xf32> to vector<16xf32>
        %slice3A_737 = vector.extract_strided_slice %get3A_477 {offsets = [12], sizes = [1], strides = [1]} : vector<16xf32> to vector<1xf32>
        %squeeze3A_738 = vector.extract %slice3A_737[0] : f32 from vector<1xf32>
        %mul3A_739 = vector.broadcast %squeeze3A_738 : f32 to vector<16xf32>
        %mul3A_740 = arith.mulf %get3A_736, %mul3A_739 : vector<16xf32>
        %swap3A_741 = arith.constant 1 : i32
        %swap3A_742 = arith.index_cast %swap3A_741 : i32 to index
        %swap3A_743 = arith.index_cast %add3A_730 : i32 to index
        %swap3A_744 = arith.constant 0 : index
        %swap3A_745 = tpu.vector_load %arg6[%swap3A_742, %swap3A_743, %swap3A_744] {strides = array<i32>} : memref<2x800x16xf32, #tpu.memory_space<vmem>>, vector<1x1x16xf32>,
        %swap3A_746 = vector.shape_cast %swap3A_745 : vector<1x1x16xf32> to vector<16xf32>
        %swap3A_747 = vector.shape_cast %mul3A_740 : vector<16xf32> to vector<1x1x16xf32>
        tpu.vector_store %arg6[%swap3A_742, %swap3A_743, %swap3A_744], %swap3A_747 {strides = array<i32>} : memref<2x800x16xf32, #tpu.memory_space<vmem>>, vector<1x1x16xf32>,
        %mul3A_748 = arith.constant 16 : i32
        %mul3A_749 = arith.muli %scan3A_471, %mul3A_748 : i32
        %add3A_750 = arith.constant 13 : i32
        %add3A_751 = arith.addi %mul3A_749, %add3A_750 : i32
        %get3A_752 = arith.constant 1 : i32
        %get3A_753 = arith.index_cast %get3A_752 : i32 to index
        %get3A_754 = arith.index_cast %add3A_751 : i32 to index
        %get3A_755 = arith.constant 0 : index
        %get3A_756 = tpu.vector_load %arg6[%get3A_753, %get3A_754, %get3A_755] {strides = array<i32>} : memref<2x800x16xf32, #tpu.memory_space<vmem>>, vector<1x1x16xf32>,
        %get3A_757 = vector.shape_cast %get3A_756 : vector<1x1x16xf32> to vector<16xf32>
        %slice3A_758 = vector.extract_strided_slice %get3A_477 {offsets = [13], sizes = [1], strides = [1]} : vector<16xf32> to vector<1xf32>
        %squeeze3A_759 = vector.extract %slice3A_758[0] : f32 from vector<1xf32>
        %mul3A_760 = vector.broadcast %squeeze3A_759 : f32 to vector<16xf32>
        %mul3A_761 = arith.mulf %get3A_757, %mul3A_760 : vector<16xf32>
        %swap3A_762 = arith.constant 1 : i32
        %swap3A_763 = arith.index_cast %swap3A_762 : i32 to index
        %swap3A_764 = arith.index_cast %add3A_751 : i32 to index
        %swap3A_765 = arith.constant 0 : index
        %swap3A_766 = tpu.vector_load %arg6[%swap3A_763, %swap3A_764, %swap3A_765] {strides = array<i32>} : memref<2x800x16xf32, #tpu.memory_space<vmem>>, vector<1x1x16xf32>,
        %swap3A_767 = vector.shape_cast %swap3A_766 : vector<1x1x16xf32> to vector<16xf32>
        %swap3A_768 = vector.shape_cast %mul3A_761 : vector<16xf32> to vector<1x1x16xf32>
        tpu.vector_store %arg6[%swap3A_763, %swap3A_764, %swap3A_765], %swap3A_768 {strides = array<i32>} : memref<2x800x16xf32, #tpu.memory_space<vmem>>, vector<1x1x16xf32>,
        %mul3A_769 = arith.constant 16 : i32
        %mul3A_770 = arith.muli %scan3A_471, %mul3A_769 : i32
        %add3A_771 = arith.constant 14 : i32
        %add3A_772 = arith.addi %mul3A_770, %add3A_771 : i32
        %get3A_773 = arith.constant 1 : i32
        %get3A_774 = arith.index_cast %get3A_773 : i32 to index
        %get3A_775 = arith.index_cast %add3A_772 : i32 to index
        %get3A_776 = arith.constant 0 : index
        %get3A_777 = tpu.vector_load %arg6[%get3A_774, %get3A_775, %get3A_776] {strides = array<i32>} : memref<2x800x16xf32, #tpu.memory_space<vmem>>, vector<1x1x16xf32>,
        %get3A_778 = vector.shape_cast %get3A_777 : vector<1x1x16xf32> to vector<16xf32>
        %slice3A_779 = vector.extract_strided_slice %get3A_477 {offsets = [14], sizes = [1], strides = [1]} : vector<16xf32> to vector<1xf32>
        %squeeze3A_780 = vector.extract %slice3A_779[0] : f32 from vector<1xf32>
        %mul3A_781 = vector.broadcast %squeeze3A_780 : f32 to vector<16xf32>
        %mul3A_782 = arith.mulf %get3A_778, %mul3A_781 : vector<16xf32>
        %swap3A_783 = arith.constant 1 : i32
        %swap3A_784 = arith.index_cast %swap3A_783 : i32 to index
        %swap3A_785 = arith.index_cast %add3A_772 : i32 to index
        %swap3A_786 = arith.constant 0 : index
        %swap3A_787 = tpu.vector_load %arg6[%swap3A_784, %swap3A_785, %swap3A_786] {strides = array<i32>} : memref<2x800x16xf32, #tpu.memory_space<vmem>>, vector<1x1x16xf32>,
        %swap3A_788 = vector.shape_cast %swap3A_787 : vector<1x1x16xf32> to vector<16xf32>
        %swap3A_789 = vector.shape_cast %mul3A_782 : vector<16xf32> to vector<1x1x16xf32>
        tpu.vector_store %arg6[%swap3A_784, %swap3A_785, %swap3A_786], %swap3A_789 {strides = array<i32>} : memref<2x800x16xf32, #tpu.memory_space<vmem>>, vector<1x1x16xf32>,
        %mul3A_790 = arith.constant 16 : i32
        %mul3A_791 = arith.muli %scan3A_471, %mul3A_790 : i32
        %add3A_792 = arith.constant 15 : i32
        %add3A_793 = arith.addi %mul3A_791, %add3A_792 : i32
        %get3A_794 = arith.constant 1 : i32
        %get3A_795 = arith.index_cast %get3A_794 : i32 to index
        %get3A_796 = arith.index_cast %add3A_793 : i32 to index
        %get3A_797 = arith.constant 0 : index
        %get3A_798 = tpu.vector_load %arg6[%get3A_795, %get3A_796, %get3A_797] {strides = array<i32>} : memref<2x800x16xf32, #tpu.memory_space<vmem>>, vector<1x1x16xf32>,
        %get3A_799 = vector.shape_cast %get3A_798 : vector<1x1x16xf32> to vector<16xf32>
        %slice3A_800 = vector.extract_strided_slice %get3A_477 {offsets = [15], sizes = [1], strides = [1]} : vector<16xf32> to vector<1xf32>
        %squeeze3A_801 = vector.extract %slice3A_800[0] : f32 from vector<1xf32>
        %mul3A_802 = vector.broadcast %squeeze3A_801 : f32 to vector<16xf32>
        %mul3A_803 = arith.mulf %get3A_799, %mul3A_802 : vector<16xf32>
        %swap3A_804 = arith.constant 1 : i32
        %swap3A_805 = arith.index_cast %swap3A_804 : i32 to index
        %swap3A_806 = arith.index_cast %add3A_793 : i32 to index
        %swap3A_807 = arith.constant 0 : index
        %swap3A_808 = tpu.vector_load %arg6[%swap3A_805, %swap3A_806, %swap3A_807] {strides = array<i32>} : memref<2x800x16xf32, #tpu.memory_space<vmem>>, vector<1x1x16xf32>,
        %swap3A_809 = vector.shape_cast %swap3A_808 : vector<1x1x16xf32> to vector<16xf32>
        %swap3A_810 = vector.shape_cast %mul3A_803 : vector<16xf32> to vector<1x1x16xf32>
        tpu.vector_store %arg6[%swap3A_805, %swap3A_806, %swap3A_807], %swap3A_810 {strides = array<i32>} : memref<2x800x16xf32, #tpu.memory_space<vmem>>, vector<1x1x16xf32>,
      }
      %scan3A_461 = arith.constant 50 : i32
      %run_scoped3A_462 = arith.constant 1 : i32
      %run_scoped3A_463 = arith.constant 1 : i32
      "tpu.region"() ({
        %run_scoped3A_471 = tpu.sem_alloc : memref<!tpu.dma_semaphore, #tpu.memory_space<semaphore_mem>>
        %dma_start3A_472 = arith.constant 0 : i32
        %dma_start3A_473 = arith.constant 0 : i32
        %dma_start3A_474 = tpu.memref_slice %arg6[%run_scoped3A_462, %dma_start3A_472, %dma_start3A_473] : memref<2x800x16xf32, #tpu.memory_space<vmem>> -> memref<1x800x16xf32, #tpu.memory_space<vmem>>
        %dma_start3A_475 = tpu.memref_squeeze %dma_start3A_474 : memref<1x800x16xf32, #tpu.memory_space<vmem>> -> memref<800x16xf32, #tpu.memory_space<vmem>>
        %dma_start3A_476 = arith.constant 0 : i32
        %dma_start3A_477 = tpu.memref_slice %arg8[%run_scoped3A_463, %dma_start3A_476] : memref<2x800xi32, #tpu.memory_space<vmem>> -> memref<1x800xi32, #tpu.memory_space<vmem>>
        %dma_start3A_478 = tpu.memref_squeeze %dma_start3A_477 : memref<1x800xi32, #tpu.memory_space<vmem>> -> memref<800xi32, #tpu.memory_space<vmem>>
        %dma_start3A_479 = arith.constant 0 : i32
        %dma_start3A_480 = arith.constant 0 : i32
        %dma_start3A_481 = tpu.memref_slice %arg9[%dma_start3A_479, %dma_start3A_480] : memref<102144x16xf32, #tpu.memory_space<vmem_shared>> -> memref<102144x16xf32, #tpu.memory_space<vmem_shared>>
        tpu.enqueue_indirect_dma source(%dma_start3A_475 : memref<800x16xf32, #tpu.memory_space<vmem>>) target(%dma_start3A_481 : memref<102144x16xf32, #tpu.memory_space<vmem_shared>>) offsets(%dma_start3A_478 : memref<800xi32, #tpu.memory_space<vmem>>) semaphore(%run_scoped3A_471 : memref<!tpu.dma_semaphore, #tpu.memory_space<semaphore_mem>>) {add = true}
        %dma_wait3A_482 = arith.constant 0 : i32
        %dma_wait3A_483 = arith.constant 0 : i32
        %dma_wait3A_484 = tpu.memref_slice %arg6[%run_scoped3A_462, %dma_wait3A_482, %dma_wait3A_483] : memref<2x800x16xf32, #tpu.memory_space<vmem>> -> memref<1x800x16xf32, #tpu.memory_space<vmem>>
        %dma_wait3A_485 = tpu.memref_squeeze %dma_wait3A_484 : memref<1x800x16xf32, #tpu.memory_space<vmem>> -> memref<800x16xf32, #tpu.memory_space<vmem>>
        %dma_wait3A_486 = arith.constant 0 : i32
        %dma_wait3A_487 = tpu.memref_slice %arg8[%run_scoped3A_463, %dma_wait3A_486] : memref<2x800xi32, #tpu.memory_space<vmem>> -> memref<1x800xi32, #tpu.memory_space<vmem>>
        %dma_wait3A_488 = tpu.memref_squeeze %dma_wait3A_487 : memref<1x800xi32, #tpu.memory_space<vmem>> -> memref<800xi32, #tpu.memory_space<vmem>>
        %dma_wait3A_489 = arith.constant 0 : i32
        %dma_wait3A_490 = arith.constant 0 : i32
        %dma_wait3A_491 = tpu.memref_slice %arg9[%dma_wait3A_489, %dma_wait3A_490] : memref<102144x16xf32, #tpu.memory_space<vmem_shared>> -> memref<102144x16xf32, #tpu.memory_space<vmem_shared>>
        tpu.wait_indirect_dma semaphore(%run_scoped3A_471 : memref<!tpu.dma_semaphore, #tpu.memory_space<semaphore_mem>>) src(%dma_wait3A_485 : memref<800x16xf32, #tpu.memory_space<vmem>>) dst(%dma_wait3A_491 : memref<102144x16xf32, #tpu.memory_space<vmem_shared>>)
        tpu.yield
      }) : () -> ()
      %add3A_464 = arith.constant 2 : i32
      %add3A_465 = arith.addi %add3A_410, %add3A_464 : i32
      %lt3A_466 = arith.constant 125 : i32
      %lt3A_467 = arith.cmpi slt, %add3A_465, %lt3A_466 : i32
      %convert_element_type3A_468 = arith.extui %lt3A_467 : i1 to i32
      %cond3A_469 = arith.constant 0 : i32
      %cond3A_470 = arith.cmpi ne, %convert_element_type3A_468, %cond3A_469 : i32
      scf.if %cond3A_470 {
        %add3A_471 = arith.constant 2 : i32
        %add3A_472 = arith.addi %add3A_410, %add3A_471 : i32
        %mul3A_473 = arith.constant 100000 : i32
        %mul3A_474 = arith.muli %add3A, %mul3A_473 : i32
        %mul3A_475 = arith.constant 800 : i32
        %mul3A_476 = arith.muli %add3A_472, %mul3A_475 : i32
        %add3A_477 = arith.addi %mul3A_474, %mul3A_476 : i32
        %dma_start3A_478 = arith.constant 1 : i32
        %dma_start3A_479 = arith.constant 1 : i32
        %dma_start3A_480 = arith.constant 0 : i32
        %dma_start3A_481 = arith.constant 0 : i32
        %dma_start3A_482 = tpu.memref_slice %arg6[%dma_start3A_478, %dma_start3A_480, %dma_start3A_481] : memref<2x800x16xf32, #tpu.memory_space<vmem>> -> memref<1x800x16xf32, #tpu.memory_space<vmem>>
        %dma_start3A_483 = tpu.memref_squeeze %dma_start3A_482 : memref<1x800x16xf32, #tpu.memory_space<vmem>> -> memref<800x16xf32, #tpu.memory_space<vmem>>
        %dma_start3A_484 = arith.constant 0 : i32
        %dma_start3A_485 = tpu.memref_slice %arg2[%add3A_477, %dma_start3A_484] : memref<3200000x16xf32, #tpu.memory_space<hbm>> -> memref<800x16xf32, #tpu.memory_space<hbm>>
        %dma_start3A_486 = tpu.memref_slice %arg10[%dma_start3A_479] : memref<2x!tpu.dma_semaphore, #tpu.memory_space<semaphore_mem>> -> memref<1x!tpu.dma_semaphore, #tpu.memory_space<semaphore_mem>>
        %dma_start3A_487 = tpu.memref_squeeze %dma_start3A_486 : memref<1x!tpu.dma_semaphore, #tpu.memory_space<semaphore_mem>> -> memref<!tpu.dma_semaphore, #tpu.memory_space<semaphore_mem>>
        %dma_start3A_488 = arith.constant 0 : i32
        %dma_start3A_489 = arith.constant 0 : i32
        %dma_start3A_490 = tpu.memref_slice %arg6[%dma_start3A_478, %dma_start3A_488, %dma_start3A_489] : memref<2x800x16xf32, #tpu.memory_space<vmem>> -> memref<1x800x16xf32, #tpu.memory_space<vmem>>
        %dma_start3A_491 = tpu.memref_squeeze %dma_start3A_490 : memref<1x800x16xf32, #tpu.memory_space<vmem>> -> memref<800x16xf32, #tpu.memory_space<vmem>>
        %dma_start3A_492 = arith.constant 0 : i32
        %dma_start3A_493 = tpu.memref_slice %arg2[%add3A_477, %dma_start3A_492] : memref<3200000x16xf32, #tpu.memory_space<hbm>> -> memref<800x16xf32, #tpu.memory_space<hbm>>
        tpu.enqueue_dma source(%dma_start3A_493 : memref<800x16xf32, #tpu.memory_space<hbm>>) target(%dma_start3A_491 : memref<800x16xf32, #tpu.memory_space<vmem>>) target_semaphore(%dma_start3A_487 : memref<!tpu.dma_semaphore, #tpu.memory_space<semaphore_mem>>)
        %dma_start3A_494 = arith.constant 1 : i32
        %dma_start3A_495 = arith.constant 1 : i32
        %dma_start3A_496 = arith.constant 0 : i32
        %dma_start3A_497 = tpu.memref_slice %arg7[%dma_start3A_494, %dma_start3A_496] : memref<2x800xf32, #tpu.memory_space<vmem>> -> memref<1x800xf32, #tpu.memory_space<vmem>>
        %dma_start3A_498 = tpu.memref_squeeze %dma_start3A_497 : memref<1x800xf32, #tpu.memory_space<vmem>> -> memref<800xf32, #tpu.memory_space<vmem>>
        %dma_start3A_499 = tpu.memref_slice %arg3[%add3A_477] : memref<3200000xf32, #tpu.memory_space<hbm>> -> memref<800xf32, #tpu.memory_space<hbm>>
        %dma_start3A_500 = tpu.memref_slice %arg10[%dma_start3A_495] : memref<2x!tpu.dma_semaphore, #tpu.memory_space<semaphore_mem>> -> memref<1x!tpu.dma_semaphore, #tpu.memory_space<semaphore_mem>>
        %dma_start3A_501 = tpu.memref_squeeze %dma_start3A_500 : memref<1x!tpu.dma_semaphore, #tpu.memory_space<semaphore_mem>> -> memref<!tpu.dma_semaphore, #tpu.memory_space<semaphore_mem>>
        %dma_start3A_502 = arith.constant 0 : i32
        %dma_start3A_503 = tpu.memref_slice %arg7[%dma_start3A_494, %dma_start3A_502] : memref<2x800xf32, #tpu.memory_space<vmem>> -> memref<1x800xf32, #tpu.memory_space<vmem>>
        %dma_start3A_504 = tpu.memref_squeeze %dma_start3A_503 : memref<1x800xf32, #tpu.memory_space<vmem>> -> memref<800xf32, #tpu.memory_space<vmem>>
        %dma_start3A_505 = tpu.memref_slice %arg3[%add3A_477] : memref<3200000xf32, #tpu.memory_space<hbm>> -> memref<800xf32, #tpu.memory_space<hbm>>
        tpu.enqueue_dma source(%dma_start3A_505 : memref<800xf32, #tpu.memory_space<hbm>>) target(%dma_start3A_504 : memref<800xf32, #tpu.memory_space<vmem>>) target_semaphore(%dma_start3A_501 : memref<!tpu.dma_semaphore, #tpu.memory_space<semaphore_mem>>)
        %dma_start3A_506 = arith.constant 1 : i32
        %dma_start3A_507 = arith.constant 1 : i32
        %dma_start3A_508 = arith.constant 0 : i32
        %dma_start3A_509 = tpu.memref_slice %arg8[%dma_start3A_506, %dma_start3A_508] : memref<2x800xi32, #tpu.memory_space<vmem>> -> memref<1x800xi32, #tpu.memory_space<vmem>>
        %dma_start3A_510 = tpu.memref_squeeze %dma_start3A_509 : memref<1x800xi32, #tpu.memory_space<vmem>> -> memref<800xi32, #tpu.memory_space<vmem>>
        %dma_start3A_511 = tpu.memref_slice %arg4[%add3A_477] : memref<3200000xi32, #tpu.memory_space<hbm>> -> memref<800xi32, #tpu.memory_space<hbm>>
        %dma_start3A_512 = tpu.memref_slice %arg10[%dma_start3A_507] : memref<2x!tpu.dma_semaphore, #tpu.memory_space<semaphore_mem>> -> memref<1x!tpu.dma_semaphore, #tpu.memory_space<semaphore_mem>>
        %dma_start3A_513 = tpu.memref_squeeze %dma_start3A_512 : memref<1x!tpu.dma_semaphore, #tpu.memory_space<semaphore_mem>> -> memref<!tpu.dma_semaphore, #tpu.memory_space<semaphore_mem>>
        %dma_start3A_514 = arith.constant 0 : i32
        %dma_start3A_515 = tpu.memref_slice %arg8[%dma_start3A_506, %dma_start3A_514] : memref<2x800xi32, #tpu.memory_space<vmem>> -> memref<1x800xi32, #tpu.memory_space<vmem>>
        %dma_start3A_516 = tpu.memref_squeeze %dma_start3A_515 : memref<1x800xi32, #tpu.memory_space<vmem>> -> memref<800xi32, #tpu.memory_space<vmem>>
        %dma_start3A_517 = tpu.memref_slice %arg4[%add3A_477] : memref<3200000xi32, #tpu.memory_space<hbm>> -> memref<800xi32, #tpu.memory_space<hbm>>
        tpu.enqueue_dma source(%dma_start3A_517 : memref<800xi32, #tpu.memory_space<hbm>>) target(%dma_start3A_516 : memref<800xi32, #tpu.memory_space<vmem>>) target_semaphore(%dma_start3A_513 : memref<!tpu.dma_semaphore, #tpu.memory_space<semaphore_mem>>)
      } else {
      }
    }
    %scan3A_165 = arith.constant 62 : i32
    %dma_wait3A = arith.constant 0 : i32
    %dma_wait3A_166 = arith.constant 0 : i32
    %dma_wait3A_167 = arith.constant 0 : i32
    %dma_wait3A_168 = arith.constant 0 : i32
    %dma_wait3A_169 = tpu.memref_slice %arg6[%dma_wait3A, %dma_wait3A_167, %dma_wait3A_168] : memref<2x800x16xf32, #tpu.memory_space<vmem>> -> memref<1x800x16xf32, #tpu.memory_space<vmem>>
    %dma_wait3A_170 = tpu.memref_squeeze %dma_wait3A_169 : memref<1x800x16xf32, #tpu.memory_space<vmem>> -> memref<800x16xf32, #tpu.memory_space<vmem>>
    %dma_wait3A_171 = arith.constant 0 : i32
    %dma_wait3A_172 = arith.constant 0 : i32
    %dma_wait3A_173 = tpu.memref_slice %arg2[%dma_wait3A_171, %dma_wait3A_172] : memref<3200000x16xf32, #tpu.memory_space<hbm>> -> memref<800x16xf32, #tpu.memory_space<hbm>>
    %dma_wait3A_174 = tpu.memref_slice %arg10[%dma_wait3A_166] : memref<2x!tpu.dma_semaphore, #tpu.memory_space<semaphore_mem>> -> memref<1x!tpu.dma_semaphore, #tpu.memory_space<semaphore_mem>>
    %dma_wait3A_175 = tpu.memref_squeeze %dma_wait3A_174 : memref<1x!tpu.dma_semaphore, #tpu.memory_space<semaphore_mem>> -> memref<!tpu.dma_semaphore, #tpu.memory_space<semaphore_mem>>
    %dma_wait3A_176 = arith.constant 0 : i32
    %dma_wait3A_177 = arith.constant 0 : i32
    %dma_wait3A_178 = tpu.memref_slice %arg6[%dma_wait3A, %dma_wait3A_176, %dma_wait3A_177] : memref<2x800x16xf32, #tpu.memory_space<vmem>> -> memref<1x800x16xf32, #tpu.memory_space<vmem>>
    %dma_wait3A_179 = tpu.memref_squeeze %dma_wait3A_178 : memref<1x800x16xf32, #tpu.memory_space<vmem>> -> memref<800x16xf32, #tpu.memory_space<vmem>>
    %dma_wait3A_180 = arith.constant 0 : i32
    %dma_wait3A_181 = arith.constant 0 : i32
    %dma_wait3A_182 = tpu.memref_slice %arg2[%dma_wait3A_180, %dma_wait3A_181] : memref<3200000x16xf32, #tpu.memory_space<hbm>> -> memref<800x16xf32, #tpu.memory_space<hbm>>
    tpu.wait_dma2 semaphore(%dma_wait3A_175 : memref<!tpu.dma_semaphore, #tpu.memory_space<semaphore_mem>>) src(%dma_wait3A_182 : memref<800x16xf32, #tpu.memory_space<hbm>>) dst(%dma_wait3A_179 : memref<800x16xf32, #tpu.memory_space<vmem>>)
    %dma_wait3A_183 = arith.constant 0 : i32
    %dma_wait3A_184 = arith.constant 0 : i32
    %dma_wait3A_185 = arith.constant 0 : i32
    %dma_wait3A_186 = tpu.memref_slice %arg7[%dma_wait3A_183, %dma_wait3A_185] : memref<2x800xf32, #tpu.memory_space<vmem>> -> memref<1x800xf32, #tpu.memory_space<vmem>>
    %dma_wait3A_187 = tpu.memref_squeeze %dma_wait3A_186 : memref<1x800xf32, #tpu.memory_space<vmem>> -> memref<800xf32, #tpu.memory_space<vmem>>
    %dma_wait3A_188 = arith.constant 0 : i32
    %dma_wait3A_189 = tpu.memref_slice %arg3[%dma_wait3A_188] : memref<3200000xf32, #tpu.memory_space<hbm>> -> memref<800xf32, #tpu.memory_space<hbm>>
    %dma_wait3A_190 = tpu.memref_slice %arg10[%dma_wait3A_184] : memref<2x!tpu.dma_semaphore, #tpu.memory_space<semaphore_mem>> -> memref<1x!tpu.dma_semaphore, #tpu.memory_space<semaphore_mem>>
    %dma_wait3A_191 = tpu.memref_squeeze %dma_wait3A_190 : memref<1x!tpu.dma_semaphore, #tpu.memory_space<semaphore_mem>> -> memref<!tpu.dma_semaphore, #tpu.memory_space<semaphore_mem>>
    %dma_wait3A_192 = arith.constant 0 : i32
    %dma_wait3A_193 = tpu.memref_slice %arg7[%dma_wait3A_183, %dma_wait3A_192] : memref<2x800xf32, #tpu.memory_space<vmem>> -> memref<1x800xf32, #tpu.memory_space<vmem>>
    %dma_wait3A_194 = tpu.memref_squeeze %dma_wait3A_193 : memref<1x800xf32, #tpu.memory_space<vmem>> -> memref<800xf32, #tpu.memory_space<vmem>>
    %dma_wait3A_195 = arith.constant 0 : i32
    %dma_wait3A_196 = tpu.memref_slice %arg3[%dma_wait3A_195] : memref<3200000xf32, #tpu.memory_space<hbm>> -> memref<800xf32, #tpu.memory_space<hbm>>
    tpu.wait_dma2 semaphore(%dma_wait3A_191 : memref<!tpu.dma_semaphore, #tpu.memory_space<semaphore_mem>>) src(%dma_wait3A_196 : memref<800xf32, #tpu.memory_space<hbm>>) dst(%dma_wait3A_194 : memref<800xf32, #tpu.memory_space<vmem>>)
    %dma_wait3A_197 = arith.constant 0 : i32
    %dma_wait3A_198 = arith.constant 0 : i32
    %dma_wait3A_199 = arith.constant 0 : i32
    %dma_wait3A_200 = tpu.memref_slice %arg8[%dma_wait3A_197, %dma_wait3A_199] : memref<2x800xi32, #tpu.memory_space<vmem>> -> memref<1x800xi32, #tpu.memory_space<vmem>>
    %dma_wait3A_201 = tpu.memref_squeeze %dma_wait3A_200 : memref<1x800xi32, #tpu.memory_space<vmem>> -> memref<800xi32, #tpu.memory_space<vmem>>
    %dma_wait3A_202 = arith.constant 0 : i32
    %dma_wait3A_203 = tpu.memref_slice %arg4[%dma_wait3A_202] : memref<3200000xi32, #tpu.memory_space<hbm>> -> memref<800xi32, #tpu.memory_space<hbm>>
    %dma_wait3A_204 = tpu.memref_slice %arg10[%dma_wait3A_198] : memref<2x!tpu.dma_semaphore, #tpu.memory_space<semaphore_mem>> -> memref<1x!tpu.dma_semaphore, #tpu.memory_space<semaphore_mem>>
    %dma_wait3A_205 = tpu.memref_squeeze %dma_wait3A_204 : memref<1x!tpu.dma_semaphore, #tpu.memory_space<semaphore_mem>> -> memref<!tpu.dma_semaphore, #tpu.memory_space<semaphore_mem>>
    %dma_wait3A_206 = arith.constant 0 : i32
    %dma_wait3A_207 = tpu.memref_slice %arg8[%dma_wait3A_197, %dma_wait3A_206] : memref<2x800xi32, #tpu.memory_space<vmem>> -> memref<1x800xi32, #tpu.memory_space<vmem>>
    %dma_wait3A_208 = tpu.memref_squeeze %dma_wait3A_207 : memref<1x800xi32, #tpu.memory_space<vmem>> -> memref<800xi32, #tpu.memory_space<vmem>>
    %dma_wait3A_209 = arith.constant 0 : i32
    %dma_wait3A_210 = tpu.memref_slice %arg4[%dma_wait3A_209] : memref<3200000xi32, #tpu.memory_space<hbm>> -> memref<800xi32, #tpu.memory_space<hbm>>
    tpu.wait_dma2 semaphore(%dma_wait3A_205 : memref<!tpu.dma_semaphore, #tpu.memory_space<semaphore_mem>>) src(%dma_wait3A_210 : memref<800xi32, #tpu.memory_space<hbm>>) dst(%dma_wait3A_208 : memref<800xi32, #tpu.memory_space<vmem>>)
    %scan3A_211 = arith.constant 0 : i32
    %scan3A_212 = arith.constant 50 : i32
    %scan3A_213 = arith.addi %scan3A_211, %scan3A_212 : i32
    %scan3A_214 = arith.constant 1 : i32
    scf.for %scan3A_345 = %scan3A_211 to %scan3A_213 step %scan3A_214  : i32 {
      %mul3A_346 = arith.constant 16 : i32
      %mul3A_347 = arith.muli %scan3A_345, %mul3A_346 : i32
      %get3A = arith.constant 0 : i32
      %get3A_348 = arith.index_cast %get3A : i32 to index
      %get3A_349 = arith.index_cast %mul3A_347 : i32 to index
      %get3A_350 = tpu.vector_load %arg7[%get3A_348, %get3A_349] {strides = array<i32>} : memref<2x800xf32, #tpu.memory_space<vmem>>, vector<1x16xf32>,
      %get3A_351 = vector.shape_cast %get3A_350 : vector<1x16xf32> to vector<16xf32>
      %mul3A_352 = arith.constant 16 : i32
      %mul3A_353 = arith.muli %scan3A_345, %mul3A_352 : i32
      %add3A_354 = arith.constant 0 : i32
      %add3A_355 = arith.addi %mul3A_353, %add3A_354 : i32
      %get3A_356 = arith.constant 0 : i32
      %get3A_357 = arith.index_cast %get3A_356 : i32 to index
      %get3A_358 = arith.index_cast %add3A_355 : i32 to index
      %get3A_359 = arith.constant 0 : index
      %get3A_360 = tpu.vector_load %arg6[%get3A_357, %get3A_358, %get3A_359] {strides = array<i32>} : memref<2x800x16xf32, #tpu.memory_space<vmem>>, vector<1x1x16xf32>,
      %get3A_361 = vector.shape_cast %get3A_360 : vector<1x1x16xf32> to vector<16xf32>
      %slice3A = vector.extract_strided_slice %get3A_351 {offsets = [0], sizes = [1], strides = [1]} : vector<16xf32> to vector<1xf32>
      %squeeze3A = vector.extract %slice3A[0] : f32 from vector<1xf32>
      %mul3A_362 = vector.broadcast %squeeze3A : f32 to vector<16xf32>
      %mul3A_363 = arith.mulf %get3A_361, %mul3A_362 : vector<16xf32>
      %swap3A = arith.constant 0 : i32
      %swap3A_364 = arith.index_cast %swap3A : i32 to index
      %swap3A_365 = arith.index_cast %add3A_355 : i32 to index
      %swap3A_366 = arith.constant 0 : index
      %swap3A_367 = tpu.vector_load %arg6[%swap3A_364, %swap3A_365, %swap3A_366] {strides = array<i32>} : memref<2x800x16xf32, #tpu.memory_space<vmem>>, vector<1x1x16xf32>,
      %swap3A_368 = vector.shape_cast %swap3A_367 : vector<1x1x16xf32> to vector<16xf32>
      %swap3A_369 = vector.shape_cast %mul3A_363 : vector<16xf32> to vector<1x1x16xf32>
      tpu.vector_store %arg6[%swap3A_364, %swap3A_365, %swap3A_366], %swap3A_369 {strides = array<i32>} : memref<2x800x16xf32, #tpu.memory_space<vmem>>, vector<1x1x16xf32>,
      %mul3A_370 = arith.constant 16 : i32
      %mul3A_371 = arith.muli %scan3A_345, %mul3A_370 : i32
      %add3A_372 = arith.constant 1 : i32
      %add3A_373 = arith.addi %mul3A_371, %add3A_372 : i32
      %get3A_374 = arith.constant 0 : i32
      %get3A_375 = arith.index_cast %get3A_374 : i32 to index
      %get3A_376 = arith.index_cast %add3A_373 : i32 to index
      %get3A_377 = arith.constant 0 : index
      %get3A_378 = tpu.vector_load %arg6[%get3A_375, %get3A_376, %get3A_377] {strides = array<i32>} : memref<2x800x16xf32, #tpu.memory_space<vmem>>, vector<1x1x16xf32>,
      %get3A_379 = vector.shape_cast %get3A_378 : vector<1x1x16xf32> to vector<16xf32>
      %slice3A_380 = vector.extract_strided_slice %get3A_351 {offsets = [1], sizes = [1], strides = [1]} : vector<16xf32> to vector<1xf32>
      %squeeze3A_381 = vector.extract %slice3A_380[0] : f32 from vector<1xf32>
      %mul3A_382 = vector.broadcast %squeeze3A_381 : f32 to vector<16xf32>
      %mul3A_383 = arith.mulf %get3A_379, %mul3A_382 : vector<16xf32>
      %swap3A_384 = arith.constant 0 : i32
      %swap3A_385 = arith.index_cast %swap3A_384 : i32 to index
      %swap3A_386 = arith.index_cast %add3A_373 : i32 to index
      %swap3A_387 = arith.constant 0 : index
      %swap3A_388 = tpu.vector_load %arg6[%swap3A_385, %swap3A_386, %swap3A_387] {strides = array<i32>} : memref<2x800x16xf32, #tpu.memory_space<vmem>>, vector<1x1x16xf32>,
      %swap3A_389 = vector.shape_cast %swap3A_388 : vector<1x1x16xf32> to vector<16xf32>
      %swap3A_390 = vector.shape_cast %mul3A_383 : vector<16xf32> to vector<1x1x16xf32>
      tpu.vector_store %arg6[%swap3A_385, %swap3A_386, %swap3A_387], %swap3A_390 {strides = array<i32>} : memref<2x800x16xf32, #tpu.memory_space<vmem>>, vector<1x1x16xf32>,
      %mul3A_391 = arith.constant 16 : i32
      %mul3A_392 = arith.muli %scan3A_345, %mul3A_391 : i32
      %add3A_393 = arith.constant 2 : i32
      %add3A_394 = arith.addi %mul3A_392, %add3A_393 : i32
      %get3A_395 = arith.constant 0 : i32
      %get3A_396 = arith.index_cast %get3A_395 : i32 to index
      %get3A_397 = arith.index_cast %add3A_394 : i32 to index
      %get3A_398 = arith.constant 0 : index
      %get3A_399 = tpu.vector_load %arg6[%get3A_396, %get3A_397, %get3A_398] {strides = array<i32>} : memref<2x800x16xf32, #tpu.memory_space<vmem>>, vector<1x1x16xf32>,
      %get3A_400 = vector.shape_cast %get3A_399 : vector<1x1x16xf32> to vector<16xf32>
      %slice3A_401 = vector.extract_strided_slice %get3A_351 {offsets = [2], sizes = [1], strides = [1]} : vector<16xf32> to vector<1xf32>
      %squeeze3A_402 = vector.extract %slice3A_401[0] : f32 from vector<1xf32>
      %mul3A_403 = vector.broadcast %squeeze3A_402 : f32 to vector<16xf32>
      %mul3A_404 = arith.mulf %get3A_400, %mul3A_403 : vector<16xf32>
      %swap3A_405 = arith.constant 0 : i32
      %swap3A_406 = arith.index_cast %swap3A_405 : i32 to index
      %swap3A_407 = arith.index_cast %add3A_394 : i32 to index
      %swap3A_408 = arith.constant 0 : index
      %swap3A_409 = tpu.vector_load %arg6[%swap3A_406, %swap3A_407, %swap3A_408] {strides = array<i32>} : memref<2x800x16xf32, #tpu.memory_space<vmem>>, vector<1x1x16xf32>,
      %swap3A_410 = vector.shape_cast %swap3A_409 : vector<1x1x16xf32> to vector<16xf32>
      %swap3A_411 = vector.shape_cast %mul3A_404 : vector<16xf32> to vector<1x1x16xf32>
      tpu.vector_store %arg6[%swap3A_406, %swap3A_407, %swap3A_408], %swap3A_411 {strides = array<i32>} : memref<2x800x16xf32, #tpu.memory_space<vmem>>, vector<1x1x16xf32>,
      %mul3A_412 = arith.constant 16 : i32
      %mul3A_413 = arith.muli %scan3A_345, %mul3A_412 : i32
      %add3A_414 = arith.constant 3 : i32
      %add3A_415 = arith.addi %mul3A_413, %add3A_414 : i32
      %get3A_416 = arith.constant 0 : i32
      %get3A_417 = arith.index_cast %get3A_416 : i32 to index
      %get3A_418 = arith.index_cast %add3A_415 : i32 to index
      %get3A_419 = arith.constant 0 : index
      %get3A_420 = tpu.vector_load %arg6[%get3A_417, %get3A_418, %get3A_419] {strides = array<i32>} : memref<2x800x16xf32, #tpu.memory_space<vmem>>, vector<1x1x16xf32>,
      %get3A_421 = vector.shape_cast %get3A_420 : vector<1x1x16xf32> to vector<16xf32>
      %slice3A_422 = vector.extract_strided_slice %get3A_351 {offsets = [3], sizes = [1], strides = [1]} : vector<16xf32> to vector<1xf32>
      %squeeze3A_423 = vector.extract %slice3A_422[0] : f32 from vector<1xf32>
      %mul3A_424 = vector.broadcast %squeeze3A_423 : f32 to vector<16xf32>
      %mul3A_425 = arith.mulf %get3A_421, %mul3A_424 : vector<16xf32>
      %swap3A_426 = arith.constant 0 : i32
      %swap3A_427 = arith.index_cast %swap3A_426 : i32 to index
      %swap3A_428 = arith.index_cast %add3A_415 : i32 to index
      %swap3A_429 = arith.constant 0 : index
      %swap3A_430 = tpu.vector_load %arg6[%swap3A_427, %swap3A_428, %swap3A_429] {strides = array<i32>} : memref<2x800x16xf32, #tpu.memory_space<vmem>>, vector<1x1x16xf32>,
      %swap3A_431 = vector.shape_cast %swap3A_430 : vector<1x1x16xf32> to vector<16xf32>
      %swap3A_432 = vector.shape_cast %mul3A_425 : vector<16xf32> to vector<1x1x16xf32>
      tpu.vector_store %arg6[%swap3A_427, %swap3A_428, %swap3A_429], %swap3A_432 {strides = array<i32>} : memref<2x800x16xf32, #tpu.memory_space<vmem>>, vector<1x1x16xf32>,
      %mul3A_433 = arith.constant 16 : i32
      %mul3A_434 = arith.muli %scan3A_345, %mul3A_433 : i32
      %add3A_435 = arith.constant 4 : i32
      %add3A_436 = arith.addi %mul3A_434, %add3A_435 : i32
      %get3A_437 = arith.constant 0 : i32
      %get3A_438 = arith.index_cast %get3A_437 : i32 to index
      %get3A_439 = arith.index_cast %add3A_436 : i32 to index
      %get3A_440 = arith.constant 0 : index
      %get3A_441 = tpu.vector_load %arg6[%get3A_438, %get3A_439, %get3A_440] {strides = array<i32>} : memref<2x800x16xf32, #tpu.memory_space<vmem>>, vector<1x1x16xf32>,
      %get3A_442 = vector.shape_cast %get3A_441 : vector<1x1x16xf32> to vector<16xf32>
      %slice3A_443 = vector.extract_strided_slice %get3A_351 {offsets = [4], sizes = [1], strides = [1]} : vector<16xf32> to vector<1xf32>
      %squeeze3A_444 = vector.extract %slice3A_443[0] : f32 from vector<1xf32>
      %mul3A_445 = vector.broadcast %squeeze3A_444 : f32 to vector<16xf32>
      %mul3A_446 = arith.mulf %get3A_442, %mul3A_445 : vector<16xf32>
      %swap3A_447 = arith.constant 0 : i32
      %swap3A_448 = arith.index_cast %swap3A_447 : i32 to index
      %swap3A_449 = arith.index_cast %add3A_436 : i32 to index
      %swap3A_450 = arith.constant 0 : index
      %swap3A_451 = tpu.vector_load %arg6[%swap3A_448, %swap3A_449, %swap3A_450] {strides = array<i32>} : memref<2x800x16xf32, #tpu.memory_space<vmem>>, vector<1x1x16xf32>,
      %swap3A_452 = vector.shape_cast %swap3A_451 : vector<1x1x16xf32> to vector<16xf32>
      %swap3A_453 = vector.shape_cast %mul3A_446 : vector<16xf32> to vector<1x1x16xf32>
      tpu.vector_store %arg6[%swap3A_448, %swap3A_449, %swap3A_450], %swap3A_453 {strides = array<i32>} : memref<2x800x16xf32, #tpu.memory_space<vmem>>, vector<1x1x16xf32>,
      %mul3A_454 = arith.constant 16 : i32
      %mul3A_455 = arith.muli %scan3A_345, %mul3A_454 : i32
      %add3A_456 = arith.constant 5 : i32
      %add3A_457 = arith.addi %mul3A_455, %add3A_456 : i32
      %get3A_458 = arith.constant 0 : i32
      %get3A_459 = arith.index_cast %get3A_458 : i32 to index
      %get3A_460 = arith.index_cast %add3A_457 : i32 to index
      %get3A_461 = arith.constant 0 : index
      %get3A_462 = tpu.vector_load %arg6[%get3A_459, %get3A_460, %get3A_461] {strides = array<i32>} : memref<2x800x16xf32, #tpu.memory_space<vmem>>, vector<1x1x16xf32>,
      %get3A_463 = vector.shape_cast %get3A_462 : vector<1x1x16xf32> to vector<16xf32>
      %slice3A_464 = vector.extract_strided_slice %get3A_351 {offsets = [5], sizes = [1], strides = [1]} : vector<16xf32> to vector<1xf32>
      %squeeze3A_465 = vector.extract %slice3A_464[0] : f32 from vector<1xf32>
      %mul3A_466 = vector.broadcast %squeeze3A_465 : f32 to vector<16xf32>
      %mul3A_467 = arith.mulf %get3A_463, %mul3A_466 : vector<16xf32>
      %swap3A_468 = arith.constant 0 : i32
      %swap3A_469 = arith.index_cast %swap3A_468 : i32 to index
      %swap3A_470 = arith.index_cast %add3A_457 : i32 to index
      %swap3A_471 = arith.constant 0 : index
      %swap3A_472 = tpu.vector_load %arg6[%swap3A_469, %swap3A_470, %swap3A_471] {strides = array<i32>} : memref<2x800x16xf32, #tpu.memory_space<vmem>>, vector<1x1x16xf32>,
      %swap3A_473 = vector.shape_cast %swap3A_472 : vector<1x1x16xf32> to vector<16xf32>
      %swap3A_474 = vector.shape_cast %mul3A_467 : vector<16xf32> to vector<1x1x16xf32>
      tpu.vector_store %arg6[%swap3A_469, %swap3A_470, %swap3A_471], %swap3A_474 {strides = array<i32>} : memref<2x800x16xf32, #tpu.memory_space<vmem>>, vector<1x1x16xf32>,
      %mul3A_475 = arith.constant 16 : i32
      %mul3A_476 = arith.muli %scan3A_345, %mul3A_475 : i32
      %add3A_477 = arith.constant 6 : i32
      %add3A_478 = arith.addi %mul3A_476, %add3A_477 : i32
      %get3A_479 = arith.constant 0 : i32
      %get3A_480 = arith.index_cast %get3A_479 : i32 to index
      %get3A_481 = arith.index_cast %add3A_478 : i32 to index
      %get3A_482 = arith.constant 0 : index
      %get3A_483 = tpu.vector_load %arg6[%get3A_480, %get3A_481, %get3A_482] {strides = array<i32>} : memref<2x800x16xf32, #tpu.memory_space<vmem>>, vector<1x1x16xf32>,
      %get3A_484 = vector.shape_cast %get3A_483 : vector<1x1x16xf32> to vector<16xf32>
      %slice3A_485 = vector.extract_strided_slice %get3A_351 {offsets = [6], sizes = [1], strides = [1]} : vector<16xf32> to vector<1xf32>
      %squeeze3A_486 = vector.extract %slice3A_485[0] : f32 from vector<1xf32>
      %mul3A_487 = vector.broadcast %squeeze3A_486 : f32 to vector<16xf32>
      %mul3A_488 = arith.mulf %get3A_484, %mul3A_487 : vector<16xf32>
      %swap3A_489 = arith.constant 0 : i32
      %swap3A_490 = arith.index_cast %swap3A_489 : i32 to index
      %swap3A_491 = arith.index_cast %add3A_478 : i32 to index
      %swap3A_492 = arith.constant 0 : index
      %swap3A_493 = tpu.vector_load %arg6[%swap3A_490, %swap3A_491, %swap3A_492] {strides = array<i32>} : memref<2x800x16xf32, #tpu.memory_space<vmem>>, vector<1x1x16xf32>,
      %swap3A_494 = vector.shape_cast %swap3A_493 : vector<1x1x16xf32> to vector<16xf32>
      %swap3A_495 = vector.shape_cast %mul3A_488 : vector<16xf32> to vector<1x1x16xf32>
      tpu.vector_store %arg6[%swap3A_490, %swap3A_491, %swap3A_492], %swap3A_495 {strides = array<i32>} : memref<2x800x16xf32, #tpu.memory_space<vmem>>, vector<1x1x16xf32>,
      %mul3A_496 = arith.constant 16 : i32
      %mul3A_497 = arith.muli %scan3A_345, %mul3A_496 : i32
      %add3A_498 = arith.constant 7 : i32
      %add3A_499 = arith.addi %mul3A_497, %add3A_498 : i32
      %get3A_500 = arith.constant 0 : i32
      %get3A_501 = arith.index_cast %get3A_500 : i32 to index
      %get3A_502 = arith.index_cast %add3A_499 : i32 to index
      %get3A_503 = arith.constant 0 : index
      %get3A_504 = tpu.vector_load %arg6[%get3A_501, %get3A_502, %get3A_503] {strides = array<i32>} : memref<2x800x16xf32, #tpu.memory_space<vmem>>, vector<1x1x16xf32>,
      %get3A_505 = vector.shape_cast %get3A_504 : vector<1x1x16xf32> to vector<16xf32>
      %slice3A_506 = vector.extract_strided_slice %get3A_351 {offsets = [7], sizes = [1], strides = [1]} : vector<16xf32> to vector<1xf32>
      %squeeze3A_507 = vector.extract %slice3A_506[0] : f32 from vector<1xf32>
      %mul3A_508 = vector.broadcast %squeeze3A_507 : f32 to vector<16xf32>
      %mul3A_509 = arith.mulf %get3A_505, %mul3A_508 : vector<16xf32>
      %swap3A_510 = arith.constant 0 : i32
      %swap3A_511 = arith.index_cast %swap3A_510 : i32 to index
      %swap3A_512 = arith.index_cast %add3A_499 : i32 to index
      %swap3A_513 = arith.constant 0 : index
      %swap3A_514 = tpu.vector_load %arg6[%swap3A_511, %swap3A_512, %swap3A_513] {strides = array<i32>} : memref<2x800x16xf32, #tpu.memory_space<vmem>>, vector<1x1x16xf32>,
      %swap3A_515 = vector.shape_cast %swap3A_514 : vector<1x1x16xf32> to vector<16xf32>
      %swap3A_516 = vector.shape_cast %mul3A_509 : vector<16xf32> to vector<1x1x16xf32>
      tpu.vector_store %arg6[%swap3A_511, %swap3A_512, %swap3A_513], %swap3A_516 {strides = array<i32>} : memref<2x800x16xf32, #tpu.memory_space<vmem>>, vector<1x1x16xf32>,
      %mul3A_517 = arith.constant 16 : i32
      %mul3A_518 = arith.muli %scan3A_345, %mul3A_517 : i32
      %add3A_519 = arith.constant 8 : i32
      %add3A_520 = arith.addi %mul3A_518, %add3A_519 : i32
      %get3A_521 = arith.constant 0 : i32
      %get3A_522 = arith.index_cast %get3A_521 : i32 to index
      %get3A_523 = arith.index_cast %add3A_520 : i32 to index
      %get3A_524 = arith.constant 0 : index
      %get3A_525 = tpu.vector_load %arg6[%get3A_522, %get3A_523, %get3A_524] {strides = array<i32>} : memref<2x800x16xf32, #tpu.memory_space<vmem>>, vector<1x1x16xf32>,
      %get3A_526 = vector.shape_cast %get3A_525 : vector<1x1x16xf32> to vector<16xf32>
      %slice3A_527 = vector.extract_strided_slice %get3A_351 {offsets = [8], sizes = [1], strides = [1]} : vector<16xf32> to vector<1xf32>
      %squeeze3A_528 = vector.extract %slice3A_527[0] : f32 from vector<1xf32>
      %mul3A_529 = vector.broadcast %squeeze3A_528 : f32 to vector<16xf32>
      %mul3A_530 = arith.mulf %get3A_526, %mul3A_529 : vector<16xf32>
      %swap3A_531 = arith.constant 0 : i32
      %swap3A_532 = arith.index_cast %swap3A_531 : i32 to index
      %swap3A_533 = arith.index_cast %add3A_520 : i32 to index
      %swap3A_534 = arith.constant 0 : index
      %swap3A_535 = tpu.vector_load %arg6[%swap3A_532, %swap3A_533, %swap3A_534] {strides = array<i32>} : memref<2x800x16xf32, #tpu.memory_space<vmem>>, vector<1x1x16xf32>,
      %swap3A_536 = vector.shape_cast %swap3A_535 : vector<1x1x16xf32> to vector<16xf32>
      %swap3A_537 = vector.shape_cast %mul3A_530 : vector<16xf32> to vector<1x1x16xf32>
      tpu.vector_store %arg6[%swap3A_532, %swap3A_533, %swap3A_534], %swap3A_537 {strides = array<i32>} : memref<2x800x16xf32, #tpu.memory_space<vmem>>, vector<1x1x16xf32>,
      %mul3A_538 = arith.constant 16 : i32
      %mul3A_539 = arith.muli %scan3A_345, %mul3A_538 : i32
      %add3A_540 = arith.constant 9 : i32
      %add3A_541 = arith.addi %mul3A_539, %add3A_540 : i32
      %get3A_542 = arith.constant 0 : i32
      %get3A_543 = arith.index_cast %get3A_542 : i32 to index
      %get3A_544 = arith.index_cast %add3A_541 : i32 to index
      %get3A_545 = arith.constant 0 : index
      %get3A_546 = tpu.vector_load %arg6[%get3A_543, %get3A_544, %get3A_545] {strides = array<i32>} : memref<2x800x16xf32, #tpu.memory_space<vmem>>, vector<1x1x16xf32>,
      %get3A_547 = vector.shape_cast %get3A_546 : vector<1x1x16xf32> to vector<16xf32>
      %slice3A_548 = vector.extract_strided_slice %get3A_351 {offsets = [9], sizes = [1], strides = [1]} : vector<16xf32> to vector<1xf32>
      %squeeze3A_549 = vector.extract %slice3A_548[0] : f32 from vector<1xf32>
      %mul3A_550 = vector.broadcast %squeeze3A_549 : f32 to vector<16xf32>
      %mul3A_551 = arith.mulf %get3A_547, %mul3A_550 : vector<16xf32>
      %swap3A_552 = arith.constant 0 : i32
      %swap3A_553 = arith.index_cast %swap3A_552 : i32 to index
      %swap3A_554 = arith.index_cast %add3A_541 : i32 to index
      %swap3A_555 = arith.constant 0 : index
      %swap3A_556 = tpu.vector_load %arg6[%swap3A_553, %swap3A_554, %swap3A_555] {strides = array<i32>} : memref<2x800x16xf32, #tpu.memory_space<vmem>>, vector<1x1x16xf32>,
      %swap3A_557 = vector.shape_cast %swap3A_556 : vector<1x1x16xf32> to vector<16xf32>
      %swap3A_558 = vector.shape_cast %mul3A_551 : vector<16xf32> to vector<1x1x16xf32>
      tpu.vector_store %arg6[%swap3A_553, %swap3A_554, %swap3A_555], %swap3A_558 {strides = array<i32>} : memref<2x800x16xf32, #tpu.memory_space<vmem>>, vector<1x1x16xf32>,
      %mul3A_559 = arith.constant 16 : i32
      %mul3A_560 = arith.muli %scan3A_345, %mul3A_559 : i32
      %add3A_561 = arith.constant 10 : i32
      %add3A_562 = arith.addi %mul3A_560, %add3A_561 : i32
      %get3A_563 = arith.constant 0 : i32
      %get3A_564 = arith.index_cast %get3A_563 : i32 to index
      %get3A_565 = arith.index_cast %add3A_562 : i32 to index
      %get3A_566 = arith.constant 0 : index
      %get3A_567 = tpu.vector_load %arg6[%get3A_564, %get3A_565, %get3A_566] {strides = array<i32>} : memref<2x800x16xf32, #tpu.memory_space<vmem>>, vector<1x1x16xf32>,
      %get3A_568 = vector.shape_cast %get3A_567 : vector<1x1x16xf32> to vector<16xf32>
      %slice3A_569 = vector.extract_strided_slice %get3A_351 {offsets = [10], sizes = [1], strides = [1]} : vector<16xf32> to vector<1xf32>
      %squeeze3A_570 = vector.extract %slice3A_569[0] : f32 from vector<1xf32>
      %mul3A_571 = vector.broadcast %squeeze3A_570 : f32 to vector<16xf32>
      %mul3A_572 = arith.mulf %get3A_568, %mul3A_571 : vector<16xf32>
      %swap3A_573 = arith.constant 0 : i32
      %swap3A_574 = arith.index_cast %swap3A_573 : i32 to index
      %swap3A_575 = arith.index_cast %add3A_562 : i32 to index
      %swap3A_576 = arith.constant 0 : index
      %swap3A_577 = tpu.vector_load %arg6[%swap3A_574, %swap3A_575, %swap3A_576] {strides = array<i32>} : memref<2x800x16xf32, #tpu.memory_space<vmem>>, vector<1x1x16xf32>,
      %swap3A_578 = vector.shape_cast %swap3A_577 : vector<1x1x16xf32> to vector<16xf32>
      %swap3A_579 = vector.shape_cast %mul3A_572 : vector<16xf32> to vector<1x1x16xf32>
      tpu.vector_store %arg6[%swap3A_574, %swap3A_575, %swap3A_576], %swap3A_579 {strides = array<i32>} : memref<2x800x16xf32, #tpu.memory_space<vmem>>, vector<1x1x16xf32>,
      %mul3A_580 = arith.constant 16 : i32
      %mul3A_581 = arith.muli %scan3A_345, %mul3A_580 : i32
      %add3A_582 = arith.constant 11 : i32
      %add3A_583 = arith.addi %mul3A_581, %add3A_582 : i32
      %get3A_584 = arith.constant 0 : i32
      %get3A_585 = arith.index_cast %get3A_584 : i32 to index
      %get3A_586 = arith.index_cast %add3A_583 : i32 to index
      %get3A_587 = arith.constant 0 : index
      %get3A_588 = tpu.vector_load %arg6[%get3A_585, %get3A_586, %get3A_587] {strides = array<i32>} : memref<2x800x16xf32, #tpu.memory_space<vmem>>, vector<1x1x16xf32>,
      %get3A_589 = vector.shape_cast %get3A_588 : vector<1x1x16xf32> to vector<16xf32>
      %slice3A_590 = vector.extract_strided_slice %get3A_351 {offsets = [11], sizes = [1], strides = [1]} : vector<16xf32> to vector<1xf32>
      %squeeze3A_591 = vector.extract %slice3A_590[0] : f32 from vector<1xf32>
      %mul3A_592 = vector.broadcast %squeeze3A_591 : f32 to vector<16xf32>
      %mul3A_593 = arith.mulf %get3A_589, %mul3A_592 : vector<16xf32>
      %swap3A_594 = arith.constant 0 : i32
      %swap3A_595 = arith.index_cast %swap3A_594 : i32 to index
      %swap3A_596 = arith.index_cast %add3A_583 : i32 to index
      %swap3A_597 = arith.constant 0 : index
      %swap3A_598 = tpu.vector_load %arg6[%swap3A_595, %swap3A_596, %swap3A_597] {strides = array<i32>} : memref<2x800x16xf32, #tpu.memory_space<vmem>>, vector<1x1x16xf32>,
      %swap3A_599 = vector.shape_cast %swap3A_598 : vector<1x1x16xf32> to vector<16xf32>
      %swap3A_600 = vector.shape_cast %mul3A_593 : vector<16xf32> to vector<1x1x16xf32>
      tpu.vector_store %arg6[%swap3A_595, %swap3A_596, %swap3A_597], %swap3A_600 {strides = array<i32>} : memref<2x800x16xf32, #tpu.memory_space<vmem>>, vector<1x1x16xf32>,
      %mul3A_601 = arith.constant 16 : i32
      %mul3A_602 = arith.muli %scan3A_345, %mul3A_601 : i32
      %add3A_603 = arith.constant 12 : i32
      %add3A_604 = arith.addi %mul3A_602, %add3A_603 : i32
      %get3A_605 = arith.constant 0 : i32
      %get3A_606 = arith.index_cast %get3A_605 : i32 to index
      %get3A_607 = arith.index_cast %add3A_604 : i32 to index
      %get3A_608 = arith.constant 0 : index
      %get3A_609 = tpu.vector_load %arg6[%get3A_606, %get3A_607, %get3A_608] {strides = array<i32>} : memref<2x800x16xf32, #tpu.memory_space<vmem>>, vector<1x1x16xf32>,
      %get3A_610 = vector.shape_cast %get3A_609 : vector<1x1x16xf32> to vector<16xf32>
      %slice3A_611 = vector.extract_strided_slice %get3A_351 {offsets = [12], sizes = [1], strides = [1]} : vector<16xf32> to vector<1xf32>
      %squeeze3A_612 = vector.extract %slice3A_611[0] : f32 from vector<1xf32>
      %mul3A_613 = vector.broadcast %squeeze3A_612 : f32 to vector<16xf32>
      %mul3A_614 = arith.mulf %get3A_610, %mul3A_613 : vector<16xf32>
      %swap3A_615 = arith.constant 0 : i32
      %swap3A_616 = arith.index_cast %swap3A_615 : i32 to index
      %swap3A_617 = arith.index_cast %add3A_604 : i32 to index
      %swap3A_618 = arith.constant 0 : index
      %swap3A_619 = tpu.vector_load %arg6[%swap3A_616, %swap3A_617, %swap3A_618] {strides = array<i32>} : memref<2x800x16xf32, #tpu.memory_space<vmem>>, vector<1x1x16xf32>,
      %swap3A_620 = vector.shape_cast %swap3A_619 : vector<1x1x16xf32> to vector<16xf32>
      %swap3A_621 = vector.shape_cast %mul3A_614 : vector<16xf32> to vector<1x1x16xf32>
      tpu.vector_store %arg6[%swap3A_616, %swap3A_617, %swap3A_618], %swap3A_621 {strides = array<i32>} : memref<2x800x16xf32, #tpu.memory_space<vmem>>, vector<1x1x16xf32>,
      %mul3A_622 = arith.constant 16 : i32
      %mul3A_623 = arith.muli %scan3A_345, %mul3A_622 : i32
      %add3A_624 = arith.constant 13 : i32
      %add3A_625 = arith.addi %mul3A_623, %add3A_624 : i32
      %get3A_626 = arith.constant 0 : i32
      %get3A_627 = arith.index_cast %get3A_626 : i32 to index
      %get3A_628 = arith.index_cast %add3A_625 : i32 to index
      %get3A_629 = arith.constant 0 : index
      %get3A_630 = tpu.vector_load %arg6[%get3A_627, %get3A_628, %get3A_629] {strides = array<i32>} : memref<2x800x16xf32, #tpu.memory_space<vmem>>, vector<1x1x16xf32>,
      %get3A_631 = vector.shape_cast %get3A_630 : vector<1x1x16xf32> to vector<16xf32>
      %slice3A_632 = vector.extract_strided_slice %get3A_351 {offsets = [13], sizes = [1], strides = [1]} : vector<16xf32> to vector<1xf32>
      %squeeze3A_633 = vector.extract %slice3A_632[0] : f32 from vector<1xf32>
      %mul3A_634 = vector.broadcast %squeeze3A_633 : f32 to vector<16xf32>
      %mul3A_635 = arith.mulf %get3A_631, %mul3A_634 : vector<16xf32>
      %swap3A_636 = arith.constant 0 : i32
      %swap3A_637 = arith.index_cast %swap3A_636 : i32 to index
      %swap3A_638 = arith.index_cast %add3A_625 : i32 to index
      %swap3A_639 = arith.constant 0 : index
      %swap3A_640 = tpu.vector_load %arg6[%swap3A_637, %swap3A_638, %swap3A_639] {strides = array<i32>} : memref<2x800x16xf32, #tpu.memory_space<vmem>>, vector<1x1x16xf32>,
      %swap3A_641 = vector.shape_cast %swap3A_640 : vector<1x1x16xf32> to vector<16xf32>
      %swap3A_642 = vector.shape_cast %mul3A_635 : vector<16xf32> to vector<1x1x16xf32>
      tpu.vector_store %arg6[%swap3A_637, %swap3A_638, %swap3A_639], %swap3A_642 {strides = array<i32>} : memref<2x800x16xf32, #tpu.memory_space<vmem>>, vector<1x1x16xf32>,
      %mul3A_643 = arith.constant 16 : i32
      %mul3A_644 = arith.muli %scan3A_345, %mul3A_643 : i32
      %add3A_645 = arith.constant 14 : i32
      %add3A_646 = arith.addi %mul3A_644, %add3A_645 : i32
      %get3A_647 = arith.constant 0 : i32
      %get3A_648 = arith.index_cast %get3A_647 : i32 to index
      %get3A_649 = arith.index_cast %add3A_646 : i32 to index
      %get3A_650 = arith.constant 0 : index
      %get3A_651 = tpu.vector_load %arg6[%get3A_648, %get3A_649, %get3A_650] {strides = array<i32>} : memref<2x800x16xf32, #tpu.memory_space<vmem>>, vector<1x1x16xf32>,
      %get3A_652 = vector.shape_cast %get3A_651 : vector<1x1x16xf32> to vector<16xf32>
      %slice3A_653 = vector.extract_strided_slice %get3A_351 {offsets = [14], sizes = [1], strides = [1]} : vector<16xf32> to vector<1xf32>
      %squeeze3A_654 = vector.extract %slice3A_653[0] : f32 from vector<1xf32>
      %mul3A_655 = vector.broadcast %squeeze3A_654 : f32 to vector<16xf32>
      %mul3A_656 = arith.mulf %get3A_652, %mul3A_655 : vector<16xf32>
      %swap3A_657 = arith.constant 0 : i32
      %swap3A_658 = arith.index_cast %swap3A_657 : i32 to index
      %swap3A_659 = arith.index_cast %add3A_646 : i32 to index
      %swap3A_660 = arith.constant 0 : index
      %swap3A_661 = tpu.vector_load %arg6[%swap3A_658, %swap3A_659, %swap3A_660] {strides = array<i32>} : memref<2x800x16xf32, #tpu.memory_space<vmem>>, vector<1x1x16xf32>,
      %swap3A_662 = vector.shape_cast %swap3A_661 : vector<1x1x16xf32> to vector<16xf32>
      %swap3A_663 = vector.shape_cast %mul3A_656 : vector<16xf32> to vector<1x1x16xf32>
      tpu.vector_store %arg6[%swap3A_658, %swap3A_659, %swap3A_660], %swap3A_663 {strides = array<i32>} : memref<2x800x16xf32, #tpu.memory_space<vmem>>, vector<1x1x16xf32>,
      %mul3A_664 = arith.constant 16 : i32
      %mul3A_665 = arith.muli %scan3A_345, %mul3A_664 : i32
      %add3A_666 = arith.constant 15 : i32
      %add3A_667 = arith.addi %mul3A_665, %add3A_666 : i32
      %get3A_668 = arith.constant 0 : i32
      %get3A_669 = arith.index_cast %get3A_668 : i32 to index
      %get3A_670 = arith.index_cast %add3A_667 : i32 to index
      %get3A_671 = arith.constant 0 : index
      %get3A_672 = tpu.vector_load %arg6[%get3A_669, %get3A_670, %get3A_671] {strides = array<i32>} : memref<2x800x16xf32, #tpu.memory_space<vmem>>, vector<1x1x16xf32>,
      %get3A_673 = vector.shape_cast %get3A_672 : vector<1x1x16xf32> to vector<16xf32>
      %slice3A_674 = vector.extract_strided_slice %get3A_351 {offsets = [15], sizes = [1], strides = [1]} : vector<16xf32> to vector<1xf32>
      %squeeze3A_675 = vector.extract %slice3A_674[0] : f32 from vector<1xf32>
      %mul3A_676 = vector.broadcast %squeeze3A_675 : f32 to vector<16xf32>
      %mul3A_677 = arith.mulf %get3A_673, %mul3A_676 : vector<16xf32>
      %swap3A_678 = arith.constant 0 : i32
      %swap3A_679 = arith.index_cast %swap3A_678 : i32 to index
      %swap3A_680 = arith.index_cast %add3A_667 : i32 to index
      %swap3A_681 = arith.constant 0 : index
      %swap3A_682 = tpu.vector_load %arg6[%swap3A_679, %swap3A_680, %swap3A_681] {strides = array<i32>} : memref<2x800x16xf32, #tpu.memory_space<vmem>>, vector<1x1x16xf32>,
      %swap3A_683 = vector.shape_cast %swap3A_682 : vector<1x1x16xf32> to vector<16xf32>
      %swap3A_684 = vector.shape_cast %mul3A_677 : vector<16xf32> to vector<1x1x16xf32>
      tpu.vector_store %arg6[%swap3A_679, %swap3A_680, %swap3A_681], %swap3A_684 {strides = array<i32>} : memref<2x800x16xf32, #tpu.memory_space<vmem>>, vector<1x1x16xf32>,
    }
    %scan3A_215 = arith.constant 50 : i32
    %run_scoped3A_216 = arith.constant 0 : i32
    %run_scoped3A_217 = arith.constant 0 : i32
    "tpu.region"() ({
      %run_scoped3A_345 = tpu.sem_alloc : memref<!tpu.dma_semaphore, #tpu.memory_space<semaphore_mem>>
      %dma_start3A_346 = arith.constant 0 : i32
      %dma_start3A_347 = arith.constant 0 : i32
      %dma_start3A_348 = tpu.memref_slice %arg6[%run_scoped3A_216, %dma_start3A_346, %dma_start3A_347] : memref<2x800x16xf32, #tpu.memory_space<vmem>> -> memref<1x800x16xf32, #tpu.memory_space<vmem>>
      %dma_start3A_349 = tpu.memref_squeeze %dma_start3A_348 : memref<1x800x16xf32, #tpu.memory_space<vmem>> -> memref<800x16xf32, #tpu.memory_space<vmem>>
      %dma_start3A_350 = arith.constant 0 : i32
      %dma_start3A_351 = tpu.memref_slice %arg8[%run_scoped3A_217, %dma_start3A_350] : memref<2x800xi32, #tpu.memory_space<vmem>> -> memref<1x800xi32, #tpu.memory_space<vmem>>
      %dma_start3A_352 = tpu.memref_squeeze %dma_start3A_351 : memref<1x800xi32, #tpu.memory_space<vmem>> -> memref<800xi32, #tpu.memory_space<vmem>>
      %dma_start3A_353 = arith.constant 0 : i32
      %dma_start3A_354 = arith.constant 0 : i32
      %dma_start3A_355 = tpu.memref_slice %arg9[%dma_start3A_353, %dma_start3A_354] : memref<102144x16xf32, #tpu.memory_space<vmem_shared>> -> memref<102144x16xf32, #tpu.memory_space<vmem_shared>>
      tpu.enqueue_indirect_dma source(%dma_start3A_349 : memref<800x16xf32, #tpu.memory_space<vmem>>) target(%dma_start3A_355 : memref<102144x16xf32, #tpu.memory_space<vmem_shared>>) offsets(%dma_start3A_352 : memref<800xi32, #tpu.memory_space<vmem>>) semaphore(%run_scoped3A_345 : memref<!tpu.dma_semaphore, #tpu.memory_space<semaphore_mem>>) {add = true}
      %dma_wait3A_356 = arith.constant 0 : i32
      %dma_wait3A_357 = arith.constant 0 : i32
      %dma_wait3A_358 = tpu.memref_slice %arg6[%run_scoped3A_216, %dma_wait3A_356, %dma_wait3A_357] : memref<2x800x16xf32, #tpu.memory_space<vmem>> -> memref<1x800x16xf32, #tpu.memory_space<vmem>>
      %dma_wait3A_359 = tpu.memref_squeeze %dma_wait3A_358 : memref<1x800x16xf32, #tpu.memory_space<vmem>> -> memref<800x16xf32, #tpu.memory_space<vmem>>
      %dma_wait3A_360 = arith.constant 0 : i32
      %dma_wait3A_361 = tpu.memref_slice %arg8[%run_scoped3A_217, %dma_wait3A_360] : memref<2x800xi32, #tpu.memory_space<vmem>> -> memref<1x800xi32, #tpu.memory_space<vmem>>
      %dma_wait3A_362 = tpu.memref_squeeze %dma_wait3A_361 : memref<1x800xi32, #tpu.memory_space<vmem>> -> memref<800xi32, #tpu.memory_space<vmem>>
      %dma_wait3A_363 = arith.constant 0 : i32
      %dma_wait3A_364 = arith.constant 0 : i32
      %dma_wait3A_365 = tpu.memref_slice %arg9[%dma_wait3A_363, %dma_wait3A_364] : memref<102144x16xf32, #tpu.memory_space<vmem_shared>> -> memref<102144x16xf32, #tpu.memory_space<vmem_shared>>
      tpu.wait_indirect_dma semaphore(%run_scoped3A_345 : memref<!tpu.dma_semaphore, #tpu.memory_space<semaphore_mem>>) src(%dma_wait3A_359 : memref<800x16xf32, #tpu.memory_space<vmem>>) dst(%dma_wait3A_365 : memref<102144x16xf32, #tpu.memory_space<vmem_shared>>)
      tpu.yield
    }) : () -> ()
    %barrier3A_218 = arith.constant 0 : index
    tpu.barrier barrier_id(%barrier3A_218)
    %mul3A_219 = arith.constant 6384 : i32
    %mul3A_220 = arith.muli %arg1, %mul3A_219 : i32
    %add3A_221 = arith.constant 0 : i32
    %add3A_222 = arith.addi %mul3A_220, %add3A_221 : i32
    %run_scoped3A_223 = arith.constant 0 : i32
    "tpu.region"() ({
      %run_scoped3A_345 = tpu.sem_alloc : memref<!tpu.dma_semaphore, #tpu.memory_space<semaphore_mem>>
      %dma_start3A_346 = arith.constant 0 : i32
      %dma_start3A_347 = arith.constant 0 : i32
      %dma_start3A_348 = tpu.memref_slice %arg6[%run_scoped3A_223, %dma_start3A_346, %dma_start3A_347] : memref<2x800x16xf32, #tpu.memory_space<vmem>> -> memref<1x456x16xf32, #tpu.memory_space<vmem>>
      %dma_start3A_349 = tpu.memref_squeeze %dma_start3A_348 : memref<1x456x16xf32, #tpu.memory_space<vmem>> -> memref<456x16xf32, #tpu.memory_space<vmem>>
      %dma_start3A_350 = arith.constant 0 : i32
      %dma_start3A_351 = tpu.memref_slice %arg9[%add3A_222, %dma_start3A_350] : memref<102144x16xf32, #tpu.memory_space<vmem_shared>> -> memref<456x16xf32, #tpu.memory_space<vmem_shared>>
      %dma_start3A_352 = arith.constant 0 : i32
      %dma_start3A_353 = arith.constant 0 : i32
      %dma_start3A_354 = tpu.memref_slice %arg6[%run_scoped3A_223, %dma_start3A_352, %dma_start3A_353] : memref<2x800x16xf32, #tpu.memory_space<vmem>> -> memref<1x456x16xf32, #tpu.memory_space<vmem>>
      %dma_start3A_355 = tpu.memref_squeeze %dma_start3A_354 : memref<1x456x16xf32, #tpu.memory_space<vmem>> -> memref<456x16xf32, #tpu.memory_space<vmem>>
      %dma_start3A_356 = arith.constant 0 : i32
      %dma_start3A_357 = tpu.memref_slice %arg9[%add3A_222, %dma_start3A_356] : memref<102144x16xf32, #tpu.memory_space<vmem_shared>> -> memref<456x16xf32, #tpu.memory_space<vmem_shared>>
      tpu.enqueue_dma source(%dma_start3A_357 : memref<456x16xf32, #tpu.memory_space<vmem_shared>>) target(%dma_start3A_355 : memref<456x16xf32, #tpu.memory_space<vmem>>) target_semaphore(%run_scoped3A_345 : memref<!tpu.dma_semaphore, #tpu.memory_space<semaphore_mem>>)
      %dma_wait3A_358 = arith.constant 0 : i32
      %dma_wait3A_359 = arith.constant 0 : i32
      %dma_wait3A_360 = tpu.memref_slice %arg6[%run_scoped3A_223, %dma_wait3A_358, %dma_wait3A_359] : memref<2x800x16xf32, #tpu.memory_space<vmem>> -> memref<1x456x16xf32, #tpu.memory_space<vmem>>
      %dma_wait3A_361 = tpu.memref_squeeze %dma_wait3A_360 : memref<1x456x16xf32, #tpu.memory_space<vmem>> -> memref<456x16xf32, #tpu.memory_space<vmem>>
      %dma_wait3A_362 = arith.constant 0 : i32
      %dma_wait3A_363 = tpu.memref_slice %arg9[%add3A_222, %dma_wait3A_362] : memref<102144x16xf32, #tpu.memory_space<vmem_shared>> -> memref<456x16xf32, #tpu.memory_space<vmem_shared>>
      %dma_wait3A_364 = arith.constant 0 : i32
      %dma_wait3A_365 = arith.constant 0 : i32
      %dma_wait3A_366 = tpu.memref_slice %arg6[%run_scoped3A_223, %dma_wait3A_364, %dma_wait3A_365] : memref<2x800x16xf32, #tpu.memory_space<vmem>> -> memref<1x456x16xf32, #tpu.memory_space<vmem>>
      %dma_wait3A_367 = tpu.memref_squeeze %dma_wait3A_366 : memref<1x456x16xf32, #tpu.memory_space<vmem>> -> memref<456x16xf32, #tpu.memory_space<vmem>>
      %dma_wait3A_368 = arith.constant 0 : i32
      %dma_wait3A_369 = tpu.memref_slice %arg9[%add3A_222, %dma_wait3A_368] : memref<102144x16xf32, #tpu.memory_space<vmem_shared>> -> memref<456x16xf32, #tpu.memory_space<vmem_shared>>
      tpu.wait_dma2 semaphore(%run_scoped3A_345 : memref<!tpu.dma_semaphore, #tpu.memory_space<semaphore_mem>>) src(%dma_wait3A_369 : memref<456x16xf32, #tpu.memory_space<vmem_shared>>) dst(%dma_wait3A_367 : memref<456x16xf32, #tpu.memory_space<vmem>>)
      tpu.yield
    }) : () -> ()
    %mul3A_224 = arith.constant 102144 : i32
    %mul3A_225 = arith.muli %arg0, %mul3A_224 : i32
    %add3A_226 = arith.addi %mul3A_225, %add3A_222 : i32
    %run_scoped3A_227 = arith.constant 0 : i32
    "tpu.region"() ({
      %run_scoped3A_345 = tpu.sem_alloc : memref<!tpu.dma_semaphore, #tpu.memory_space<semaphore_mem>>
      %dma_start3A_346 = arith.constant 0 : i32
      %dma_start3A_347 = arith.constant 0 : i32
      %dma_start3A_348 = tpu.memref_slice %arg6[%run_scoped3A_227, %dma_start3A_346, %dma_start3A_347] : memref<2x800x16xf32, #tpu.memory_space<vmem>> -> memref<1x456x16xf32, #tpu.memory_space<vmem>>
      %dma_start3A_349 = tpu.memref_squeeze %dma_start3A_348 : memref<1x456x16xf32, #tpu.memory_space<vmem>> -> memref<456x16xf32, #tpu.memory_space<vmem>>
      %dma_start3A_350 = arith.constant 0 : i32
      %dma_start3A_351 = tpu.memref_slice %arg5[%add3A_226, %dma_start3A_350] : memref<204288x16xf32, #tpu.memory_space<hbm>> -> memref<456x16xf32, #tpu.memory_space<hbm>>
      %dma_start3A_352 = arith.constant 0 : i32
      %dma_start3A_353 = tpu.memref_slice %arg5[%add3A_226, %dma_start3A_352] : memref<204288x16xf32, #tpu.memory_space<hbm>> -> memref<456x16xf32, #tpu.memory_space<hbm>>
      %dma_start3A_354 = arith.constant 0 : i32
      %dma_start3A_355 = arith.constant 0 : i32
      %dma_start3A_356 = tpu.memref_slice %arg6[%run_scoped3A_227, %dma_start3A_354, %dma_start3A_355] : memref<2x800x16xf32, #tpu.memory_space<vmem>> -> memref<1x456x16xf32, #tpu.memory_space<vmem>>
      %dma_start3A_357 = tpu.memref_squeeze %dma_start3A_356 : memref<1x456x16xf32, #tpu.memory_space<vmem>> -> memref<456x16xf32, #tpu.memory_space<vmem>>
      tpu.enqueue_dma source(%dma_start3A_357 : memref<456x16xf32, #tpu.memory_space<vmem>>) target(%dma_start3A_353 : memref<456x16xf32, #tpu.memory_space<hbm>>) target_semaphore(%run_scoped3A_345 : memref<!tpu.dma_semaphore, #tpu.memory_space<semaphore_mem>>)
      %dma_wait3A_358 = arith.constant 0 : i32
      %dma_wait3A_359 = arith.constant 0 : i32
      %dma_wait3A_360 = tpu.memref_slice %arg6[%run_scoped3A_227, %dma_wait3A_358, %dma_wait3A_359] : memref<2x800x16xf32, #tpu.memory_space<vmem>> -> memref<1x456x16xf32, #tpu.memory_space<vmem>>
      %dma_wait3A_361 = tpu.memref_squeeze %dma_wait3A_360 : memref<1x456x16xf32, #tpu.memory_space<vmem>> -> memref<456x16xf32, #tpu.memory_space<vmem>>
      %dma_wait3A_362 = arith.constant 0 : i32
      %dma_wait3A_363 = tpu.memref_slice %arg5[%add3A_226, %dma_wait3A_362] : memref<204288x16xf32, #tpu.memory_space<hbm>> -> memref<456x16xf32, #tpu.memory_space<hbm>>
      %dma_wait3A_364 = arith.constant 0 : i32
      %dma_wait3A_365 = tpu.memref_slice %arg5[%add3A_226, %dma_wait3A_364] : memref<204288x16xf32, #tpu.memory_space<hbm>> -> memref<456x16xf32, #tpu.memory_space<hbm>>
      %dma_wait3A_366 = arith.constant 0 : i32
      %dma_wait3A_367 = arith.constant 0 : i32
      %dma_wait3A_368 = tpu.memref_slice %arg6[%run_scoped3A_227, %dma_wait3A_366, %dma_wait3A_367] : memref<2x800x16xf32, #tpu.memory_space<vmem>> -> memref<1x456x16xf32, #tpu.memory_space<vmem>>
      %dma_wait3A_369 = tpu.memref_squeeze %dma_wait3A_368 : memref<1x456x16xf32, #tpu.memory_space<vmem>> -> memref<456x16xf32, #tpu.memory_space<vmem>>
      tpu.wait_dma2 semaphore(%run_scoped3A_345 : memref<!tpu.dma_semaphore, #tpu.memory_space<semaphore_mem>>) src(%dma_wait3A_369 : memref<456x16xf32, #tpu.memory_space<vmem>>) dst(%dma_wait3A_365 : memref<456x16xf32, #tpu.memory_space<hbm>>)
      tpu.yield
    }) : () -> ()
    %mul3A_228 = arith.constant 6384 : i32
    %mul3A_229 = arith.muli %arg1, %mul3A_228 : i32
    %add3A_230 = arith.constant 456 : i32
    %add3A_231 = arith.addi %mul3A_229, %add3A_230 : i32
    %run_scoped3A_232 = arith.constant 0 : i32
    "tpu.region"() ({
      %run_scoped3A_345 = tpu.sem_alloc : memref<!tpu.dma_semaphore, #tpu.memory_space<semaphore_mem>>
      %dma_start3A_346 = arith.constant 0 : i32
      %dma_start3A_347 = arith.constant 0 : i32
      %dma_start3A_348 = tpu.memref_slice %arg6[%run_scoped3A_232, %dma_start3A_346, %dma_start3A_347] : memref<2x800x16xf32, #tpu.memory_space<vmem>> -> memref<1x456x16xf32, #tpu.memory_space<vmem>>
      %dma_start3A_349 = tpu.memref_squeeze %dma_start3A_348 : memref<1x456x16xf32, #tpu.memory_space<vmem>> -> memref<456x16xf32, #tpu.memory_space<vmem>>
      %dma_start3A_350 = arith.constant 0 : i32
      %dma_start3A_351 = tpu.memref_slice %arg9[%add3A_231, %dma_start3A_350] : memref<102144x16xf32, #tpu.memory_space<vmem_shared>> -> memref<456x16xf32, #tpu.memory_space<vmem_shared>>
      %dma_start3A_352 = arith.constant 0 : i32
      %dma_start3A_353 = arith.constant 0 : i32
      %dma_start3A_354 = tpu.memref_slice %arg6[%run_scoped3A_232, %dma_start3A_352, %dma_start3A_353] : memref<2x800x16xf32, #tpu.memory_space<vmem>> -> memref<1x456x16xf32, #tpu.memory_space<vmem>>
      %dma_start3A_355 = tpu.memref_squeeze %dma_start3A_354 : memref<1x456x16xf32, #tpu.memory_space<vmem>> -> memref<456x16xf32, #tpu.memory_space<vmem>>
      %dma_start3A_356 = arith.constant 0 : i32
      %dma_start3A_357 = tpu.memref_slice %arg9[%add3A_231, %dma_start3A_356] : memref<102144x16xf32, #tpu.memory_space<vmem_shared>> -> memref<456x16xf32, #tpu.memory_space<vmem_shared>>
      tpu.enqueue_dma source(%dma_start3A_357 : memref<456x16xf32, #tpu.memory_space<vmem_shared>>) target(%dma_start3A_355 : memref<456x16xf32, #tpu.memory_space<vmem>>) target_semaphore(%run_scoped3A_345 : memref<!tpu.dma_semaphore, #tpu.memory_space<semaphore_mem>>)
      %dma_wait3A_358 = arith.constant 0 : i32
      %dma_wait3A_359 = arith.constant 0 : i32
      %dma_wait3A_360 = tpu.memref_slice %arg6[%run_scoped3A_232, %dma_wait3A_358, %dma_wait3A_359] : memref<2x800x16xf32, #tpu.memory_space<vmem>> -> memref<1x456x16xf32, #tpu.memory_space<vmem>>
      %dma_wait3A_361 = tpu.memref_squeeze %dma_wait3A_360 : memref<1x456x16xf32, #tpu.memory_space<vmem>> -> memref<456x16xf32, #tpu.memory_space<vmem>>
      %dma_wait3A_362 = arith.constant 0 : i32
      %dma_wait3A_363 = tpu.memref_slice %arg9[%add3A_231, %dma_wait3A_362] : memref<102144x16xf32, #tpu.memory_space<vmem_shared>> -> memref<456x16xf32, #tpu.memory_space<vmem_shared>>
      %dma_wait3A_364 = arith.constant 0 : i32
      %dma_wait3A_365 = arith.constant 0 : i32
      %dma_wait3A_366 = tpu.memref_slice %arg6[%run_scoped3A_232, %dma_wait3A_364, %dma_wait3A_365] : memref<2x800x16xf32, #tpu.memory_space<vmem>> -> memref<1x456x16xf32, #tpu.memory_space<vmem>>
      %dma_wait3A_367 = tpu.memref_squeeze %dma_wait3A_366 : memref<1x456x16xf32, #tpu.memory_space<vmem>> -> memref<456x16xf32, #tpu.memory_space<vmem>>
      %dma_wait3A_368 = arith.constant 0 : i32
      %dma_wait3A_369 = tpu.memref_slice %arg9[%add3A_231, %dma_wait3A_368] : memref<102144x16xf32, #tpu.memory_space<vmem_shared>> -> memref<456x16xf32, #tpu.memory_space<vmem_shared>>
      tpu.wait_dma2 semaphore(%run_scoped3A_345 : memref<!tpu.dma_semaphore, #tpu.memory_space<semaphore_mem>>) src(%dma_wait3A_369 : memref<456x16xf32, #tpu.memory_space<vmem_shared>>) dst(%dma_wait3A_367 : memref<456x16xf32, #tpu.memory_space<vmem>>)
      tpu.yield
    }) : () -> ()
    %mul3A_233 = arith.constant 102144 : i32
    %mul3A_234 = arith.muli %arg0, %mul3A_233 : i32
    %add3A_235 = arith.addi %mul3A_234, %add3A_231 : i32
    %run_scoped3A_236 = arith.constant 0 : i32
    "tpu.region"() ({
      %run_scoped3A_345 = tpu.sem_alloc : memref<!tpu.dma_semaphore, #tpu.memory_space<semaphore_mem>>
      %dma_start3A_346 = arith.constant 0 : i32
      %dma_start3A_347 = arith.constant 0 : i32
      %dma_start3A_348 = tpu.memref_slice %arg6[%run_scoped3A_236, %dma_start3A_346, %dma_start3A_347] : memref<2x800x16xf32, #tpu.memory_space<vmem>> -> memref<1x456x16xf32, #tpu.memory_space<vmem>>
      %dma_start3A_349 = tpu.memref_squeeze %dma_start3A_348 : memref<1x456x16xf32, #tpu.memory_space<vmem>> -> memref<456x16xf32, #tpu.memory_space<vmem>>
      %dma_start3A_350 = arith.constant 0 : i32
      %dma_start3A_351 = tpu.memref_slice %arg5[%add3A_235, %dma_start3A_350] : memref<204288x16xf32, #tpu.memory_space<hbm>> -> memref<456x16xf32, #tpu.memory_space<hbm>>
      %dma_start3A_352 = arith.constant 0 : i32
      %dma_start3A_353 = tpu.memref_slice %arg5[%add3A_235, %dma_start3A_352] : memref<204288x16xf32, #tpu.memory_space<hbm>> -> memref<456x16xf32, #tpu.memory_space<hbm>>
      %dma_start3A_354 = arith.constant 0 : i32
      %dma_start3A_355 = arith.constant 0 : i32
      %dma_start3A_356 = tpu.memref_slice %arg6[%run_scoped3A_236, %dma_start3A_354, %dma_start3A_355] : memref<2x800x16xf32, #tpu.memory_space<vmem>> -> memref<1x456x16xf32, #tpu.memory_space<vmem>>
      %dma_start3A_357 = tpu.memref_squeeze %dma_start3A_356 : memref<1x456x16xf32, #tpu.memory_space<vmem>> -> memref<456x16xf32, #tpu.memory_space<vmem>>
      tpu.enqueue_dma source(%dma_start3A_357 : memref<456x16xf32, #tpu.memory_space<vmem>>) target(%dma_start3A_353 : memref<456x16xf32, #tpu.memory_space<hbm>>) target_semaphore(%run_scoped3A_345 : memref<!tpu.dma_semaphore, #tpu.memory_space<semaphore_mem>>)
      %dma_wait3A_358 = arith.constant 0 : i32
      %dma_wait3A_359 = arith.constant 0 : i32
      %dma_wait3A_360 = tpu.memref_slice %arg6[%run_scoped3A_236, %dma_wait3A_358, %dma_wait3A_359] : memref<2x800x16xf32, #tpu.memory_space<vmem>> -> memref<1x456x16xf32, #tpu.memory_space<vmem>>
      %dma_wait3A_361 = tpu.memref_squeeze %dma_wait3A_360 : memref<1x456x16xf32, #tpu.memory_space<vmem>> -> memref<456x16xf32, #tpu.memory_space<vmem>>
      %dma_wait3A_362 = arith.constant 0 : i32
      %dma_wait3A_363 = tpu.memref_slice %arg5[%add3A_235, %dma_wait3A_362] : memref<204288x16xf32, #tpu.memory_space<hbm>> -> memref<456x16xf32, #tpu.memory_space<hbm>>
      %dma_wait3A_364 = arith.constant 0 : i32
      %dma_wait3A_365 = tpu.memref_slice %arg5[%add3A_235, %dma_wait3A_364] : memref<204288x16xf32, #tpu.memory_space<hbm>> -> memref<456x16xf32, #tpu.memory_space<hbm>>
      %dma_wait3A_366 = arith.constant 0 : i32
      %dma_wait3A_367 = arith.constant 0 : i32
      %dma_wait3A_368 = tpu.memref_slice %arg6[%run_scoped3A_236, %dma_wait3A_366, %dma_wait3A_367] : memref<2x800x16xf32, #tpu.memory_space<vmem>> -> memref<1x456x16xf32, #tpu.memory_space<vmem>>
      %dma_wait3A_369 = tpu.memref_squeeze %dma_wait3A_368 : memref<1x456x16xf32, #tpu.memory_space<vmem>> -> memref<456x16xf32, #tpu.memory_space<vmem>>
      tpu.wait_dma2 semaphore(%run_scoped3A_345 : memref<!tpu.dma_semaphore, #tpu.memory_space<semaphore_mem>>) src(%dma_wait3A_369 : memref<456x16xf32, #tpu.memory_space<vmem>>) dst(%dma_wait3A_365 : memref<456x16xf32, #tpu.memory_space<hbm>>)
      tpu.yield
    }) : () -> ()
    %mul3A_237 = arith.constant 6384 : i32
    %mul3A_238 = arith.muli %arg1, %mul3A_237 : i32
    %add3A_239 = arith.constant 912 : i32
    %add3A_240 = arith.addi %mul3A_238, %add3A_239 : i32
    %run_scoped3A_241 = arith.constant 0 : i32
    "tpu.region"() ({
      %run_scoped3A_345 = tpu.sem_alloc : memref<!tpu.dma_semaphore, #tpu.memory_space<semaphore_mem>>
      %dma_start3A_346 = arith.constant 0 : i32
      %dma_start3A_347 = arith.constant 0 : i32
      %dma_start3A_348 = tpu.memref_slice %arg6[%run_scoped3A_241, %dma_start3A_346, %dma_start3A_347] : memref<2x800x16xf32, #tpu.memory_space<vmem>> -> memref<1x456x16xf32, #tpu.memory_space<vmem>>
      %dma_start3A_349 = tpu.memref_squeeze %dma_start3A_348 : memref<1x456x16xf32, #tpu.memory_space<vmem>> -> memref<456x16xf32, #tpu.memory_space<vmem>>
      %dma_start3A_350 = arith.constant 0 : i32
      %dma_start3A_351 = tpu.memref_slice %arg9[%add3A_240, %dma_start3A_350] : memref<102144x16xf32, #tpu.memory_space<vmem_shared>> -> memref<456x16xf32, #tpu.memory_space<vmem_shared>>
      %dma_start3A_352 = arith.constant 0 : i32
      %dma_start3A_353 = arith.constant 0 : i32
      %dma_start3A_354 = tpu.memref_slice %arg6[%run_scoped3A_241, %dma_start3A_352, %dma_start3A_353] : memref<2x800x16xf32, #tpu.memory_space<vmem>> -> memref<1x456x16xf32, #tpu.memory_space<vmem>>
      %dma_start3A_355 = tpu.memref_squeeze %dma_start3A_354 : memref<1x456x16xf32, #tpu.memory_space<vmem>> -> memref<456x16xf32, #tpu.memory_space<vmem>>
      %dma_start3A_356 = arith.constant 0 : i32
      %dma_start3A_357 = tpu.memref_slice %arg9[%add3A_240, %dma_start3A_356] : memref<102144x16xf32, #tpu.memory_space<vmem_shared>> -> memref<456x16xf32, #tpu.memory_space<vmem_shared>>
      tpu.enqueue_dma source(%dma_start3A_357 : memref<456x16xf32, #tpu.memory_space<vmem_shared>>) target(%dma_start3A_355 : memref<456x16xf32, #tpu.memory_space<vmem>>) target_semaphore(%run_scoped3A_345 : memref<!tpu.dma_semaphore, #tpu.memory_space<semaphore_mem>>)
      %dma_wait3A_358 = arith.constant 0 : i32
      %dma_wait3A_359 = arith.constant 0 : i32
      %dma_wait3A_360 = tpu.memref_slice %arg6[%run_scoped3A_241, %dma_wait3A_358, %dma_wait3A_359] : memref<2x800x16xf32, #tpu.memory_space<vmem>> -> memref<1x456x16xf32, #tpu.memory_space<vmem>>
      %dma_wait3A_361 = tpu.memref_squeeze %dma_wait3A_360 : memref<1x456x16xf32, #tpu.memory_space<vmem>> -> memref<456x16xf32, #tpu.memory_space<vmem>>
      %dma_wait3A_362 = arith.constant 0 : i32
      %dma_wait3A_363 = tpu.memref_slice %arg9[%add3A_240, %dma_wait3A_362] : memref<102144x16xf32, #tpu.memory_space<vmem_shared>> -> memref<456x16xf32, #tpu.memory_space<vmem_shared>>
      %dma_wait3A_364 = arith.constant 0 : i32
      %dma_wait3A_365 = arith.constant 0 : i32
      %dma_wait3A_366 = tpu.memref_slice %arg6[%run_scoped3A_241, %dma_wait3A_364, %dma_wait3A_365] : memref<2x800x16xf32, #tpu.memory_space<vmem>> -> memref<1x456x16xf32, #tpu.memory_space<vmem>>
      %dma_wait3A_367 = tpu.memref_squeeze %dma_wait3A_366 : memref<1x456x16xf32, #tpu.memory_space<vmem>> -> memref<456x16xf32, #tpu.memory_space<vmem>>
      %dma_wait3A_368 = arith.constant 0 : i32
      %dma_wait3A_369 = tpu.memref_slice %arg9[%add3A_240, %dma_wait3A_368] : memref<102144x16xf32, #tpu.memory_space<vmem_shared>> -> memref<456x16xf32, #tpu.memory_space<vmem_shared>>
      tpu.wait_dma2 semaphore(%run_scoped3A_345 : memref<!tpu.dma_semaphore, #tpu.memory_space<semaphore_mem>>) src(%dma_wait3A_369 : memref<456x16xf32, #tpu.memory_space<vmem_shared>>) dst(%dma_wait3A_367 : memref<456x16xf32, #tpu.memory_space<vmem>>)
      tpu.yield
    }) : () -> ()
    %mul3A_242 = arith.constant 102144 : i32
    %mul3A_243 = arith.muli %arg0, %mul3A_242 : i32
    %add3A_244 = arith.addi %mul3A_243, %add3A_240 : i32
    %run_scoped3A_245 = arith.constant 0 : i32
    "tpu.region"() ({
      %run_scoped3A_345 = tpu.sem_alloc : memref<!tpu.dma_semaphore, #tpu.memory_space<semaphore_mem>>
      %dma_start3A_346 = arith.constant 0 : i32
      %dma_start3A_347 = arith.constant 0 : i32
      %dma_start3A_348 = tpu.memref_slice %arg6[%run_scoped3A_245, %dma_start3A_346, %dma_start3A_347] : memref<2x800x16xf32, #tpu.memory_space<vmem>> -> memref<1x456x16xf32, #tpu.memory_space<vmem>>
      %dma_start3A_349 = tpu.memref_squeeze %dma_start3A_348 : memref<1x456x16xf32, #tpu.memory_space<vmem>> -> memref<456x16xf32, #tpu.memory_space<vmem>>
      %dma_start3A_350 = arith.constant 0 : i32
      %dma_start3A_351 = tpu.memref_slice %arg5[%add3A_244, %dma_start3A_350] : memref<204288x16xf32, #tpu.memory_space<hbm>> -> memref<456x16xf32, #tpu.memory_space<hbm>>
      %dma_start3A_352 = arith.constant 0 : i32
      %dma_start3A_353 = tpu.memref_slice %arg5[%add3A_244, %dma_start3A_352] : memref<204288x16xf32, #tpu.memory_space<hbm>> -> memref<456x16xf32, #tpu.memory_space<hbm>>
      %dma_start3A_354 = arith.constant 0 : i32
      %dma_start3A_355 = arith.constant 0 : i32
      %dma_start3A_356 = tpu.memref_slice %arg6[%run_scoped3A_245, %dma_start3A_354, %dma_start3A_355] : memref<2x800x16xf32, #tpu.memory_space<vmem>> -> memref<1x456x16xf32, #tpu.memory_space<vmem>>
      %dma_start3A_357 = tpu.memref_squeeze %dma_start3A_356 : memref<1x456x16xf32, #tpu.memory_space<vmem>> -> memref<456x16xf32, #tpu.memory_space<vmem>>
      tpu.enqueue_dma source(%dma_start3A_357 : memref<456x16xf32, #tpu.memory_space<vmem>>) target(%dma_start3A_353 : memref<456x16xf32, #tpu.memory_space<hbm>>) target_semaphore(%run_scoped3A_345 : memref<!tpu.dma_semaphore, #tpu.memory_space<semaphore_mem>>)
      %dma_wait3A_358 = arith.constant 0 : i32
      %dma_wait3A_359 = arith.constant 0 : i32
      %dma_wait3A_360 = tpu.memref_slice %arg6[%run_scoped3A_245, %dma_wait3A_358, %dma_wait3A_359] : memref<2x800x16xf32, #tpu.memory_space<vmem>> -> memref<1x456x16xf32, #tpu.memory_space<vmem>>
      %dma_wait3A_361 = tpu.memref_squeeze %dma_wait3A_360 : memref<1x456x16xf32, #tpu.memory_space<vmem>> -> memref<456x16xf32, #tpu.memory_space<vmem>>
      %dma_wait3A_362 = arith.constant 0 : i32
      %dma_wait3A_363 = tpu.memref_slice %arg5[%add3A_244, %dma_wait3A_362] : memref<204288x16xf32, #tpu.memory_space<hbm>> -> memref<456x16xf32, #tpu.memory_space<hbm>>
      %dma_wait3A_364 = arith.constant 0 : i32
      %dma_wait3A_365 = tpu.memref_slice %arg5[%add3A_244, %dma_wait3A_364] : memref<204288x16xf32, #tpu.memory_space<hbm>> -> memref<456x16xf32, #tpu.memory_space<hbm>>
      %dma_wait3A_366 = arith.constant 0 : i32
      %dma_wait3A_367 = arith.constant 0 : i32
      %dma_wait3A_368 = tpu.memref_slice %arg6[%run_scoped3A_245, %dma_wait3A_366, %dma_wait3A_367] : memref<2x800x16xf32, #tpu.memory_space<vmem>> -> memref<1x456x16xf32, #tpu.memory_space<vmem>>
      %dma_wait3A_369 = tpu.memref_squeeze %dma_wait3A_368 : memref<1x456x16xf32, #tpu.memory_space<vmem>> -> memref<456x16xf32, #tpu.memory_space<vmem>>
      tpu.wait_dma2 semaphore(%run_scoped3A_345 : memref<!tpu.dma_semaphore, #tpu.memory_space<semaphore_mem>>) src(%dma_wait3A_369 : memref<456x16xf32, #tpu.memory_space<vmem>>) dst(%dma_wait3A_365 : memref<456x16xf32, #tpu.memory_space<hbm>>)
      tpu.yield
    }) : () -> ()
    %mul3A_246 = arith.constant 6384 : i32
    %mul3A_247 = arith.muli %arg1, %mul3A_246 : i32
    %add3A_248 = arith.constant 1368 : i32
    %add3A_249 = arith.addi %mul3A_247, %add3A_248 : i32
    %run_scoped3A_250 = arith.constant 0 : i32
    "tpu.region"() ({
      %run_scoped3A_345 = tpu.sem_alloc : memref<!tpu.dma_semaphore, #tpu.memory_space<semaphore_mem>>
      %dma_start3A_346 = arith.constant 0 : i32
      %dma_start3A_347 = arith.constant 0 : i32
      %dma_start3A_348 = tpu.memref_slice %arg6[%run_scoped3A_250, %dma_start3A_346, %dma_start3A_347] : memref<2x800x16xf32, #tpu.memory_space<vmem>> -> memref<1x456x16xf32, #tpu.memory_space<vmem>>
      %dma_start3A_349 = tpu.memref_squeeze %dma_start3A_348 : memref<1x456x16xf32, #tpu.memory_space<vmem>> -> memref<456x16xf32, #tpu.memory_space<vmem>>
      %dma_start3A_350 = arith.constant 0 : i32
      %dma_start3A_351 = tpu.memref_slice %arg9[%add3A_249, %dma_start3A_350] : memref<102144x16xf32, #tpu.memory_space<vmem_shared>> -> memref<456x16xf32, #tpu.memory_space<vmem_shared>>
      %dma_start3A_352 = arith.constant 0 : i32
      %dma_start3A_353 = arith.constant 0 : i32
      %dma_start3A_354 = tpu.memref_slice %arg6[%run_scoped3A_250, %dma_start3A_352, %dma_start3A_353] : memref<2x800x16xf32, #tpu.memory_space<vmem>> -> memref<1x456x16xf32, #tpu.memory_space<vmem>>
      %dma_start3A_355 = tpu.memref_squeeze %dma_start3A_354 : memref<1x456x16xf32, #tpu.memory_space<vmem>> -> memref<456x16xf32, #tpu.memory_space<vmem>>
      %dma_start3A_356 = arith.constant 0 : i32
      %dma_start3A_357 = tpu.memref_slice %arg9[%add3A_249, %dma_start3A_356] : memref<102144x16xf32, #tpu.memory_space<vmem_shared>> -> memref<456x16xf32, #tpu.memory_space<vmem_shared>>
      tpu.enqueue_dma source(%dma_start3A_357 : memref<456x16xf32, #tpu.memory_space<vmem_shared>>) target(%dma_start3A_355 : memref<456x16xf32, #tpu.memory_space<vmem>>) target_semaphore(%run_scoped3A_345 : memref<!tpu.dma_semaphore, #tpu.memory_space<semaphore_mem>>)
      %dma_wait3A_358 = arith.constant 0 : i32
      %dma_wait3A_359 = arith.constant 0 : i32
      %dma_wait3A_360 = tpu.memref_slice %arg6[%run_scoped3A_250, %dma_wait3A_358, %dma_wait3A_359] : memref<2x800x16xf32, #tpu.memory_space<vmem>> -> memref<1x456x16xf32, #tpu.memory_space<vmem>>
      %dma_wait3A_361 = tpu.memref_squeeze %dma_wait3A_360 : memref<1x456x16xf32, #tpu.memory_space<vmem>> -> memref<456x16xf32, #tpu.memory_space<vmem>>
      %dma_wait3A_362 = arith.constant 0 : i32
      %dma_wait3A_363 = tpu.memref_slice %arg9[%add3A_249, %dma_wait3A_362] : memref<102144x16xf32, #tpu.memory_space<vmem_shared>> -> memref<456x16xf32, #tpu.memory_space<vmem_shared>>
      %dma_wait3A_364 = arith.constant 0 : i32
      %dma_wait3A_365 = arith.constant 0 : i32
      %dma_wait3A_366 = tpu.memref_slice %arg6[%run_scoped3A_250, %dma_wait3A_364, %dma_wait3A_365] : memref<2x800x16xf32, #tpu.memory_space<vmem>> -> memref<1x456x16xf32, #tpu.memory_space<vmem>>
      %dma_wait3A_367 = tpu.memref_squeeze %dma_wait3A_366 : memref<1x456x16xf32, #tpu.memory_space<vmem>> -> memref<456x16xf32, #tpu.memory_space<vmem>>
      %dma_wait3A_368 = arith.constant 0 : i32
      %dma_wait3A_369 = tpu.memref_slice %arg9[%add3A_249, %dma_wait3A_368] : memref<102144x16xf32, #tpu.memory_space<vmem_shared>> -> memref<456x16xf32, #tpu.memory_space<vmem_shared>>
      tpu.wait_dma2 semaphore(%run_scoped3A_345 : memref<!tpu.dma_semaphore, #tpu.memory_space<semaphore_mem>>) src(%dma_wait3A_369 : memref<456x16xf32, #tpu.memory_space<vmem_shared>>) dst(%dma_wait3A_367 : memref<456x16xf32, #tpu.memory_space<vmem>>)
      tpu.yield
    }) : () -> ()
    %mul3A_251 = arith.constant 102144 : i32
    %mul3A_252 = arith.muli %arg0, %mul3A_251 : i32
    %add3A_253 = arith.addi %mul3A_252, %add3A_249 : i32
    %run_scoped3A_254 = arith.constant 0 : i32
    "tpu.region"() ({
      %run_scoped3A_345 = tpu.sem_alloc : memref<!tpu.dma_semaphore, #tpu.memory_space<semaphore_mem>>
      %dma_start3A_346 = arith.constant 0 : i32
      %dma_start3A_347 = arith.constant 0 : i32
      %dma_start3A_348 = tpu.memref_slice %arg6[%run_scoped3A_254, %dma_start3A_346, %dma_start3A_347] : memref<2x800x16xf32, #tpu.memory_space<vmem>> -> memref<1x456x16xf32, #tpu.memory_space<vmem>>
      %dma_start3A_349 = tpu.memref_squeeze %dma_start3A_348 : memref<1x456x16xf32, #tpu.memory_space<vmem>> -> memref<456x16xf32, #tpu.memory_space<vmem>>
      %dma_start3A_350 = arith.constant 0 : i32
      %dma_start3A_351 = tpu.memref_slice %arg5[%add3A_253, %dma_start3A_350] : memref<204288x16xf32, #tpu.memory_space<hbm>> -> memref<456x16xf32, #tpu.memory_space<hbm>>
      %dma_start3A_352 = arith.constant 0 : i32
      %dma_start3A_353 = tpu.memref_slice %arg5[%add3A_253, %dma_start3A_352] : memref<204288x16xf32, #tpu.memory_space<hbm>> -> memref<456x16xf32, #tpu.memory_space<hbm>>
      %dma_start3A_354 = arith.constant 0 : i32
      %dma_start3A_355 = arith.constant 0 : i32
      %dma_start3A_356 = tpu.memref_slice %arg6[%run_scoped3A_254, %dma_start3A_354, %dma_start3A_355] : memref<2x800x16xf32, #tpu.memory_space<vmem>> -> memref<1x456x16xf32, #tpu.memory_space<vmem>>
      %dma_start3A_357 = tpu.memref_squeeze %dma_start3A_356 : memref<1x456x16xf32, #tpu.memory_space<vmem>> -> memref<456x16xf32, #tpu.memory_space<vmem>>
      tpu.enqueue_dma source(%dma_start3A_357 : memref<456x16xf32, #tpu.memory_space<vmem>>) target(%dma_start3A_353 : memref<456x16xf32, #tpu.memory_space<hbm>>) target_semaphore(%run_scoped3A_345 : memref<!tpu.dma_semaphore, #tpu.memory_space<semaphore_mem>>)
      %dma_wait3A_358 = arith.constant 0 : i32
      %dma_wait3A_359 = arith.constant 0 : i32
      %dma_wait3A_360 = tpu.memref_slice %arg6[%run_scoped3A_254, %dma_wait3A_358, %dma_wait3A_359] : memref<2x800x16xf32, #tpu.memory_space<vmem>> -> memref<1x456x16xf32, #tpu.memory_space<vmem>>
      %dma_wait3A_361 = tpu.memref_squeeze %dma_wait3A_360 : memref<1x456x16xf32, #tpu.memory_space<vmem>> -> memref<456x16xf32, #tpu.memory_space<vmem>>
      %dma_wait3A_362 = arith.constant 0 : i32
      %dma_wait3A_363 = tpu.memref_slice %arg5[%add3A_253, %dma_wait3A_362] : memref<204288x16xf32, #tpu.memory_space<hbm>> -> memref<456x16xf32, #tpu.memory_space<hbm>>
      %dma_wait3A_364 = arith.constant 0 : i32
      %dma_wait3A_365 = tpu.memref_slice %arg5[%add3A_253, %dma_wait3A_364] : memref<204288x16xf32, #tpu.memory_space<hbm>> -> memref<456x16xf32, #tpu.memory_space<hbm>>
      %dma_wait3A_366 = arith.constant 0 : i32
      %dma_wait3A_367 = arith.constant 0 : i32
      %dma_wait3A_368 = tpu.memref_slice %arg6[%run_scoped3A_254, %dma_wait3A_366, %dma_wait3A_367] : memref<2x800x16xf32, #tpu.memory_space<vmem>> -> memref<1x456x16xf32, #tpu.memory_space<vmem>>
      %dma_wait3A_369 = tpu.memref_squeeze %dma_wait3A_368 : memref<1x456x16xf32, #tpu.memory_space<vmem>> -> memref<456x16xf32, #tpu.memory_space<vmem>>
      tpu.wait_dma2 semaphore(%run_scoped3A_345 : memref<!tpu.dma_semaphore, #tpu.memory_space<semaphore_mem>>) src(%dma_wait3A_369 : memref<456x16xf32, #tpu.memory_space<vmem>>) dst(%dma_wait3A_365 : memref<456x16xf32, #tpu.memory_space<hbm>>)
      tpu.yield
    }) : () -> ()
    %mul3A_255 = arith.constant 6384 : i32
    %mul3A_256 = arith.muli %arg1, %mul3A_255 : i32
    %add3A_257 = arith.constant 1824 : i32
    %add3A_258 = arith.addi %mul3A_256, %add3A_257 : i32
    %run_scoped3A_259 = arith.constant 0 : i32
    "tpu.region"() ({
      %run_scoped3A_345 = tpu.sem_alloc : memref<!tpu.dma_semaphore, #tpu.memory_space<semaphore_mem>>
      %dma_start3A_346 = arith.constant 0 : i32
      %dma_start3A_347 = arith.constant 0 : i32
      %dma_start3A_348 = tpu.memref_slice %arg6[%run_scoped3A_259, %dma_start3A_346, %dma_start3A_347] : memref<2x800x16xf32, #tpu.memory_space<vmem>> -> memref<1x456x16xf32, #tpu.memory_space<vmem>>
      %dma_start3A_349 = tpu.memref_squeeze %dma_start3A_348 : memref<1x456x16xf32, #tpu.memory_space<vmem>> -> memref<456x16xf32, #tpu.memory_space<vmem>>
      %dma_start3A_350 = arith.constant 0 : i32
      %dma_start3A_351 = tpu.memref_slice %arg9[%add3A_258, %dma_start3A_350] : memref<102144x16xf32, #tpu.memory_space<vmem_shared>> -> memref<456x16xf32, #tpu.memory_space<vmem_shared>>
      %dma_start3A_352 = arith.constant 0 : i32
      %dma_start3A_353 = arith.constant 0 : i32
      %dma_start3A_354 = tpu.memref_slice %arg6[%run_scoped3A_259, %dma_start3A_352, %dma_start3A_353] : memref<2x800x16xf32, #tpu.memory_space<vmem>> -> memref<1x456x16xf32, #tpu.memory_space<vmem>>
      %dma_start3A_355 = tpu.memref_squeeze %dma_start3A_354 : memref<1x456x16xf32, #tpu.memory_space<vmem>> -> memref<456x16xf32, #tpu.memory_space<vmem>>
      %dma_start3A_356 = arith.constant 0 : i32
      %dma_start3A_357 = tpu.memref_slice %arg9[%add3A_258, %dma_start3A_356] : memref<102144x16xf32, #tpu.memory_space<vmem_shared>> -> memref<456x16xf32, #tpu.memory_space<vmem_shared>>
      tpu.enqueue_dma source(%dma_start3A_357 : memref<456x16xf32, #tpu.memory_space<vmem_shared>>) target(%dma_start3A_355 : memref<456x16xf32, #tpu.memory_space<vmem>>) target_semaphore(%run_scoped3A_345 : memref<!tpu.dma_semaphore, #tpu.memory_space<semaphore_mem>>)
      %dma_wait3A_358 = arith.constant 0 : i32
      %dma_wait3A_359 = arith.constant 0 : i32
      %dma_wait3A_360 = tpu.memref_slice %arg6[%run_scoped3A_259, %dma_wait3A_358, %dma_wait3A_359] : memref<2x800x16xf32, #tpu.memory_space<vmem>> -> memref<1x456x16xf32, #tpu.memory_space<vmem>>
      %dma_wait3A_361 = tpu.memref_squeeze %dma_wait3A_360 : memref<1x456x16xf32, #tpu.memory_space<vmem>> -> memref<456x16xf32, #tpu.memory_space<vmem>>
      %dma_wait3A_362 = arith.constant 0 : i32
      %dma_wait3A_363 = tpu.memref_slice %arg9[%add3A_258, %dma_wait3A_362] : memref<102144x16xf32, #tpu.memory_space<vmem_shared>> -> memref<456x16xf32, #tpu.memory_space<vmem_shared>>
      %dma_wait3A_364 = arith.constant 0 : i32
      %dma_wait3A_365 = arith.constant 0 : i32
      %dma_wait3A_366 = tpu.memref_slice %arg6[%run_scoped3A_259, %dma_wait3A_364, %dma_wait3A_365] : memref<2x800x16xf32, #tpu.memory_space<vmem>> -> memref<1x456x16xf32, #tpu.memory_space<vmem>>
      %dma_wait3A_367 = tpu.memref_squeeze %dma_wait3A_366 : memref<1x456x16xf32, #tpu.memory_space<vmem>> -> memref<456x16xf32, #tpu.memory_space<vmem>>
      %dma_wait3A_368 = arith.constant 0 : i32
      %dma_wait3A_369 = tpu.memref_slice %arg9[%add3A_258, %dma_wait3A_368] : memref<102144x16xf32, #tpu.memory_space<vmem_shared>> -> memref<456x16xf32, #tpu.memory_space<vmem_shared>>
      tpu.wait_dma2 semaphore(%run_scoped3A_345 : memref<!tpu.dma_semaphore, #tpu.memory_space<semaphore_mem>>) src(%dma_wait3A_369 : memref<456x16xf32, #tpu.memory_space<vmem_shared>>) dst(%dma_wait3A_367 : memref<456x16xf32, #tpu.memory_space<vmem>>)
      tpu.yield
    }) : () -> ()
    %mul3A_260 = arith.constant 102144 : i32
    %mul3A_261 = arith.muli %arg0, %mul3A_260 : i32
    %add3A_262 = arith.addi %mul3A_261, %add3A_258 : i32
    %run_scoped3A_263 = arith.constant 0 : i32
    "tpu.region"() ({
      %run_scoped3A_345 = tpu.sem_alloc : memref<!tpu.dma_semaphore, #tpu.memory_space<semaphore_mem>>
      %dma_start3A_346 = arith.constant 0 : i32
      %dma_start3A_347 = arith.constant 0 : i32
      %dma_start3A_348 = tpu.memref_slice %arg6[%run_scoped3A_263, %dma_start3A_346, %dma_start3A_347] : memref<2x800x16xf32, #tpu.memory_space<vmem>> -> memref<1x456x16xf32, #tpu.memory_space<vmem>>
      %dma_start3A_349 = tpu.memref_squeeze %dma_start3A_348 : memref<1x456x16xf32, #tpu.memory_space<vmem>> -> memref<456x16xf32, #tpu.memory_space<vmem>>
      %dma_start3A_350 = arith.constant 0 : i32
      %dma_start3A_351 = tpu.memref_slice %arg5[%add3A_262, %dma_start3A_350] : memref<204288x16xf32, #tpu.memory_space<hbm>> -> memref<456x16xf32, #tpu.memory_space<hbm>>
      %dma_start3A_352 = arith.constant 0 : i32
      %dma_start3A_353 = tpu.memref_slice %arg5[%add3A_262, %dma_start3A_352] : memref<204288x16xf32, #tpu.memory_space<hbm>> -> memref<456x16xf32, #tpu.memory_space<hbm>>
      %dma_start3A_354 = arith.constant 0 : i32
      %dma_start3A_355 = arith.constant 0 : i32
      %dma_start3A_356 = tpu.memref_slice %arg6[%run_scoped3A_263, %dma_start3A_354, %dma_start3A_355] : memref<2x800x16xf32, #tpu.memory_space<vmem>> -> memref<1x456x16xf32, #tpu.memory_space<vmem>>
      %dma_start3A_357 = tpu.memref_squeeze %dma_start3A_356 : memref<1x456x16xf32, #tpu.memory_space<vmem>> -> memref<456x16xf32, #tpu.memory_space<vmem>>
      tpu.enqueue_dma source(%dma_start3A_357 : memref<456x16xf32, #tpu.memory_space<vmem>>) target(%dma_start3A_353 : memref<456x16xf32, #tpu.memory_space<hbm>>) target_semaphore(%run_scoped3A_345 : memref<!tpu.dma_semaphore, #tpu.memory_space<semaphore_mem>>)
      %dma_wait3A_358 = arith.constant 0 : i32
      %dma_wait3A_359 = arith.constant 0 : i32
      %dma_wait3A_360 = tpu.memref_slice %arg6[%run_scoped3A_263, %dma_wait3A_358, %dma_wait3A_359] : memref<2x800x16xf32, #tpu.memory_space<vmem>> -> memref<1x456x16xf32, #tpu.memory_space<vmem>>
      %dma_wait3A_361 = tpu.memref_squeeze %dma_wait3A_360 : memref<1x456x16xf32, #tpu.memory_space<vmem>> -> memref<456x16xf32, #tpu.memory_space<vmem>>
      %dma_wait3A_362 = arith.constant 0 : i32
      %dma_wait3A_363 = tpu.memref_slice %arg5[%add3A_262, %dma_wait3A_362] : memref<204288x16xf32, #tpu.memory_space<hbm>> -> memref<456x16xf32, #tpu.memory_space<hbm>>
      %dma_wait3A_364 = arith.constant 0 : i32
      %dma_wait3A_365 = tpu.memref_slice %arg5[%add3A_262, %dma_wait3A_364] : memref<204288x16xf32, #tpu.memory_space<hbm>> -> memref<456x16xf32, #tpu.memory_space<hbm>>
      %dma_wait3A_366 = arith.constant 0 : i32
      %dma_wait3A_367 = arith.constant 0 : i32
      %dma_wait3A_368 = tpu.memref_slice %arg6[%run_scoped3A_263, %dma_wait3A_366, %dma_wait3A_367] : memref<2x800x16xf32, #tpu.memory_space<vmem>> -> memref<1x456x16xf32, #tpu.memory_space<vmem>>
      %dma_wait3A_369 = tpu.memref_squeeze %dma_wait3A_368 : memref<1x456x16xf32, #tpu.memory_space<vmem>> -> memref<456x16xf32, #tpu.memory_space<vmem>>
      tpu.wait_dma2 semaphore(%run_scoped3A_345 : memref<!tpu.dma_semaphore, #tpu.memory_space<semaphore_mem>>) src(%dma_wait3A_369 : memref<456x16xf32, #tpu.memory_space<vmem>>) dst(%dma_wait3A_365 : memref<456x16xf32, #tpu.memory_space<hbm>>)
      tpu.yield
    }) : () -> ()
    %mul3A_264 = arith.constant 6384 : i32
    %mul3A_265 = arith.muli %arg1, %mul3A_264 : i32
    %add3A_266 = arith.constant 2280 : i32
    %add3A_267 = arith.addi %mul3A_265, %add3A_266 : i32
    %run_scoped3A_268 = arith.constant 0 : i32
    "tpu.region"() ({
      %run_scoped3A_345 = tpu.sem_alloc : memref<!tpu.dma_semaphore, #tpu.memory_space<semaphore_mem>>
      %dma_start3A_346 = arith.constant 0 : i32
      %dma_start3A_347 = arith.constant 0 : i32
      %dma_start3A_348 = tpu.memref_slice %arg6[%run_scoped3A_268, %dma_start3A_346, %dma_start3A_347] : memref<2x800x16xf32, #tpu.memory_space<vmem>> -> memref<1x456x16xf32, #tpu.memory_space<vmem>>
      %dma_start3A_349 = tpu.memref_squeeze %dma_start3A_348 : memref<1x456x16xf32, #tpu.memory_space<vmem>> -> memref<456x16xf32, #tpu.memory_space<vmem>>
      %dma_start3A_350 = arith.constant 0 : i32
      %dma_start3A_351 = tpu.memref_slice %arg9[%add3A_267, %dma_start3A_350] : memref<102144x16xf32, #tpu.memory_space<vmem_shared>> -> memref<456x16xf32, #tpu.memory_space<vmem_shared>>
      %dma_start3A_352 = arith.constant 0 : i32
      %dma_start3A_353 = arith.constant 0 : i32
      %dma_start3A_354 = tpu.memref_slice %arg6[%run_scoped3A_268, %dma_start3A_352, %dma_start3A_353] : memref<2x800x16xf32, #tpu.memory_space<vmem>> -> memref<1x456x16xf32, #tpu.memory_space<vmem>>
      %dma_start3A_355 = tpu.memref_squeeze %dma_start3A_354 : memref<1x456x16xf32, #tpu.memory_space<vmem>> -> memref<456x16xf32, #tpu.memory_space<vmem>>
      %dma_start3A_356 = arith.constant 0 : i32
      %dma_start3A_357 = tpu.memref_slice %arg9[%add3A_267, %dma_start3A_356] : memref<102144x16xf32, #tpu.memory_space<vmem_shared>> -> memref<456x16xf32, #tpu.memory_space<vmem_shared>>
      tpu.enqueue_dma source(%dma_start3A_357 : memref<456x16xf32, #tpu.memory_space<vmem_shared>>) target(%dma_start3A_355 : memref<456x16xf32, #tpu.memory_space<vmem>>) target_semaphore(%run_scoped3A_345 : memref<!tpu.dma_semaphore, #tpu.memory_space<semaphore_mem>>)
      %dma_wait3A_358 = arith.constant 0 : i32
      %dma_wait3A_359 = arith.constant 0 : i32
      %dma_wait3A_360 = tpu.memref_slice %arg6[%run_scoped3A_268, %dma_wait3A_358, %dma_wait3A_359] : memref<2x800x16xf32, #tpu.memory_space<vmem>> -> memref<1x456x16xf32, #tpu.memory_space<vmem>>
      %dma_wait3A_361 = tpu.memref_squeeze %dma_wait3A_360 : memref<1x456x16xf32, #tpu.memory_space<vmem>> -> memref<456x16xf32, #tpu.memory_space<vmem>>
      %dma_wait3A_362 = arith.constant 0 : i32
      %dma_wait3A_363 = tpu.memref_slice %arg9[%add3A_267, %dma_wait3A_362] : memref<102144x16xf32, #tpu.memory_space<vmem_shared>> -> memref<456x16xf32, #tpu.memory_space<vmem_shared>>
      %dma_wait3A_364 = arith.constant 0 : i32
      %dma_wait3A_365 = arith.constant 0 : i32
      %dma_wait3A_366 = tpu.memref_slice %arg6[%run_scoped3A_268, %dma_wait3A_364, %dma_wait3A_365] : memref<2x800x16xf32, #tpu.memory_space<vmem>> -> memref<1x456x16xf32, #tpu.memory_space<vmem>>
      %dma_wait3A_367 = tpu.memref_squeeze %dma_wait3A_366 : memref<1x456x16xf32, #tpu.memory_space<vmem>> -> memref<456x16xf32, #tpu.memory_space<vmem>>
      %dma_wait3A_368 = arith.constant 0 : i32
      %dma_wait3A_369 = tpu.memref_slice %arg9[%add3A_267, %dma_wait3A_368] : memref<102144x16xf32, #tpu.memory_space<vmem_shared>> -> memref<456x16xf32, #tpu.memory_space<vmem_shared>>
      tpu.wait_dma2 semaphore(%run_scoped3A_345 : memref<!tpu.dma_semaphore, #tpu.memory_space<semaphore_mem>>) src(%dma_wait3A_369 : memref<456x16xf32, #tpu.memory_space<vmem_shared>>) dst(%dma_wait3A_367 : memref<456x16xf32, #tpu.memory_space<vmem>>)
      tpu.yield
    }) : () -> ()
    %mul3A_269 = arith.constant 102144 : i32
    %mul3A_270 = arith.muli %arg0, %mul3A_269 : i32
    %add3A_271 = arith.addi %mul3A_270, %add3A_267 : i32
    %run_scoped3A_272 = arith.constant 0 : i32
    "tpu.region"() ({
      %run_scoped3A_345 = tpu.sem_alloc : memref<!tpu.dma_semaphore, #tpu.memory_space<semaphore_mem>>
      %dma_start3A_346 = arith.constant 0 : i32
      %dma_start3A_347 = arith.constant 0 : i32
      %dma_start3A_348 = tpu.memref_slice %arg6[%run_scoped3A_272, %dma_start3A_346, %dma_start3A_347] : memref<2x800x16xf32, #tpu.memory_space<vmem>> -> memref<1x456x16xf32, #tpu.memory_space<vmem>>
      %dma_start3A_349 = tpu.memref_squeeze %dma_start3A_348 : memref<1x456x16xf32, #tpu.memory_space<vmem>> -> memref<456x16xf32, #tpu.memory_space<vmem>>
      %dma_start3A_350 = arith.constant 0 : i32
      %dma_start3A_351 = tpu.memref_slice %arg5[%add3A_271, %dma_start3A_350] : memref<204288x16xf32, #tpu.memory_space<hbm>> -> memref<456x16xf32, #tpu.memory_space<hbm>>
      %dma_start3A_352 = arith.constant 0 : i32
      %dma_start3A_353 = tpu.memref_slice %arg5[%add3A_271, %dma_start3A_352] : memref<204288x16xf32, #tpu.memory_space<hbm>> -> memref<456x16xf32, #tpu.memory_space<hbm>>
      %dma_start3A_354 = arith.constant 0 : i32
      %dma_start3A_355 = arith.constant 0 : i32
      %dma_start3A_356 = tpu.memref_slice %arg6[%run_scoped3A_272, %dma_start3A_354, %dma_start3A_355] : memref<2x800x16xf32, #tpu.memory_space<vmem>> -> memref<1x456x16xf32, #tpu.memory_space<vmem>>
      %dma_start3A_357 = tpu.memref_squeeze %dma_start3A_356 : memref<1x456x16xf32, #tpu.memory_space<vmem>> -> memref<456x16xf32, #tpu.memory_space<vmem>>
      tpu.enqueue_dma source(%dma_start3A_357 : memref<456x16xf32, #tpu.memory_space<vmem>>) target(%dma_start3A_353 : memref<456x16xf32, #tpu.memory_space<hbm>>) target_semaphore(%run_scoped3A_345 : memref<!tpu.dma_semaphore, #tpu.memory_space<semaphore_mem>>)
      %dma_wait3A_358 = arith.constant 0 : i32
      %dma_wait3A_359 = arith.constant 0 : i32
      %dma_wait3A_360 = tpu.memref_slice %arg6[%run_scoped3A_272, %dma_wait3A_358, %dma_wait3A_359] : memref<2x800x16xf32, #tpu.memory_space<vmem>> -> memref<1x456x16xf32, #tpu.memory_space<vmem>>
      %dma_wait3A_361 = tpu.memref_squeeze %dma_wait3A_360 : memref<1x456x16xf32, #tpu.memory_space<vmem>> -> memref<456x16xf32, #tpu.memory_space<vmem>>
      %dma_wait3A_362 = arith.constant 0 : i32
      %dma_wait3A_363 = tpu.memref_slice %arg5[%add3A_271, %dma_wait3A_362] : memref<204288x16xf32, #tpu.memory_space<hbm>> -> memref<456x16xf32, #tpu.memory_space<hbm>>
      %dma_wait3A_364 = arith.constant 0 : i32
      %dma_wait3A_365 = tpu.memref_slice %arg5[%add3A_271, %dma_wait3A_364] : memref<204288x16xf32, #tpu.memory_space<hbm>> -> memref<456x16xf32, #tpu.memory_space<hbm>>
      %dma_wait3A_366 = arith.constant 0 : i32
      %dma_wait3A_367 = arith.constant 0 : i32
      %dma_wait3A_368 = tpu.memref_slice %arg6[%run_scoped3A_272, %dma_wait3A_366, %dma_wait3A_367] : memref<2x800x16xf32, #tpu.memory_space<vmem>> -> memref<1x456x16xf32, #tpu.memory_space<vmem>>
      %dma_wait3A_369 = tpu.memref_squeeze %dma_wait3A_368 : memref<1x456x16xf32, #tpu.memory_space<vmem>> -> memref<456x16xf32, #tpu.memory_space<vmem>>
      tpu.wait_dma2 semaphore(%run_scoped3A_345 : memref<!tpu.dma_semaphore, #tpu.memory_space<semaphore_mem>>) src(%dma_wait3A_369 : memref<456x16xf32, #tpu.memory_space<vmem>>) dst(%dma_wait3A_365 : memref<456x16xf32, #tpu.memory_space<hbm>>)
      tpu.yield
    }) : () -> ()
    %mul3A_273 = arith.constant 6384 : i32
    %mul3A_274 = arith.muli %arg1, %mul3A_273 : i32
    %add3A_275 = arith.constant 2736 : i32
    %add3A_276 = arith.addi %mul3A_274, %add3A_275 : i32
    %run_scoped3A_277 = arith.constant 0 : i32
    "tpu.region"() ({
      %run_scoped3A_345 = tpu.sem_alloc : memref<!tpu.dma_semaphore, #tpu.memory_space<semaphore_mem>>
      %dma_start3A_346 = arith.constant 0 : i32
      %dma_start3A_347 = arith.constant 0 : i32
      %dma_start3A_348 = tpu.memref_slice %arg6[%run_scoped3A_277, %dma_start3A_346, %dma_start3A_347] : memref<2x800x16xf32, #tpu.memory_space<vmem>> -> memref<1x456x16xf32, #tpu.memory_space<vmem>>
      %dma_start3A_349 = tpu.memref_squeeze %dma_start3A_348 : memref<1x456x16xf32, #tpu.memory_space<vmem>> -> memref<456x16xf32, #tpu.memory_space<vmem>>
      %dma_start3A_350 = arith.constant 0 : i32
      %dma_start3A_351 = tpu.memref_slice %arg9[%add3A_276, %dma_start3A_350] : memref<102144x16xf32, #tpu.memory_space<vmem_shared>> -> memref<456x16xf32, #tpu.memory_space<vmem_shared>>
      %dma_start3A_352 = arith.constant 0 : i32
      %dma_start3A_353 = arith.constant 0 : i32
      %dma_start3A_354 = tpu.memref_slice %arg6[%run_scoped3A_277, %dma_start3A_352, %dma_start3A_353] : memref<2x800x16xf32, #tpu.memory_space<vmem>> -> memref<1x456x16xf32, #tpu.memory_space<vmem>>
      %dma_start3A_355 = tpu.memref_squeeze %dma_start3A_354 : memref<1x456x16xf32, #tpu.memory_space<vmem>> -> memref<456x16xf32, #tpu.memory_space<vmem>>
      %dma_start3A_356 = arith.constant 0 : i32
      %dma_start3A_357 = tpu.memref_slice %arg9[%add3A_276, %dma_start3A_356] : memref<102144x16xf32, #tpu.memory_space<vmem_shared>> -> memref<456x16xf32, #tpu.memory_space<vmem_shared>>
      tpu.enqueue_dma source(%dma_start3A_357 : memref<456x16xf32, #tpu.memory_space<vmem_shared>>) target(%dma_start3A_355 : memref<456x16xf32, #tpu.memory_space<vmem>>) target_semaphore(%run_scoped3A_345 : memref<!tpu.dma_semaphore, #tpu.memory_space<semaphore_mem>>)
      %dma_wait3A_358 = arith.constant 0 : i32
      %dma_wait3A_359 = arith.constant 0 : i32
      %dma_wait3A_360 = tpu.memref_slice %arg6[%run_scoped3A_277, %dma_wait3A_358, %dma_wait3A_359] : memref<2x800x16xf32, #tpu.memory_space<vmem>> -> memref<1x456x16xf32, #tpu.memory_space<vmem>>
      %dma_wait3A_361 = tpu.memref_squeeze %dma_wait3A_360 : memref<1x456x16xf32, #tpu.memory_space<vmem>> -> memref<456x16xf32, #tpu.memory_space<vmem>>
      %dma_wait3A_362 = arith.constant 0 : i32
      %dma_wait3A_363 = tpu.memref_slice %arg9[%add3A_276, %dma_wait3A_362] : memref<102144x16xf32, #tpu.memory_space<vmem_shared>> -> memref<456x16xf32, #tpu.memory_space<vmem_shared>>
      %dma_wait3A_364 = arith.constant 0 : i32
      %dma_wait3A_365 = arith.constant 0 : i32
      %dma_wait3A_366 = tpu.memref_slice %arg6[%run_scoped3A_277, %dma_wait3A_364, %dma_wait3A_365] : memref<2x800x16xf32, #tpu.memory_space<vmem>> -> memref<1x456x16xf32, #tpu.memory_space<vmem>>
      %dma_wait3A_367 = tpu.memref_squeeze %dma_wait3A_366 : memref<1x456x16xf32, #tpu.memory_space<vmem>> -> memref<456x16xf32, #tpu.memory_space<vmem>>
      %dma_wait3A_368 = arith.constant 0 : i32
      %dma_wait3A_369 = tpu.memref_slice %arg9[%add3A_276, %dma_wait3A_368] : memref<102144x16xf32, #tpu.memory_space<vmem_shared>> -> memref<456x16xf32, #tpu.memory_space<vmem_shared>>
      tpu.wait_dma2 semaphore(%run_scoped3A_345 : memref<!tpu.dma_semaphore, #tpu.memory_space<semaphore_mem>>) src(%dma_wait3A_369 : memref<456x16xf32, #tpu.memory_space<vmem_shared>>) dst(%dma_wait3A_367 : memref<456x16xf32, #tpu.memory_space<vmem>>)
      tpu.yield
    }) : () -> ()
    %mul3A_278 = arith.constant 102144 : i32
    %mul3A_279 = arith.muli %arg0, %mul3A_278 : i32
    %add3A_280 = arith.addi %mul3A_279, %add3A_276 : i32
    %run_scoped3A_281 = arith.constant 0 : i32
    "tpu.region"() ({
      %run_scoped3A_345 = tpu.sem_alloc : memref<!tpu.dma_semaphore, #tpu.memory_space<semaphore_mem>>
      %dma_start3A_346 = arith.constant 0 : i32
      %dma_start3A_347 = arith.constant 0 : i32
      %dma_start3A_348 = tpu.memref_slice %arg6[%run_scoped3A_281, %dma_start3A_346, %dma_start3A_347] : memref<2x800x16xf32, #tpu.memory_space<vmem>> -> memref<1x456x16xf32, #tpu.memory_space<vmem>>
      %dma_start3A_349 = tpu.memref_squeeze %dma_start3A_348 : memref<1x456x16xf32, #tpu.memory_space<vmem>> -> memref<456x16xf32, #tpu.memory_space<vmem>>
      %dma_start3A_350 = arith.constant 0 : i32
      %dma_start3A_351 = tpu.memref_slice %arg5[%add3A_280, %dma_start3A_350] : memref<204288x16xf32, #tpu.memory_space<hbm>> -> memref<456x16xf32, #tpu.memory_space<hbm>>
      %dma_start3A_352 = arith.constant 0 : i32
      %dma_start3A_353 = tpu.memref_slice %arg5[%add3A_280, %dma_start3A_352] : memref<204288x16xf32, #tpu.memory_space<hbm>> -> memref<456x16xf32, #tpu.memory_space<hbm>>
      %dma_start3A_354 = arith.constant 0 : i32
      %dma_start3A_355 = arith.constant 0 : i32
      %dma_start3A_356 = tpu.memref_slice %arg6[%run_scoped3A_281, %dma_start3A_354, %dma_start3A_355] : memref<2x800x16xf32, #tpu.memory_space<vmem>> -> memref<1x456x16xf32, #tpu.memory_space<vmem>>
      %dma_start3A_357 = tpu.memref_squeeze %dma_start3A_356 : memref<1x456x16xf32, #tpu.memory_space<vmem>> -> memref<456x16xf32, #tpu.memory_space<vmem>>
      tpu.enqueue_dma source(%dma_start3A_357 : memref<456x16xf32, #tpu.memory_space<vmem>>) target(%dma_start3A_353 : memref<456x16xf32, #tpu.memory_space<hbm>>) target_semaphore(%run_scoped3A_345 : memref<!tpu.dma_semaphore, #tpu.memory_space<semaphore_mem>>)
      %dma_wait3A_358 = arith.constant 0 : i32
      %dma_wait3A_359 = arith.constant 0 : i32
      %dma_wait3A_360 = tpu.memref_slice %arg6[%run_scoped3A_281, %dma_wait3A_358, %dma_wait3A_359] : memref<2x800x16xf32, #tpu.memory_space<vmem>> -> memref<1x456x16xf32, #tpu.memory_space<vmem>>
      %dma_wait3A_361 = tpu.memref_squeeze %dma_wait3A_360 : memref<1x456x16xf32, #tpu.memory_space<vmem>> -> memref<456x16xf32, #tpu.memory_space<vmem>>
      %dma_wait3A_362 = arith.constant 0 : i32
      %dma_wait3A_363 = tpu.memref_slice %arg5[%add3A_280, %dma_wait3A_362] : memref<204288x16xf32, #tpu.memory_space<hbm>> -> memref<456x16xf32, #tpu.memory_space<hbm>>
      %dma_wait3A_364 = arith.constant 0 : i32
      %dma_wait3A_365 = tpu.memref_slice %arg5[%add3A_280, %dma_wait3A_364] : memref<204288x16xf32, #tpu.memory_space<hbm>> -> memref<456x16xf32, #tpu.memory_space<hbm>>
      %dma_wait3A_366 = arith.constant 0 : i32
      %dma_wait3A_367 = arith.constant 0 : i32
      %dma_wait3A_368 = tpu.memref_slice %arg6[%run_scoped3A_281, %dma_wait3A_366, %dma_wait3A_367] : memref<2x800x16xf32, #tpu.memory_space<vmem>> -> memref<1x456x16xf32, #tpu.memory_space<vmem>>
      %dma_wait3A_369 = tpu.memref_squeeze %dma_wait3A_368 : memref<1x456x16xf32, #tpu.memory_space<vmem>> -> memref<456x16xf32, #tpu.memory_space<vmem>>
      tpu.wait_dma2 semaphore(%run_scoped3A_345 : memref<!tpu.dma_semaphore, #tpu.memory_space<semaphore_mem>>) src(%dma_wait3A_369 : memref<456x16xf32, #tpu.memory_space<vmem>>) dst(%dma_wait3A_365 : memref<456x16xf32, #tpu.memory_space<hbm>>)
      tpu.yield
    }) : () -> ()
    %mul3A_282 = arith.constant 6384 : i32
    %mul3A_283 = arith.muli %arg1, %mul3A_282 : i32
    %add3A_284 = arith.constant 3192 : i32
    %add3A_285 = arith.addi %mul3A_283, %add3A_284 : i32
    %run_scoped3A_286 = arith.constant 0 : i32
    "tpu.region"() ({
      %run_scoped3A_345 = tpu.sem_alloc : memref<!tpu.dma_semaphore, #tpu.memory_space<semaphore_mem>>
      %dma_start3A_346 = arith.constant 0 : i32
      %dma_start3A_347 = arith.constant 0 : i32
      %dma_start3A_348 = tpu.memref_slice %arg6[%run_scoped3A_286, %dma_start3A_346, %dma_start3A_347] : memref<2x800x16xf32, #tpu.memory_space<vmem>> -> memref<1x456x16xf32, #tpu.memory_space<vmem>>
      %dma_start3A_349 = tpu.memref_squeeze %dma_start3A_348 : memref<1x456x16xf32, #tpu.memory_space<vmem>> -> memref<456x16xf32, #tpu.memory_space<vmem>>
      %dma_start3A_350 = arith.constant 0 : i32
      %dma_start3A_351 = tpu.memref_slice %arg9[%add3A_285, %dma_start3A_350] : memref<102144x16xf32, #tpu.memory_space<vmem_shared>> -> memref<456x16xf32, #tpu.memory_space<vmem_shared>>
      %dma_start3A_352 = arith.constant 0 : i32
      %dma_start3A_353 = arith.constant 0 : i32
      %dma_start3A_354 = tpu.memref_slice %arg6[%run_scoped3A_286, %dma_start3A_352, %dma_start3A_353] : memref<2x800x16xf32, #tpu.memory_space<vmem>> -> memref<1x456x16xf32, #tpu.memory_space<vmem>>
      %dma_start3A_355 = tpu.memref_squeeze %dma_start3A_354 : memref<1x456x16xf32, #tpu.memory_space<vmem>> -> memref<456x16xf32, #tpu.memory_space<vmem>>
      %dma_start3A_356 = arith.constant 0 : i32
      %dma_start3A_357 = tpu.memref_slice %arg9[%add3A_285, %dma_start3A_356] : memref<102144x16xf32, #tpu.memory_space<vmem_shared>> -> memref<456x16xf32, #tpu.memory_space<vmem_shared>>
      tpu.enqueue_dma source(%dma_start3A_357 : memref<456x16xf32, #tpu.memory_space<vmem_shared>>) target(%dma_start3A_355 : memref<456x16xf32, #tpu.memory_space<vmem>>) target_semaphore(%run_scoped3A_345 : memref<!tpu.dma_semaphore, #tpu.memory_space<semaphore_mem>>)
      %dma_wait3A_358 = arith.constant 0 : i32
      %dma_wait3A_359 = arith.constant 0 : i32
      %dma_wait3A_360 = tpu.memref_slice %arg6[%run_scoped3A_286, %dma_wait3A_358, %dma_wait3A_359] : memref<2x800x16xf32, #tpu.memory_space<vmem>> -> memref<1x456x16xf32, #tpu.memory_space<vmem>>
      %dma_wait3A_361 = tpu.memref_squeeze %dma_wait3A_360 : memref<1x456x16xf32, #tpu.memory_space<vmem>> -> memref<456x16xf32, #tpu.memory_space<vmem>>
      %dma_wait3A_362 = arith.constant 0 : i32
      %dma_wait3A_363 = tpu.memref_slice %arg9[%add3A_285, %dma_wait3A_362] : memref<102144x16xf32, #tpu.memory_space<vmem_shared>> -> memref<456x16xf32, #tpu.memory_space<vmem_shared>>
      %dma_wait3A_364 = arith.constant 0 : i32
      %dma_wait3A_365 = arith.constant 0 : i32
      %dma_wait3A_366 = tpu.memref_slice %arg6[%run_scoped3A_286, %dma_wait3A_364, %dma_wait3A_365] : memref<2x800x16xf32, #tpu.memory_space<vmem>> -> memref<1x456x16xf32, #tpu.memory_space<vmem>>
      %dma_wait3A_367 = tpu.memref_squeeze %dma_wait3A_366 : memref<1x456x16xf32, #tpu.memory_space<vmem>> -> memref<456x16xf32, #tpu.memory_space<vmem>>
      %dma_wait3A_368 = arith.constant 0 : i32
      %dma_wait3A_369 = tpu.memref_slice %arg9[%add3A_285, %dma_wait3A_368] : memref<102144x16xf32, #tpu.memory_space<vmem_shared>> -> memref<456x16xf32, #tpu.memory_space<vmem_shared>>
      tpu.wait_dma2 semaphore(%run_scoped3A_345 : memref<!tpu.dma_semaphore, #tpu.memory_space<semaphore_mem>>) src(%dma_wait3A_369 : memref<456x16xf32, #tpu.memory_space<vmem_shared>>) dst(%dma_wait3A_367 : memref<456x16xf32, #tpu.memory_space<vmem>>)
      tpu.yield
    }) : () -> ()
    %mul3A_287 = arith.constant 102144 : i32
    %mul3A_288 = arith.muli %arg0, %mul3A_287 : i32
    %add3A_289 = arith.addi %mul3A_288, %add3A_285 : i32
    %run_scoped3A_290 = arith.constant 0 : i32
    "tpu.region"() ({
      %run_scoped3A_345 = tpu.sem_alloc : memref<!tpu.dma_semaphore, #tpu.memory_space<semaphore_mem>>
      %dma_start3A_346 = arith.constant 0 : i32
      %dma_start3A_347 = arith.constant 0 : i32
      %dma_start3A_348 = tpu.memref_slice %arg6[%run_scoped3A_290, %dma_start3A_346, %dma_start3A_347] : memref<2x800x16xf32, #tpu.memory_space<vmem>> -> memref<1x456x16xf32, #tpu.memory_space<vmem>>
      %dma_start3A_349 = tpu.memref_squeeze %dma_start3A_348 : memref<1x456x16xf32, #tpu.memory_space<vmem>> -> memref<456x16xf32, #tpu.memory_space<vmem>>
      %dma_start3A_350 = arith.constant 0 : i32
      %dma_start3A_351 = tpu.memref_slice %arg5[%add3A_289, %dma_start3A_350] : memref<204288x16xf32, #tpu.memory_space<hbm>> -> memref<456x16xf32, #tpu.memory_space<hbm>>
      %dma_start3A_352 = arith.constant 0 : i32
      %dma_start3A_353 = tpu.memref_slice %arg5[%add3A_289, %dma_start3A_352] : memref<204288x16xf32, #tpu.memory_space<hbm>> -> memref<456x16xf32, #tpu.memory_space<hbm>>
      %dma_start3A_354 = arith.constant 0 : i32
      %dma_start3A_355 = arith.constant 0 : i32
      %dma_start3A_356 = tpu.memref_slice %arg6[%run_scoped3A_290, %dma_start3A_354, %dma_start3A_355] : memref<2x800x16xf32, #tpu.memory_space<vmem>> -> memref<1x456x16xf32, #tpu.memory_space<vmem>>
      %dma_start3A_357 = tpu.memref_squeeze %dma_start3A_356 : memref<1x456x16xf32, #tpu.memory_space<vmem>> -> memref<456x16xf32, #tpu.memory_space<vmem>>
      tpu.enqueue_dma source(%dma_start3A_357 : memref<456x16xf32, #tpu.memory_space<vmem>>) target(%dma_start3A_353 : memref<456x16xf32, #tpu.memory_space<hbm>>) target_semaphore(%run_scoped3A_345 : memref<!tpu.dma_semaphore, #tpu.memory_space<semaphore_mem>>)
      %dma_wait3A_358 = arith.constant 0 : i32
      %dma_wait3A_359 = arith.constant 0 : i32
      %dma_wait3A_360 = tpu.memref_slice %arg6[%run_scoped3A_290, %dma_wait3A_358, %dma_wait3A_359] : memref<2x800x16xf32, #tpu.memory_space<vmem>> -> memref<1x456x16xf32, #tpu.memory_space<vmem>>
      %dma_wait3A_361 = tpu.memref_squeeze %dma_wait3A_360 : memref<1x456x16xf32, #tpu.memory_space<vmem>> -> memref<456x16xf32, #tpu.memory_space<vmem>>
      %dma_wait3A_362 = arith.constant 0 : i32
      %dma_wait3A_363 = tpu.memref_slice %arg5[%add3A_289, %dma_wait3A_362] : memref<204288x16xf32, #tpu.memory_space<hbm>> -> memref<456x16xf32, #tpu.memory_space<hbm>>
      %dma_wait3A_364 = arith.constant 0 : i32
      %dma_wait3A_365 = tpu.memref_slice %arg5[%add3A_289, %dma_wait3A_364] : memref<204288x16xf32, #tpu.memory_space<hbm>> -> memref<456x16xf32, #tpu.memory_space<hbm>>
      %dma_wait3A_366 = arith.constant 0 : i32
      %dma_wait3A_367 = arith.constant 0 : i32
      %dma_wait3A_368 = tpu.memref_slice %arg6[%run_scoped3A_290, %dma_wait3A_366, %dma_wait3A_367] : memref<2x800x16xf32, #tpu.memory_space<vmem>> -> memref<1x456x16xf32, #tpu.memory_space<vmem>>
      %dma_wait3A_369 = tpu.memref_squeeze %dma_wait3A_368 : memref<1x456x16xf32, #tpu.memory_space<vmem>> -> memref<456x16xf32, #tpu.memory_space<vmem>>
      tpu.wait_dma2 semaphore(%run_scoped3A_345 : memref<!tpu.dma_semaphore, #tpu.memory_space<semaphore_mem>>) src(%dma_wait3A_369 : memref<456x16xf32, #tpu.memory_space<vmem>>) dst(%dma_wait3A_365 : memref<456x16xf32, #tpu.memory_space<hbm>>)
      tpu.yield
    }) : () -> ()
    %mul3A_291 = arith.constant 6384 : i32
    %mul3A_292 = arith.muli %arg1, %mul3A_291 : i32
    %add3A_293 = arith.constant 3648 : i32
    %add3A_294 = arith.addi %mul3A_292, %add3A_293 : i32
    %run_scoped3A_295 = arith.constant 0 : i32
    "tpu.region"() ({
      %run_scoped3A_345 = tpu.sem_alloc : memref<!tpu.dma_semaphore, #tpu.memory_space<semaphore_mem>>
      %dma_start3A_346 = arith.constant 0 : i32
      %dma_start3A_347 = arith.constant 0 : i32
      %dma_start3A_348 = tpu.memref_slice %arg6[%run_scoped3A_295, %dma_start3A_346, %dma_start3A_347] : memref<2x800x16xf32, #tpu.memory_space<vmem>> -> memref<1x456x16xf32, #tpu.memory_space<vmem>>
      %dma_start3A_349 = tpu.memref_squeeze %dma_start3A_348 : memref<1x456x16xf32, #tpu.memory_space<vmem>> -> memref<456x16xf32, #tpu.memory_space<vmem>>
      %dma_start3A_350 = arith.constant 0 : i32
      %dma_start3A_351 = tpu.memref_slice %arg9[%add3A_294, %dma_start3A_350] : memref<102144x16xf32, #tpu.memory_space<vmem_shared>> -> memref<456x16xf32, #tpu.memory_space<vmem_shared>>
      %dma_start3A_352 = arith.constant 0 : i32
      %dma_start3A_353 = arith.constant 0 : i32
      %dma_start3A_354 = tpu.memref_slice %arg6[%run_scoped3A_295, %dma_start3A_352, %dma_start3A_353] : memref<2x800x16xf32, #tpu.memory_space<vmem>> -> memref<1x456x16xf32, #tpu.memory_space<vmem>>
      %dma_start3A_355 = tpu.memref_squeeze %dma_start3A_354 : memref<1x456x16xf32, #tpu.memory_space<vmem>> -> memref<456x16xf32, #tpu.memory_space<vmem>>
      %dma_start3A_356 = arith.constant 0 : i32
      %dma_start3A_357 = tpu.memref_slice %arg9[%add3A_294, %dma_start3A_356] : memref<102144x16xf32, #tpu.memory_space<vmem_shared>> -> memref<456x16xf32, #tpu.memory_space<vmem_shared>>
      tpu.enqueue_dma source(%dma_start3A_357 : memref<456x16xf32, #tpu.memory_space<vmem_shared>>) target(%dma_start3A_355 : memref<456x16xf32, #tpu.memory_space<vmem>>) target_semaphore(%run_scoped3A_345 : memref<!tpu.dma_semaphore, #tpu.memory_space<semaphore_mem>>)
      %dma_wait3A_358 = arith.constant 0 : i32
      %dma_wait3A_359 = arith.constant 0 : i32
      %dma_wait3A_360 = tpu.memref_slice %arg6[%run_scoped3A_295, %dma_wait3A_358, %dma_wait3A_359] : memref<2x800x16xf32, #tpu.memory_space<vmem>> -> memref<1x456x16xf32, #tpu.memory_space<vmem>>
      %dma_wait3A_361 = tpu.memref_squeeze %dma_wait3A_360 : memref<1x456x16xf32, #tpu.memory_space<vmem>> -> memref<456x16xf32, #tpu.memory_space<vmem>>
      %dma_wait3A_362 = arith.constant 0 : i32
      %dma_wait3A_363 = tpu.memref_slice %arg9[%add3A_294, %dma_wait3A_362] : memref<102144x16xf32, #tpu.memory_space<vmem_shared>> -> memref<456x16xf32, #tpu.memory_space<vmem_shared>>
      %dma_wait3A_364 = arith.constant 0 : i32
      %dma_wait3A_365 = arith.constant 0 : i32
      %dma_wait3A_366 = tpu.memref_slice %arg6[%run_scoped3A_295, %dma_wait3A_364, %dma_wait3A_365] : memref<2x800x16xf32, #tpu.memory_space<vmem>> -> memref<1x456x16xf32, #tpu.memory_space<vmem>>
      %dma_wait3A_367 = tpu.memref_squeeze %dma_wait3A_366 : memref<1x456x16xf32, #tpu.memory_space<vmem>> -> memref<456x16xf32, #tpu.memory_space<vmem>>
      %dma_wait3A_368 = arith.constant 0 : i32
      %dma_wait3A_369 = tpu.memref_slice %arg9[%add3A_294, %dma_wait3A_368] : memref<102144x16xf32, #tpu.memory_space<vmem_shared>> -> memref<456x16xf32, #tpu.memory_space<vmem_shared>>
      tpu.wait_dma2 semaphore(%run_scoped3A_345 : memref<!tpu.dma_semaphore, #tpu.memory_space<semaphore_mem>>) src(%dma_wait3A_369 : memref<456x16xf32, #tpu.memory_space<vmem_shared>>) dst(%dma_wait3A_367 : memref<456x16xf32, #tpu.memory_space<vmem>>)
      tpu.yield
    }) : () -> ()
    %mul3A_296 = arith.constant 102144 : i32
    %mul3A_297 = arith.muli %arg0, %mul3A_296 : i32
    %add3A_298 = arith.addi %mul3A_297, %add3A_294 : i32
    %run_scoped3A_299 = arith.constant 0 : i32
    "tpu.region"() ({
      %run_scoped3A_345 = tpu.sem_alloc : memref<!tpu.dma_semaphore, #tpu.memory_space<semaphore_mem>>
      %dma_start3A_346 = arith.constant 0 : i32
      %dma_start3A_347 = arith.constant 0 : i32
      %dma_start3A_348 = tpu.memref_slice %arg6[%run_scoped3A_299, %dma_start3A_346, %dma_start3A_347] : memref<2x800x16xf32, #tpu.memory_space<vmem>> -> memref<1x456x16xf32, #tpu.memory_space<vmem>>
      %dma_start3A_349 = tpu.memref_squeeze %dma_start3A_348 : memref<1x456x16xf32, #tpu.memory_space<vmem>> -> memref<456x16xf32, #tpu.memory_space<vmem>>
      %dma_start3A_350 = arith.constant 0 : i32
      %dma_start3A_351 = tpu.memref_slice %arg5[%add3A_298, %dma_start3A_350] : memref<204288x16xf32, #tpu.memory_space<hbm>> -> memref<456x16xf32, #tpu.memory_space<hbm>>
      %dma_start3A_352 = arith.constant 0 : i32
      %dma_start3A_353 = tpu.memref_slice %arg5[%add3A_298, %dma_start3A_352] : memref<204288x16xf32, #tpu.memory_space<hbm>> -> memref<456x16xf32, #tpu.memory_space<hbm>>
      %dma_start3A_354 = arith.constant 0 : i32
      %dma_start3A_355 = arith.constant 0 : i32
      %dma_start3A_356 = tpu.memref_slice %arg6[%run_scoped3A_299, %dma_start3A_354, %dma_start3A_355] : memref<2x800x16xf32, #tpu.memory_space<vmem>> -> memref<1x456x16xf32, #tpu.memory_space<vmem>>
      %dma_start3A_357 = tpu.memref_squeeze %dma_start3A_356 : memref<1x456x16xf32, #tpu.memory_space<vmem>> -> memref<456x16xf32, #tpu.memory_space<vmem>>
      tpu.enqueue_dma source(%dma_start3A_357 : memref<456x16xf32, #tpu.memory_space<vmem>>) target(%dma_start3A_353 : memref<456x16xf32, #tpu.memory_space<hbm>>) target_semaphore(%run_scoped3A_345 : memref<!tpu.dma_semaphore, #tpu.memory_space<semaphore_mem>>)
      %dma_wait3A_358 = arith.constant 0 : i32
      %dma_wait3A_359 = arith.constant 0 : i32
      %dma_wait3A_360 = tpu.memref_slice %arg6[%run_scoped3A_299, %dma_wait3A_358, %dma_wait3A_359] : memref<2x800x16xf32, #tpu.memory_space<vmem>> -> memref<1x456x16xf32, #tpu.memory_space<vmem>>
      %dma_wait3A_361 = tpu.memref_squeeze %dma_wait3A_360 : memref<1x456x16xf32, #tpu.memory_space<vmem>> -> memref<456x16xf32, #tpu.memory_space<vmem>>
      %dma_wait3A_362 = arith.constant 0 : i32
      %dma_wait3A_363 = tpu.memref_slice %arg5[%add3A_298, %dma_wait3A_362] : memref<204288x16xf32, #tpu.memory_space<hbm>> -> memref<456x16xf32, #tpu.memory_space<hbm>>
      %dma_wait3A_364 = arith.constant 0 : i32
      %dma_wait3A_365 = tpu.memref_slice %arg5[%add3A_298, %dma_wait3A_364] : memref<204288x16xf32, #tpu.memory_space<hbm>> -> memref<456x16xf32, #tpu.memory_space<hbm>>
      %dma_wait3A_366 = arith.constant 0 : i32
      %dma_wait3A_367 = arith.constant 0 : i32
      %dma_wait3A_368 = tpu.memref_slice %arg6[%run_scoped3A_299, %dma_wait3A_366, %dma_wait3A_367] : memref<2x800x16xf32, #tpu.memory_space<vmem>> -> memref<1x456x16xf32, #tpu.memory_space<vmem>>
      %dma_wait3A_369 = tpu.memref_squeeze %dma_wait3A_368 : memref<1x456x16xf32, #tpu.memory_space<vmem>> -> memref<456x16xf32, #tpu.memory_space<vmem>>
      tpu.wait_dma2 semaphore(%run_scoped3A_345 : memref<!tpu.dma_semaphore, #tpu.memory_space<semaphore_mem>>) src(%dma_wait3A_369 : memref<456x16xf32, #tpu.memory_space<vmem>>) dst(%dma_wait3A_365 : memref<456x16xf32, #tpu.memory_space<hbm>>)
      tpu.yield
    }) : () -> ()
    %mul3A_300 = arith.constant 6384 : i32
    %mul3A_301 = arith.muli %arg1, %mul3A_300 : i32
    %add3A_302 = arith.constant 4104 : i32
    %add3A_303 = arith.addi %mul3A_301, %add3A_302 : i32
    %run_scoped3A_304 = arith.constant 0 : i32
    "tpu.region"() ({
      %run_scoped3A_345 = tpu.sem_alloc : memref<!tpu.dma_semaphore, #tpu.memory_space<semaphore_mem>>
      %dma_start3A_346 = arith.constant 0 : i32
      %dma_start3A_347 = arith.constant 0 : i32
      %dma_start3A_348 = tpu.memref_slice %arg6[%run_scoped3A_304, %dma_start3A_346, %dma_start3A_347] : memref<2x800x16xf32, #tpu.memory_space<vmem>> -> memref<1x456x16xf32, #tpu.memory_space<vmem>>
      %dma_start3A_349 = tpu.memref_squeeze %dma_start3A_348 : memref<1x456x16xf32, #tpu.memory_space<vmem>> -> memref<456x16xf32, #tpu.memory_space<vmem>>
      %dma_start3A_350 = arith.constant 0 : i32
      %dma_start3A_351 = tpu.memref_slice %arg9[%add3A_303, %dma_start3A_350] : memref<102144x16xf32, #tpu.memory_space<vmem_shared>> -> memref<456x16xf32, #tpu.memory_space<vmem_shared>>
      %dma_start3A_352 = arith.constant 0 : i32
      %dma_start3A_353 = arith.constant 0 : i32
      %dma_start3A_354 = tpu.memref_slice %arg6[%run_scoped3A_304, %dma_start3A_352, %dma_start3A_353] : memref<2x800x16xf32, #tpu.memory_space<vmem>> -> memref<1x456x16xf32, #tpu.memory_space<vmem>>
      %dma_start3A_355 = tpu.memref_squeeze %dma_start3A_354 : memref<1x456x16xf32, #tpu.memory_space<vmem>> -> memref<456x16xf32, #tpu.memory_space<vmem>>
      %dma_start3A_356 = arith.constant 0 : i32
      %dma_start3A_357 = tpu.memref_slice %arg9[%add3A_303, %dma_start3A_356] : memref<102144x16xf32, #tpu.memory_space<vmem_shared>> -> memref<456x16xf32, #tpu.memory_space<vmem_shared>>
      tpu.enqueue_dma source(%dma_start3A_357 : memref<456x16xf32, #tpu.memory_space<vmem_shared>>) target(%dma_start3A_355 : memref<456x16xf32, #tpu.memory_space<vmem>>) target_semaphore(%run_scoped3A_345 : memref<!tpu.dma_semaphore, #tpu.memory_space<semaphore_mem>>)
      %dma_wait3A_358 = arith.constant 0 : i32
      %dma_wait3A_359 = arith.constant 0 : i32
      %dma_wait3A_360 = tpu.memref_slice %arg6[%run_scoped3A_304, %dma_wait3A_358, %dma_wait3A_359] : memref<2x800x16xf32, #tpu.memory_space<vmem>> -> memref<1x456x16xf32, #tpu.memory_space<vmem>>
      %dma_wait3A_361 = tpu.memref_squeeze %dma_wait3A_360 : memref<1x456x16xf32, #tpu.memory_space<vmem>> -> memref<456x16xf32, #tpu.memory_space<vmem>>
      %dma_wait3A_362 = arith.constant 0 : i32
      %dma_wait3A_363 = tpu.memref_slice %arg9[%add3A_303, %dma_wait3A_362] : memref<102144x16xf32, #tpu.memory_space<vmem_shared>> -> memref<456x16xf32, #tpu.memory_space<vmem_shared>>
      %dma_wait3A_364 = arith.constant 0 : i32
      %dma_wait3A_365 = arith.constant 0 : i32
      %dma_wait3A_366 = tpu.memref_slice %arg6[%run_scoped3A_304, %dma_wait3A_364, %dma_wait3A_365] : memref<2x800x16xf32, #tpu.memory_space<vmem>> -> memref<1x456x16xf32, #tpu.memory_space<vmem>>
      %dma_wait3A_367 = tpu.memref_squeeze %dma_wait3A_366 : memref<1x456x16xf32, #tpu.memory_space<vmem>> -> memref<456x16xf32, #tpu.memory_space<vmem>>
      %dma_wait3A_368 = arith.constant 0 : i32
      %dma_wait3A_369 = tpu.memref_slice %arg9[%add3A_303, %dma_wait3A_368] : memref<102144x16xf32, #tpu.memory_space<vmem_shared>> -> memref<456x16xf32, #tpu.memory_space<vmem_shared>>
      tpu.wait_dma2 semaphore(%run_scoped3A_345 : memref<!tpu.dma_semaphore, #tpu.memory_space<semaphore_mem>>) src(%dma_wait3A_369 : memref<456x16xf32, #tpu.memory_space<vmem_shared>>) dst(%dma_wait3A_367 : memref<456x16xf32, #tpu.memory_space<vmem>>)
      tpu.yield
    }) : () -> ()
    %mul3A_305 = arith.constant 102144 : i32
    %mul3A_306 = arith.muli %arg0, %mul3A_305 : i32
    %add3A_307 = arith.addi %mul3A_306, %add3A_303 : i32
    %run_scoped3A_308 = arith.constant 0 : i32
    "tpu.region"() ({
      %run_scoped3A_345 = tpu.sem_alloc : memref<!tpu.dma_semaphore, #tpu.memory_space<semaphore_mem>>
      %dma_start3A_346 = arith.constant 0 : i32
      %dma_start3A_347 = arith.constant 0 : i32
      %dma_start3A_348 = tpu.memref_slice %arg6[%run_scoped3A_308, %dma_start3A_346, %dma_start3A_347] : memref<2x800x16xf32, #tpu.memory_space<vmem>> -> memref<1x456x16xf32, #tpu.memory_space<vmem>>
      %dma_start3A_349 = tpu.memref_squeeze %dma_start3A_348 : memref<1x456x16xf32, #tpu.memory_space<vmem>> -> memref<456x16xf32, #tpu.memory_space<vmem>>
      %dma_start3A_350 = arith.constant 0 : i32
      %dma_start3A_351 = tpu.memref_slice %arg5[%add3A_307, %dma_start3A_350] : memref<204288x16xf32, #tpu.memory_space<hbm>> -> memref<456x16xf32, #tpu.memory_space<hbm>>
      %dma_start3A_352 = arith.constant 0 : i32
      %dma_start3A_353 = tpu.memref_slice %arg5[%add3A_307, %dma_start3A_352] : memref<204288x16xf32, #tpu.memory_space<hbm>> -> memref<456x16xf32, #tpu.memory_space<hbm>>
      %dma_start3A_354 = arith.constant 0 : i32
      %dma_start3A_355 = arith.constant 0 : i32
      %dma_start3A_356 = tpu.memref_slice %arg6[%run_scoped3A_308, %dma_start3A_354, %dma_start3A_355] : memref<2x800x16xf32, #tpu.memory_space<vmem>> -> memref<1x456x16xf32, #tpu.memory_space<vmem>>
      %dma_start3A_357 = tpu.memref_squeeze %dma_start3A_356 : memref<1x456x16xf32, #tpu.memory_space<vmem>> -> memref<456x16xf32, #tpu.memory_space<vmem>>
      tpu.enqueue_dma source(%dma_start3A_357 : memref<456x16xf32, #tpu.memory_space<vmem>>) target(%dma_start3A_353 : memref<456x16xf32, #tpu.memory_space<hbm>>) target_semaphore(%run_scoped3A_345 : memref<!tpu.dma_semaphore, #tpu.memory_space<semaphore_mem>>)
      %dma_wait3A_358 = arith.constant 0 : i32
      %dma_wait3A_359 = arith.constant 0 : i32
      %dma_wait3A_360 = tpu.memref_slice %arg6[%run_scoped3A_308, %dma_wait3A_358, %dma_wait3A_359] : memref<2x800x16xf32, #tpu.memory_space<vmem>> -> memref<1x456x16xf32, #tpu.memory_space<vmem>>
      %dma_wait3A_361 = tpu.memref_squeeze %dma_wait3A_360 : memref<1x456x16xf32, #tpu.memory_space<vmem>> -> memref<456x16xf32, #tpu.memory_space<vmem>>
      %dma_wait3A_362 = arith.constant 0 : i32
      %dma_wait3A_363 = tpu.memref_slice %arg5[%add3A_307, %dma_wait3A_362] : memref<204288x16xf32, #tpu.memory_space<hbm>> -> memref<456x16xf32, #tpu.memory_space<hbm>>
      %dma_wait3A_364 = arith.constant 0 : i32
      %dma_wait3A_365 = tpu.memref_slice %arg5[%add3A_307, %dma_wait3A_364] : memref<204288x16xf32, #tpu.memory_space<hbm>> -> memref<456x16xf32, #tpu.memory_space<hbm>>
      %dma_wait3A_366 = arith.constant 0 : i32
      %dma_wait3A_367 = arith.constant 0 : i32
      %dma_wait3A_368 = tpu.memref_slice %arg6[%run_scoped3A_308, %dma_wait3A_366, %dma_wait3A_367] : memref<2x800x16xf32, #tpu.memory_space<vmem>> -> memref<1x456x16xf32, #tpu.memory_space<vmem>>
      %dma_wait3A_369 = tpu.memref_squeeze %dma_wait3A_368 : memref<1x456x16xf32, #tpu.memory_space<vmem>> -> memref<456x16xf32, #tpu.memory_space<vmem>>
      tpu.wait_dma2 semaphore(%run_scoped3A_345 : memref<!tpu.dma_semaphore, #tpu.memory_space<semaphore_mem>>) src(%dma_wait3A_369 : memref<456x16xf32, #tpu.memory_space<vmem>>) dst(%dma_wait3A_365 : memref<456x16xf32, #tpu.memory_space<hbm>>)
      tpu.yield
    }) : () -> ()
    %mul3A_309 = arith.constant 6384 : i32
    %mul3A_310 = arith.muli %arg1, %mul3A_309 : i32
    %add3A_311 = arith.constant 4560 : i32
    %add3A_312 = arith.addi %mul3A_310, %add3A_311 : i32
    %run_scoped3A_313 = arith.constant 0 : i32
    "tpu.region"() ({
      %run_scoped3A_345 = tpu.sem_alloc : memref<!tpu.dma_semaphore, #tpu.memory_space<semaphore_mem>>
      %dma_start3A_346 = arith.constant 0 : i32
      %dma_start3A_347 = arith.constant 0 : i32
      %dma_start3A_348 = tpu.memref_slice %arg6[%run_scoped3A_313, %dma_start3A_346, %dma_start3A_347] : memref<2x800x16xf32, #tpu.memory_space<vmem>> -> memref<1x456x16xf32, #tpu.memory_space<vmem>>
      %dma_start3A_349 = tpu.memref_squeeze %dma_start3A_348 : memref<1x456x16xf32, #tpu.memory_space<vmem>> -> memref<456x16xf32, #tpu.memory_space<vmem>>
      %dma_start3A_350 = arith.constant 0 : i32
      %dma_start3A_351 = tpu.memref_slice %arg9[%add3A_312, %dma_start3A_350] : memref<102144x16xf32, #tpu.memory_space<vmem_shared>> -> memref<456x16xf32, #tpu.memory_space<vmem_shared>>
      %dma_start3A_352 = arith.constant 0 : i32
      %dma_start3A_353 = arith.constant 0 : i32
      %dma_start3A_354 = tpu.memref_slice %arg6[%run_scoped3A_313, %dma_start3A_352, %dma_start3A_353] : memref<2x800x16xf32, #tpu.memory_space<vmem>> -> memref<1x456x16xf32, #tpu.memory_space<vmem>>
      %dma_start3A_355 = tpu.memref_squeeze %dma_start3A_354 : memref<1x456x16xf32, #tpu.memory_space<vmem>> -> memref<456x16xf32, #tpu.memory_space<vmem>>
      %dma_start3A_356 = arith.constant 0 : i32
      %dma_start3A_357 = tpu.memref_slice %arg9[%add3A_312, %dma_start3A_356] : memref<102144x16xf32, #tpu.memory_space<vmem_shared>> -> memref<456x16xf32, #tpu.memory_space<vmem_shared>>
      tpu.enqueue_dma source(%dma_start3A_357 : memref<456x16xf32, #tpu.memory_space<vmem_shared>>) target(%dma_start3A_355 : memref<456x16xf32, #tpu.memory_space<vmem>>) target_semaphore(%run_scoped3A_345 : memref<!tpu.dma_semaphore, #tpu.memory_space<semaphore_mem>>)
      %dma_wait3A_358 = arith.constant 0 : i32
      %dma_wait3A_359 = arith.constant 0 : i32
      %dma_wait3A_360 = tpu.memref_slice %arg6[%run_scoped3A_313, %dma_wait3A_358, %dma_wait3A_359] : memref<2x800x16xf32, #tpu.memory_space<vmem>> -> memref<1x456x16xf32, #tpu.memory_space<vmem>>
      %dma_wait3A_361 = tpu.memref_squeeze %dma_wait3A_360 : memref<1x456x16xf32, #tpu.memory_space<vmem>> -> memref<456x16xf32, #tpu.memory_space<vmem>>
      %dma_wait3A_362 = arith.constant 0 : i32
      %dma_wait3A_363 = tpu.memref_slice %arg9[%add3A_312, %dma_wait3A_362] : memref<102144x16xf32, #tpu.memory_space<vmem_shared>> -> memref<456x16xf32, #tpu.memory_space<vmem_shared>>
      %dma_wait3A_364 = arith.constant 0 : i32
      %dma_wait3A_365 = arith.constant 0 : i32
      %dma_wait3A_366 = tpu.memref_slice %arg6[%run_scoped3A_313, %dma_wait3A_364, %dma_wait3A_365] : memref<2x800x16xf32, #tpu.memory_space<vmem>> -> memref<1x456x16xf32, #tpu.memory_space<vmem>>
      %dma_wait3A_367 = tpu.memref_squeeze %dma_wait3A_366 : memref<1x456x16xf32, #tpu.memory_space<vmem>> -> memref<456x16xf32, #tpu.memory_space<vmem>>
      %dma_wait3A_368 = arith.constant 0 : i32
      %dma_wait3A_369 = tpu.memref_slice %arg9[%add3A_312, %dma_wait3A_368] : memref<102144x16xf32, #tpu.memory_space<vmem_shared>> -> memref<456x16xf32, #tpu.memory_space<vmem_shared>>
      tpu.wait_dma2 semaphore(%run_scoped3A_345 : memref<!tpu.dma_semaphore, #tpu.memory_space<semaphore_mem>>) src(%dma_wait3A_369 : memref<456x16xf32, #tpu.memory_space<vmem_shared>>) dst(%dma_wait3A_367 : memref<456x16xf32, #tpu.memory_space<vmem>>)
      tpu.yield
    }) : () -> ()
    %mul3A_314 = arith.constant 102144 : i32
    %mul3A_315 = arith.muli %arg0, %mul3A_314 : i32
    %add3A_316 = arith.addi %mul3A_315, %add3A_312 : i32
    %run_scoped3A_317 = arith.constant 0 : i32
    "tpu.region"() ({
      %run_scoped3A_345 = tpu.sem_alloc : memref<!tpu.dma_semaphore, #tpu.memory_space<semaphore_mem>>
      %dma_start3A_346 = arith.constant 0 : i32
      %dma_start3A_347 = arith.constant 0 : i32
      %dma_start3A_348 = tpu.memref_slice %arg6[%run_scoped3A_317, %dma_start3A_346, %dma_start3A_347] : memref<2x800x16xf32, #tpu.memory_space<vmem>> -> memref<1x456x16xf32, #tpu.memory_space<vmem>>
      %dma_start3A_349 = tpu.memref_squeeze %dma_start3A_348 : memref<1x456x16xf32, #tpu.memory_space<vmem>> -> memref<456x16xf32, #tpu.memory_space<vmem>>
      %dma_start3A_350 = arith.constant 0 : i32
      %dma_start3A_351 = tpu.memref_slice %arg5[%add3A_316, %dma_start3A_350] : memref<204288x16xf32, #tpu.memory_space<hbm>> -> memref<456x16xf32, #tpu.memory_space<hbm>>
      %dma_start3A_352 = arith.constant 0 : i32
      %dma_start3A_353 = tpu.memref_slice %arg5[%add3A_316, %dma_start3A_352] : memref<204288x16xf32, #tpu.memory_space<hbm>> -> memref<456x16xf32, #tpu.memory_space<hbm>>
      %dma_start3A_354 = arith.constant 0 : i32
      %dma_start3A_355 = arith.constant 0 : i32
      %dma_start3A_356 = tpu.memref_slice %arg6[%run_scoped3A_317, %dma_start3A_354, %dma_start3A_355] : memref<2x800x16xf32, #tpu.memory_space<vmem>> -> memref<1x456x16xf32, #tpu.memory_space<vmem>>
      %dma_start3A_357 = tpu.memref_squeeze %dma_start3A_356 : memref<1x456x16xf32, #tpu.memory_space<vmem>> -> memref<456x16xf32, #tpu.memory_space<vmem>>
      tpu.enqueue_dma source(%dma_start3A_357 : memref<456x16xf32, #tpu.memory_space<vmem>>) target(%dma_start3A_353 : memref<456x16xf32, #tpu.memory_space<hbm>>) target_semaphore(%run_scoped3A_345 : memref<!tpu.dma_semaphore, #tpu.memory_space<semaphore_mem>>)
      %dma_wait3A_358 = arith.constant 0 : i32
      %dma_wait3A_359 = arith.constant 0 : i32
      %dma_wait3A_360 = tpu.memref_slice %arg6[%run_scoped3A_317, %dma_wait3A_358, %dma_wait3A_359] : memref<2x800x16xf32, #tpu.memory_space<vmem>> -> memref<1x456x16xf32, #tpu.memory_space<vmem>>
      %dma_wait3A_361 = tpu.memref_squeeze %dma_wait3A_360 : memref<1x456x16xf32, #tpu.memory_space<vmem>> -> memref<456x16xf32, #tpu.memory_space<vmem>>
      %dma_wait3A_362 = arith.constant 0 : i32
      %dma_wait3A_363 = tpu.memref_slice %arg5[%add3A_316, %dma_wait3A_362] : memref<204288x16xf32, #tpu.memory_space<hbm>> -> memref<456x16xf32, #tpu.memory_space<hbm>>
      %dma_wait3A_364 = arith.constant 0 : i32
      %dma_wait3A_365 = tpu.memref_slice %arg5[%add3A_316, %dma_wait3A_364] : memref<204288x16xf32, #tpu.memory_space<hbm>> -> memref<456x16xf32, #tpu.memory_space<hbm>>
      %dma_wait3A_366 = arith.constant 0 : i32
      %dma_wait3A_367 = arith.constant 0 : i32
      %dma_wait3A_368 = tpu.memref_slice %arg6[%run_scoped3A_317, %dma_wait3A_366, %dma_wait3A_367] : memref<2x800x16xf32, #tpu.memory_space<vmem>> -> memref<1x456x16xf32, #tpu.memory_space<vmem>>
      %dma_wait3A_369 = tpu.memref_squeeze %dma_wait3A_368 : memref<1x456x16xf32, #tpu.memory_space<vmem>> -> memref<456x16xf32, #tpu.memory_space<vmem>>
      tpu.wait_dma2 semaphore(%run_scoped3A_345 : memref<!tpu.dma_semaphore, #tpu.memory_space<semaphore_mem>>) src(%dma_wait3A_369 : memref<456x16xf32, #tpu.memory_space<vmem>>) dst(%dma_wait3A_365 : memref<456x16xf32, #tpu.memory_space<hbm>>)
      tpu.yield
    }) : () -> ()
    %mul3A_318 = arith.constant 6384 : i32
    %mul3A_319 = arith.muli %arg1, %mul3A_318 : i32
    %add3A_320 = arith.constant 5016 : i32
    %add3A_321 = arith.addi %mul3A_319, %add3A_320 : i32
    %run_scoped3A_322 = arith.constant 0 : i32
    "tpu.region"() ({
      %run_scoped3A_345 = tpu.sem_alloc : memref<!tpu.dma_semaphore, #tpu.memory_space<semaphore_mem>>
      %dma_start3A_346 = arith.constant 0 : i32
      %dma_start3A_347 = arith.constant 0 : i32
      %dma_start3A_348 = tpu.memref_slice %arg6[%run_scoped3A_322, %dma_start3A_346, %dma_start3A_347] : memref<2x800x16xf32, #tpu.memory_space<vmem>> -> memref<1x456x16xf32, #tpu.memory_space<vmem>>
      %dma_start3A_349 = tpu.memref_squeeze %dma_start3A_348 : memref<1x456x16xf32, #tpu.memory_space<vmem>> -> memref<456x16xf32, #tpu.memory_space<vmem>>
      %dma_start3A_350 = arith.constant 0 : i32
      %dma_start3A_351 = tpu.memref_slice %arg9[%add3A_321, %dma_start3A_350] : memref<102144x16xf32, #tpu.memory_space<vmem_shared>> -> memref<456x16xf32, #tpu.memory_space<vmem_shared>>
      %dma_start3A_352 = arith.constant 0 : i32
      %dma_start3A_353 = arith.constant 0 : i32
      %dma_start3A_354 = tpu.memref_slice %arg6[%run_scoped3A_322, %dma_start3A_352, %dma_start3A_353] : memref<2x800x16xf32, #tpu.memory_space<vmem>> -> memref<1x456x16xf32, #tpu.memory_space<vmem>>
      %dma_start3A_355 = tpu.memref_squeeze %dma_start3A_354 : memref<1x456x16xf32, #tpu.memory_space<vmem>> -> memref<456x16xf32, #tpu.memory_space<vmem>>
      %dma_start3A_356 = arith.constant 0 : i32
      %dma_start3A_357 = tpu.memref_slice %arg9[%add3A_321, %dma_start3A_356] : memref<102144x16xf32, #tpu.memory_space<vmem_shared>> -> memref<456x16xf32, #tpu.memory_space<vmem_shared>>
      tpu.enqueue_dma source(%dma_start3A_357 : memref<456x16xf32, #tpu.memory_space<vmem_shared>>) target(%dma_start3A_355 : memref<456x16xf32, #tpu.memory_space<vmem>>) target_semaphore(%run_scoped3A_345 : memref<!tpu.dma_semaphore, #tpu.memory_space<semaphore_mem>>)
      %dma_wait3A_358 = arith.constant 0 : i32
      %dma_wait3A_359 = arith.constant 0 : i32
      %dma_wait3A_360 = tpu.memref_slice %arg6[%run_scoped3A_322, %dma_wait3A_358, %dma_wait3A_359] : memref<2x800x16xf32, #tpu.memory_space<vmem>> -> memref<1x456x16xf32, #tpu.memory_space<vmem>>
      %dma_wait3A_361 = tpu.memref_squeeze %dma_wait3A_360 : memref<1x456x16xf32, #tpu.memory_space<vmem>> -> memref<456x16xf32, #tpu.memory_space<vmem>>
      %dma_wait3A_362 = arith.constant 0 : i32
      %dma_wait3A_363 = tpu.memref_slice %arg9[%add3A_321, %dma_wait3A_362] : memref<102144x16xf32, #tpu.memory_space<vmem_shared>> -> memref<456x16xf32, #tpu.memory_space<vmem_shared>>
      %dma_wait3A_364 = arith.constant 0 : i32
      %dma_wait3A_365 = arith.constant 0 : i32
      %dma_wait3A_366 = tpu.memref_slice %arg6[%run_scoped3A_322, %dma_wait3A_364, %dma_wait3A_365] : memref<2x800x16xf32, #tpu.memory_space<vmem>> -> memref<1x456x16xf32, #tpu.memory_space<vmem>>
      %dma_wait3A_367 = tpu.memref_squeeze %dma_wait3A_366 : memref<1x456x16xf32, #tpu.memory_space<vmem>> -> memref<456x16xf32, #tpu.memory_space<vmem>>
      %dma_wait3A_368 = arith.constant 0 : i32
      %dma_wait3A_369 = tpu.memref_slice %arg9[%add3A_321, %dma_wait3A_368] : memref<102144x16xf32, #tpu.memory_space<vmem_shared>> -> memref<456x16xf32, #tpu.memory_space<vmem_shared>>
      tpu.wait_dma2 semaphore(%run_scoped3A_345 : memref<!tpu.dma_semaphore, #tpu.memory_space<semaphore_mem>>) src(%dma_wait3A_369 : memref<456x16xf32, #tpu.memory_space<vmem_shared>>) dst(%dma_wait3A_367 : memref<456x16xf32, #tpu.memory_space<vmem>>)
      tpu.yield
    }) : () -> ()
    %mul3A_323 = arith.constant 102144 : i32
    %mul3A_324 = arith.muli %arg0, %mul3A_323 : i32
    %add3A_325 = arith.addi %mul3A_324, %add3A_321 : i32
    %run_scoped3A_326 = arith.constant 0 : i32
    "tpu.region"() ({
      %run_scoped3A_345 = tpu.sem_alloc : memref<!tpu.dma_semaphore, #tpu.memory_space<semaphore_mem>>
      %dma_start3A_346 = arith.constant 0 : i32
      %dma_start3A_347 = arith.constant 0 : i32
      %dma_start3A_348 = tpu.memref_slice %arg6[%run_scoped3A_326, %dma_start3A_346, %dma_start3A_347] : memref<2x800x16xf32, #tpu.memory_space<vmem>> -> memref<1x456x16xf32, #tpu.memory_space<vmem>>
      %dma_start3A_349 = tpu.memref_squeeze %dma_start3A_348 : memref<1x456x16xf32, #tpu.memory_space<vmem>> -> memref<456x16xf32, #tpu.memory_space<vmem>>
      %dma_start3A_350 = arith.constant 0 : i32
      %dma_start3A_351 = tpu.memref_slice %arg5[%add3A_325, %dma_start3A_350] : memref<204288x16xf32, #tpu.memory_space<hbm>> -> memref<456x16xf32, #tpu.memory_space<hbm>>
      %dma_start3A_352 = arith.constant 0 : i32
      %dma_start3A_353 = tpu.memref_slice %arg5[%add3A_325, %dma_start3A_352] : memref<204288x16xf32, #tpu.memory_space<hbm>> -> memref<456x16xf32, #tpu.memory_space<hbm>>
      %dma_start3A_354 = arith.constant 0 : i32
      %dma_start3A_355 = arith.constant 0 : i32
      %dma_start3A_356 = tpu.memref_slice %arg6[%run_scoped3A_326, %dma_start3A_354, %dma_start3A_355] : memref<2x800x16xf32, #tpu.memory_space<vmem>> -> memref<1x456x16xf32, #tpu.memory_space<vmem>>
      %dma_start3A_357 = tpu.memref_squeeze %dma_start3A_356 : memref<1x456x16xf32, #tpu.memory_space<vmem>> -> memref<456x16xf32, #tpu.memory_space<vmem>>
      tpu.enqueue_dma source(%dma_start3A_357 : memref<456x16xf32, #tpu.memory_space<vmem>>) target(%dma_start3A_353 : memref<456x16xf32, #tpu.memory_space<hbm>>) target_semaphore(%run_scoped3A_345 : memref<!tpu.dma_semaphore, #tpu.memory_space<semaphore_mem>>)
      %dma_wait3A_358 = arith.constant 0 : i32
      %dma_wait3A_359 = arith.constant 0 : i32
      %dma_wait3A_360 = tpu.memref_slice %arg6[%run_scoped3A_326, %dma_wait3A_358, %dma_wait3A_359] : memref<2x800x16xf32, #tpu.memory_space<vmem>> -> memref<1x456x16xf32, #tpu.memory_space<vmem>>
      %dma_wait3A_361 = tpu.memref_squeeze %dma_wait3A_360 : memref<1x456x16xf32, #tpu.memory_space<vmem>> -> memref<456x16xf32, #tpu.memory_space<vmem>>
      %dma_wait3A_362 = arith.constant 0 : i32
      %dma_wait3A_363 = tpu.memref_slice %arg5[%add3A_325, %dma_wait3A_362] : memref<204288x16xf32, #tpu.memory_space<hbm>> -> memref<456x16xf32, #tpu.memory_space<hbm>>
      %dma_wait3A_364 = arith.constant 0 : i32
      %dma_wait3A_365 = tpu.memref_slice %arg5[%add3A_325, %dma_wait3A_364] : memref<204288x16xf32, #tpu.memory_space<hbm>> -> memref<456x16xf32, #tpu.memory_space<hbm>>
      %dma_wait3A_366 = arith.constant 0 : i32
      %dma_wait3A_367 = arith.constant 0 : i32
      %dma_wait3A_368 = tpu.memref_slice %arg6[%run_scoped3A_326, %dma_wait3A_366, %dma_wait3A_367] : memref<2x800x16xf32, #tpu.memory_space<vmem>> -> memref<1x456x16xf32, #tpu.memory_space<vmem>>
      %dma_wait3A_369 = tpu.memref_squeeze %dma_wait3A_368 : memref<1x456x16xf32, #tpu.memory_space<vmem>> -> memref<456x16xf32, #tpu.memory_space<vmem>>
      tpu.wait_dma2 semaphore(%run_scoped3A_345 : memref<!tpu.dma_semaphore, #tpu.memory_space<semaphore_mem>>) src(%dma_wait3A_369 : memref<456x16xf32, #tpu.memory_space<vmem>>) dst(%dma_wait3A_365 : memref<456x16xf32, #tpu.memory_space<hbm>>)
      tpu.yield
    }) : () -> ()
    %mul3A_327 = arith.constant 6384 : i32
    %mul3A_328 = arith.muli %arg1, %mul3A_327 : i32
    %add3A_329 = arith.constant 5472 : i32
    %add3A_330 = arith.addi %mul3A_328, %add3A_329 : i32
    %run_scoped3A_331 = arith.constant 0 : i32
    "tpu.region"() ({
      %run_scoped3A_345 = tpu.sem_alloc : memref<!tpu.dma_semaphore, #tpu.memory_space<semaphore_mem>>
      %dma_start3A_346 = arith.constant 0 : i32
      %dma_start3A_347 = arith.constant 0 : i32
      %dma_start3A_348 = tpu.memref_slice %arg6[%run_scoped3A_331, %dma_start3A_346, %dma_start3A_347] : memref<2x800x16xf32, #tpu.memory_space<vmem>> -> memref<1x456x16xf32, #tpu.memory_space<vmem>>
      %dma_start3A_349 = tpu.memref_squeeze %dma_start3A_348 : memref<1x456x16xf32, #tpu.memory_space<vmem>> -> memref<456x16xf32, #tpu.memory_space<vmem>>
      %dma_start3A_350 = arith.constant 0 : i32
      %dma_start3A_351 = tpu.memref_slice %arg9[%add3A_330, %dma_start3A_350] : memref<102144x16xf32, #tpu.memory_space<vmem_shared>> -> memref<456x16xf32, #tpu.memory_space<vmem_shared>>
      %dma_start3A_352 = arith.constant 0 : i32
      %dma_start3A_353 = arith.constant 0 : i32
      %dma_start3A_354 = tpu.memref_slice %arg6[%run_scoped3A_331, %dma_start3A_352, %dma_start3A_353] : memref<2x800x16xf32, #tpu.memory_space<vmem>> -> memref<1x456x16xf32, #tpu.memory_space<vmem>>
      %dma_start3A_355 = tpu.memref_squeeze %dma_start3A_354 : memref<1x456x16xf32, #tpu.memory_space<vmem>> -> memref<456x16xf32, #tpu.memory_space<vmem>>
      %dma_start3A_356 = arith.constant 0 : i32
      %dma_start3A_357 = tpu.memref_slice %arg9[%add3A_330, %dma_start3A_356] : memref<102144x16xf32, #tpu.memory_space<vmem_shared>> -> memref<456x16xf32, #tpu.memory_space<vmem_shared>>
      tpu.enqueue_dma source(%dma_start3A_357 : memref<456x16xf32, #tpu.memory_space<vmem_shared>>) target(%dma_start3A_355 : memref<456x16xf32, #tpu.memory_space<vmem>>) target_semaphore(%run_scoped3A_345 : memref<!tpu.dma_semaphore, #tpu.memory_space<semaphore_mem>>)
      %dma_wait3A_358 = arith.constant 0 : i32
      %dma_wait3A_359 = arith.constant 0 : i32
      %dma_wait3A_360 = tpu.memref_slice %arg6[%run_scoped3A_331, %dma_wait3A_358, %dma_wait3A_359] : memref<2x800x16xf32, #tpu.memory_space<vmem>> -> memref<1x456x16xf32, #tpu.memory_space<vmem>>
      %dma_wait3A_361 = tpu.memref_squeeze %dma_wait3A_360 : memref<1x456x16xf32, #tpu.memory_space<vmem>> -> memref<456x16xf32, #tpu.memory_space<vmem>>
      %dma_wait3A_362 = arith.constant 0 : i32
      %dma_wait3A_363 = tpu.memref_slice %arg9[%add3A_330, %dma_wait3A_362] : memref<102144x16xf32, #tpu.memory_space<vmem_shared>> -> memref<456x16xf32, #tpu.memory_space<vmem_shared>>
      %dma_wait3A_364 = arith.constant 0 : i32
      %dma_wait3A_365 = arith.constant 0 : i32
      %dma_wait3A_366 = tpu.memref_slice %arg6[%run_scoped3A_331, %dma_wait3A_364, %dma_wait3A_365] : memref<2x800x16xf32, #tpu.memory_space<vmem>> -> memref<1x456x16xf32, #tpu.memory_space<vmem>>
      %dma_wait3A_367 = tpu.memref_squeeze %dma_wait3A_366 : memref<1x456x16xf32, #tpu.memory_space<vmem>> -> memref<456x16xf32, #tpu.memory_space<vmem>>
      %dma_wait3A_368 = arith.constant 0 : i32
      %dma_wait3A_369 = tpu.memref_slice %arg9[%add3A_330, %dma_wait3A_368] : memref<102144x16xf32, #tpu.memory_space<vmem_shared>> -> memref<456x16xf32, #tpu.memory_space<vmem_shared>>
      tpu.wait_dma2 semaphore(%run_scoped3A_345 : memref<!tpu.dma_semaphore, #tpu.memory_space<semaphore_mem>>) src(%dma_wait3A_369 : memref<456x16xf32, #tpu.memory_space<vmem_shared>>) dst(%dma_wait3A_367 : memref<456x16xf32, #tpu.memory_space<vmem>>)
      tpu.yield
    }) : () -> ()
    %mul3A_332 = arith.constant 102144 : i32
    %mul3A_333 = arith.muli %arg0, %mul3A_332 : i32
    %add3A_334 = arith.addi %mul3A_333, %add3A_330 : i32
    %run_scoped3A_335 = arith.constant 0 : i32
    "tpu.region"() ({
      %run_scoped3A_345 = tpu.sem_alloc : memref<!tpu.dma_semaphore, #tpu.memory_space<semaphore_mem>>
      %dma_start3A_346 = arith.constant 0 : i32
      %dma_start3A_347 = arith.constant 0 : i32
      %dma_start3A_348 = tpu.memref_slice %arg6[%run_scoped3A_335, %dma_start3A_346, %dma_start3A_347] : memref<2x800x16xf32, #tpu.memory_space<vmem>> -> memref<1x456x16xf32, #tpu.memory_space<vmem>>
      %dma_start3A_349 = tpu.memref_squeeze %dma_start3A_348 : memref<1x456x16xf32, #tpu.memory_space<vmem>> -> memref<456x16xf32, #tpu.memory_space<vmem>>
      %dma_start3A_350 = arith.constant 0 : i32
      %dma_start3A_351 = tpu.memref_slice %arg5[%add3A_334, %dma_start3A_350] : memref<204288x16xf32, #tpu.memory_space<hbm>> -> memref<456x16xf32, #tpu.memory_space<hbm>>
      %dma_start3A_352 = arith.constant 0 : i32
      %dma_start3A_353 = tpu.memref_slice %arg5[%add3A_334, %dma_start3A_352] : memref<204288x16xf32, #tpu.memory_space<hbm>> -> memref<456x16xf32, #tpu.memory_space<hbm>>
      %dma_start3A_354 = arith.constant 0 : i32
      %dma_start3A_355 = arith.constant 0 : i32
      %dma_start3A_356 = tpu.memref_slice %arg6[%run_scoped3A_335, %dma_start3A_354, %dma_start3A_355] : memref<2x800x16xf32, #tpu.memory_space<vmem>> -> memref<1x456x16xf32, #tpu.memory_space<vmem>>
      %dma_start3A_357 = tpu.memref_squeeze %dma_start3A_356 : memref<1x456x16xf32, #tpu.memory_space<vmem>> -> memref<456x16xf32, #tpu.memory_space<vmem>>
      tpu.enqueue_dma source(%dma_start3A_357 : memref<456x16xf32, #tpu.memory_space<vmem>>) target(%dma_start3A_353 : memref<456x16xf32, #tpu.memory_space<hbm>>) target_semaphore(%run_scoped3A_345 : memref<!tpu.dma_semaphore, #tpu.memory_space<semaphore_mem>>)
      %dma_wait3A_358 = arith.constant 0 : i32
      %dma_wait3A_359 = arith.constant 0 : i32
      %dma_wait3A_360 = tpu.memref_slice %arg6[%run_scoped3A_335, %dma_wait3A_358, %dma_wait3A_359] : memref<2x800x16xf32, #tpu.memory_space<vmem>> -> memref<1x456x16xf32, #tpu.memory_space<vmem>>
      %dma_wait3A_361 = tpu.memref_squeeze %dma_wait3A_360 : memref<1x456x16xf32, #tpu.memory_space<vmem>> -> memref<456x16xf32, #tpu.memory_space<vmem>>
      %dma_wait3A_362 = arith.constant 0 : i32
      %dma_wait3A_363 = tpu.memref_slice %arg5[%add3A_334, %dma_wait3A_362] : memref<204288x16xf32, #tpu.memory_space<hbm>> -> memref<456x16xf32, #tpu.memory_space<hbm>>
      %dma_wait3A_364 = arith.constant 0 : i32
      %dma_wait3A_365 = tpu.memref_slice %arg5[%add3A_334, %dma_wait3A_364] : memref<204288x16xf32, #tpu.memory_space<hbm>> -> memref<456x16xf32, #tpu.memory_space<hbm>>
      %dma_wait3A_366 = arith.constant 0 : i32
      %dma_wait3A_367 = arith.constant 0 : i32
      %dma_wait3A_368 = tpu.memref_slice %arg6[%run_scoped3A_335, %dma_wait3A_366, %dma_wait3A_367] : memref<2x800x16xf32, #tpu.memory_space<vmem>> -> memref<1x456x16xf32, #tpu.memory_space<vmem>>
      %dma_wait3A_369 = tpu.memref_squeeze %dma_wait3A_368 : memref<1x456x16xf32, #tpu.memory_space<vmem>> -> memref<456x16xf32, #tpu.memory_space<vmem>>
      tpu.wait_dma2 semaphore(%run_scoped3A_345 : memref<!tpu.dma_semaphore, #tpu.memory_space<semaphore_mem>>) src(%dma_wait3A_369 : memref<456x16xf32, #tpu.memory_space<vmem>>) dst(%dma_wait3A_365 : memref<456x16xf32, #tpu.memory_space<hbm>>)
      tpu.yield
    }) : () -> ()
    %mul3A_336 = arith.constant 6384 : i32
    %mul3A_337 = arith.muli %arg1, %mul3A_336 : i32
    %add3A_338 = arith.constant 5928 : i32
    %add3A_339 = arith.addi %mul3A_337, %add3A_338 : i32
    %run_scoped3A_340 = arith.constant 0 : i32
    "tpu.region"() ({
      %run_scoped3A_345 = tpu.sem_alloc : memref<!tpu.dma_semaphore, #tpu.memory_space<semaphore_mem>>
      %dma_start3A_346 = arith.constant 0 : i32
      %dma_start3A_347 = arith.constant 0 : i32
      %dma_start3A_348 = tpu.memref_slice %arg6[%run_scoped3A_340, %dma_start3A_346, %dma_start3A_347] : memref<2x800x16xf32, #tpu.memory_space<vmem>> -> memref<1x456x16xf32, #tpu.memory_space<vmem>>
      %dma_start3A_349 = tpu.memref_squeeze %dma_start3A_348 : memref<1x456x16xf32, #tpu.memory_space<vmem>> -> memref<456x16xf32, #tpu.memory_space<vmem>>
      %dma_start3A_350 = arith.constant 0 : i32
      %dma_start3A_351 = tpu.memref_slice %arg9[%add3A_339, %dma_start3A_350] : memref<102144x16xf32, #tpu.memory_space<vmem_shared>> -> memref<456x16xf32, #tpu.memory_space<vmem_shared>>
      %dma_start3A_352 = arith.constant 0 : i32
      %dma_start3A_353 = arith.constant 0 : i32
      %dma_start3A_354 = tpu.memref_slice %arg6[%run_scoped3A_340, %dma_start3A_352, %dma_start3A_353] : memref<2x800x16xf32, #tpu.memory_space<vmem>> -> memref<1x456x16xf32, #tpu.memory_space<vmem>>
      %dma_start3A_355 = tpu.memref_squeeze %dma_start3A_354 : memref<1x456x16xf32, #tpu.memory_space<vmem>> -> memref<456x16xf32, #tpu.memory_space<vmem>>
      %dma_start3A_356 = arith.constant 0 : i32
      %dma_start3A_357 = tpu.memref_slice %arg9[%add3A_339, %dma_start3A_356] : memref<102144x16xf32, #tpu.memory_space<vmem_shared>> -> memref<456x16xf32, #tpu.memory_space<vmem_shared>>
      tpu.enqueue_dma source(%dma_start3A_357 : memref<456x16xf32, #tpu.memory_space<vmem_shared>>) target(%dma_start3A_355 : memref<456x16xf32, #tpu.memory_space<vmem>>) target_semaphore(%run_scoped3A_345 : memref<!tpu.dma_semaphore, #tpu.memory_space<semaphore_mem>>)
      %dma_wait3A_358 = arith.constant 0 : i32
      %dma_wait3A_359 = arith.constant 0 : i32
      %dma_wait3A_360 = tpu.memref_slice %arg6[%run_scoped3A_340, %dma_wait3A_358, %dma_wait3A_359] : memref<2x800x16xf32, #tpu.memory_space<vmem>> -> memref<1x456x16xf32, #tpu.memory_space<vmem>>
      %dma_wait3A_361 = tpu.memref_squeeze %dma_wait3A_360 : memref<1x456x16xf32, #tpu.memory_space<vmem>> -> memref<456x16xf32, #tpu.memory_space<vmem>>
      %dma_wait3A_362 = arith.constant 0 : i32
      %dma_wait3A_363 = tpu.memref_slice %arg9[%add3A_339, %dma_wait3A_362] : memref<102144x16xf32, #tpu.memory_space<vmem_shared>> -> memref<456x16xf32, #tpu.memory_space<vmem_shared>>
      %dma_wait3A_364 = arith.constant 0 : i32
      %dma_wait3A_365 = arith.constant 0 : i32
      %dma_wait3A_366 = tpu.memref_slice %arg6[%run_scoped3A_340, %dma_wait3A_364, %dma_wait3A_365] : memref<2x800x16xf32, #tpu.memory_space<vmem>> -> memref<1x456x16xf32, #tpu.memory_space<vmem>>
      %dma_wait3A_367 = tpu.memref_squeeze %dma_wait3A_366 : memref<1x456x16xf32, #tpu.memory_space<vmem>> -> memref<456x16xf32, #tpu.memory_space<vmem>>
      %dma_wait3A_368 = arith.constant 0 : i32
      %dma_wait3A_369 = tpu.memref_slice %arg9[%add3A_339, %dma_wait3A_368] : memref<102144x16xf32, #tpu.memory_space<vmem_shared>> -> memref<456x16xf32, #tpu.memory_space<vmem_shared>>
      tpu.wait_dma2 semaphore(%run_scoped3A_345 : memref<!tpu.dma_semaphore, #tpu.memory_space<semaphore_mem>>) src(%dma_wait3A_369 : memref<456x16xf32, #tpu.memory_space<vmem_shared>>) dst(%dma_wait3A_367 : memref<456x16xf32, #tpu.memory_space<vmem>>)
      tpu.yield
    }) : () -> ()
    %mul3A_341 = arith.constant 102144 : i32
    %mul3A_342 = arith.muli %arg0, %mul3A_341 : i32
    %add3A_343 = arith.addi %mul3A_342, %add3A_339 : i32
    %run_scoped3A_344 = arith.constant 0 : i32
    "tpu.region"() ({
      %run_scoped3A_345 = tpu.sem_alloc : memref<!tpu.dma_semaphore, #tpu.memory_space<semaphore_mem>>
      %dma_start3A_346 = arith.constant 0 : i32
      %dma_start3A_347 = arith.constant 0 : i32
      %dma_start3A_348 = tpu.memref_slice %arg6[%run_scoped3A_344, %dma_start3A_346, %dma_start3A_347] : memref<2x800x16xf32, #tpu.memory_space<vmem>> -> memref<1x456x16xf32, #tpu.memory_space<vmem>>
      %dma_start3A_349 = tpu.memref_squeeze %dma_start3A_348 : memref<1x456x16xf32, #tpu.memory_space<vmem>> -> memref<456x16xf32, #tpu.memory_space<vmem>>
      %dma_start3A_350 = arith.constant 0 : i32
      %dma_start3A_351 = tpu.memref_slice %arg5[%add3A_343, %dma_start3A_350] : memref<204288x16xf32, #tpu.memory_space<hbm>> -> memref<456x16xf32, #tpu.memory_space<hbm>>
      %dma_start3A_352 = arith.constant 0 : i32
      %dma_start3A_353 = tpu.memref_slice %arg5[%add3A_343, %dma_start3A_352] : memref<204288x16xf32, #tpu.memory_space<hbm>> -> memref<456x16xf32, #tpu.memory_space<hbm>>
      %dma_start3A_354 = arith.constant 0 : i32
      %dma_start3A_355 = arith.constant 0 : i32
      %dma_start3A_356 = tpu.memref_slice %arg6[%run_scoped3A_344, %dma_start3A_354, %dma_start3A_355] : memref<2x800x16xf32, #tpu.memory_space<vmem>> -> memref<1x456x16xf32, #tpu.memory_space<vmem>>
      %dma_start3A_357 = tpu.memref_squeeze %dma_start3A_356 : memref<1x456x16xf32, #tpu.memory_space<vmem>> -> memref<456x16xf32, #tpu.memory_space<vmem>>
      tpu.enqueue_dma source(%dma_start3A_357 : memref<456x16xf32, #tpu.memory_space<vmem>>) target(%dma_start3A_353 : memref<456x16xf32, #tpu.memory_space<hbm>>) target_semaphore(%run_scoped3A_345 : memref<!tpu.dma_semaphore, #tpu.memory_space<semaphore_mem>>)
      %dma_wait3A_358 = arith.constant 0 : i32
      %dma_wait3A_359 = arith.constant 0 : i32
      %dma_wait3A_360 = tpu.memref_slice %arg6[%run_scoped3A_344, %dma_wait3A_358, %dma_wait3A_359] : memref<2x800x16xf32, #tpu.memory_space<vmem>> -> memref<1x456x16xf32, #tpu.memory_space<vmem>>
      %dma_wait3A_361 = tpu.memref_squeeze %dma_wait3A_360 : memref<1x456x16xf32, #tpu.memory_space<vmem>> -> memref<456x16xf32, #tpu.memory_space<vmem>>
      %dma_wait3A_362 = arith.constant 0 : i32
      %dma_wait3A_363 = tpu.memref_slice %arg5[%add3A_343, %dma_wait3A_362] : memref<204288x16xf32, #tpu.memory_space<hbm>> -> memref<456x16xf32, #tpu.memory_space<hbm>>
      %dma_wait3A_364 = arith.constant 0 : i32
      %dma_wait3A_365 = tpu.memref_slice %arg5[%add3A_343, %dma_wait3A_364] : memref<204288x16xf32, #tpu.memory_space<hbm>> -> memref<456x16xf32, #tpu.memory_space<hbm>>
      %dma_wait3A_366 = arith.constant 0 : i32
      %dma_wait3A_367 = arith.constant 0 : i32
      %dma_wait3A_368 = tpu.memref_slice %arg6[%run_scoped3A_344, %dma_wait3A_366, %dma_wait3A_367] : memref<2x800x16xf32, #tpu.memory_space<vmem>> -> memref<1x456x16xf32, #tpu.memory_space<vmem>>
      %dma_wait3A_369 = tpu.memref_squeeze %dma_wait3A_368 : memref<1x456x16xf32, #tpu.memory_space<vmem>> -> memref<456x16xf32, #tpu.memory_space<vmem>>
      tpu.wait_dma2 semaphore(%run_scoped3A_345 : memref<!tpu.dma_semaphore, #tpu.memory_space<semaphore_mem>>) src(%dma_wait3A_369 : memref<456x16xf32, #tpu.memory_space<vmem>>) dst(%dma_wait3A_365 : memref<456x16xf32, #tpu.memory_space<hbm>>)
      tpu.yield
    }) : () -> ()
    return
  }
}

module attributes {stable_mosaic.version = 14 : i64} {
  func.func @_combine_body(%arg0: i32, %arg1: memref<1xf32, #tpu.memory_space<smem>>, %arg2: memref<2x64x3192xf32, #tpu.memory_space<vmem>>, %arg3: memref<64x3192xf32, #tpu.memory_space<vmem>>) attributes {dimension_semantics = [#tpu.dimension_semantics<arbitrary>], iteration_bounds = array<i64: 8>, scalar_prefetch = 0 : i64, scratch_operands = 0 : i64, tpu.core_type = #tpu.core_type<tc>, window_params = [{transform_indices = @transform_0, window_bounds = array<i64: 1>}, {transform_indices = @transform_1, window_bounds = array<i64: 2, 64, 3192>}, {transform_indices = @transform_2, window_bounds = array<i64: 64, 3192>}]} {
    %get3A = arith.constant 0 : index
    %get3A_0 = arith.constant 0 : index
    %get3A_1 = arith.constant 0 : index
    %get3A_2 = vector.load %arg2[%get3A, %get3A_0, %get3A_1] : memref<2x64x3192xf32, #tpu.memory_space<vmem>>, vector<1x64x3192xf32>
    %get3A_3 = vector.shape_cast %get3A_2 : vector<1x64x3192xf32> to vector<64x3192xf32>
    %get3A_4 = arith.constant 1 : index
    %get3A_5 = arith.constant 0 : index
    %get3A_6 = arith.constant 0 : index
    %get3A_7 = vector.load %arg2[%get3A_4, %get3A_5, %get3A_6] : memref<2x64x3192xf32, #tpu.memory_space<vmem>>, vector<1x64x3192xf32>
    %get3A_8 = vector.shape_cast %get3A_7 : vector<1x64x3192xf32> to vector<64x3192xf32>
    %add3A = arith.addf %get3A_3, %get3A_8 : vector<64x3192xf32>
    %get3A_9 = arith.constant 0 : index
    %get3A_10 = memref.load %arg1[%get3A_9] : memref<1xf32, #tpu.memory_space<smem>>
    %mul3A = vector.broadcast %get3A_10 : f32 to vector<64x3192xf32>
    %mul3A_11 = arith.mulf %add3A, %mul3A : vector<64x3192xf32>
    %swap3A = arith.constant 0 : index
    %swap3A_12 = arith.constant 0 : index
    %swap3A_13 = vector.load %arg3[%swap3A, %swap3A_12] : memref<64x3192xf32, #tpu.memory_space<vmem>>, vector<64x3192xf32>
    tpu.vector_store %arg3[%swap3A, %swap3A_12], %mul3A_11 {strides = array<i32>} : memref<64x3192xf32, #tpu.memory_space<vmem>>, vector<64x3192xf32>,
    return
  }
  func.func @transform_0(%arg0: i32) -> i32 {
    %c0_i32 = arith.constant 0 : i32
    %c0_i32_0 = arith.constant 0 : i32
    return %c0_i32 : i32
  }
  func.func @transform_1(%arg0: i32) -> (i32, i32, i32) {
    %c0_i32 = arith.constant 0 : i32
    %c0_i32_0 = arith.constant 0 : i32
    %c0_i32_1 = arith.constant 0 : i32
    return %c0_i32, %arg0, %c0_i32_0 : i32, i32, i32
  }
  func.func @transform_2(%arg0: i32) -> (i32, i32) {
    %c0_i32 = arith.constant 0 : i32
    %c0_i32_0 = arith.constant 0 : i32
    return %arg0, %c0_i32 : i32, i32
  }
}

</mosaic_0001>

<sc_bundles>
// kernel: kernel.4.cloned.1.call-start
scs
__scs_entry_jumppad:
0x0: {  	(pc) =	sbr.rel $0x88, $3  }
0x1: {  	(tag) =	ssettag $0x0;
	lr =	simm.s32 $0x1  }
0x2: {  	[smem:$0x3F9D] =	sst lr;
	_ =	strace $0xD0000000  }
0x3: {  	_ = 	snop  }
0x4: {  	_ = 	snop  }
0x5: {  	_ = 	snop  }
0x6: {  	_ = 	snop  }
0x7: {  	_ = 	snop  }
__scs_overlays_trampoline_lowered:
0x8: {  	[smem:$0x3FAC] =	sst s0  }
0x9: {  	[smem:$0x3FAD] =	sst s1  }
0xa: {  	[smem:$0x3FAE] =	sst s2  }
0xb: {  	[smem:$0x3FAF] =	sst s3  }
0xc: {  	[smem:$0x3FB0] =	sst s4  }
0xd: {  	[smem:$0x3FB1] =	sst s5  }
0xe: {  	[smem:$0x3FB2] =	sst s6  }
0xf: {  	[smem:$0x3FB3] =	sst s7  }
0x10: {  	[smem:$0x3FB4] =	sst s8  }
0x11: {  	[smem:$0x3FB5] =	sst s9;
	s0 =	simm.s32 @!p0 $0x0  }
0x12: {  	s1 =	sld [smem:$0x3F9B];
	s0 =	simm.s32 @p0 $0x1  }
0x13: {  	[smem:$0x3FB6] =	sst s0;
	s0 =	simm.s32 @!p1 $0x0  }
0x14: {  	s2 =	sld [smem:$0x3F9A];
	s0 =	simm.s32 @p1 $0x1  }
0x15: {  	[smem:$0x3FB7] =	sst s0;
	s0 =	simm.s32 @!p2 $0x0  }
0x16: {  	s3 =	sld [smem:$0x3FDB];
	s0 =	simm.s32 @p2 $0x1  }
0x17: {  	s4 =	simm.s32 $0x1BF5;
	[smem:$0x3FB9] =	sst s0  }
0x18: {  	s0 =	sld [smem:$0x3F9C];
	_ =	swait.ge [sflag:s4], $0x0  }
0x19: {  	s7 =	sld [smem:$0x3F9D]  }
0x1a: {  	s8 =	sadd.s32 $0xFFFFE003, lr  }
0x1b: {  	s9 =	sadd.s32 $0xFFFFFEF7, lr;
	s5 =	simm.s32 $0xFFFFFFFF;
	p2 =	slt.u32 s8, $0xFFFFF086  }
0x1c: {  	p1 =	slt.u32 s9, $0xF7A;
	s5 =	simm.s32 @!p2 $0x0  }
0x1d: {  	s5 =	simm.s32 @p1 $0x1;
	p0 =	seq.s32 s7, s2  }
0x1e: {  	s7 =	smul.u32 @!p0 $0xF7A, s2;
	p2 =	seq.s32 @!p0 s5, $0x0  }
0x1f: {  	s9 =	smul.u32 $0xF7A, s1;
	s8 =	simm.s32 @!p0 $0x1BF5;
	p2 =	por !p2, p0  }
0x20: {  	[sflag:s8] =	ssyncset.s32 @!p0 $0xFFFFF086;
	s6 =	sadd.s32 @!p0 s3, s7;
	s7 =	simm.s32 @!p0 $0x108  }
0x21: {  	s3 =	sadd.s32 s3, s9;
	s6 =	sadd.s32 @!p0 $0x88, s6;
	s7 =	simm.s32 @p2 $0x1082  }
0x22: {  	[simem:s7], [sflag:s8] =	dma.local @!p0 [hbm:s6], $0xF7A  }
0x23: {  	s9 =	sor.u32 $0xD0000000, s2;
	s6 =	simm.s32 $0x108;
	_ =	swait.ge @!p0 [sflag:s8], $0x0  }
0x24: {  	s3 =	sadd.s32 $0x88, s3;
	s6 =	simm.s32 @!p1 $0x1082;
	[sflag:s4] =	ssyncset.s32 $0xFFFFF086  }
0x25: {  	[simem:s6], [sflag:s4] =	dma.local [hbm:s3], $0xF7A  }
0x26: {  	[smem:$0x3F9D] =	sst s1;
	(tag) =	ssettag s2;
	_ =	strace s9  }
0x27: {  	s1 =	sld [smem:$0x3FAD]  }
0x28: {  	s2 =	sld [smem:$0x3FAE]  }
0x29: {  	s4 =	sld [smem:$0x3FB0]  }
0x2a: {  	p0 =	seq.s32 s5, $0x0;
	s5 =	sld [smem:$0x3FB1]  }
0x2b: {  	s6 =	sld [smem:$0x3FB2]  }
0x2c: {  	s7 =	sld [smem:$0x3FB3]  }
0x2d: {  	s3 =	simm.s32 $0x108;
	s8 =	sld [smem:$0x3FB4]  }
0x2e: {  	s3 =	simm.s32 @!p0 $0x1082;
	s9 =	sld [smem:$0x3FB5]  }
0x2f: {  	lr =	sadd.s32 s0, s3;
	s0 =	sld [smem:$0x3FAC]  }
0x30: {  	s3 =	sld [smem:$0x3FAF]  }
0x31: {  	[smem:$0x3FB8] =	sst s10  }
0x32: {  	s10 =	sld [smem:$0x3FB6];
	_ =	sdelay $0x3  }
0x33: {  	p0 =	seq.s32 s10, $0x1;
	s10 =	sld [smem:$0x3FB8];
	_ =	sdelay $0x3  }
0x34: {  	[smem:$0x3FB8] =	sst s10  }
0x35: {  	s10 =	sld [smem:$0x3FB7];
	_ =	sdelay $0x3  }
0x36: {  	p1 =	seq.s32 s10, $0x1;
	s10 =	sld [smem:$0x3FB8];
	_ =	sdelay $0x3  }
0x37: {  	[smem:$0x3FB8] =	sst s10  }
0x38: {  	s10 =	sld [smem:$0x3FB9]  }
0x39: {  	_ = 	snop;
	(pc) =	sbr.ind lr, $3  }
0x3a: {  	_ = 	snop  }
0x3b: {  	_ = 	snop  }
0x3c: {  	p2 =	seq.s32 s10, $0x1;
	s10 =	sld [smem:$0x3FB8]  }
0x3d: {  	_ =	shalt  }
0x3e: {  	_ =	shalt  }
0x3f: {  	_ =	shalt  }
0x40: {  	_ =	shalt  }
0x41: {  	_ =	shalt  }
0x42: {  	_ =	shalt  }
0x43: {  	_ =	shalt  }
0x44: {  	_ =	shalt  }
0x45: {  	_ =	shalt  }
0x46: {  	_ =	shalt  }
0x47: {  	_ =	shalt  }
0x48: {  	_ =	shalt  }
0x49: {  	_ =	shalt  }
0x4a: {  	_ =	shalt  }
0x4b: {  	_ =	shalt  }
0x4c: {  	_ =	shalt  }
0x4d: {  	_ =	shalt  }
0x4e: {  	_ =	shalt  }
0x4f: {  	_ =	shalt  }
0x50: {  	_ =	shalt  }
0x51: {  	_ =	shalt  }
0x52: {  	_ =	shalt  }
0x53: {  	_ =	shalt  }
0x54: {  	_ =	shalt  }
0x55: {  	_ =	shalt  }
0x56: {  	_ =	shalt  }
0x57: {  	_ =	shalt  }
0x58: {  	_ =	shalt  }
0x59: {  	_ =	shalt  }
0x5a: {  	_ =	shalt  }
0x5b: {  	_ =	shalt  }
0x5c: {  	_ =	shalt  }
0x5d: {  	_ =	shalt  }
0x5e: {  	_ =	shalt  }
0x5f: {  	_ =	shalt  }
0x60: {  	_ =	shalt  }
0x61: {  	_ =	shalt  }
0x62: {  	_ =	shalt  }
0x63: {  	_ =	shalt  }
0x64: {  	_ =	shalt  }
0x65: {  	_ =	shalt  }
0x66: {  	_ =	shalt  }
0x67: {  	_ =	shalt  }
0x68: {  	_ =	shalt  }
0x69: {  	_ =	shalt  }
0x6a: {  	_ =	shalt  }
0x6b: {  	_ =	shalt  }
0x6c: {  	_ =	shalt  }
0x6d: {  	_ =	shalt  }
0x6e: {  	_ =	shalt  }
0x6f: {  	_ =	shalt  }
0x70: {  	_ =	shalt  }
0x71: {  	_ =	shalt  }
0x72: {  	_ =	shalt  }
0x73: {  	_ =	shalt  }
0x74: {  	_ =	shalt  }
0x75: {  	_ =	shalt  }
0x76: {  	_ =	shalt  }
0x77: {  	_ =	shalt  }
0x78: {  	_ =	shalt  }
0x79: {  	_ =	shalt  }
0x7a: {  	_ =	shalt  }
0x7b: {  	_ =	shalt  }
0x7c: {  	_ =	shalt  }
0x7d: {  	_ =	shalt  }
0x7e: {  	_ =	shalt  }
0x7f: {  	_ =	shalt  }
0x80: {  	_ =	shalt  }
0x81: {  	_ =	shalt  }
0x82: {  	_ =	shalt  }
0x83: {  	_ =	shalt  }
0x84: {  	_ =	shalt  }
0x85: {  	_ =	shalt  }
0x86: {  	_ =	shalt  }
0x87: {  	_ =	shalt  }
.Lfunc_end0:
.L_simem_size_0:
called_computation_lowered:
.L_overlay_start_0:
0x88: {  	s2 =	sld [smem:$0x3FD9]  }
0x89: {  	s3 =	sld [smem:$0x3FFE];
	_ =	sdelay $0x1  }
0x8a: {  	s1 =	srdreg.scid  }
0x8b: {  	s0 =	sand.u32 $0x1, s1  }
0x8c: {  	s17 =	sshll.u32 s0, $0xA;
	s2 =	sadd.s32 s3, s2  }
0x8d: {  	s2 =	sadd.s32 s2, s17  }
0x8e: {  	[smem:$0x3FC4] =	sst s2  }
0x8f: {  	_ = 	snop  }
0x90: {  	s2 =	sld [smem:$0x3FC8]  }
0x91: {  	s18 =	sld [smem:$0x3FC7];
	(tm) =	ssettm $0x1  }
0x92: {  	s4 =	sld [smem:$0x3FFB];
	_ =	sdelay $0x3  }
0x93: {  	_ =	strace s4  }
0x94: {  	s4 =	sld [smem:$0x3FFC];
	_ =	sdelay $0x3  }
0x95: {  	_ =	strace s4  }
0x96: {  	s4 =	sld [smem:$0x3FFD];
	_ =	sdelay $0x3  }
0x97: {  	_ =	strace s4  }
0x98: {  	_ =	strace $0x8FFFFFFF  }
0x99: {  	s19 =	sld [smem:$0x3FDB];
	_ =	sdelay $0x1  }
0x9a: {  	s5 =	simm.s32 $_scs_section_size  }
0x9b: {  	s6 =	simm.s32 $_size__tile_overlayer_lowered;
	s7 =	simm.s32 $_tile_overlayer_lowered  }
0x9c: {  	s22 =	simm.s32 $0x1BFF;
	s21 =	sshll.u32 s7, $0x1;
	s4 =	sadd.s32 s5, s19  }
0x9d: {  	s8 =	simm.s32 $0x0;
	s20 =	sshll.u32 s6, $0x1;
	s6 =	sadd.s32 s21, s4  }
0x9e: {  	[timem:s8], [sflag:s22] =	dma.local [hbm:s6], s20  }
0x9f: {  	_ =	swait.ge [sflag:s22], s20  }
0xa0: {  	s5 =	ssub.s32 $0x0, s20;
	[sflag:s22] =	ssyncset.done $0x0  }
0xa1: {  	[sflag:s22] =	ssyncadd.s32 s5;
	_ =	sdelay $0x1  }
0xa2: {  	s23 =	simm.s32 $0x1B8B  }
0xa3: {  	_ =	swait.ge [sflag:s23], $0x1  }
0xa4: {  	[sflag:s23] =	ssyncset.done $0x0  }
0xa5: {  	s25 =	simm.s32 $0x1B8E;
	s24 =	sld [smem:$0x3FFE];
	[sflag:s23] =	ssyncadd.s32 $0xFFFFFFFF  }
0xa6: {  	s26 =	simm.s32 $execute0_lowered;
	[smem:$0x3FD2] =	sst s25  }
0xa7: {  	s6 =	sshll.u32 s26, $0x1;
	_ =	strace $0x80000046;
	[dreg:$0x1] =	wrdreg $0xFFFFFFFF  }
0xa8: {  	s28 =	simm.s32 $_size_execute0_lowered;
	s4 =	sadd.s32 s4, s6;
	[dreg:$0x0] =	wrdreg $0x0  }
0xa9: {  	s6 =	sshll.u32 s28, $0x1;
	[dreg:$0x2] =	wrdreg s4  }
0xaa: {  	[dreg:$0x3] =	wrdreg s6  }
0xab: {  	[dreg:$0x4] =	wrdreg $0xC0  }
0xac: {  	_ =	task [dreg:s8], $0x5FFFF  }
0xad: {  	[dreg:$0x1] =	wrdreg $0xFFFFFFFF  }
0xae: {  	[dreg:$0x0] =	wrdreg $0x60  }
0xaf: {  	[dreg:$0x2] =	wrdreg s24  }
0xb0: {  	[dreg:$0x3] =	wrdreg s2  }
0xb1: {  	[dreg:$0x4] =	wrdreg s18  }
0xb2: {  	[dreg:$0x5] =	wrdreg $0x70800  }
0xb3: {  	[dreg:$0x6] =	wrdreg $0x9  }
0xb4: {  	_ =	task.clear_ibuf [dreg:s8], $0x7FFFF;
	_ =	strace $0x90000046  }
0xb5: {  	s29 =	simm.s32 $0x9;
	_ =	strace $0x80000048  }
0xb6: {  	_ =	swait.ge [sflag:s29], $0x1  }
0xb7: {  	[sflag:s29] =	ssyncadd.s32 $0xFFFFFFFF  }
0xb8: {  	_ =	strace $0x90000048  }
0xb9: {  	_ =	sfence  }
0xba: {  	s30 =	sld [smem:$0x0];
	_ =	sdelay $0x2  }
0xbb: {  	s31 =	sshll.u32 s1, $0xD;
	s1 =	sshrl.u32 s1, $0x2  }
0xbc: {  	s3 =	sand.u32 $0x4000, s31;
	s1 =	sadd.s32 s1, s30  }
0xbd: {  	s0 =	sor.u32 s3, s0;
	s1 =	sshll.u32 s1, $0x11  }
0xbe: {  	s0 =	sor.u32 s1, s0  }
0xbf: {  	s0 =	sadd.s32 $0x8F2B, s0  }
0xc0: {  	[sflag:s0] =	ssyncadd.remote.s32 $0x1  }
0xc1: {  	_ =	sfence.sel $0xFFFF  }
0xc2: {  	[dreg:$0x0] =	wrdreg $0xFFFFFFFF;
	(pc) =	sbr.abs _section_cstart, $3  }
0xc3: {  	[dreg:$0x1] =	wrdreg $0xFFFFFFFF  }
0xc4: {  	_ =	task.clear_ibuf [dreg:s8], $0x2FFFF;
	_ =	strace $0x9FFFFFFF  }
0xc5: {  	(tm) =	ssettm $0x7FFFFFFF  }
tec
execute0_lowered:
.L_overlay_start_1:
0x0: {  	(tag) =	ssettag $0x1  }
0x1: {  	s1 =	srdreg.scid;
	s0 =	rddreg [dreg:$0x0]  }
0x2: {  	s23 =	stileid.u32;
	s2 =	sand.u32 $0x1, s1;
	s1 =	simm.s32 $0x0  }
0x3: {  	s5 =	smul.u32 $0x18F0, s23;
	s19 =	sadd.s32 $0x400, s0;
	s22 =	sshll.u32 s23, $0x1  }
0x4: {  	s23 =	smul.u32 $0x63C00, s23;
	s3 =	ssub.s32 $0x2, s2;
	[smem:$0x7FF] =	sst s1  }
0x5: {  	s17 =	smul.u32 $0x18F00, s2;
	s4 =	sshrl.u32 s3, $0x1;
	s21 =	sadd.s32 $0x1C8, s5  }
0x6: {  	s18 =	sadd.s32 $0x390, s5;
	s14 =	sadd.s32 $0x558, s5;
	s15 =	sadd.s32 $0x720, s5  }
0x7: {  	s12 =	sadd.s32 $0x8E8, s5;
	s10 =	sadd.s32 $0xAB0, s5;
	s11 =	sadd.s32 $0xC78, s5  }
0x8: {  	s9 =	sadd.s32 $0xE40, s5;
	s7 =	sadd.s32 $0x1008, s5;
	s8 =	sadd.s32 $0x11D0, s5  }
0x9: {  	s6 =	sadd.s32 $0x1398, s5;
	s4 =	ssub.s32 s3, s4;
	s3 =	sor.u32 s2, s22  }
0xa: {  	s2 =	sadd.s32 $0x1560, s5;
	s13 =	sadd.s32 s5, s17;
	s5 =	sadd.s32 $0x1728, s5  }
0xb: {  	s16 =	sadd.s32 s17, s21;
	s25 =	sadd.s32 s17, s18;
	s28 =	sadd.s32 s17, s14  }
0xc: {  	s30 =	sadd.s32 s17, s15;
	s22 =	sadd.s32 s17, s12;
	s18 =	sshll.u32 s18, $0x4  }
0xd: {  	s13 =	sshll.u32 s13, $0x1;
	s24 =	sshll.u32 s16, $0x1;
	s26 =	sshll.u32 s25, $0x1  }
0xe: {  	s29 =	sshll.u32 s28, $0x1;
	s20 =	sshll.u32 s30, $0x1;
	s25 =	sadd.s32 s17, s10  }
0xf: {  	s28 =	sadd.s32 s17, s11;
	s30 =	sadd.s32 s17, s9;
	s13 =	sadd.s32 s19, s13  }
0x10: {  	s9 =	sshll.u32 s9, $0x4;
	s4 =	smax.u32 s4, $0x1;
	[dreg:$0x5] =	wrdreg s13  }
0x11: {  	s13 =	sadd.s32 s19, s24;
	s24 =	sshll.u32 s22, $0x1;
	s22 =	sadd.s32 s17, s7  }
0x12: {  	[dreg:$0x6] =	wrdreg s13;
	s13 =	sadd.s32 s19, s26;
	s26 =	sshll.u32 s25, $0x1  }
0x13: {  	s25 =	sadd.s32 s17, s8;
	[dreg:$0x7] =	wrdreg s13;
	s13 =	sadd.s32 s19, s29  }
0x14: {  	s29 =	sshll.u32 s28, $0x1;
	s28 =	sadd.s32 s17, s6;
	[dreg:$0x8] =	wrdreg s13  }
0x15: {  	s13 =	sadd.s32 s19, s20;
	s20 =	sshll.u32 s30, $0x1;
	s16 =	sshll.u32 s28, $0x1  }
0x16: {  	s30 =	sshll.u32 s21, $0x4;
	s21 =	sshll.u32 s15, $0x4;
	s28 =	sshll.u32 s10, $0x4  }
0x17: {  	s10 =	sshll.u32 s7, $0x4;
	[dreg:$0x9] =	wrdreg s13;
	s13 =	sadd.s32 s19, s24  }
0x18: {  	s24 =	sshll.u32 s22, $0x1;
	s16 =	sadd.s32 s19, s16;
	[dreg:$0xa] =	wrdreg s13  }
0x19: {  	s22 =	sadd.s32 s17, s5;
	s5 =	sshll.u32 s5, $0x4;
	[dreg:$0x10] =	wrdreg s16  }
0x1a: {  	s13 =	sadd.s32 s19, s26;
	s26 =	sshll.u32 s25, $0x1;
	s16 =	rddreg [dreg:$0x2]  }
0x1b: {  	s22 =	sshll.u32 s22, $0x1;
	[dreg:$0xb] =	wrdreg s13;
	s13 =	sadd.s32 s19, s29  }
0x1c: {  	s29 =	sshrl.u32 s23, $0x2;
	[dreg:$0xc] =	wrdreg s13;
	s13 =	sadd.s32 s19, s20  }
0x1d: {  	s20 =	sadd.s32 s17, s2;
	s17 =	rddreg [dreg:$0x3];
	s2 =	sshll.u32 s2, $0x4  }
0x1e: {  	[dreg:$0xd] =	wrdreg s13;
	s13 =	sadd.s32 s19, s24;
	s20 =	sshll.u32 s20, $0x1  }
0x1f: {  	s23 =	sadd.s32 s29, s17;
	s24 =	sadd.s32 s30, s17;
	s25 =	sadd.s32 s18, s17  }
0x20: {  	s29 =	sshll.u32 s11, $0x4;
	s11 =	sshll.u32 s8, $0x4;
	s31 =	sadd.s32 s10, s17  }
0x21: {  	s2 =	sadd.s32 s2, s17;
	s18 =	smul.u32 $0x30D40, s3;
	s8 =	simm.s32 $0x320  }
0x22: {  	[dreg:$0xe] =	wrdreg s13;
	s13 =	sadd.s32 s19, s26;
	s20 =	sadd.s32 s19, s20  }
0x23: {  	s19 =	sadd.s32 s19, s22;
	s22 =	sadd.s32 s21, s17;
	[dreg:$0xf] =	wrdreg s13  }
0x24: {  	s26 =	sshll.u32 s12, $0x4;
	s30 =	sadd.s32 s29, s17;
	s13 =	rddreg [dreg:$0x1]  }
0x25: {  	s15 =	sadd.s32 s11, s17;
	s12 =	sshll.u32 s6, $0x4;
	[dreg:$0x11] =	wrdreg s20  }
0x26: {  	s6 =	simm.s32 $0x6D60;
	[dreg:$0x12] =	wrdreg s19;
	s20 =	sadd.s32 $0x30D4400, s0  }
0x27: {  	s19 =	sshll.u32 s14, $0x4;
	_ =	strace $0x80000047;
	[dreg:$0x14] =	wrdreg s22  }
0x28: {  	s14 =	smul.u32 $0x186A0, s3;
	s3 =	sadd.s32 s5, s17;
	[dreg:$0x17] =	wrdreg s30  }
0x29: {  	s0 =	sadd.s32 s19, s17;
	s7 =	sadd.s32 s20, s18;
	[dreg:$0x1f] =	wrdreg s4  }
0x2a: {  	s18 =	simm.s32 $0x6400;
	s4 =	simm.s32 $0x3200;
	[dreg:$0x13] =	wrdreg s0  }
0x2b: {  	s0 =	sadd.s32 s26, s17;
	s19 =	sshrl.u32 s14, $0x3;
	s21 =	sadd.s32 $0x320, s14  }
0x2c: {  	[dreg:$0x19] =	wrdreg s7;
	s10 =	sadd.s32 $0x640, s14;
	s11 =	sadd.s32 $0x960, s14  }
0x2d: {  	s14 =	simm.s32 $0x3;
	[dreg:$0x15] =	wrdreg s0;
	s0 =	sadd.s32 s28, s17  }
0x2e: {  	s7 =	simm.s32 $0x1;
	s22 =	sadd.s32 s13, s19;
	[dreg:$0x16] =	wrdreg s0  }
0x2f: {  	s26 =	sshll.u32 s21, $0x1;
	s5 =	sadd.s32 s16, s19;
	[dreg:$0x1a] =	wrdreg s22  }
0x30: {  	s29 =	sshrl.u32 s21, $0x3;
	s0 =	sadd.s32 s9, s17;
	[dreg:$0x1b] =	wrdreg s5  }
0x31: {  	s19 =	simm.s32 $0x6A40;
	s28 =	sadd.s32 s20, s26;
	[dreg:$0x18] =	wrdreg s0  }
0x32: {  	s30 =	sadd.s32 s13, s29;
	s5 =	sadd.s32 s16, s29;
	[dreg:$0x1c] =	wrdreg s28  }
0x33: {  	s9 =	simm.s32 $0x2;
	s0 =	sadd.s32 s12, s17;
	[dreg:$0x1d] =	wrdreg s30  }
0x34: {  	v0 =	vimm.f32 $0.0e+00;
	[dreg:$0x1e] =	wrdreg s5;
	s5 =	simm.s32 $0x6720;
	s12 =	simm.s32 $0x0  }
.LBB2_1:
0x35: {  	s21 =	simm.s32 $0x40;
	s22 =	simm.s32 $0x0  }
.LBB2_2:
0x36: {  	p0 =	sne.s32 s21, $0x71C0;
	[tilespmem:s22+$0x0] =	vst v0;
	s22 =	smov.u32 s21;
	s21 =	sadd.s32 $0x40, s21  }
.Ltmp0:
0x37: {  	(pc) =	sbr.rel @p0 .LBB2_2-.Ltmp0, $2  }
0x38: {  	_ =	sdelay $0x2  }
0x39: {  	s22 =	sshra.s32 s22, $0x2  }
0x3a: {  	[tilespmem:s22+$0x0] =	vst v0;
	s21 =	simm.s32 $0x0  }
0x3b: {  	[spmem:s23] =	stream.linear.scatter [tilespmem:s21], [sflag:$0x3], $0x1C80, $0x38;
	[tilespmem:$0x1FF80] =	vst v63  }
0x3c: {  	_ =	swait.ge [sflag:s14], $0x1C80  }
0x3d: {  	[sflag:s14] =	ssyncset.done $0x0  }
0x3e: {  	[sflag:s14] =	ssyncadd.s32 $0xFFFFE380  }
0x3f: {  	[spmem:s24] =	stream.linear.scatter [tilespmem:s21], [sflag:$0x3], $0x1C80, $0x38;
	[tilespmem:$0x1FF80] =	vst v63  }
0x40: {  	_ =	swait.ge [sflag:s14], $0x1C80  }
0x41: {  	[sflag:s14] =	ssyncset.done $0x0  }
0x42: {  	[sflag:s14] =	ssyncadd.s32 $0xFFFFE380  }
0x43: {  	[spmem:s25] =	stream.linear.scatter [tilespmem:s21], [sflag:$0x3], $0x1C80, $0x38;
	[tilespmem:$0x1FF80] =	vst v63  }
0x44: {  	_ =	swait.ge [sflag:s14], $0x1C80  }
0x45: {  	[sflag:s14] =	ssyncset.done $0x0  }
0x46: {  	s28 =	smov.u32 s23;
	s23 =	rddreg [dreg:$0x13];
	[sflag:s14] =	ssyncadd.s32 $0xFFFFE380  }
0x47: {  	[spmem:s23] =	stream.linear.scatter [tilespmem:s21], [sflag:$0x3], $0x1C80, $0x38;
	[tilespmem:$0x1FF80] =	vst v63  }
0x48: {  	_ =	swait.ge [sflag:s14], $0x1C80  }
0x49: {  	[sflag:s14] =	ssyncset.done $0x0  }
0x4a: {  	s29 =	smov.u32 s24;
	s24 =	rddreg [dreg:$0x14];
	[sflag:s14] =	ssyncadd.s32 $0xFFFFE380  }
0x4b: {  	[spmem:s24] =	stream.linear.scatter [tilespmem:s21], [sflag:$0x3], $0x1C80, $0x38;
	[tilespmem:$0x1FF80] =	vst v63  }
0x4c: {  	_ =	swait.ge [sflag:s14], $0x1C80  }
0x4d: {  	[sflag:s14] =	ssyncset.done $0x0  }
0x4e: {  	s30 =	smov.u32 s25;
	s25 =	rddreg [dreg:$0x15];
	[sflag:s14] =	ssyncadd.s32 $0xFFFFE380  }
0x4f: {  	[spmem:s25] =	stream.linear.scatter [tilespmem:s21], [sflag:$0x3], $0x1C80, $0x38;
	[tilespmem:$0x1FF80] =	vst v63  }
0x50: {  	_ =	swait.ge [sflag:s14], $0x1C80  }
0x51: {  	[sflag:s14] =	ssyncset.done $0x0  }
0x52: {  	s26 =	rddreg [dreg:$0x16];
	[sflag:s14] =	ssyncadd.s32 $0xFFFFE380  }
0x53: {  	[spmem:s26] =	stream.linear.scatter [tilespmem:s21], [sflag:$0x3], $0x1C80, $0x38;
	[tilespmem:$0x1FF80] =	vst v63  }
0x54: {  	_ =	swait.ge [sflag:s14], $0x1C80  }
0x55: {  	[sflag:s14] =	ssyncset.done $0x0  }
0x56: {  	s23 =	rddreg [dreg:$0x17];
	[sflag:s14] =	ssyncadd.s32 $0xFFFFE380  }
0x57: {  	[spmem:s23] =	stream.linear.scatter [tilespmem:s21], [sflag:$0x3], $0x1C80, $0x38;
	[tilespmem:$0x1FF80] =	vst v63  }
0x58: {  	_ =	swait.ge [sflag:s14], $0x1C80  }
0x59: {  	[sflag:s14] =	ssyncset.done $0x0  }
0x5a: {  	s24 =	rddreg [dreg:$0x18];
	[sflag:s14] =	ssyncadd.s32 $0xFFFFE380  }
0x5b: {  	[spmem:s24] =	stream.linear.scatter [tilespmem:s21], [sflag:$0x3], $0x1C80, $0x38;
	[tilespmem:$0x1FF80] =	vst v63  }
0x5c: {  	_ =	swait.ge [sflag:s14], $0x1C80  }
0x5d: {  	[sflag:s14] =	ssyncset.done $0x0  }
0x5e: {  	[sflag:s14] =	ssyncadd.s32 $0xFFFFE380  }
0x5f: {  	[spmem:s31] =	stream.linear.scatter [tilespmem:s21], [sflag:$0x3], $0x1C80, $0x38;
	[tilespmem:$0x1FF80] =	vst v63  }
0x60: {  	_ =	swait.ge [sflag:s14], $0x1C80  }
0x61: {  	[sflag:s14] =	ssyncset.done $0x0  }
0x62: {  	[sflag:s14] =	ssyncadd.s32 $0xFFFFE380  }
0x63: {  	[spmem:s15] =	stream.linear.scatter [tilespmem:s21], [sflag:$0x3], $0x1C80, $0x38;
	[tilespmem:$0x1FF80] =	vst v63  }
0x64: {  	_ =	swait.ge [sflag:s14], $0x1C80  }
0x65: {  	[sflag:s14] =	ssyncset.done $0x0  }
0x66: {  	[sflag:s14] =	ssyncadd.s32 $0xFFFFE380  }
0x67: {  	[spmem:s0] =	stream.linear.scatter [tilespmem:s21], [sflag:$0x3], $0x1C80, $0x38;
	[tilespmem:$0x1FF80] =	vst v63  }
0x68: {  	_ =	swait.ge [sflag:s14], $0x1C80  }
0x69: {  	[sflag:s14] =	ssyncset.done $0x0  }
0x6a: {  	[sflag:s14] =	ssyncadd.s32 $0xFFFFE380  }
0x6b: {  	[spmem:s2] =	stream.linear.scatter [tilespmem:s21], [sflag:$0x3], $0x1C80, $0x38;
	[tilespmem:$0x1FF80] =	vst v63  }
0x6c: {  	_ =	swait.ge [sflag:s14], $0x1C80  }
0x6d: {  	[sflag:s14] =	ssyncset.done $0x0  }
0x6e: {  	[sflag:s14] =	ssyncadd.s32 $0xFFFFE380  }
0x6f: {  	[spmem:s3] =	stream.linear.scatter [tilespmem:s21], [sflag:$0x3], $0x1C80, $0x38;
	[tilespmem:$0x1FF80] =	vst v63  }
0x70: {  	_ =	swait.ge [sflag:s14], $0x1C80  }
0x71: {  	[sflag:s14] =	ssyncset.done $0x0  }
0x72: {  	[sflag:s14] =	ssyncadd.s32 $0xFFFFE380  }
0x73: {  	[bflag:$0x0] =	sbarrier.arrive $0xFFFF  }
0x74: {  	s25 =	rddreg [dreg:$0x19]  }
0x75: {  	[tilespmem:s21], [sflag:$0x1] =	stream.linear.gather [hbm4b:s25+s21], $0x3200, $0x38;
	[tilespmem:$0x1FF80] =	vst v63  }
0x76: {  	s26 =	rddreg [dreg:$0x1a]  }
0x77: {  	[tilespmem:s18], [sflag:$0x1] =	stream.linear.gather [hbm4b:s26+s21], $0x320, $0x38;
	[tilespmem:$0x1FF80] =	vst v63  }
0x78: {  	s23 =	rddreg [dreg:$0x1b]  }
0x79: {  	[tilespmem:s19], [sflag:$0x1] =	stream.linear.gather [hbm4b:s23+s21], $0x320, $0x38;
	[tilespmem:$0x1FF80] =	vst v63  }
0x7a: {  	s24 =	rddreg [dreg:$0x1c]  }
0x7b: {  	[tilespmem:s4], [sflag:$0x2] =	stream.linear.gather [hbm4b:s24+s21], $0x3200, $0x38;
	[tilespmem:$0x1FF80] =	vst v63  }
0x7c: {  	s25 =	rddreg [dreg:$0x1d]  }
0x7d: {  	[tilespmem:s5], [sflag:$0x2] =	stream.linear.gather [hbm4b:s25+s21], $0x320, $0x38;
	[tilespmem:$0x1FF80] =	vst v63  }
0x7e: {  	s26 =	rddreg [dreg:$0x1e]  }
0x7f: {  	[tilespmem:s6], [sflag:$0x2] =	stream.linear.gather [hbm4b:s26+s21], $0x320, $0x38;
	[tilespmem:$0x1FF80] =	vst v63  }
.LBB2_4:
0x80: {  	_ =	swait.ge [sflag:s7], $0x3200  }
0x81: {  	[sflag:s7] =	ssyncset.done $0x0  }
0x82: {  	[sflag:s7] =	ssyncadd.s32 $0xFFFFCE00  }
0x83: {  	_ =	swait.ge [sflag:s7], $0x320  }
0x84: {  	[sflag:s7] =	ssyncset.done $0x0  }
0x85: {  	[sflag:s7] =	ssyncadd.s32 $0xFFFFFCE0  }
0x86: {  	_ =	swait.ge [sflag:s7], $0x320  }
0x87: {  	[sflag:s7] =	ssyncset.done $0x0  }
0x88: {  	s22 =	simm.s32 $0x80;
	[sflag:s7] =	ssyncadd.s32 $0xFFFFFCE0  }
0x89: {  	s25 =	simm.s32 $0x0;
	s24 =	simm.s32 $0x40;
	s23 =	simm.s32 $0x80;
	v1 =	vld [tilespmem:s22+$0xFFFFFFB0]  }
.LBB2_5:
0x8a: {  	p0 =	sne.s32 s24, $0xC40;
	v2 =	vld [tilespmem:s25+$0x6400]  }
0x8b: {  	v3 =	vld [tilespmem:s22+$0xFFFFFF90]  }
0x8c: {  	v4 =	vld [tilespmem:s22+$0xFFFFFF80]  }
0x8d: {  	v5 =	vld [tilespmem:s22+$0xFFFFFFA0]  }
0x8e: {  	v6 =	vld [tilespmem:s22+$0xFFFFFFF0]  }
0x8f: {  	v7 =	vbroadcast v2, $0x0;
	v8 =	vbroadcast v2, $0x1;
	v9 =	vld [tilespmem:s22+$0xFFFFFFD0]  }
0x90: {  	v10 =	vbroadcast v2, $0x2;
	v11 =	vbroadcast v2, $0x3;
	v12 =	vld [tilespmem:s22+$0xFFFFFFC0]  }
0x91: {  	v4 =	vmul.f32 v7, v4;
	v3 =	vmul.f32 v3, v8;
	v7 =	vld [tilespmem:s22+$0xFFFFFFE0]  }
0x92: {  	v1 =	vmul.f32 v1, v11;
	v5 =	vmul.f32 v5, v10;
	v8 =	vld [tilespmem:s22+$0x30]  }
0x93: {  	v10 =	vbroadcast v2, $0x5;
	[tilespmem:s22+$0xFFFFFF80] =	vst v4;
	v4 =	vbroadcast v2, $0x4;
	v11 =	vld [tilespmem:s22+$0x10]  }
0x94: {  	v13 =	vbroadcast v2, $0x7;
	[tilespmem:s22+$0xFFFFFF90] =	vst v3;
	v3 =	vbroadcast v2, $0x6;
	v14 =	vld [tilespmem:s22+$0x0]  }
0x95: {  	[tilespmem:s22+$0xFFFFFFA0] =	vst v5;
	v4 =	vmul.f32 v12, v4;
	v5 =	vmul.f32 v9, v10;
	v9 =	vld [tilespmem:s22+$0x20]  }
0x96: {  	[tilespmem:s22+$0xFFFFFFB0] =	vst v1;
	v1 =	vmul.f32 v7, v3;
	v3 =	vmul.f32 v6, v13;
	v6 =	vld [tilespmem:s22+$0x70]  }
0x97: {  	v7 =	vbroadcast v2, $0x9;
	[tilespmem:s22+$0xFFFFFFC0] =	vst v4;
	v4 =	vbroadcast v2, $0x8;
	v10 =	vld [tilespmem:s22+$0x50]  }
0x98: {  	v12 =	vbroadcast v2, $0xB;
	[tilespmem:s22+$0xFFFFFFD0] =	vst v5;
	v5 =	vbroadcast v2, $0xA;
	v13 =	vld [tilespmem:s22+$0x40]  }
0x99: {  	[tilespmem:s22+$0xFFFFFFE0] =	vst v1;
	v1 =	vmul.f32 v14, v4;
	v4 =	vmul.f32 v11, v7;
	v7 =	vld [tilespmem:s22+$0x60]  }
0x9a: {  	[tilespmem:s22+$0xFFFFFFF0] =	vst v3;
	v3 =	vmul.f32 v9, v5;
	v5 =	vmul.f32 v8, v12  }
0x9b: {  	v8 =	vbroadcast v2, $0xD;
	[tilespmem:s22+$0x0] =	vst v1;
	v1 =	vbroadcast v2, $0xC  }
0x9c: {  	[tilespmem:s22+$0x10] =	vst v4;
	v4 =	vbroadcast v2, $0xE;
	v2 =	vbroadcast v2, $0xF  }
0x9d: {  	[tilespmem:s22+$0x20] =	vst v3;
	v1 =	vmul.f32 v13, v1;
	v3 =	vmul.f32 v10, v8  }
.Ltmp1:
0x9e: {  	[tilespmem:s22+$0x30] =	vst v5;
	v4 =	vmul.f32 v7, v4;
	v2 =	vmul.f32 v6, v2;
	(pc) =	sbr.rel @p0 .LBB2_5-.Ltmp1, $4  }
0x9f: {  	[tilespmem:s22+$0x40] =	vst v1  }
0xa0: {  	[tilespmem:s22+$0x50] =	vst v3  }
0xa1: {  	s22 =	sadd.s32 $0x100, s22;
	[tilespmem:s23+$0x60] =	vst v4  }
0xa2: {  	s25 =	sshra.s32 s24, $0x2;
	s24 =	sadd.s32 $0x40, s24;
	v1 =	vld [tilespmem:s22+$0xFFFFFFB0];
	[tilespmem:s23+$0x70] =	vst v2;
	s23 =	smov.u32 s22  }
0xa3: {  	v2 =	vld [tilespmem:s25+$0x6400];
	_ =	sdelay $0x1  }
0xa4: {  	v3 =	vld [tilespmem:s22+$0xFFFFFF80]  }
0xa5: {  	v4 =	vld [tilespmem:s22+$0xFFFFFF90]  }
0xa6: {  	v5 =	vld [tilespmem:s22+$0xFFFFFFA0]  }
0xa7: {  	v6 =	vbroadcast v2, $0x0  }
0xa8: {  	v9 =	vld [tilespmem:s22+$0xFFFFFFD0];
	v7 =	vbroadcast v2, $0x1  }
0xa9: {  	v8 =	vld [tilespmem:s22+$0xFFFFFFC0];
	v10 =	vbroadcast v2, $0x2;
	v3 =	vmul.f32 v6, v3  }
0xaa: {  	v48 =	vld [tilespmem:s22+$0xFFFFFFE0];
	v47 =	vbroadcast v2, $0x3;
	v4 =	vmul.f32 v4, v7  }
0xab: {  	v51 =	vld [tilespmem:s22+$0x10];
	v49 =	vbroadcast v2, $0x5;
	v5 =	vmul.f32 v5, v10;
	[tilespmem:s22+$0xFFFFFF80] =	vst v3  }
0xac: {  	v11 =	vld [tilespmem:s22+$0xFFFFFFF0];
	v1 =	vmul.f32 v1, v47;
	v3 =	vbroadcast v2, $0x4;
	[tilespmem:s22+$0xFFFFFF90] =	vst v4  }
0xad: {  	v50 =	vld [tilespmem:s22+$0x0];
	v12 =	vbroadcast v2, $0x6;
	v6 =	vmul.f32 v9, v49;
	[tilespmem:s22+$0xFFFFFFA0] =	vst v5  }
0xae: {  	v56 =	vld [tilespmem:s22+$0x50];
	v54 =	vbroadcast v2, $0x9;
	[tilespmem:s22+$0xFFFFFFB0] =	vst v1;
	v3 =	vmul.f32 v8, v3  }
0xaf: {  	v53 =	vld [tilespmem:s22+$0x20];
	v52 =	vbroadcast v2, $0x7;
	v7 =	vmul.f32 v48, v12;
	[tilespmem:s22+$0xFFFFFFD0] =	vst v6  }
0xb0: {  	v59 =	vmul.f32 v51, v54;
	v1 =	vld [tilespmem:s22+$0x30];
	[tilespmem:s22+$0xFFFFFFC0] =	vst v3;
	v3 =	vbroadcast v2, $0x8  }
0xb1: {  	v55 =	vld [tilespmem:s22+$0x40];
	v62 =	vbroadcast v2, $0xD;
	v5 =	vmul.f32 v11, v52;
	[tilespmem:s22+$0xFFFFFFE0] =	vst v7  }
0xb2: {  	v60 =	vld [tilespmem:s22+$0x60];
	v57 =	vbroadcast v2, $0xA;
	[tilespmem:s22+$0x10] =	vst v59;
	v3 =	vmul.f32 v50, v3  }
0xb3: {  	v61 =	vld [tilespmem:s22+$0x70];
	v58 =	vbroadcast v2, $0xB;
	v4 =	vmul.f32 v56, v62;
	[tilespmem:s22+$0xFFFFFFF0] =	vst v5  }
0xb4: {  	v8 =	vmul.f32 v53, v57;
	[tilespmem:s22+$0x0] =	vst v3;
	v3 =	vbroadcast v2, $0xC  }
0xb5: {  	v63 =	vbroadcast v2, $0xE;
	[tilespmem:s22+$0x50] =	vst v4;
	v1 =	vmul.f32 v1, v58  }
0xb6: {  	[tilespmem:s22+$0x20] =	vst v8;
	v2 =	vbroadcast v2, $0xF;
	v3 =	vmul.f32 v55, v3  }
0xb7: {  	[tilespmem:s22+$0x30] =	vst v1;
	v1 =	vmul.f32 v60, v63  }
0xb8: {  	v2 =	vmul.f32 v61, v2;
	[tilespmem:s22+$0x40] =	vst v3  }
0xb9: {  	[tilespmem:s23+$0x60] =	vst v1  }
0xba: {  	s22 =	smul.u32 $0x640, s21;
	[tilespmem:s23+$0x70] =	vst v2;
	s23 =	simm.s32 $0x0  }
0xbb: {  	[spmem:s17] =	stream.indirect.scatter.add.f32 [tilespmem:s23], [sflag:$0x3], $0x10, s19, s8, $0xb8;
	[tilespmem:$0x1FF80] =	vst v63  }
0xbc: {  	s24 =	sadd.s32 s22, s10  }
0xbd: {  	_ =	swait.ge [sflag:s14], $0x3200;
	s26 =	sshll.u32 s24, $0x1  }
0xbe: {  	[sflag:s14] =	ssyncset.done $0x0;
	s25 =	sand.u32 $0x1FFFFFC0, s26  }
0xbf: {  	s24 =	sshrl.u32 s24, $0x3;
	[sflag:s14] =	ssyncadd.s32 $0xFFFFCE00;
	s25 =	sadd.s32 s20, s25  }
0xc0: {  	[tilespmem:s23], [sflag:$0x1] =	stream.linear.gather [hbm4b:s25+s23], $0x3200, $0x38;
	[tilespmem:$0x1FF80] =	vst v63  }
0xc1: {  	s26 =	sadd.s32 s13, s24  }
0xc2: {  	[tilespmem:s18], [sflag:$0x1] =	stream.linear.gather [hbm4b:s26+s23], $0x320, $0x38;
	[tilespmem:$0x1FF80] =	vst v63  }
0xc3: {  	s24 =	sadd.s32 s16, s24  }
0xc4: {  	[tilespmem:s19], [sflag:$0x1] =	stream.linear.gather [hbm4b:s24+s23], $0x320, $0x38;
	[tilespmem:$0x1FF80] =	vst v63  }
0xc5: {  	_ =	swait.ge [sflag:s9], $0x3200  }
0xc6: {  	[sflag:s9] =	ssyncset.done $0x0  }
0xc7: {  	[sflag:s9] =	ssyncadd.s32 $0xFFFFCE00  }
0xc8: {  	_ =	swait.ge [sflag:s9], $0x320  }
0xc9: {  	[sflag:s9] =	ssyncset.done $0x0  }
0xca: {  	[sflag:s9] =	ssyncadd.s32 $0xFFFFFCE0  }
0xcb: {  	_ =	swait.ge [sflag:s9], $0x320  }
0xcc: {  	[sflag:s9] =	ssyncset.done $0x0  }
0xcd: {  	s23 =	simm.s32 $0x32F0;
	[sflag:s9] =	ssyncadd.s32 $0xFFFFFCE0  }
0xce: {  	s25 =	simm.s32 $0x40;
	s26 =	simm.s32 $0x0;
	s24 =	simm.s32 $0x32F0;
	v1 =	vld [tilespmem:s23+$0xFFFFFF40]  }
.LBB2_7:
0xcf: {  	p0 =	sne.s32 s25, $0xC40;
	v2 =	vld [tilespmem:s26+$0x6720]  }
0xd0: {  	v3 =	vld [tilespmem:s23+$0xFFFFFF20]  }
0xd1: {  	v4 =	vld [tilespmem:s23+$0xFFFFFF10]  }
0xd2: {  	v5 =	vld [tilespmem:s23+$0xFFFFFF30]  }
0xd3: {  	v6 =	vld [tilespmem:s23+$0xFFFFFF80]  }
0xd4: {  	v7 =	vbroadcast v2, $0x0;
	v8 =	vbroadcast v2, $0x1;
	v9 =	vld [tilespmem:s23+$0xFFFFFF60]  }
0xd5: {  	v10 =	vbroadcast v2, $0x2;
	v11 =	vbroadcast v2, $0x3;
	v12 =	vld [tilespmem:s23+$0xFFFFFF50]  }
0xd6: {  	v4 =	vmul.f32 v7, v4;
	v3 =	vmul.f32 v3, v8;
	v7 =	vld [tilespmem:s23+$0xFFFFFF70]  }
0xd7: {  	v1 =	vmul.f32 v1, v11;
	v5 =	vmul.f32 v5, v10;
	v8 =	vld [tilespmem:s23+$0xFFFFFFC0]  }
0xd8: {  	v10 =	vbroadcast v2, $0x5;
	[tilespmem:s23+$0xFFFFFF10] =	vst v4;
	v4 =	vbroadcast v2, $0x4;
	v11 =	vld [tilespmem:s23+$0xFFFFFFA0]  }
0xd9: {  	v13 =	vbroadcast v2, $0x7;
	[tilespmem:s23+$0xFFFFFF20] =	vst v3;
	v3 =	vbroadcast v2, $0x6;
	v14 =	vld [tilespmem:s23+$0xFFFFFF90]  }
0xda: {  	[tilespmem:s23+$0xFFFFFF30] =	vst v5;
	v4 =	vmul.f32 v12, v4;
	v5 =	vmul.f32 v9, v10;
	v9 =	vld [tilespmem:s23+$0xFFFFFFB0]  }
0xdb: {  	[tilespmem:s23+$0xFFFFFF40] =	vst v1;
	v1 =	vmul.f32 v7, v3;
	v3 =	vmul.f32 v6, v13;
	v6 =	vld [tilespmem:s23+$0xFFFFFFF0]  }
0xdc: {  	v7 =	vbroadcast v2, $0x9;
	[tilespmem:s23+$0xFFFFFF50] =	vst v4;
	v4 =	vbroadcast v2, $0x8;
	v10 =	vld [tilespmem:s23+$0xFFFFFFE0]  }
0xdd: {  	v12 =	vbroadcast v2, $0xB;
	[tilespmem:s23+$0xFFFFFF60] =	vst v5;
	v5 =	vbroadcast v2, $0xA;
	v13 =	vld [tilespmem:s23+$0xFFFFFFD0]  }
0xde: {  	[tilespmem:s23+$0xFFFFFF70] =	vst v1;
	v1 =	vmul.f32 v14, v4;
	v4 =	vmul.f32 v11, v7;
	v7 =	vld [tilespmem:s23+$0x0]  }
0xdf: {  	[tilespmem:s23+$0xFFFFFF80] =	vst v3;
	v3 =	vmul.f32 v9, v5;
	v5 =	vmul.f32 v8, v12  }
0xe0: {  	v8 =	vbroadcast v2, $0xD;
	[tilespmem:s23+$0xFFFFFF90] =	vst v1;
	v1 =	vbroadcast v2, $0xC  }
0xe1: {  	[tilespmem:s23+$0xFFFFFFA0] =	vst v4;
	v4 =	vbroadcast v2, $0xE;
	v2 =	vbroadcast v2, $0xF  }
0xe2: {  	[tilespmem:s23+$0xFFFFFFB0] =	vst v3;
	v1 =	vmul.f32 v13, v1;
	v3 =	vmul.f32 v10, v8  }
.Ltmp2:
0xe3: {  	[tilespmem:s23+$0xFFFFFFC0] =	vst v5;
	v4 =	vmul.f32 v6, v4;
	v2 =	vmul.f32 v7, v2;
	(pc) =	sbr.rel @p0 .LBB2_7-.Ltmp2, $4  }
0xe4: {  	[tilespmem:s23+$0xFFFFFFD0] =	vst v1  }
0xe5: {  	[tilespmem:s23+$0xFFFFFFE0] =	vst v3  }
0xe6: {  	s23 =	sadd.s32 $0x100, s23;
	[tilespmem:s24+$0xFFFFFFF0] =	vst v4  }
0xe7: {  	s26 =	sshra.s32 s25, $0x2;
	s25 =	sadd.s32 $0x40, s25;
	v1 =	vld [tilespmem:s23+$0xFFFFFF40];
	[tilespmem:s24+$0x0] =	vst v2;
	s24 =	smov.u32 s23  }
0xe8: {  	v2 =	vld [tilespmem:s26+$0x6720];
	_ =	sdelay $0x1  }
0xe9: {  	v3 =	vld [tilespmem:s23+$0xFFFFFF10]  }
0xea: {  	v4 =	vld [tilespmem:s23+$0xFFFFFF20]  }
0xeb: {  	v5 =	vld [tilespmem:s23+$0xFFFFFF30]  }
0xec: {  	v6 =	vbroadcast v2, $0x0  }
0xed: {  	v9 =	vld [tilespmem:s23+$0xFFFFFF60];
	v7 =	vbroadcast v2, $0x1  }
0xee: {  	v8 =	vld [tilespmem:s23+$0xFFFFFF50];
	v10 =	vbroadcast v2, $0x2;
	v3 =	vmul.f32 v6, v3  }
0xef: {  	v48 =	vld [tilespmem:s23+$0xFFFFFF70];
	v47 =	vbroadcast v2, $0x3;
	v4 =	vmul.f32 v4, v7  }
0xf0: {  	v51 =	vld [tilespmem:s23+$0xFFFFFFA0];
	v49 =	vbroadcast v2, $0x5;
	v5 =	vmul.f32 v5, v10;
	[tilespmem:s23+$0xFFFFFF10] =	vst v3  }
0xf1: {  	v56 =	vld [tilespmem:s23+$0xFFFFFFE0];
	v1 =	vmul.f32 v1, v47;
	v3 =	vbroadcast v2, $0x4;
	[tilespmem:s23+$0xFFFFFF20] =	vst v4  }
0xf2: {  	v50 =	vld [tilespmem:s23+$0xFFFFFF90];
	v12 =	vbroadcast v2, $0x6;
	v6 =	vmul.f32 v9, v49;
	[tilespmem:s23+$0xFFFFFF30] =	vst v5  }
0xf3: {  	v11 =	vld [tilespmem:s23+$0xFFFFFF80];
	v54 =	vbroadcast v2, $0x9;
	[tilespmem:s23+$0xFFFFFF40] =	vst v1;
	v3 =	vmul.f32 v8, v3  }
0xf4: {  	v53 =	vld [tilespmem:s23+$0xFFFFFFB0];
	v61 =	vbroadcast v2, $0xD;
	v7 =	vmul.f32 v48, v12;
	[tilespmem:s23+$0xFFFFFF60] =	vst v6  }
0xf5: {  	v9 =	vmul.f32 v51, v54;
	v1 =	vld [tilespmem:s23+$0xFFFFFFC0];
	[tilespmem:s23+$0xFFFFFF50] =	vst v3;
	v3 =	vbroadcast v2, $0x8  }
0xf6: {  	v55 =	vld [tilespmem:s23+$0xFFFFFFD0];
	v52 =	vbroadcast v2, $0x7;
	v63 =	vmul.f32 v56, v61;
	[tilespmem:s23+$0xFFFFFF70] =	vst v7  }
0xf7: {  	v58 =	vld [tilespmem:s23+$0xFFFFFFF0];
	v57 =	vbroadcast v2, $0xA;
	[tilespmem:s23+$0xFFFFFFA0] =	vst v9;
	v3 =	vmul.f32 v50, v3  }
0xf8: {  	v60 =	vld [tilespmem:s23+$0x0];
	v59 =	vbroadcast v2, $0xB;
	v5 =	vmul.f32 v11, v52;
	[tilespmem:s23+$0xFFFFFFE0] =	vst v63  }
0xf9: {  	v8 =	vmul.f32 v53, v57;
	[tilespmem:s23+$0xFFFFFF90] =	vst v3;
	v3 =	vbroadcast v2, $0xC  }
0xfa: {  	v62 =	vbroadcast v2, $0xE;
	[tilespmem:s23+$0xFFFFFF80] =	vst v5;
	v1 =	vmul.f32 v1, v59  }
0xfb: {  	[tilespmem:s23+$0xFFFFFFB0] =	vst v8;
	v2 =	vbroadcast v2, $0xF;
	v3 =	vmul.f32 v55, v3  }
0xfc: {  	[tilespmem:s23+$0xFFFFFFC0] =	vst v1;
	v1 =	vmul.f32 v58, v62  }
0xfd: {  	v2 =	vmul.f32 v60, v2;
	[tilespmem:s23+$0xFFFFFFD0] =	vst v3  }
0xfe: {  	p0 =	seq.s32 s21, $0x3D;
	[tilespmem:s24+$0xFFFFFFF0] =	vst v1  }
.Ltmp3:
0xff: {  	[tilespmem:s24+$0x0] =	vst v2;
	(pc) =	sbr.rel @p0 .LBB2_10-.Ltmp3, $4  }
0x100: {  	[spmem:s17] =	stream.indirect.scatter.add.f32 [tilespmem:s4], [sflag:$0x3], $0x10, s6, s8, $0xb8;
	[tilespmem:$0x1FF80] =	vst v63  }
0x101: {  	_ =	swait.ge [sflag:s14], $0x3200  }
0x102: {  	[sflag:s14] =	ssyncset.done $0x0  }
0x103: {  	[sflag:s14] =	ssyncadd.s32 $0xFFFFCE00  }
0x104: {  	s22 =	sadd.s32 s22, s11  }
0x105: {  	s23 =	sshll.u32 s22, $0x1  }
0x106: {  	s23 =	sand.u32 $0x1FFFFFC0, s23  }
0x107: {  	s23 =	sadd.s32 s20, s23  }
0x108: {  	[tilespmem:s4], [sflag:$0x2] =	stream.linear.gather [hbm4b:s23+s1], $0x3200, $0x38;
	[tilespmem:$0x1FF80] =	vst v63  }
.Ltmp4:
0x109: {  	s22 =	sshrl.u32 s22, $0x3;
	(pc) =	sbr.rel .LBB2_4-.Ltmp4, $4  }
0x10a: {  	s26 =	sadd.s32 s13, s22  }
0x10b: {  	[tilespmem:s5], [sflag:$0x2] =	stream.linear.gather [hbm4b:s26+s1], $0x320, $0x38;
	[tilespmem:$0x1FF80] =	vst v63  }
0x10c: {  	s21 =	sadd.s32 $0x1, s21;
	s22 =	sadd.s32 s16, s22  }
0x10d: {  	[tilespmem:s6], [sflag:$0x2] =	stream.linear.gather [hbm4b:s22+s1], $0x320, $0x38;
	[tilespmem:$0x1FF80] =	vst v63  }
.LBB2_10:
0x10e: {  	_ =	swait.ge [sflag:s7], $0x3200  }
0x10f: {  	[sflag:s7] =	ssyncset.done $0x0  }
0x110: {  	[sflag:s7] =	ssyncadd.s32 $0xFFFFCE00  }
0x111: {  	_ =	swait.ge [sflag:s7], $0x320  }
0x112: {  	[sflag:s7] =	ssyncset.done $0x0  }
0x113: {  	[sflag:s7] =	ssyncadd.s32 $0xFFFFFCE0  }
0x114: {  	_ =	swait.ge [sflag:s7], $0x320  }
0x115: {  	[sflag:s7] =	ssyncset.done $0x0  }
0x116: {  	s21 =	simm.s32 $0x80;
	[sflag:s7] =	ssyncadd.s32 $0xFFFFFCE0  }
0x117: {  	s24 =	simm.s32 $0x0;
	s23 =	simm.s32 $0x40;
	s22 =	simm.s32 $0x80;
	v1 =	vld [tilespmem:s21+$0xFFFFFFB0]  }
.LBB2_11:
0x118: {  	p0 =	sne.s32 s23, $0xC40;
	v2 =	vld [tilespmem:s24+$0x6400]  }
0x119: {  	v3 =	vld [tilespmem:s21+$0xFFFFFF90]  }
0x11a: {  	v4 =	vld [tilespmem:s21+$0xFFFFFF80]  }
0x11b: {  	v5 =	vld [tilespmem:s21+$0xFFFFFFA0]  }
0x11c: {  	v6 =	vld [tilespmem:s21+$0xFFFFFFF0]  }
0x11d: {  	v7 =	vbroadcast v2, $0x0;
	v8 =	vbroadcast v2, $0x1;
	v9 =	vld [tilespmem:s21+$0xFFFFFFD0]  }
0x11e: {  	v10 =	vbroadcast v2, $0x2;
	v11 =	vbroadcast v2, $0x3;
	v12 =	vld [tilespmem:s21+$0xFFFFFFC0]  }
0x11f: {  	v4 =	vmul.f32 v7, v4;
	v3 =	vmul.f32 v3, v8;
	v7 =	vld [tilespmem:s21+$0xFFFFFFE0]  }
0x120: {  	v1 =	vmul.f32 v1, v11;
	v5 =	vmul.f32 v5, v10;
	v8 =	vld [tilespmem:s21+$0x30]  }
0x121: {  	v10 =	vbroadcast v2, $0x5;
	[tilespmem:s21+$0xFFFFFF80] =	vst v4;
	v4 =	vbroadcast v2, $0x4;
	v11 =	vld [tilespmem:s21+$0x10]  }
0x122: {  	v13 =	vbroadcast v2, $0x7;
	[tilespmem:s21+$0xFFFFFF90] =	vst v3;
	v3 =	vbroadcast v2, $0x6;
	v14 =	vld [tilespmem:s21+$0x0]  }
0x123: {  	[tilespmem:s21+$0xFFFFFFA0] =	vst v5;
	v4 =	vmul.f32 v12, v4;
	v5 =	vmul.f32 v9, v10;
	v9 =	vld [tilespmem:s21+$0x20]  }
0x124: {  	[tilespmem:s21+$0xFFFFFFB0] =	vst v1;
	v1 =	vmul.f32 v7, v3;
	v3 =	vmul.f32 v6, v13;
	v6 =	vld [tilespmem:s21+$0x70]  }
0x125: {  	v7 =	vbroadcast v2, $0x9;
	[tilespmem:s21+$0xFFFFFFC0] =	vst v4;
	v4 =	vbroadcast v2, $0x8;
	v10 =	vld [tilespmem:s21+$0x50]  }
0x126: {  	v12 =	vbroadcast v2, $0xB;
	[tilespmem:s21+$0xFFFFFFD0] =	vst v5;
	v5 =	vbroadcast v2, $0xA;
	v13 =	vld [tilespmem:s21+$0x40]  }
0x127: {  	[tilespmem:s21+$0xFFFFFFE0] =	vst v1;
	v1 =	vmul.f32 v14, v4;
	v4 =	vmul.f32 v11, v7;
	v7 =	vld [tilespmem:s21+$0x60]  }
0x128: {  	[tilespmem:s21+$0xFFFFFFF0] =	vst v3;
	v3 =	vmul.f32 v9, v5;
	v5 =	vmul.f32 v8, v12  }
0x129: {  	v8 =	vbroadcast v2, $0xD;
	[tilespmem:s21+$0x0] =	vst v1;
	v1 =	vbroadcast v2, $0xC  }
0x12a: {  	[tilespmem:s21+$0x10] =	vst v4;
	v4 =	vbroadcast v2, $0xE;
	v2 =	vbroadcast v2, $0xF  }
0x12b: {  	[tilespmem:s21+$0x20] =	vst v3;
	v1 =	vmul.f32 v13, v1;
	v3 =	vmul.f32 v10, v8  }
.Ltmp5:
0x12c: {  	[tilespmem:s21+$0x30] =	vst v5;
	v4 =	vmul.f32 v7, v4;
	v2 =	vmul.f32 v6, v2;
	(pc) =	sbr.rel @p0 .LBB2_11-.Ltmp5, $4  }
0x12d: {  	[tilespmem:s21+$0x40] =	vst v1  }
0x12e: {  	[tilespmem:s21+$0x50] =	vst v3  }
0x12f: {  	s21 =	sadd.s32 $0x100, s21;
	[tilespmem:s22+$0x60] =	vst v4  }
0x130: {  	s24 =	sshra.s32 s23, $0x2;
	s23 =	sadd.s32 $0x40, s23;
	v1 =	vld [tilespmem:s21+$0xFFFFFFB0];
	[tilespmem:s22+$0x70] =	vst v2;
	s22 =	smov.u32 s21  }
0x131: {  	v2 =	vld [tilespmem:s24+$0x6400];
	_ =	sdelay $0x1  }
0x132: {  	v3 =	vld [tilespmem:s21+$0xFFFFFF80]  }
0x133: {  	v4 =	vld [tilespmem:s21+$0xFFFFFF90]  }
0x134: {  	v5 =	vld [tilespmem:s21+$0xFFFFFFA0]  }
0x135: {  	v6 =	vbroadcast v2, $0x0  }
0x136: {  	v9 =	vld [tilespmem:s21+$0xFFFFFFD0];
	v7 =	vbroadcast v2, $0x1  }
0x137: {  	v8 =	vld [tilespmem:s21+$0xFFFFFFC0];
	v10 =	vbroadcast v2, $0x2;
	v3 =	vmul.f32 v6, v3  }
0x138: {  	v48 =	vld [tilespmem:s21+$0xFFFFFFE0];
	v47 =	vbroadcast v2, $0x3;
	v4 =	vmul.f32 v4, v7  }
0x139: {  	v51 =	vld [tilespmem:s21+$0x10];
	v49 =	vbroadcast v2, $0x5;
	v5 =	vmul.f32 v5, v10;
	[tilespmem:s21+$0xFFFFFF80] =	vst v3  }
0x13a: {  	v11 =	vld [tilespmem:s21+$0xFFFFFFF0];
	v1 =	vmul.f32 v1, v47;
	v3 =	vbroadcast v2, $0x4;
	[tilespmem:s21+$0xFFFFFF90] =	vst v4  }
0x13b: {  	v50 =	vld [tilespmem:s21+$0x0];
	v12 =	vbroadcast v2, $0x6;
	v6 =	vmul.f32 v9, v49;
	[tilespmem:s21+$0xFFFFFFA0] =	vst v5  }
0x13c: {  	v56 =	vld [tilespmem:s21+$0x50];
	v54 =	vbroadcast v2, $0x9;
	[tilespmem:s21+$0xFFFFFFB0] =	vst v1;
	v3 =	vmul.f32 v8, v3  }
0x13d: {  	v53 =	vld [tilespmem:s21+$0x20];
	v52 =	vbroadcast v2, $0x7;
	v7 =	vmul.f32 v48, v12;
	[tilespmem:s21+$0xFFFFFFD0] =	vst v6  }
0x13e: {  	v59 =	vmul.f32 v51, v54;
	v1 =	vld [tilespmem:s21+$0x30];
	[tilespmem:s21+$0xFFFFFFC0] =	vst v3;
	v3 =	vbroadcast v2, $0x8  }
0x13f: {  	v55 =	vld [tilespmem:s21+$0x40];
	v62 =	vbroadcast v2, $0xD;
	v5 =	vmul.f32 v11, v52;
	[tilespmem:s21+$0xFFFFFFE0] =	vst v7  }
0x140: {  	v60 =	vld [tilespmem:s21+$0x60];
	v57 =	vbroadcast v2, $0xA;
	[tilespmem:s21+$0x10] =	vst v59;
	v3 =	vmul.f32 v50, v3  }
0x141: {  	v61 =	vld [tilespmem:s21+$0x70];
	v58 =	vbroadcast v2, $0xB;
	v4 =	vmul.f32 v56, v62;
	[tilespmem:s21+$0xFFFFFFF0] =	vst v5  }
0x142: {  	v8 =	vmul.f32 v53, v57;
	[tilespmem:s21+$0x0] =	vst v3;
	v3 =	vbroadcast v2, $0xC  }
0x143: {  	v63 =	vbroadcast v2, $0xE;
	[tilespmem:s21+$0x50] =	vst v4;
	v1 =	vmul.f32 v1, v58  }
0x144: {  	[tilespmem:s21+$0x20] =	vst v8;
	v2 =	vbroadcast v2, $0xF;
	v3 =	vmul.f32 v55, v3  }
0x145: {  	[tilespmem:s21+$0x30] =	vst v1;
	v1 =	vmul.f32 v60, v63  }
0x146: {  	v2 =	vmul.f32 v61, v2;
	[tilespmem:s21+$0x40] =	vst v3  }
0x147: {  	[tilespmem:s22+$0x60] =	vst v1  }
0x148: {  	[tilespmem:s22+$0x70] =	vst v2  }
0x149: {  	[spmem:s17] =	stream.indirect.scatter.add.f32 [tilespmem:s1], [sflag:$0x3], $0x10, s19, s8, $0xb8;
	[tilespmem:$0x1FF80] =	vst v63  }
0x14a: {  	_ =	swait.ge [sflag:s14], $0x3200  }
0x14b: {  	[sflag:s14] =	ssyncset.done $0x0  }
0x14c: {  	[sflag:s14] =	ssyncadd.s32 $0xFFFFCE00  }
0x14d: {  	[bflag:$0x0] =	sbarrier.arrive $0xFFFF  }
0x14e: {  	[tilespmem:s1], [sflag:$0x3] =	stream.linear.gather [spmem:s28], $0x1C80, $0x38;
	[tilespmem:$0x1FF80] =	vst v63  }
0x14f: {  	_ =	swait.ge [sflag:s14], $0x1C80  }
0x150: {  	[sflag:s14] =	ssyncset.done $0x0  }
0x151: {  	s24 =	rddreg [dreg:$0x5];
	[sflag:s14] =	ssyncadd.s32 $0xFFFFE380  }
0x152: {  	[hbm4b:s24+s1] =	stream.linear.scatter [tilespmem:s1], [sflag:$0x3], $0x1C80, $0x38;
	[tilespmem:$0x1FF80] =	vst v63  }
0x153: {  	_ =	swait.ge [sflag:s14], $0x1C80  }
0x154: {  	[sflag:s14] =	ssyncset.done $0x0  }
0x155: {  	[sflag:s14] =	ssyncadd.s32 $0xFFFFE380  }
0x156: {  	[tilespmem:s1], [sflag:$0x3] =	stream.linear.gather [spmem:s29], $0x1C80, $0x38;
	[tilespmem:$0x1FF80] =	vst v63  }
0x157: {  	_ =	swait.ge [sflag:s14], $0x1C80  }
0x158: {  	[sflag:s14] =	ssyncset.done $0x0  }
0x159: {  	s25 =	rddreg [dreg:$0x6];
	[sflag:s14] =	ssyncadd.s32 $0xFFFFE380  }
0x15a: {  	[hbm4b:s25+s1] =	stream.linear.scatter [tilespmem:s1], [sflag:$0x3], $0x1C80, $0x38;
	[tilespmem:$0x1FF80] =	vst v63  }
0x15b: {  	_ =	swait.ge [sflag:s14], $0x1C80  }
0x15c: {  	[sflag:s14] =	ssyncset.done $0x0  }
0x15d: {  	[sflag:s14] =	ssyncadd.s32 $0xFFFFE380  }
0x15e: {  	[tilespmem:s1], [sflag:$0x3] =	stream.linear.gather [spmem:s30], $0x1C80, $0x38;
	[tilespmem:$0x1FF80] =	vst v63  }
0x15f: {  	_ =	swait.ge [sflag:s14], $0x1C80  }
0x160: {  	[sflag:s14] =	ssyncset.done $0x0  }
0x161: {  	s26 =	rddreg [dreg:$0x7];
	[sflag:s14] =	ssyncadd.s32 $0xFFFFE380  }
0x162: {  	[hbm4b:s26+s1] =	stream.linear.scatter [tilespmem:s1], [sflag:$0x3], $0x1C80, $0x38;
	[tilespmem:$0x1FF80] =	vst v63  }
0x163: {  	_ =	swait.ge [sflag:s14], $0x1C80  }
0x164: {  	[sflag:s14] =	ssyncset.done $0x0  }
0x165: {  	s23 =	smov.u32 s28;
	s28 =	rddreg [dreg:$0x13];
	[sflag:s14] =	ssyncadd.s32 $0xFFFFE380  }
0x166: {  	[tilespmem:s1], [sflag:$0x3] =	stream.linear.gather [spmem:s28], $0x1C80, $0x38;
	[tilespmem:$0x1FF80] =	vst v63  }
0x167: {  	_ =	swait.ge [sflag:s14], $0x1C80  }
0x168: {  	[sflag:s14] =	ssyncset.done $0x0  }
0x169: {  	s24 =	smov.u32 s29;
	s29 =	rddreg [dreg:$0x8];
	[sflag:s14] =	ssyncadd.s32 $0xFFFFE380  }
0x16a: {  	[hbm4b:s29+s1] =	stream.linear.scatter [tilespmem:s1], [sflag:$0x3], $0x1C80, $0x38;
	[tilespmem:$0x1FF80] =	vst v63  }
0x16b: {  	_ =	swait.ge [sflag:s14], $0x1C80  }
0x16c: {  	[sflag:s14] =	ssyncset.done $0x0  }
0x16d: {  	s25 =	smov.u32 s30;
	s30 =	rddreg [dreg:$0x14];
	[sflag:s14] =	ssyncadd.s32 $0xFFFFE380  }
0x16e: {  	[tilespmem:s1], [sflag:$0x3] =	stream.linear.gather [spmem:s30], $0x1C80, $0x38;
	[tilespmem:$0x1FF80] =	vst v63  }
0x16f: {  	_ =	swait.ge [sflag:s14], $0x1C80  }
0x170: {  	[sflag:s14] =	ssyncset.done $0x0  }
0x171: {  	s22 =	rddreg [dreg:$0x9];
	[sflag:s14] =	ssyncadd.s32 $0xFFFFE380  }
0x172: {  	[hbm4b:s22+s1] =	stream.linear.scatter [tilespmem:s1], [sflag:$0x3], $0x1C80, $0x38;
	[tilespmem:$0x1FF80] =	vst v63  }
0x173: {  	_ =	swait.ge [sflag:s14], $0x1C80  }
0x174: {  	[sflag:s14] =	ssyncset.done $0x0  }
0x175: {  	s26 =	rddreg [dreg:$0x15];
	[sflag:s14] =	ssyncadd.s32 $0xFFFFE380  }
0x176: {  	[tilespmem:s1], [sflag:$0x3] =	stream.linear.gather [spmem:s26], $0x1C80, $0x38;
	[tilespmem:$0x1FF80] =	vst v63  }
0x177: {  	_ =	swait.ge [sflag:s14], $0x1C80  }
0x178: {  	[sflag:s14] =	ssyncset.done $0x0  }
0x179: {  	s28 =	rddreg [dreg:$0xa];
	[sflag:s14] =	ssyncadd.s32 $0xFFFFE380  }
0x17a: {  	[hbm4b:s28+s1] =	stream.linear.scatter [tilespmem:s1], [sflag:$0x3], $0x1C80, $0x38;
	[tilespmem:$0x1FF80] =	vst v63  }
0x17b: {  	_ =	swait.ge [sflag:s14], $0x1C80  }
0x17c: {  	[sflag:s14] =	ssyncset.done $0x0  }
0x17d: {  	s29 =	rddreg [dreg:$0x16];
	[sflag:s14] =	ssyncadd.s32 $0xFFFFE380  }
0x17e: {  	[tilespmem:s1], [sflag:$0x3] =	stream.linear.gather [spmem:s29], $0x1C80, $0x38;
	[tilespmem:$0x1FF80] =	vst v63  }
0x17f: {  	_ =	swait.ge [sflag:s14], $0x1C80  }
0x180: {  	[sflag:s14] =	ssyncset.done $0x0  }
0x181: {  	s30 =	rddreg [dreg:$0xb];
	[sflag:s14] =	ssyncadd.s32 $0xFFFFE380  }
0x182: {  	[hbm4b:s30+s1] =	stream.linear.scatter [tilespmem:s1], [sflag:$0x3], $0x1C80, $0x38;
	[tilespmem:$0x1FF80] =	vst v63  }
0x183: {  	_ =	swait.ge [sflag:s14], $0x1C80  }
0x184: {  	[sflag:s14] =	ssyncset.done $0x0  }
0x185: {  	s22 =	rddreg [dreg:$0x17];
	[sflag:s14] =	ssyncadd.s32 $0xFFFFE380  }
0x186: {  	[tilespmem:s1], [sflag:$0x3] =	stream.linear.gather [spmem:s22], $0x1C80, $0x38;
	[tilespmem:$0x1FF80] =	vst v63  }
0x187: {  	_ =	swait.ge [sflag:s14], $0x1C80  }
0x188: {  	[sflag:s14] =	ssyncset.done $0x0  }
0x189: {  	s26 =	rddreg [dreg:$0xc];
	[sflag:s14] =	ssyncadd.s32 $0xFFFFE380  }
0x18a: {  	[hbm4b:s26+s1] =	stream.linear.scatter [tilespmem:s1], [sflag:$0x3], $0x1C80, $0x38;
	[tilespmem:$0x1FF80] =	vst v63  }
0x18b: {  	_ =	swait.ge [sflag:s14], $0x1C80  }
0x18c: {  	[sflag:s14] =	ssyncset.done $0x0  }
0x18d: {  	s28 =	rddreg [dreg:$0x18];
	[sflag:s14] =	ssyncadd.s32 $0xFFFFE380  }
0x18e: {  	[tilespmem:s1], [sflag:$0x3] =	stream.linear.gather [spmem:s28], $0x1C80, $0x38;
	[tilespmem:$0x1FF80] =	vst v63  }
0x18f: {  	_ =	swait.ge [sflag:s14], $0x1C80  }
0x190: {  	[sflag:s14] =	ssyncset.done $0x0  }
0x191: {  	s29 =	rddreg [dreg:$0xd];
	[sflag:s14] =	ssyncadd.s32 $0xFFFFE380  }
0x192: {  	[hbm4b:s29+s1] =	stream.linear.scatter [tilespmem:s1], [sflag:$0x3], $0x1C80, $0x38;
	[tilespmem:$0x1FF80] =	vst v63  }
0x193: {  	_ =	swait.ge [sflag:s14], $0x1C80  }
0x194: {  	[sflag:s14] =	ssyncset.done $0x0  }
0x195: {  	[sflag:s14] =	ssyncadd.s32 $0xFFFFE380  }
0x196: {  	[tilespmem:s1], [sflag:$0x3] =	stream.linear.gather [spmem:s31], $0x1C80, $0x38;
	[tilespmem:$0x1FF80] =	vst v63  }
0x197: {  	_ =	swait.ge [sflag:s14], $0x1C80  }
0x198: {  	[sflag:s14] =	ssyncset.done $0x0  }
0x199: {  	s30 =	rddreg [dreg:$0xe];
	[sflag:s14] =	ssyncadd.s32 $0xFFFFE380  }
0x19a: {  	[hbm4b:s30+s1] =	stream.linear.scatter [tilespmem:s1], [sflag:$0x3], $0x1C80, $0x38;
	[tilespmem:$0x1FF80] =	vst v63  }
0x19b: {  	_ =	swait.ge [sflag:s14], $0x1C80  }
0x19c: {  	[sflag:s14] =	ssyncset.done $0x0  }
0x19d: {  	[sflag:s14] =	ssyncadd.s32 $0xFFFFE380  }
0x19e: {  	[tilespmem:s1], [sflag:$0x3] =	stream.linear.gather [spmem:s15], $0x1C80, $0x38;
	[tilespmem:$0x1FF80] =	vst v63  }
0x19f: {  	_ =	swait.ge [sflag:s14], $0x1C80  }
0x1a0: {  	[sflag:s14] =	ssyncset.done $0x0  }
0x1a1: {  	s22 =	rddreg [dreg:$0xf];
	[sflag:s14] =	ssyncadd.s32 $0xFFFFE380  }
0x1a2: {  	[hbm4b:s22+s1] =	stream.linear.scatter [tilespmem:s1], [sflag:$0x3], $0x1C80, $0x38;
	[tilespmem:$0x1FF80] =	vst v63  }
0x1a3: {  	_ =	swait.ge [sflag:s14], $0x1C80  }
0x1a4: {  	[sflag:s14] =	ssyncset.done $0x0  }
0x1a5: {  	[sflag:s14] =	ssyncadd.s32 $0xFFFFE380  }
0x1a6: {  	[tilespmem:s1], [sflag:$0x3] =	stream.linear.gather [spmem:s0], $0x1C80, $0x38;
	[tilespmem:$0x1FF80] =	vst v63  }
0x1a7: {  	_ =	swait.ge [sflag:s14], $0x1C80  }
0x1a8: {  	[sflag:s14] =	ssyncset.done $0x0  }
0x1a9: {  	s26 =	rddreg [dreg:$0x10];
	[sflag:s14] =	ssyncadd.s32 $0xFFFFE380  }
0x1aa: {  	[hbm4b:s26+s1] =	stream.linear.scatter [tilespmem:s1], [sflag:$0x3], $0x1C80, $0x38;
	[tilespmem:$0x1FF80] =	vst v63  }
0x1ab: {  	_ =	swait.ge [sflag:s14], $0x1C80  }
0x1ac: {  	[sflag:s14] =	ssyncset.done $0x0  }
0x1ad: {  	[sflag:s14] =	ssyncadd.s32 $0xFFFFE380  }
0x1ae: {  	[tilespmem:s1], [sflag:$0x3] =	stream.linear.gather [spmem:s2], $0x1C80, $0x38;
	[tilespmem:$0x1FF80] =	vst v63  }
0x1af: {  	_ =	swait.ge [sflag:s14], $0x1C80  }
0x1b0: {  	[sflag:s14] =	ssyncset.done $0x0  }
0x1b1: {  	s28 =	rddreg [dreg:$0x11];
	[sflag:s14] =	ssyncadd.s32 $0xFFFFE380  }
0x1b2: {  	[hbm4b:s28+s1] =	stream.linear.scatter [tilespmem:s1], [sflag:$0x3], $0x1C80, $0x38;
	[tilespmem:$0x1FF80] =	vst v63  }
0x1b3: {  	_ =	swait.ge [sflag:s14], $0x1C80  }
0x1b4: {  	[sflag:s14] =	ssyncset.done $0x0  }
0x1b5: {  	[sflag:s14] =	ssyncadd.s32 $0xFFFFE380  }
0x1b6: {  	[tilespmem:s1], [sflag:$0x3] =	stream.linear.gather [spmem:s3], $0x1C80, $0x38;
	[tilespmem:$0x1FF80] =	vst v63  }
0x1b7: {  	_ =	swait.ge [sflag:s14], $0x1C80  }
0x1b8: {  	[sflag:s14] =	ssyncset.done $0x0  }
0x1b9: {  	s29 =	rddreg [dreg:$0x12];
	[sflag:s14] =	ssyncadd.s32 $0xFFFFE380  }
0x1ba: {  	[hbm4b:s29+s1] =	stream.linear.scatter [tilespmem:s1], [sflag:$0x3], $0x1C80, $0x38;
	[tilespmem:$0x1FF80] =	vst v63  }
0x1bb: {  	_ =	swait.ge [sflag:s14], $0x1C80  }
0x1bc: {  	s12 =	sadd.s32 $0x1, s12;
	s30 =	rddreg [dreg:$0x1f]  }
0x1bd: {  	p0 =	sne.s32 s12, s30  }
.Ltmp6:
0x1be: {  	_ = 	snop;
	(pc) =	sbr.rel @p0 .LBB2_1-.Ltmp6, $3  }
0x1bf: {  	_ =	sdelay $0x1  }
0x1c0: {  	[sflag:s14] =	ssyncset.done $0x0  }
0x1c1: {  	[sflag:s14] =	ssyncadd.s32 $0xFFFFE380  }
0x1c2: {  	_ =	sfence.sel $0x180000  }
0x1c3: {  	[bflag:$0x0] =	sbarrier.arrive $0xFFFF  }
0x1c4: {  	_ =	strace $0x90000047  }
0x1c5: {  	s0 =	stileid.u32;
	[bflag:$0x2] =	sbarrier.arrive $0xFFFF  }
0x1c6: {  	p0 =	sne.s32 s0, $0x0;
	s0 =	rddreg [dreg:$0x4]  }
0x1c7: {  	s0 =	sadd.s32 @!p0 $0x100000, s0  }
0x1c8: {  	[sflag:s0] =	ssyncadd.tile.s32 @!p0 $0x1;
	_ =	shalt  }
.Lfunc_end2:
_tile_overlayer_lowered:
.L_overlay_start_2:
0x1c9: {  	(tag) =	ssettag $0x2  }
0x1ca: {  	s0 =	rddreg [dreg:$0x0];
	s2 =	stileid.u32  }
0x1cb: {  	s1 =	rddreg [dreg:$0x1];
	p0 =	sne.s32 s2, $0x0  }
0x1cc: {  	s3 =	rddreg [dreg:$0x2];
	[bflag:$0x3] =	sbarrier.arrive $0xFFFF;
	s2 =	simm.s32 @!p0 $0x1C03  }
0x1cd: {  	[timem:s3], [sflag:s2] =	dma.local @!p0 [hbm:s0], s1  }
0x1ce: {  	s0 =	simm.s32 @!p0 $0x3  }
0x1cf: {  	_ =	swait.ge @!p0 [sflag:s0], s1  }
0x1d0: {  	s1 =	ssub.s32 @!p0 $0x0, s1;
	[sflag:s0] =	ssyncset.done @!p0 $0x0  }
0x1d1: {  	[sflag:s0] =	ssyncadd.s32 @!p0 s1  }
0x1d2: {  	[bflag:$0x3] =	sbarrier.arrive $0xFFFF  }
0x1d3: {  	_ =	shalt  }

</sc_bundles>
